<compile_context>
chip_gen: v7x
topology: tpu7x:2x2x1
jax: 0.10.2.dev20260603
libtpu: 0.0.44.dev20260713+nightly
codegen_flags: <defaults>
</compile_context>

<pallas_src>
import jax
import jax.numpy as jnp
from jax import lax
from jax.experimental import pallas as pl
from jax.experimental.pallas import tpu as pltpu
from jax.experimental.pallas import tpu_sc as plsc

_L = 16
_HL = 8
_NC = 2
_NS = 16
_NW = _NC * _NS
_B = 2000
_NRING = 2


def _sc_body(src_hbm, dst_hbm, z_hbm, out_hbm, *scratch):
  n = _NRING
  idx_s = scratch[0:n]
  idx_d = scratch[n:2 * n]
  rows_s = scratch[2 * n:3 * n]
  rows_d = scratch[3 * n:4 * n]
  out_v = scratch[4 * n:5 * n]
  sem_is = scratch[5 * n:6 * n]
  sem_id = scratch[6 * n:7 * n]
  sem_rs = scratch[7 * n:8 * n]
  sem_rd = scratch[8 * n:9 * n]
  sem_o = scratch[9 * n:10 * n]
  z_sh = scratch[10 * n]

  sid = lax.axis_index("s")
  n_nodes = z_hbm.shape[0]
  rows_per_sub = n_nodes // _NS
  pltpu.sync_copy(z_hbm.at[pl.ds(sid * rows_per_sub, rows_per_sub)],
                  z_sh.at[pl.ds(sid * rows_per_sub, rows_per_sub)])
  plsc.subcore_barrier()

  wid = lax.axis_index("s") * _NC + lax.axis_index("c")
  n_edges = src_hbm.shape[0]
  per_w = n_edges // _NW
  n_chunks = per_w // _B
  base_w = wid * per_w

  lane = lax.iota(jnp.int32, _L)

  def issue_idx(c, b):
    base = base_w + c * _B
    pltpu.async_copy(src_hbm.at[pl.ds(base, _B)], idx_s[b], sem_is[b])
    pltpu.async_copy(dst_hbm.at[pl.ds(base, _B)], idx_d[b], sem_id[b])

  def wait_idx(b):
    pltpu.make_async_copy(src_hbm.at[pl.ds(0, _B)], idx_s[b], sem_is[b]).wait()
    pltpu.make_async_copy(dst_hbm.at[pl.ds(0, _B)], idx_d[b], sem_id[b]).wait()

  def issue_gather(b):
    pltpu.async_copy(z_sh.at[idx_s[b]], rows_s[b], sem_rs[b])
    pltpu.async_copy(z_sh.at[idx_d[b]], rows_d[b], sem_rd[b])

  def wait_gather(b):
    pltpu.make_async_copy(z_sh.at[idx_s[b]], rows_s[b], sem_rs[b]).wait()
    pltpu.make_async_copy(z_sh.at[idx_d[b]], rows_d[b], sem_rd[b]).wait()

  def wait_out(b):
    pltpu.make_async_copy(out_v[b], out_hbm.at[pl.ds(0, _B)], sem_o[b]).wait()

  col_js = [lax.rem(lane // 2 + j, _HL) for j in range(_HL)]

  def compute(c, b):
    rs, rd, ov = rows_s[b], rows_d[b], out_v[b]

    @plsc.parallel_loop(0, _B // _L, unroll=4)
    def e16_body(t):
      row_idx = t * _L + lane
      acc0 = jnp.zeros((2 * _L,), jnp.bfloat16)
      acc1 = jnp.zeros((2 * _L,), jnp.bfloat16)
      for j in range(_HL):
        vs = plsc.load_gather(rs, [row_idx, col_js[j]])
        vd = plsc.load_gather(rd, [row_idx, col_js[j]])
        p = plsc.bitcast(vs, jnp.bfloat16) * plsc.bitcast(vd, jnp.bfloat16)
        if j % 2 == 0:
          acc0 = acc0 + p
        else:
          acc1 = acc1 + p
      a0, a1 = plsc.unpack(acc0, format=plsc.PackFormat.INTERLEAVED)
      b0, b1 = plsc.unpack(acc1, format=plsc.PackFormat.INTERLEAVED)
      acc = (a0 + a1) + (b0 + b1)
      ov[pl.ds(t * _L, _L)] = 1.0 / (1.0 + jnp.exp(-acc))

    pltpu.async_copy(ov, out_hbm.at[pl.ds(base_w + c * _B, _B)], sem_o[b])

  def step(c, b, drain_out, next_gather, next_idx):
    wait_gather(b)
    if next_gather:
      nb = (b + n - 1) % n
      wait_idx(nb)
      issue_gather(nb)
    if drain_out:
      wait_out(b)
    compute(c, b)
    if next_idx:
      issue_idx(c + n, b)

  for c in range(n):
    issue_idx(c, c)
  for c in range(n - 1):
    wait_idx(c)
    issue_gather(c)

  for c in range(n):
    step(c, c, False, c + n - 1 < n_chunks, c + n < n_chunks)

  ep_start = ((n_chunks - n) // n) * n
  assert ep_start >= n

  def group_body(p, carry):
    c0 = p * n
    for b in range(n):
      step(c0 + b, b, True, True, True)
    return carry

  lax.fori_loop(1, ep_start // n, group_body, 0)

  for c in range(ep_start, n_chunks):
    step(c, c % n, True, c + n - 1 < n_chunks, c + n < n_chunks)
  for c in range(n_chunks - n, n_chunks):
    wait_out(c % n)


def kernel(src, dst, z):
  n_edges = src.shape[0]
  z_pk = jax.lax.bitcast_convert_type(
      z.astype(jnp.bfloat16).reshape(z.shape[0], _HL, 2), jnp.int32)
  mesh = plsc.VectorSubcoreMesh(core_axis_name="c", subcore_axis_name="s")
  scratch = (
      [pltpu.VMEM((_B,), jnp.int32) for _ in range(_NRING)] +
      [pltpu.VMEM((_B,), jnp.int32) for _ in range(_NRING)] +
      [pltpu.VMEM((_B, _HL), jnp.int32) for _ in range(_NRING)] +
      [pltpu.VMEM((_B, _HL), jnp.int32) for _ in range(_NRING)] +
      [pltpu.VMEM((_B,), jnp.float32) for _ in range(_NRING)] +
      [pltpu.SemaphoreType.DMA for _ in range(5 * _NRING)] +
      [pltpu.VMEM_SHARED((z.shape[0], _HL), jnp.int32)]
  )
  f = pl.kernel(
      _sc_body,
      out_type=jax.ShapeDtypeStruct((n_edges,), jnp.float32),
      mesh=mesh,
      scratch_types=scratch,
      compiler_params=pltpu.CompilerParams(
          needs_layout_passes=False, use_tc_tiling_on_sc=False),
  )
  return f(src, dst, z_pk)

# --- scband reference (transcript-rebuilt; emitter-appended) ---
"""Pipeline reference for scband-detector-encoder-44495861186902 (READ-ONLY COPY).

The authoritative reference and input builder live on the scoring server;
editing this copy changes nothing except your own understanding.
"""

import jax, jax.numpy as jnp
import numpy as np

N_NODES = 50000
N_EDGES = 1600000
ZDIM = 16


def setup_inputs(seed: int = 0) -> dict:
    key = jax.random.key(seed)
    k1, k2, k3 = jax.random.split(key, 3)
    src = jax.random.randint(k1, (N_EDGES,), 0, N_NODES, dtype=jnp.int32)
    dst = jax.random.randint(k2, (N_EDGES,), 0, N_NODES, dtype=jnp.int32)
    z = jax.random.normal(k3, (N_NODES, ZDIM), dtype=jnp.float32)
    return {"src": src, "dst": dst, "z": z}


def reference(src, dst, z):
    # DetectorEncoder.decode -> Euler_Embed_Unit.decode:
    #   torch.sigmoid((z[src] * z[dst]).sum(dim=1))
    zs = jnp.take(z, src, axis=0)
    zd = jnp.take(z, dst, axis=0)
    return jax.nn.sigmoid(jnp.sum(zs * zd, axis=1))

if __name__ == "__main__":
    import jax
    _d = setup_inputs()
    print(jax.jit(kernel)(*tuple(_d.values())))

</pallas_src>

<mosaic_0001>
#map = affine_map<(d0, d1) -> (0)>
#map1 = affine_map<(d0, d1) -> (0, 0)>
module attributes {stable_mosaic.version = 14 : i64} {
  func.func @_sc_body(%arg0: i32, %arg1: i32, %arg2: memref<1600000xi32, #tpu.memory_space<hbm>>, %arg3: memref<1600000xi32, #tpu.memory_space<hbm>>, %arg4: memref<50000x8xi32, #tpu.memory_space<hbm>>, %arg5: memref<1600000xf32, #tpu.memory_space<hbm>>, %arg6: memref<2000xi32, #tpu.memory_space<vmem>>, %arg7: memref<2000xi32, #tpu.memory_space<vmem>>, %arg8: memref<2000xi32, #tpu.memory_space<vmem>>, %arg9: memref<2000xi32, #tpu.memory_space<vmem>>, %arg10: memref<2000x8xi32, #tpu.memory_space<vmem>>, %arg11: memref<2000x8xi32, #tpu.memory_space<vmem>>, %arg12: memref<2000x8xi32, #tpu.memory_space<vmem>>, %arg13: memref<2000x8xi32, #tpu.memory_space<vmem>>, %arg14: memref<2000xf32, #tpu.memory_space<vmem>>, %arg15: memref<2000xf32, #tpu.memory_space<vmem>>, %arg16: memref<!tpu.dma_semaphore, #tpu.memory_space<semaphore_mem>>, %arg17: memref<!tpu.dma_semaphore, #tpu.memory_space<semaphore_mem>>, %arg18: memref<!tpu.dma_semaphore, #tpu.memory_space<semaphore_mem>>, %arg19: memref<!tpu.dma_semaphore, #tpu.memory_space<semaphore_mem>>, %arg20: memref<!tpu.dma_semaphore, #tpu.memory_space<semaphore_mem>>, %arg21: memref<!tpu.dma_semaphore, #tpu.memory_space<semaphore_mem>>, %arg22: memref<!tpu.dma_semaphore, #tpu.memory_space<semaphore_mem>>, %arg23: memref<!tpu.dma_semaphore, #tpu.memory_space<semaphore_mem>>, %arg24: memref<!tpu.dma_semaphore, #tpu.memory_space<semaphore_mem>>, %arg25: memref<!tpu.dma_semaphore, #tpu.memory_space<semaphore_mem>>, %arg26: memref<50000x8xi32, #tpu.memory_space<vmem_shared>>) attributes {dimension_semantics = [#tpu.dimension_semantics<core_parallel>, #tpu.dimension_semantics<subcore_parallel>], iteration_bounds = array<i64: 2, 16>, scalar_prefetch = 0 : i64, scratch_operands = 21 : i64, tpu.core_type = #tpu.core_type<sc_vector_subcore>, window_params = [{transform_indices = #map}, {transform_indices = #map}, {transform_indices = #map1}, {transform_indices = #map}]} {
    %mul3A = arith.constant 3125 : i32
    %mul3A_0 = arith.muli %arg1, %mul3A : i32
    %mul3A_1 = arith.constant 3125 : i32
    %mul3A_2 = arith.muli %arg1, %mul3A_1 : i32
    "tpu.region"() ({
      %run_scoped3A = tpu.sem_alloc : memref<!tpu.dma_semaphore, #tpu.memory_space<semaphore_mem>>
      %dma_start3A_482 = arith.constant 0 : i32
      %dma_start3A_483 = tpu.memref_slice %arg26[%mul3A_2, %dma_start3A_482] : memref<50000x8xi32, #tpu.memory_space<vmem_shared>> -> memref<3125x8xi32, #tpu.memory_space<vmem_shared>>
      %dma_start3A_484 = arith.constant 0 : i32
      %dma_start3A_485 = tpu.memref_slice %arg4[%mul3A_0, %dma_start3A_484] : memref<50000x8xi32, #tpu.memory_space<hbm>> -> memref<3125x8xi32, #tpu.memory_space<hbm>>
      tpu.enqueue_dma source(%dma_start3A_485 : memref<3125x8xi32, #tpu.memory_space<hbm>>) target(%dma_start3A_483 : memref<3125x8xi32, #tpu.memory_space<vmem_shared>>) target_semaphore(%run_scoped3A : memref<!tpu.dma_semaphore, #tpu.memory_space<semaphore_mem>>)
      %dma_wait3A_486 = arith.constant 0 : i32
      %dma_wait3A_487 = tpu.memref_slice %arg26[%mul3A_2, %dma_wait3A_486] : memref<50000x8xi32, #tpu.memory_space<vmem_shared>> -> memref<3125x8xi32, #tpu.memory_space<vmem_shared>>
      %dma_wait3A_488 = arith.constant 0 : i32
      %dma_wait3A_489 = tpu.memref_slice %arg4[%mul3A_0, %dma_wait3A_488] : memref<50000x8xi32, #tpu.memory_space<hbm>> -> memref<3125x8xi32, #tpu.memory_space<hbm>>
      tpu.wait_dma2 semaphore(%run_scoped3A : memref<!tpu.dma_semaphore, #tpu.memory_space<semaphore_mem>>) src(%dma_wait3A_489 : memref<3125x8xi32, #tpu.memory_space<hbm>>) dst(%dma_wait3A_487 : memref<3125x8xi32, #tpu.memory_space<vmem_shared>>)
      tpu.yield
    }) : () -> ()
    %barrier3A = arith.constant 0 : index
    tpu.barrier barrier_id(%barrier3A)
    %mul3A_3 = arith.constant 2 : i32
    %mul3A_4 = arith.muli %arg1, %mul3A_3 : i32
    %add3A = arith.addi %mul3A_4, %arg0 : i32
    %mul3A_5 = arith.constant 50000 : i32
    %mul3A_6 = arith.muli %add3A, %mul3A_5 : i32
    %iota3A = tpu.iota {dimensions = array<i32: 0>} : vector<16xi32>
    %jit3A = arith.constant 2 : i32
    %div3A = vector.broadcast %jit3A : i32 to vector<16xi32>
    %div3A_7 = arith.divsi %iota3A, %div3A : vector<16xi32>
    %sign3A = arith.constant 0 : i32
    %sign3A_8 = vector.broadcast %sign3A : i32 to vector<16xi32>
    %sign3A_9 = arith.cmpi sgt, %iota3A, %sign3A_8 : vector<16xi32>
    %sign3A_10 = arith.extui %sign3A_9 : vector<16xi1> to vector<16xi32>
    %sign3A_11 = arith.constant 0 : i32
    %sign3A_12 = vector.broadcast %sign3A_11 : i32 to vector<16xi32>
    %sign3A_13 = arith.cmpi slt, %iota3A, %sign3A_12 : vector<16xi32>
    %sign3A_14 = arith.extui %sign3A_13 : vector<16xi1> to vector<16xi32>
    %sign3A_15 = arith.subi %sign3A_10, %sign3A_14 : vector<16xi32>
    %sign3A_16 = arith.constant 0 : i32
    %sign3A_17 = arith.cmpi sgt, %jit3A, %sign3A_16 : i32
    %sign3A_18 = arith.extui %sign3A_17 : i1 to i32
    %sign3A_19 = arith.constant 0 : i32
    %sign3A_20 = arith.cmpi slt, %jit3A, %sign3A_19 : i32
    %sign3A_21 = arith.extui %sign3A_20 : i1 to i32
    %sign3A_22 = arith.subi %sign3A_18, %sign3A_21 : i32
    %ne3A = vector.broadcast %sign3A_22 : i32 to vector<16xi32>
    %ne3A_23 = arith.cmpi ne, %sign3A_15, %ne3A : vector<16xi32>
    %rem3A = vector.broadcast %jit3A : i32 to vector<16xi32>
    %rem3A_24 = arith.remsi %iota3A, %rem3A : vector<16xi32>
    %ne3A_25 = arith.constant 0 : i32
    %ne3A_26 = vector.broadcast %ne3A_25 : i32 to vector<16xi32>
    %ne3A_27 = arith.cmpi ne, %rem3A_24, %ne3A_26 : vector<16xi32>
    %and3A = arith.andi %ne3A_23, %ne3A_27 : vector<16xi1>
    %sub3A = arith.constant 1 : i32
    %sub3A_28 = vector.broadcast %sub3A : i32 to vector<16xi32>
    %sub3A_29 = arith.subi %div3A_7, %sub3A_28 : vector<16xi32>
    %select_n3A = arith.select %and3A, %sub3A_29, %div3A_7 : vector<16xi1>, vector<16xi32>
    %add3A_30 = arith.constant 0 : i32
    %add3A_31 = vector.broadcast %add3A_30 : i32 to vector<16xi32>
    %add3A_32 = arith.addi %select_n3A, %add3A_31 : vector<16xi32>
    %rem3A_33 = arith.constant 8 : i32
    %rem3A_34 = vector.broadcast %rem3A_33 : i32 to vector<16xi32>
    %rem3A_35 = arith.remsi %add3A_32, %rem3A_34 : vector<16xi32>
    %jit3A_36 = arith.constant 2 : i32
    %div3A_37 = vector.broadcast %jit3A_36 : i32 to vector<16xi32>
    %div3A_38 = arith.divsi %iota3A, %div3A_37 : vector<16xi32>
    %sign3A_39 = arith.constant 0 : i32
    %sign3A_40 = vector.broadcast %sign3A_39 : i32 to vector<16xi32>
    %sign3A_41 = arith.cmpi sgt, %iota3A, %sign3A_40 : vector<16xi32>
    %sign3A_42 = arith.extui %sign3A_41 : vector<16xi1> to vector<16xi32>
    %sign3A_43 = arith.constant 0 : i32
    %sign3A_44 = vector.broadcast %sign3A_43 : i32 to vector<16xi32>
    %sign3A_45 = arith.cmpi slt, %iota3A, %sign3A_44 : vector<16xi32>
    %sign3A_46 = arith.extui %sign3A_45 : vector<16xi1> to vector<16xi32>
    %sign3A_47 = arith.subi %sign3A_42, %sign3A_46 : vector<16xi32>
    %sign3A_48 = arith.constant 0 : i32
    %sign3A_49 = arith.cmpi sgt, %jit3A_36, %sign3A_48 : i32
    %sign3A_50 = arith.extui %sign3A_49 : i1 to i32
    %sign3A_51 = arith.constant 0 : i32
    %sign3A_52 = arith.cmpi slt, %jit3A_36, %sign3A_51 : i32
    %sign3A_53 = arith.extui %sign3A_52 : i1 to i32
    %sign3A_54 = arith.subi %sign3A_50, %sign3A_53 : i32
    %ne3A_55 = vector.broadcast %sign3A_54 : i32 to vector<16xi32>
    %ne3A_56 = arith.cmpi ne, %sign3A_47, %ne3A_55 : vector<16xi32>
    %rem3A_57 = vector.broadcast %jit3A_36 : i32 to vector<16xi32>
    %rem3A_58 = arith.remsi %iota3A, %rem3A_57 : vector<16xi32>
    %ne3A_59 = arith.constant 0 : i32
    %ne3A_60 = vector.broadcast %ne3A_59 : i32 to vector<16xi32>
    %ne3A_61 = arith.cmpi ne, %rem3A_58, %ne3A_60 : vector<16xi32>
    %and3A_62 = arith.andi %ne3A_56, %ne3A_61 : vector<16xi1>
    %sub3A_63 = arith.constant 1 : i32
    %sub3A_64 = vector.broadcast %sub3A_63 : i32 to vector<16xi32>
    %sub3A_65 = arith.subi %div3A_38, %sub3A_64 : vector<16xi32>
    %select_n3A_66 = arith.select %and3A_62, %sub3A_65, %div3A_38 : vector<16xi1>, vector<16xi32>
    %add3A_67 = arith.constant 1 : i32
    %add3A_68 = vector.broadcast %add3A_67 : i32 to vector<16xi32>
    %add3A_69 = arith.addi %select_n3A_66, %add3A_68 : vector<16xi32>
    %rem3A_70 = arith.constant 8 : i32
    %rem3A_71 = vector.broadcast %rem3A_70 : i32 to vector<16xi32>
    %rem3A_72 = arith.remsi %add3A_69, %rem3A_71 : vector<16xi32>
    %jit3A_73 = arith.constant 2 : i32
    %div3A_74 = vector.broadcast %jit3A_73 : i32 to vector<16xi32>
    %div3A_75 = arith.divsi %iota3A, %div3A_74 : vector<16xi32>
    %sign3A_76 = arith.constant 0 : i32
    %sign3A_77 = vector.broadcast %sign3A_76 : i32 to vector<16xi32>
    %sign3A_78 = arith.cmpi sgt, %iota3A, %sign3A_77 : vector<16xi32>
    %sign3A_79 = arith.extui %sign3A_78 : vector<16xi1> to vector<16xi32>
    %sign3A_80 = arith.constant 0 : i32
    %sign3A_81 = vector.broadcast %sign3A_80 : i32 to vector<16xi32>
    %sign3A_82 = arith.cmpi slt, %iota3A, %sign3A_81 : vector<16xi32>
    %sign3A_83 = arith.extui %sign3A_82 : vector<16xi1> to vector<16xi32>
    %sign3A_84 = arith.subi %sign3A_79, %sign3A_83 : vector<16xi32>
    %sign3A_85 = arith.constant 0 : i32
    %sign3A_86 = arith.cmpi sgt, %jit3A_73, %sign3A_85 : i32
    %sign3A_87 = arith.extui %sign3A_86 : i1 to i32
    %sign3A_88 = arith.constant 0 : i32
    %sign3A_89 = arith.cmpi slt, %jit3A_73, %sign3A_88 : i32
    %sign3A_90 = arith.extui %sign3A_89 : i1 to i32
    %sign3A_91 = arith.subi %sign3A_87, %sign3A_90 : i32
    %ne3A_92 = vector.broadcast %sign3A_91 : i32 to vector<16xi32>
    %ne3A_93 = arith.cmpi ne, %sign3A_84, %ne3A_92 : vector<16xi32>
    %rem3A_94 = vector.broadcast %jit3A_73 : i32 to vector<16xi32>
    %rem3A_95 = arith.remsi %iota3A, %rem3A_94 : vector<16xi32>
    %ne3A_96 = arith.constant 0 : i32
    %ne3A_97 = vector.broadcast %ne3A_96 : i32 to vector<16xi32>
    %ne3A_98 = arith.cmpi ne, %rem3A_95, %ne3A_97 : vector<16xi32>
    %and3A_99 = arith.andi %ne3A_93, %ne3A_98 : vector<16xi1>
    %sub3A_100 = arith.constant 1 : i32
    %sub3A_101 = vector.broadcast %sub3A_100 : i32 to vector<16xi32>
    %sub3A_102 = arith.subi %div3A_75, %sub3A_101 : vector<16xi32>
    %select_n3A_103 = arith.select %and3A_99, %sub3A_102, %div3A_75 : vector<16xi1>, vector<16xi32>
    %add3A_104 = arith.constant 2 : i32
    %add3A_105 = vector.broadcast %add3A_104 : i32 to vector<16xi32>
    %add3A_106 = arith.addi %select_n3A_103, %add3A_105 : vector<16xi32>
    %rem3A_107 = arith.constant 8 : i32
    %rem3A_108 = vector.broadcast %rem3A_107 : i32 to vector<16xi32>
    %rem3A_109 = arith.remsi %add3A_106, %rem3A_108 : vector<16xi32>
    %jit3A_110 = arith.constant 2 : i32
    %div3A_111 = vector.broadcast %jit3A_110 : i32 to vector<16xi32>
    %div3A_112 = arith.divsi %iota3A, %div3A_111 : vector<16xi32>
    %sign3A_113 = arith.constant 0 : i32
    %sign3A_114 = vector.broadcast %sign3A_113 : i32 to vector<16xi32>
    %sign3A_115 = arith.cmpi sgt, %iota3A, %sign3A_114 : vector<16xi32>
    %sign3A_116 = arith.extui %sign3A_115 : vector<16xi1> to vector<16xi32>
    %sign3A_117 = arith.constant 0 : i32
    %sign3A_118 = vector.broadcast %sign3A_117 : i32 to vector<16xi32>
    %sign3A_119 = arith.cmpi slt, %iota3A, %sign3A_118 : vector<16xi32>
    %sign3A_120 = arith.extui %sign3A_119 : vector<16xi1> to vector<16xi32>
    %sign3A_121 = arith.subi %sign3A_116, %sign3A_120 : vector<16xi32>
    %sign3A_122 = arith.constant 0 : i32
    %sign3A_123 = arith.cmpi sgt, %jit3A_110, %sign3A_122 : i32
    %sign3A_124 = arith.extui %sign3A_123 : i1 to i32
    %sign3A_125 = arith.constant 0 : i32
    %sign3A_126 = arith.cmpi slt, %jit3A_110, %sign3A_125 : i32
    %sign3A_127 = arith.extui %sign3A_126 : i1 to i32
    %sign3A_128 = arith.subi %sign3A_124, %sign3A_127 : i32
    %ne3A_129 = vector.broadcast %sign3A_128 : i32 to vector<16xi32>
    %ne3A_130 = arith.cmpi ne, %sign3A_121, %ne3A_129 : vector<16xi32>
    %rem3A_131 = vector.broadcast %jit3A_110 : i32 to vector<16xi32>
    %rem3A_132 = arith.remsi %iota3A, %rem3A_131 : vector<16xi32>
    %ne3A_133 = arith.constant 0 : i32
    %ne3A_134 = vector.broadcast %ne3A_133 : i32 to vector<16xi32>
    %ne3A_135 = arith.cmpi ne, %rem3A_132, %ne3A_134 : vector<16xi32>
    %and3A_136 = arith.andi %ne3A_130, %ne3A_135 : vector<16xi1>
    %sub3A_137 = arith.constant 1 : i32
    %sub3A_138 = vector.broadcast %sub3A_137 : i32 to vector<16xi32>
    %sub3A_139 = arith.subi %div3A_112, %sub3A_138 : vector<16xi32>
    %select_n3A_140 = arith.select %and3A_136, %sub3A_139, %div3A_112 : vector<16xi1>, vector<16xi32>
    %add3A_141 = arith.constant 3 : i32
    %add3A_142 = vector.broadcast %add3A_141 : i32 to vector<16xi32>
    %add3A_143 = arith.addi %select_n3A_140, %add3A_142 : vector<16xi32>
    %rem3A_144 = arith.constant 8 : i32
    %rem3A_145 = vector.broadcast %rem3A_144 : i32 to vector<16xi32>
    %rem3A_146 = arith.remsi %add3A_143, %rem3A_145 : vector<16xi32>
    %jit3A_147 = arith.constant 2 : i32
    %div3A_148 = vector.broadcast %jit3A_147 : i32 to vector<16xi32>
    %div3A_149 = arith.divsi %iota3A, %div3A_148 : vector<16xi32>
    %sign3A_150 = arith.constant 0 : i32
    %sign3A_151 = vector.broadcast %sign3A_150 : i32 to vector<16xi32>
    %sign3A_152 = arith.cmpi sgt, %iota3A, %sign3A_151 : vector<16xi32>
    %sign3A_153 = arith.extui %sign3A_152 : vector<16xi1> to vector<16xi32>
    %sign3A_154 = arith.constant 0 : i32
    %sign3A_155 = vector.broadcast %sign3A_154 : i32 to vector<16xi32>
    %sign3A_156 = arith.cmpi slt, %iota3A, %sign3A_155 : vector<16xi32>
    %sign3A_157 = arith.extui %sign3A_156 : vector<16xi1> to vector<16xi32>
    %sign3A_158 = arith.subi %sign3A_153, %sign3A_157 : vector<16xi32>
    %sign3A_159 = arith.constant 0 : i32
    %sign3A_160 = arith.cmpi sgt, %jit3A_147, %sign3A_159 : i32
    %sign3A_161 = arith.extui %sign3A_160 : i1 to i32
    %sign3A_162 = arith.constant 0 : i32
    %sign3A_163 = arith.cmpi slt, %jit3A_147, %sign3A_162 : i32
    %sign3A_164 = arith.extui %sign3A_163 : i1 to i32
    %sign3A_165 = arith.subi %sign3A_161, %sign3A_164 : i32
    %ne3A_166 = vector.broadcast %sign3A_165 : i32 to vector<16xi32>
    %ne3A_167 = arith.cmpi ne, %sign3A_158, %ne3A_166 : vector<16xi32>
    %rem3A_168 = vector.broadcast %jit3A_147 : i32 to vector<16xi32>
    %rem3A_169 = arith.remsi %iota3A, %rem3A_168 : vector<16xi32>
    %ne3A_170 = arith.constant 0 : i32
    %ne3A_171 = vector.broadcast %ne3A_170 : i32 to vector<16xi32>
    %ne3A_172 = arith.cmpi ne, %rem3A_169, %ne3A_171 : vector<16xi32>
    %and3A_173 = arith.andi %ne3A_167, %ne3A_172 : vector<16xi1>
    %sub3A_174 = arith.constant 1 : i32
    %sub3A_175 = vector.broadcast %sub3A_174 : i32 to vector<16xi32>
    %sub3A_176 = arith.subi %div3A_149, %sub3A_175 : vector<16xi32>
    %select_n3A_177 = arith.select %and3A_173, %sub3A_176, %div3A_149 : vector<16xi1>, vector<16xi32>
    %add3A_178 = arith.constant 4 : i32
    %add3A_179 = vector.broadcast %add3A_178 : i32 to vector<16xi32>
    %add3A_180 = arith.addi %select_n3A_177, %add3A_179 : vector<16xi32>
    %rem3A_181 = arith.constant 8 : i32
    %rem3A_182 = vector.broadcast %rem3A_181 : i32 to vector<16xi32>
    %rem3A_183 = arith.remsi %add3A_180, %rem3A_182 : vector<16xi32>
    %jit3A_184 = arith.constant 2 : i32
    %div3A_185 = vector.broadcast %jit3A_184 : i32 to vector<16xi32>
    %div3A_186 = arith.divsi %iota3A, %div3A_185 : vector<16xi32>
    %sign3A_187 = arith.constant 0 : i32
    %sign3A_188 = vector.broadcast %sign3A_187 : i32 to vector<16xi32>
    %sign3A_189 = arith.cmpi sgt, %iota3A, %sign3A_188 : vector<16xi32>
    %sign3A_190 = arith.extui %sign3A_189 : vector<16xi1> to vector<16xi32>
    %sign3A_191 = arith.constant 0 : i32
    %sign3A_192 = vector.broadcast %sign3A_191 : i32 to vector<16xi32>
    %sign3A_193 = arith.cmpi slt, %iota3A, %sign3A_192 : vector<16xi32>
    %sign3A_194 = arith.extui %sign3A_193 : vector<16xi1> to vector<16xi32>
    %sign3A_195 = arith.subi %sign3A_190, %sign3A_194 : vector<16xi32>
    %sign3A_196 = arith.constant 0 : i32
    %sign3A_197 = arith.cmpi sgt, %jit3A_184, %sign3A_196 : i32
    %sign3A_198 = arith.extui %sign3A_197 : i1 to i32
    %sign3A_199 = arith.constant 0 : i32
    %sign3A_200 = arith.cmpi slt, %jit3A_184, %sign3A_199 : i32
    %sign3A_201 = arith.extui %sign3A_200 : i1 to i32
    %sign3A_202 = arith.subi %sign3A_198, %sign3A_201 : i32
    %ne3A_203 = vector.broadcast %sign3A_202 : i32 to vector<16xi32>
    %ne3A_204 = arith.cmpi ne, %sign3A_195, %ne3A_203 : vector<16xi32>
    %rem3A_205 = vector.broadcast %jit3A_184 : i32 to vector<16xi32>
    %rem3A_206 = arith.remsi %iota3A, %rem3A_205 : vector<16xi32>
    %ne3A_207 = arith.constant 0 : i32
    %ne3A_208 = vector.broadcast %ne3A_207 : i32 to vector<16xi32>
    %ne3A_209 = arith.cmpi ne, %rem3A_206, %ne3A_208 : vector<16xi32>
    %and3A_210 = arith.andi %ne3A_204, %ne3A_209 : vector<16xi1>
    %sub3A_211 = arith.constant 1 : i32
    %sub3A_212 = vector.broadcast %sub3A_211 : i32 to vector<16xi32>
    %sub3A_213 = arith.subi %div3A_186, %sub3A_212 : vector<16xi32>
    %select_n3A_214 = arith.select %and3A_210, %sub3A_213, %div3A_186 : vector<16xi1>, vector<16xi32>
    %add3A_215 = arith.constant 5 : i32
    %add3A_216 = vector.broadcast %add3A_215 : i32 to vector<16xi32>
    %add3A_217 = arith.addi %select_n3A_214, %add3A_216 : vector<16xi32>
    %rem3A_218 = arith.constant 8 : i32
    %rem3A_219 = vector.broadcast %rem3A_218 : i32 to vector<16xi32>
    %rem3A_220 = arith.remsi %add3A_217, %rem3A_219 : vector<16xi32>
    %jit3A_221 = arith.constant 2 : i32
    %div3A_222 = vector.broadcast %jit3A_221 : i32 to vector<16xi32>
    %div3A_223 = arith.divsi %iota3A, %div3A_222 : vector<16xi32>
    %sign3A_224 = arith.constant 0 : i32
    %sign3A_225 = vector.broadcast %sign3A_224 : i32 to vector<16xi32>
    %sign3A_226 = arith.cmpi sgt, %iota3A, %sign3A_225 : vector<16xi32>
    %sign3A_227 = arith.extui %sign3A_226 : vector<16xi1> to vector<16xi32>
    %sign3A_228 = arith.constant 0 : i32
    %sign3A_229 = vector.broadcast %sign3A_228 : i32 to vector<16xi32>
    %sign3A_230 = arith.cmpi slt, %iota3A, %sign3A_229 : vector<16xi32>
    %sign3A_231 = arith.extui %sign3A_230 : vector<16xi1> to vector<16xi32>
    %sign3A_232 = arith.subi %sign3A_227, %sign3A_231 : vector<16xi32>
    %sign3A_233 = arith.constant 0 : i32
    %sign3A_234 = arith.cmpi sgt, %jit3A_221, %sign3A_233 : i32
    %sign3A_235 = arith.extui %sign3A_234 : i1 to i32
    %sign3A_236 = arith.constant 0 : i32
    %sign3A_237 = arith.cmpi slt, %jit3A_221, %sign3A_236 : i32
    %sign3A_238 = arith.extui %sign3A_237 : i1 to i32
    %sign3A_239 = arith.subi %sign3A_235, %sign3A_238 : i32
    %ne3A_240 = vector.broadcast %sign3A_239 : i32 to vector<16xi32>
    %ne3A_241 = arith.cmpi ne, %sign3A_232, %ne3A_240 : vector<16xi32>
    %rem3A_242 = vector.broadcast %jit3A_221 : i32 to vector<16xi32>
    %rem3A_243 = arith.remsi %iota3A, %rem3A_242 : vector<16xi32>
    %ne3A_244 = arith.constant 0 : i32
    %ne3A_245 = vector.broadcast %ne3A_244 : i32 to vector<16xi32>
    %ne3A_246 = arith.cmpi ne, %rem3A_243, %ne3A_245 : vector<16xi32>
    %and3A_247 = arith.andi %ne3A_241, %ne3A_246 : vector<16xi1>
    %sub3A_248 = arith.constant 1 : i32
    %sub3A_249 = vector.broadcast %sub3A_248 : i32 to vector<16xi32>
    %sub3A_250 = arith.subi %div3A_223, %sub3A_249 : vector<16xi32>
    %select_n3A_251 = arith.select %and3A_247, %sub3A_250, %div3A_223 : vector<16xi1>, vector<16xi32>
    %add3A_252 = arith.constant 6 : i32
    %add3A_253 = vector.broadcast %add3A_252 : i32 to vector<16xi32>
    %add3A_254 = arith.addi %select_n3A_251, %add3A_253 : vector<16xi32>
    %rem3A_255 = arith.constant 8 : i32
    %rem3A_256 = vector.broadcast %rem3A_255 : i32 to vector<16xi32>
    %rem3A_257 = arith.remsi %add3A_254, %rem3A_256 : vector<16xi32>
    %jit3A_258 = arith.constant 2 : i32
    %div3A_259 = vector.broadcast %jit3A_258 : i32 to vector<16xi32>
    %div3A_260 = arith.divsi %iota3A, %div3A_259 : vector<16xi32>
    %sign3A_261 = arith.constant 0 : i32
    %sign3A_262 = vector.broadcast %sign3A_261 : i32 to vector<16xi32>
    %sign3A_263 = arith.cmpi sgt, %iota3A, %sign3A_262 : vector<16xi32>
    %sign3A_264 = arith.extui %sign3A_263 : vector<16xi1> to vector<16xi32>
    %sign3A_265 = arith.constant 0 : i32
    %sign3A_266 = vector.broadcast %sign3A_265 : i32 to vector<16xi32>
    %sign3A_267 = arith.cmpi slt, %iota3A, %sign3A_266 : vector<16xi32>
    %sign3A_268 = arith.extui %sign3A_267 : vector<16xi1> to vector<16xi32>
    %sign3A_269 = arith.subi %sign3A_264, %sign3A_268 : vector<16xi32>
    %sign3A_270 = arith.constant 0 : i32
    %sign3A_271 = arith.cmpi sgt, %jit3A_258, %sign3A_270 : i32
    %sign3A_272 = arith.extui %sign3A_271 : i1 to i32
    %sign3A_273 = arith.constant 0 : i32
    %sign3A_274 = arith.cmpi slt, %jit3A_258, %sign3A_273 : i32
    %sign3A_275 = arith.extui %sign3A_274 : i1 to i32
    %sign3A_276 = arith.subi %sign3A_272, %sign3A_275 : i32
    %ne3A_277 = vector.broadcast %sign3A_276 : i32 to vector<16xi32>
    %ne3A_278 = arith.cmpi ne, %sign3A_269, %ne3A_277 : vector<16xi32>
    %rem3A_279 = vector.broadcast %jit3A_258 : i32 to vector<16xi32>
    %rem3A_280 = arith.remsi %iota3A, %rem3A_279 : vector<16xi32>
    %ne3A_281 = arith.constant 0 : i32
    %ne3A_282 = vector.broadcast %ne3A_281 : i32 to vector<16xi32>
    %ne3A_283 = arith.cmpi ne, %rem3A_280, %ne3A_282 : vector<16xi32>
    %and3A_284 = arith.andi %ne3A_278, %ne3A_283 : vector<16xi1>
    %sub3A_285 = arith.constant 1 : i32
    %sub3A_286 = vector.broadcast %sub3A_285 : i32 to vector<16xi32>
    %sub3A_287 = arith.subi %div3A_260, %sub3A_286 : vector<16xi32>
    %select_n3A_288 = arith.select %and3A_284, %sub3A_287, %div3A_260 : vector<16xi1>, vector<16xi32>
    %add3A_289 = arith.constant 7 : i32
    %add3A_290 = vector.broadcast %add3A_289 : i32 to vector<16xi32>
    %add3A_291 = arith.addi %select_n3A_288, %add3A_290 : vector<16xi32>
    %rem3A_292 = arith.constant 8 : i32
    %rem3A_293 = vector.broadcast %rem3A_292 : i32 to vector<16xi32>
    %rem3A_294 = arith.remsi %add3A_291, %rem3A_293 : vector<16xi32>
    %add3A_295 = arith.constant 0 : i32
    %add3A_296 = arith.addi %mul3A_6, %add3A_295 : i32
    %dma_start3A = tpu.memref_slice %arg2[%add3A_296] : memref<1600000xi32, #tpu.memory_space<hbm>> -> memref<2000xi32, #tpu.memory_space<hbm>>
    %dma_start3A_297 = tpu.memref_slice %arg2[%add3A_296] : memref<1600000xi32, #tpu.memory_space<hbm>> -> memref<2000xi32, #tpu.memory_space<hbm>>
    tpu.enqueue_dma source(%dma_start3A_297 : memref<2000xi32, #tpu.memory_space<hbm>>) target(%arg6 : memref<2000xi32, #tpu.memory_space<vmem>>) target_semaphore(%arg16 : memref<!tpu.dma_semaphore, #tpu.memory_space<semaphore_mem>>)
    %dma_start3A_298 = tpu.memref_slice %arg3[%add3A_296] : memref<1600000xi32, #tpu.memory_space<hbm>> -> memref<2000xi32, #tpu.memory_space<hbm>>
    %dma_start3A_299 = tpu.memref_slice %arg3[%add3A_296] : memref<1600000xi32, #tpu.memory_space<hbm>> -> memref<2000xi32, #tpu.memory_space<hbm>>
    tpu.enqueue_dma source(%dma_start3A_299 : memref<2000xi32, #tpu.memory_space<hbm>>) target(%arg8 : memref<2000xi32, #tpu.memory_space<vmem>>) target_semaphore(%arg18 : memref<!tpu.dma_semaphore, #tpu.memory_space<semaphore_mem>>)
    %add3A_300 = arith.constant 2000 : i32
    %add3A_301 = arith.addi %mul3A_6, %add3A_300 : i32
    %dma_start3A_302 = tpu.memref_slice %arg2[%add3A_301] : memref<1600000xi32, #tpu.memory_space<hbm>> -> memref<2000xi32, #tpu.memory_space<hbm>>
    %dma_start3A_303 = tpu.memref_slice %arg2[%add3A_301] : memref<1600000xi32, #tpu.memory_space<hbm>> -> memref<2000xi32, #tpu.memory_space<hbm>>
    tpu.enqueue_dma source(%dma_start3A_303 : memref<2000xi32, #tpu.memory_space<hbm>>) target(%arg7 : memref<2000xi32, #tpu.memory_space<vmem>>) target_semaphore(%arg17 : memref<!tpu.dma_semaphore, #tpu.memory_space<semaphore_mem>>)
    %dma_start3A_304 = tpu.memref_slice %arg3[%add3A_301] : memref<1600000xi32, #tpu.memory_space<hbm>> -> memref<2000xi32, #tpu.memory_space<hbm>>
    %dma_start3A_305 = tpu.memref_slice %arg3[%add3A_301] : memref<1600000xi32, #tpu.memory_space<hbm>> -> memref<2000xi32, #tpu.memory_space<hbm>>
    tpu.enqueue_dma source(%dma_start3A_305 : memref<2000xi32, #tpu.memory_space<hbm>>) target(%arg9 : memref<2000xi32, #tpu.memory_space<vmem>>) target_semaphore(%arg19 : memref<!tpu.dma_semaphore, #tpu.memory_space<semaphore_mem>>)
    %dma_wait3A = arith.constant 0 : i32
    %dma_wait3A_306 = tpu.memref_slice %arg2[%dma_wait3A] : memref<1600000xi32, #tpu.memory_space<hbm>> -> memref<2000xi32, #tpu.memory_space<hbm>>
    %dma_wait3A_307 = arith.constant 0 : i32
    %dma_wait3A_308 = tpu.memref_slice %arg2[%dma_wait3A_307] : memref<1600000xi32, #tpu.memory_space<hbm>> -> memref<2000xi32, #tpu.memory_space<hbm>>
    tpu.wait_dma2 semaphore(%arg16 : memref<!tpu.dma_semaphore, #tpu.memory_space<semaphore_mem>>) src(%dma_wait3A_308 : memref<2000xi32, #tpu.memory_space<hbm>>) dst(%arg6 : memref<2000xi32, #tpu.memory_space<vmem>>)
    %dma_wait3A_309 = arith.constant 0 : i32
    %dma_wait3A_310 = tpu.memref_slice %arg3[%dma_wait3A_309] : memref<1600000xi32, #tpu.memory_space<hbm>> -> memref<2000xi32, #tpu.memory_space<hbm>>
    %dma_wait3A_311 = arith.constant 0 : i32
    %dma_wait3A_312 = tpu.memref_slice %arg3[%dma_wait3A_311] : memref<1600000xi32, #tpu.memory_space<hbm>> -> memref<2000xi32, #tpu.memory_space<hbm>>
    tpu.wait_dma2 semaphore(%arg18 : memref<!tpu.dma_semaphore, #tpu.memory_space<semaphore_mem>>) src(%dma_wait3A_312 : memref<2000xi32, #tpu.memory_space<hbm>>) dst(%arg8 : memref<2000xi32, #tpu.memory_space<vmem>>)
    %dma_start3A_313 = arith.constant 0 : i32
    %dma_start3A_314 = arith.constant 0 : i32
    %dma_start3A_315 = tpu.memref_slice %arg26[%dma_start3A_313, %dma_start3A_314] : memref<50000x8xi32, #tpu.memory_space<vmem_shared>> -> memref<50000x8xi32, #tpu.memory_space<vmem_shared>>
    tpu.enqueue_indirect_dma source(%dma_start3A_315 : memref<50000x8xi32, #tpu.memory_space<vmem_shared>>) target(%arg10 : memref<2000x8xi32, #tpu.memory_space<vmem>>) offsets(%arg6 : memref<2000xi32, #tpu.memory_space<vmem>>) semaphore(%arg20 : memref<!tpu.dma_semaphore, #tpu.memory_space<semaphore_mem>>)
    %dma_start3A_316 = arith.constant 0 : i32
    %dma_start3A_317 = arith.constant 0 : i32
    %dma_start3A_318 = tpu.memref_slice %arg26[%dma_start3A_316, %dma_start3A_317] : memref<50000x8xi32, #tpu.memory_space<vmem_shared>> -> memref<50000x8xi32, #tpu.memory_space<vmem_shared>>
    tpu.enqueue_indirect_dma source(%dma_start3A_318 : memref<50000x8xi32, #tpu.memory_space<vmem_shared>>) target(%arg12 : memref<2000x8xi32, #tpu.memory_space<vmem>>) offsets(%arg8 : memref<2000xi32, #tpu.memory_space<vmem>>) semaphore(%arg22 : memref<!tpu.dma_semaphore, #tpu.memory_space<semaphore_mem>>)
    %dma_wait3A_319 = arith.constant 0 : i32
    %dma_wait3A_320 = arith.constant 0 : i32
    %dma_wait3A_321 = tpu.memref_slice %arg26[%dma_wait3A_319, %dma_wait3A_320] : memref<50000x8xi32, #tpu.memory_space<vmem_shared>> -> memref<50000x8xi32, #tpu.memory_space<vmem_shared>>
    tpu.wait_indirect_dma semaphore(%arg20 : memref<!tpu.dma_semaphore, #tpu.memory_space<semaphore_mem>>) src(%dma_wait3A_321 : memref<50000x8xi32, #tpu.memory_space<vmem_shared>>) dst(%arg10 : memref<2000x8xi32, #tpu.memory_space<vmem>>)
    %dma_wait3A_322 = arith.constant 0 : i32
    %dma_wait3A_323 = arith.constant 0 : i32
    %dma_wait3A_324 = tpu.memref_slice %arg26[%dma_wait3A_322, %dma_wait3A_323] : memref<50000x8xi32, #tpu.memory_space<vmem_shared>> -> memref<50000x8xi32, #tpu.memory_space<vmem_shared>>
    tpu.wait_indirect_dma semaphore(%arg22 : memref<!tpu.dma_semaphore, #tpu.memory_space<semaphore_mem>>) src(%dma_wait3A_324 : memref<50000x8xi32, #tpu.memory_space<vmem_shared>>) dst(%arg12 : memref<2000x8xi32, #tpu.memory_space<vmem>>)
    %dma_wait3A_325 = arith.constant 0 : i32
    %dma_wait3A_326 = tpu.memref_slice %arg2[%dma_wait3A_325] : memref<1600000xi32, #tpu.memory_space<hbm>> -> memref<2000xi32, #tpu.memory_space<hbm>>
    %dma_wait3A_327 = arith.constant 0 : i32
    %dma_wait3A_328 = tpu.memref_slice %arg2[%dma_wait3A_327] : memref<1600000xi32, #tpu.memory_space<hbm>> -> memref<2000xi32, #tpu.memory_space<hbm>>
    tpu.wait_dma2 semaphore(%arg17 : memref<!tpu.dma_semaphore, #tpu.memory_space<semaphore_mem>>) src(%dma_wait3A_328 : memref<2000xi32, #tpu.memory_space<hbm>>) dst(%arg7 : memref<2000xi32, #tpu.memory_space<vmem>>)
    %dma_wait3A_329 = arith.constant 0 : i32
    %dma_wait3A_330 = tpu.memref_slice %arg3[%dma_wait3A_329] : memref<1600000xi32, #tpu.memory_space<hbm>> -> memref<2000xi32, #tpu.memory_space<hbm>>
    %dma_wait3A_331 = arith.constant 0 : i32
    %dma_wait3A_332 = tpu.memref_slice %arg3[%dma_wait3A_331] : memref<1600000xi32, #tpu.memory_space<hbm>> -> memref<2000xi32, #tpu.memory_space<hbm>>
    tpu.wait_dma2 semaphore(%arg19 : memref<!tpu.dma_semaphore, #tpu.memory_space<semaphore_mem>>) src(%dma_wait3A_332 : memref<2000xi32, #tpu.memory_space<hbm>>) dst(%arg9 : memref<2000xi32, #tpu.memory_space<vmem>>)
    %dma_start3A_333 = arith.constant 0 : i32
    %dma_start3A_334 = arith.constant 0 : i32
    %dma_start3A_335 = tpu.memref_slice %arg26[%dma_start3A_333, %dma_start3A_334] : memref<50000x8xi32, #tpu.memory_space<vmem_shared>> -> memref<50000x8xi32, #tpu.memory_space<vmem_shared>>
    tpu.enqueue_indirect_dma source(%dma_start3A_335 : memref<50000x8xi32, #tpu.memory_space<vmem_shared>>) target(%arg11 : memref<2000x8xi32, #tpu.memory_space<vmem>>) offsets(%arg7 : memref<2000xi32, #tpu.memory_space<vmem>>) semaphore(%arg21 : memref<!tpu.dma_semaphore, #tpu.memory_space<semaphore_mem>>)
    %dma_start3A_336 = arith.constant 0 : i32
    %dma_start3A_337 = arith.constant 0 : i32
    %dma_start3A_338 = tpu.memref_slice %arg26[%dma_start3A_336, %dma_start3A_337] : memref<50000x8xi32, #tpu.memory_space<vmem_shared>> -> memref<50000x8xi32, #tpu.memory_space<vmem_shared>>
    tpu.enqueue_indirect_dma source(%dma_start3A_338 : memref<50000x8xi32, #tpu.memory_space<vmem_shared>>) target(%arg13 : memref<2000x8xi32, #tpu.memory_space<vmem>>) offsets(%arg9 : memref<2000xi32, #tpu.memory_space<vmem>>) semaphore(%arg23 : memref<!tpu.dma_semaphore, #tpu.memory_space<semaphore_mem>>)
    %parallel_loop3A = arith.constant 0 : i32
    %parallel_loop3A_339 = arith.constant 125 : i32
    %parallel_loop3A_340 = arith.constant 1 : i32
    scf.for %parallel_loop3A_482 = %parallel_loop3A to %parallel_loop3A_339 step %parallel_loop3A_340  : i32 {
      %parallel_loop3A_483 = arith.constant 16 : i32
      %parallel_loop3A_484 = arith.muli %parallel_loop3A_482, %parallel_loop3A_483 : i32
      %parallel_loop3A_485 = vector.broadcast %parallel_loop3A_484 : i32 to vector<16xi32>
      %parallel_loop3A_486 = arith.addi %parallel_loop3A_485, %iota3A : vector<16xi32>
      %parallel_loop3A_487 = arith.constant 0.000000e+00 : bf16
      %parallel_loop3A_488 = vector.broadcast %parallel_loop3A_487 : bf16 to vector<32xbf16>
      %parallel_loop3A_489 = arith.constant 0.000000e+00 : bf16
      %parallel_loop3A_490 = vector.broadcast %parallel_loop3A_489 : bf16 to vector<32xbf16>
      %parallel_loop3A_491 = tpu.vector_load_idx %arg10[%parallel_loop3A_486, %rem3A_35] : memref<2000x8xi32, #tpu.memory_space<vmem>>[vector<16xi32>, vector<16xi32>], vector<16xi32>,
      %parallel_loop3A_492 = tpu.vector_load_idx %arg12[%parallel_loop3A_486, %rem3A_35] : memref<2000x8xi32, #tpu.memory_space<vmem>>[vector<16xi32>, vector<16xi32>], vector<16xi32>,
      %parallel_loop3A_493 = vector.bitcast %parallel_loop3A_491 : vector<16xi32> to vector<32xbf16>
      %parallel_loop3A_494 = vector.bitcast %parallel_loop3A_492 : vector<16xi32> to vector<32xbf16>
      %parallel_loop3A_495 = arith.mulf %parallel_loop3A_493, %parallel_loop3A_494 : vector<32xbf16>
      %parallel_loop3A_496 = arith.addf %parallel_loop3A_488, %parallel_loop3A_495 : vector<32xbf16>
      %parallel_loop3A_497 = tpu.vector_load_idx %arg10[%parallel_loop3A_486, %rem3A_72] : memref<2000x8xi32, #tpu.memory_space<vmem>>[vector<16xi32>, vector<16xi32>], vector<16xi32>,
      %parallel_loop3A_498 = tpu.vector_load_idx %arg12[%parallel_loop3A_486, %rem3A_72] : memref<2000x8xi32, #tpu.memory_space<vmem>>[vector<16xi32>, vector<16xi32>], vector<16xi32>,
      %parallel_loop3A_499 = vector.bitcast %parallel_loop3A_497 : vector<16xi32> to vector<32xbf16>
      %parallel_loop3A_500 = vector.bitcast %parallel_loop3A_498 : vector<16xi32> to vector<32xbf16>
      %parallel_loop3A_501 = arith.mulf %parallel_loop3A_499, %parallel_loop3A_500 : vector<32xbf16>
      %parallel_loop3A_502 = arith.addf %parallel_loop3A_490, %parallel_loop3A_501 : vector<32xbf16>
      %parallel_loop3A_503 = tpu.vector_load_idx %arg10[%parallel_loop3A_486, %rem3A_109] : memref<2000x8xi32, #tpu.memory_space<vmem>>[vector<16xi32>, vector<16xi32>], vector<16xi32>,
      %parallel_loop3A_504 = tpu.vector_load_idx %arg12[%parallel_loop3A_486, %rem3A_109] : memref<2000x8xi32, #tpu.memory_space<vmem>>[vector<16xi32>, vector<16xi32>], vector<16xi32>,
      %parallel_loop3A_505 = vector.bitcast %parallel_loop3A_503 : vector<16xi32> to vector<32xbf16>
      %parallel_loop3A_506 = vector.bitcast %parallel_loop3A_504 : vector<16xi32> to vector<32xbf16>
      %parallel_loop3A_507 = arith.mulf %parallel_loop3A_505, %parallel_loop3A_506 : vector<32xbf16>
      %parallel_loop3A_508 = arith.addf %parallel_loop3A_496, %parallel_loop3A_507 : vector<32xbf16>
      %parallel_loop3A_509 = tpu.vector_load_idx %arg10[%parallel_loop3A_486, %rem3A_146] : memref<2000x8xi32, #tpu.memory_space<vmem>>[vector<16xi32>, vector<16xi32>], vector<16xi32>,
      %parallel_loop3A_510 = tpu.vector_load_idx %arg12[%parallel_loop3A_486, %rem3A_146] : memref<2000x8xi32, #tpu.memory_space<vmem>>[vector<16xi32>, vector<16xi32>], vector<16xi32>,
      %parallel_loop3A_511 = vector.bitcast %parallel_loop3A_509 : vector<16xi32> to vector<32xbf16>
      %parallel_loop3A_512 = vector.bitcast %parallel_loop3A_510 : vector<16xi32> to vector<32xbf16>
      %parallel_loop3A_513 = arith.mulf %parallel_loop3A_511, %parallel_loop3A_512 : vector<32xbf16>
      %parallel_loop3A_514 = arith.addf %parallel_loop3A_502, %parallel_loop3A_513 : vector<32xbf16>
      %parallel_loop3A_515 = tpu.vector_load_idx %arg10[%parallel_loop3A_486, %rem3A_183] : memref<2000x8xi32, #tpu.memory_space<vmem>>[vector<16xi32>, vector<16xi32>], vector<16xi32>,
      %parallel_loop3A_516 = tpu.vector_load_idx %arg12[%parallel_loop3A_486, %rem3A_183] : memref<2000x8xi32, #tpu.memory_space<vmem>>[vector<16xi32>, vector<16xi32>], vector<16xi32>,
      %parallel_loop3A_517 = vector.bitcast %parallel_loop3A_515 : vector<16xi32> to vector<32xbf16>
      %parallel_loop3A_518 = vector.bitcast %parallel_loop3A_516 : vector<16xi32> to vector<32xbf16>
      %parallel_loop3A_519 = arith.mulf %parallel_loop3A_517, %parallel_loop3A_518 : vector<32xbf16>
      %parallel_loop3A_520 = arith.addf %parallel_loop3A_508, %parallel_loop3A_519 : vector<32xbf16>
      %parallel_loop3A_521 = tpu.vector_load_idx %arg10[%parallel_loop3A_486, %rem3A_220] : memref<2000x8xi32, #tpu.memory_space<vmem>>[vector<16xi32>, vector<16xi32>], vector<16xi32>,
      %parallel_loop3A_522 = tpu.vector_load_idx %arg12[%parallel_loop3A_486, %rem3A_220] : memref<2000x8xi32, #tpu.memory_space<vmem>>[vector<16xi32>, vector<16xi32>], vector<16xi32>,
      %parallel_loop3A_523 = vector.bitcast %parallel_loop3A_521 : vector<16xi32> to vector<32xbf16>
      %parallel_loop3A_524 = vector.bitcast %parallel_loop3A_522 : vector<16xi32> to vector<32xbf16>
      %parallel_loop3A_525 = arith.mulf %parallel_loop3A_523, %parallel_loop3A_524 : vector<32xbf16>
      %parallel_loop3A_526 = arith.addf %parallel_loop3A_514, %parallel_loop3A_525 : vector<32xbf16>
      %parallel_loop3A_527 = tpu.vector_load_idx %arg10[%parallel_loop3A_486, %rem3A_257] : memref<2000x8xi32, #tpu.memory_space<vmem>>[vector<16xi32>, vector<16xi32>], vector<16xi32>,
      %parallel_loop3A_528 = tpu.vector_load_idx %arg12[%parallel_loop3A_486, %rem3A_257] : memref<2000x8xi32, #tpu.memory_space<vmem>>[vector<16xi32>, vector<16xi32>], vector<16xi32>,
      %parallel_loop3A_529 = vector.bitcast %parallel_loop3A_527 : vector<16xi32> to vector<32xbf16>
      %parallel_loop3A_530 = vector.bitcast %parallel_loop3A_528 : vector<16xi32> to vector<32xbf16>
      %parallel_loop3A_531 = arith.mulf %parallel_loop3A_529, %parallel_loop3A_530 : vector<32xbf16>
      %parallel_loop3A_532 = arith.addf %parallel_loop3A_520, %parallel_loop3A_531 : vector<32xbf16>
      %parallel_loop3A_533 = tpu.vector_load_idx %arg10[%parallel_loop3A_486, %rem3A_294] : memref<2000x8xi32, #tpu.memory_space<vmem>>[vector<16xi32>, vector<16xi32>], vector<16xi32>,
      %parallel_loop3A_534 = tpu.vector_load_idx %arg12[%parallel_loop3A_486, %rem3A_294] : memref<2000x8xi32, #tpu.memory_space<vmem>>[vector<16xi32>, vector<16xi32>], vector<16xi32>,
      %parallel_loop3A_535 = vector.bitcast %parallel_loop3A_533 : vector<16xi32> to vector<32xbf16>
      %parallel_loop3A_536 = vector.bitcast %parallel_loop3A_534 : vector<16xi32> to vector<32xbf16>
      %parallel_loop3A_537 = arith.mulf %parallel_loop3A_535, %parallel_loop3A_536 : vector<32xbf16>
      %parallel_loop3A_538 = arith.addf %parallel_loop3A_526, %parallel_loop3A_537 : vector<32xbf16>
      %parallel_loop3A_539 = tpu.unpack_subelements %parallel_loop3A_532, 0 {pack_format = #tpu.pack_format<interleaved>} : vector<32xbf16> -> vector<16xf32>
      %parallel_loop3A_540 = tpu.unpack_subelements %parallel_loop3A_532, 1 {pack_format = #tpu.pack_format<interleaved>} : vector<32xbf16> -> vector<16xf32>
      %parallel_loop3A_541 = tpu.unpack_subelements %parallel_loop3A_538, 0 {pack_format = #tpu.pack_format<interleaved>} : vector<32xbf16> -> vector<16xf32>
      %parallel_loop3A_542 = tpu.unpack_subelements %parallel_loop3A_538, 1 {pack_format = #tpu.pack_format<interleaved>} : vector<32xbf16> -> vector<16xf32>
      %parallel_loop3A_543 = arith.addf %parallel_loop3A_539, %parallel_loop3A_540 : vector<16xf32>
      %parallel_loop3A_544 = arith.addf %parallel_loop3A_541, %parallel_loop3A_542 : vector<16xf32>
      %parallel_loop3A_545 = arith.addf %parallel_loop3A_543, %parallel_loop3A_544 : vector<16xf32>
      %parallel_loop3A_546 = arith.constant 0.000000e+00 : f32
      %parallel_loop3A_547 = vector.broadcast %parallel_loop3A_546 : f32 to vector<16xf32>
      %parallel_loop3A_548 = arith.subf %parallel_loop3A_547, %parallel_loop3A_545 : vector<16xf32>
      %parallel_loop3A_549 = math.exp %parallel_loop3A_548 : vector<16xf32>
      %parallel_loop3A_550 = arith.constant 1.000000e+00 : f32
      %parallel_loop3A_551 = vector.broadcast %parallel_loop3A_550 : f32 to vector<16xf32>
      %parallel_loop3A_552 = arith.addf %parallel_loop3A_551, %parallel_loop3A_549 : vector<16xf32>
      %parallel_loop3A_553 = arith.constant 1.000000e+00 : f32
      %parallel_loop3A_554 = vector.broadcast %parallel_loop3A_553 : f32 to vector<16xf32>
      %parallel_loop3A_555 = arith.divf %parallel_loop3A_554, %parallel_loop3A_552 : vector<16xf32>
      %parallel_loop3A_556 = arith.constant 16 : i32
      %parallel_loop3A_557 = arith.muli %parallel_loop3A_482, %parallel_loop3A_556 : i32
      %parallel_loop3A_558 = arith.index_cast %parallel_loop3A_557 : i32 to index
      %parallel_loop3A_559 = tpu.vector_load %arg14[%parallel_loop3A_558] {strides = array<i32>} : memref<2000xf32, #tpu.memory_space<vmem>>, vector<16xf32>,
      tpu.vector_store %arg14[%parallel_loop3A_558], %parallel_loop3A_555 {strides = array<i32>} : memref<2000xf32, #tpu.memory_space<vmem>>, vector<16xf32>,
    } {sc.loop_unroll_factor = 4 : i64, sc.parallel_access}
    %add3A_341 = arith.constant 0 : i32
    %add3A_342 = arith.addi %mul3A_6, %add3A_341 : i32
    %dma_start3A_343 = tpu.memref_slice %arg5[%add3A_342] : memref<1600000xf32, #tpu.memory_space<hbm>> -> memref<2000xf32, #tpu.memory_space<hbm>>
    %dma_start3A_344 = tpu.memref_slice %arg5[%add3A_342] : memref<1600000xf32, #tpu.memory_space<hbm>> -> memref<2000xf32, #tpu.memory_space<hbm>>
    tpu.enqueue_dma source(%arg14 : memref<2000xf32, #tpu.memory_space<vmem>>) target(%dma_start3A_344 : memref<2000xf32, #tpu.memory_space<hbm>>) target_semaphore(%arg24 : memref<!tpu.dma_semaphore, #tpu.memory_space<semaphore_mem>>)
    %add3A_345 = arith.constant 4000 : i32
    %add3A_346 = arith.addi %mul3A_6, %add3A_345 : i32
    %dma_start3A_347 = tpu.memref_slice %arg2[%add3A_346] : memref<1600000xi32, #tpu.memory_space<hbm>> -> memref<2000xi32, #tpu.memory_space<hbm>>
    %dma_start3A_348 = tpu.memref_slice %arg2[%add3A_346] : memref<1600000xi32, #tpu.memory_space<hbm>> -> memref<2000xi32, #tpu.memory_space<hbm>>
    tpu.enqueue_dma source(%dma_start3A_348 : memref<2000xi32, #tpu.memory_space<hbm>>) target(%arg6 : memref<2000xi32, #tpu.memory_space<vmem>>) target_semaphore(%arg16 : memref<!tpu.dma_semaphore, #tpu.memory_space<semaphore_mem>>)
    %dma_start3A_349 = tpu.memref_slice %arg3[%add3A_346] : memref<1600000xi32, #tpu.memory_space<hbm>> -> memref<2000xi32, #tpu.memory_space<hbm>>
    %dma_start3A_350 = tpu.memref_slice %arg3[%add3A_346] : memref<1600000xi32, #tpu.memory_space<hbm>> -> memref<2000xi32, #tpu.memory_space<hbm>>
    tpu.enqueue_dma source(%dma_start3A_350 : memref<2000xi32, #tpu.memory_space<hbm>>) target(%arg8 : memref<2000xi32, #tpu.memory_space<vmem>>) target_semaphore(%arg18 : memref<!tpu.dma_semaphore, #tpu.memory_space<semaphore_mem>>)
    %dma_wait3A_351 = arith.constant 0 : i32
    %dma_wait3A_352 = arith.constant 0 : i32
    %dma_wait3A_353 = tpu.memref_slice %arg26[%dma_wait3A_351, %dma_wait3A_352] : memref<50000x8xi32, #tpu.memory_space<vmem_shared>> -> memref<50000x8xi32, #tpu.memory_space<vmem_shared>>
    tpu.wait_indirect_dma semaphore(%arg21 : memref<!tpu.dma_semaphore, #tpu.memory_space<semaphore_mem>>) src(%dma_wait3A_353 : memref<50000x8xi32, #tpu.memory_space<vmem_shared>>) dst(%arg11 : memref<2000x8xi32, #tpu.memory_space<vmem>>)
    %dma_wait3A_354 = arith.constant 0 : i32
    %dma_wait3A_355 = arith.constant 0 : i32
    %dma_wait3A_356 = tpu.memref_slice %arg26[%dma_wait3A_354, %dma_wait3A_355] : memref<50000x8xi32, #tpu.memory_space<vmem_shared>> -> memref<50000x8xi32, #tpu.memory_space<vmem_shared>>
    tpu.wait_indirect_dma semaphore(%arg23 : memref<!tpu.dma_semaphore, #tpu.memory_space<semaphore_mem>>) src(%dma_wait3A_356 : memref<50000x8xi32, #tpu.memory_space<vmem_shared>>) dst(%arg13 : memref<2000x8xi32, #tpu.memory_space<vmem>>)
    %dma_wait3A_357 = arith.constant 0 : i32
    %dma_wait3A_358 = tpu.memref_slice %arg2[%dma_wait3A_357] : memref<1600000xi32, #tpu.memory_space<hbm>> -> memref<2000xi32, #tpu.memory_space<hbm>>
    %dma_wait3A_359 = arith.constant 0 : i32
    %dma_wait3A_360 = tpu.memref_slice %arg2[%dma_wait3A_359] : memref<1600000xi32, #tpu.memory_space<hbm>> -> memref<2000xi32, #tpu.memory_space<hbm>>
    tpu.wait_dma2 semaphore(%arg16 : memref<!tpu.dma_semaphore, #tpu.memory_space<semaphore_mem>>) src(%dma_wait3A_360 : memref<2000xi32, #tpu.memory_space<hbm>>) dst(%arg6 : memref<2000xi32, #tpu.memory_space<vmem>>)
    %dma_wait3A_361 = arith.constant 0 : i32
    %dma_wait3A_362 = tpu.memref_slice %arg3[%dma_wait3A_361] : memref<1600000xi32, #tpu.memory_space<hbm>> -> memref<2000xi32, #tpu.memory_space<hbm>>
    %dma_wait3A_363 = arith.constant 0 : i32
    %dma_wait3A_364 = tpu.memref_slice %arg3[%dma_wait3A_363] : memref<1600000xi32, #tpu.memory_space<hbm>> -> memref<2000xi32, #tpu.memory_space<hbm>>
    tpu.wait_dma2 semaphore(%arg18 : memref<!tpu.dma_semaphore, #tpu.memory_space<semaphore_mem>>) src(%dma_wait3A_364 : memref<2000xi32, #tpu.memory_space<hbm>>) dst(%arg8 : memref<2000xi32, #tpu.memory_space<vmem>>)
    %dma_start3A_365 = arith.constant 0 : i32
    %dma_start3A_366 = arith.constant 0 : i32
    %dma_start3A_367 = tpu.memref_slice %arg26[%dma_start3A_365, %dma_start3A_366] : memref<50000x8xi32, #tpu.memory_space<vmem_shared>> -> memref<50000x8xi32, #tpu.memory_space<vmem_shared>>
    tpu.enqueue_indirect_dma source(%dma_start3A_367 : memref<50000x8xi32, #tpu.memory_space<vmem_shared>>) target(%arg10 : memref<2000x8xi32, #tpu.memory_space<vmem>>) offsets(%arg6 : memref<2000xi32, #tpu.memory_space<vmem>>) semaphore(%arg20 : memref<!tpu.dma_semaphore, #tpu.memory_space<semaphore_mem>>)
    %dma_start3A_368 = arith.constant 0 : i32
    %dma_start3A_369 = arith.constant 0 : i32
    %dma_start3A_370 = tpu.memref_slice %arg26[%dma_start3A_368, %dma_start3A_369] : memref<50000x8xi32, #tpu.memory_space<vmem_shared>> -> memref<50000x8xi32, #tpu.memory_space<vmem_shared>>
    tpu.enqueue_indirect_dma source(%dma_start3A_370 : memref<50000x8xi32, #tpu.memory_space<vmem_shared>>) target(%arg12 : memref<2000x8xi32, #tpu.memory_space<vmem>>) offsets(%arg8 : memref<2000xi32, #tpu.memory_space<vmem>>) semaphore(%arg22 : memref<!tpu.dma_semaphore, #tpu.memory_space<semaphore_mem>>)
    %parallel_loop3A_371 = arith.constant 0 : i32
    %parallel_loop3A_372 = arith.constant 125 : i32
    %parallel_loop3A_373 = arith.constant 1 : i32
    scf.for %parallel_loop3A_482 = %parallel_loop3A_371 to %parallel_loop3A_372 step %parallel_loop3A_373  : i32 {
      %parallel_loop3A_483 = arith.constant 16 : i32
      %parallel_loop3A_484 = arith.muli %parallel_loop3A_482, %parallel_loop3A_483 : i32
      %parallel_loop3A_485 = vector.broadcast %parallel_loop3A_484 : i32 to vector<16xi32>
      %parallel_loop3A_486 = arith.addi %parallel_loop3A_485, %iota3A : vector<16xi32>
      %parallel_loop3A_487 = arith.constant 0.000000e+00 : bf16
      %parallel_loop3A_488 = vector.broadcast %parallel_loop3A_487 : bf16 to vector<32xbf16>
      %parallel_loop3A_489 = arith.constant 0.000000e+00 : bf16
      %parallel_loop3A_490 = vector.broadcast %parallel_loop3A_489 : bf16 to vector<32xbf16>
      %parallel_loop3A_491 = tpu.vector_load_idx %arg11[%parallel_loop3A_486, %rem3A_35] : memref<2000x8xi32, #tpu.memory_space<vmem>>[vector<16xi32>, vector<16xi32>], vector<16xi32>,
      %parallel_loop3A_492 = tpu.vector_load_idx %arg13[%parallel_loop3A_486, %rem3A_35] : memref<2000x8xi32, #tpu.memory_space<vmem>>[vector<16xi32>, vector<16xi32>], vector<16xi32>,
      %parallel_loop3A_493 = vector.bitcast %parallel_loop3A_491 : vector<16xi32> to vector<32xbf16>
      %parallel_loop3A_494 = vector.bitcast %parallel_loop3A_492 : vector<16xi32> to vector<32xbf16>
      %parallel_loop3A_495 = arith.mulf %parallel_loop3A_493, %parallel_loop3A_494 : vector<32xbf16>
      %parallel_loop3A_496 = arith.addf %parallel_loop3A_488, %parallel_loop3A_495 : vector<32xbf16>
      %parallel_loop3A_497 = tpu.vector_load_idx %arg11[%parallel_loop3A_486, %rem3A_72] : memref<2000x8xi32, #tpu.memory_space<vmem>>[vector<16xi32>, vector<16xi32>], vector<16xi32>,
      %parallel_loop3A_498 = tpu.vector_load_idx %arg13[%parallel_loop3A_486, %rem3A_72] : memref<2000x8xi32, #tpu.memory_space<vmem>>[vector<16xi32>, vector<16xi32>], vector<16xi32>,
      %parallel_loop3A_499 = vector.bitcast %parallel_loop3A_497 : vector<16xi32> to vector<32xbf16>
      %parallel_loop3A_500 = vector.bitcast %parallel_loop3A_498 : vector<16xi32> to vector<32xbf16>
      %parallel_loop3A_501 = arith.mulf %parallel_loop3A_499, %parallel_loop3A_500 : vector<32xbf16>
      %parallel_loop3A_502 = arith.addf %parallel_loop3A_490, %parallel_loop3A_501 : vector<32xbf16>
      %parallel_loop3A_503 = tpu.vector_load_idx %arg11[%parallel_loop3A_486, %rem3A_109] : memref<2000x8xi32, #tpu.memory_space<vmem>>[vector<16xi32>, vector<16xi32>], vector<16xi32>,
      %parallel_loop3A_504 = tpu.vector_load_idx %arg13[%parallel_loop3A_486, %rem3A_109] : memref<2000x8xi32, #tpu.memory_space<vmem>>[vector<16xi32>, vector<16xi32>], vector<16xi32>,
      %parallel_loop3A_505 = vector.bitcast %parallel_loop3A_503 : vector<16xi32> to vector<32xbf16>
      %parallel_loop3A_506 = vector.bitcast %parallel_loop3A_504 : vector<16xi32> to vector<32xbf16>
      %parallel_loop3A_507 = arith.mulf %parallel_loop3A_505, %parallel_loop3A_506 : vector<32xbf16>
      %parallel_loop3A_508 = arith.addf %parallel_loop3A_496, %parallel_loop3A_507 : vector<32xbf16>
      %parallel_loop3A_509 = tpu.vector_load_idx %arg11[%parallel_loop3A_486, %rem3A_146] : memref<2000x8xi32, #tpu.memory_space<vmem>>[vector<16xi32>, vector<16xi32>], vector<16xi32>,
      %parallel_loop3A_510 = tpu.vector_load_idx %arg13[%parallel_loop3A_486, %rem3A_146] : memref<2000x8xi32, #tpu.memory_space<vmem>>[vector<16xi32>, vector<16xi32>], vector<16xi32>,
      %parallel_loop3A_511 = vector.bitcast %parallel_loop3A_509 : vector<16xi32> to vector<32xbf16>
      %parallel_loop3A_512 = vector.bitcast %parallel_loop3A_510 : vector<16xi32> to vector<32xbf16>
      %parallel_loop3A_513 = arith.mulf %parallel_loop3A_511, %parallel_loop3A_512 : vector<32xbf16>
      %parallel_loop3A_514 = arith.addf %parallel_loop3A_502, %parallel_loop3A_513 : vector<32xbf16>
      %parallel_loop3A_515 = tpu.vector_load_idx %arg11[%parallel_loop3A_486, %rem3A_183] : memref<2000x8xi32, #tpu.memory_space<vmem>>[vector<16xi32>, vector<16xi32>], vector<16xi32>,
      %parallel_loop3A_516 = tpu.vector_load_idx %arg13[%parallel_loop3A_486, %rem3A_183] : memref<2000x8xi32, #tpu.memory_space<vmem>>[vector<16xi32>, vector<16xi32>], vector<16xi32>,
      %parallel_loop3A_517 = vector.bitcast %parallel_loop3A_515 : vector<16xi32> to vector<32xbf16>
      %parallel_loop3A_518 = vector.bitcast %parallel_loop3A_516 : vector<16xi32> to vector<32xbf16>
      %parallel_loop3A_519 = arith.mulf %parallel_loop3A_517, %parallel_loop3A_518 : vector<32xbf16>
      %parallel_loop3A_520 = arith.addf %parallel_loop3A_508, %parallel_loop3A_519 : vector<32xbf16>
      %parallel_loop3A_521 = tpu.vector_load_idx %arg11[%parallel_loop3A_486, %rem3A_220] : memref<2000x8xi32, #tpu.memory_space<vmem>>[vector<16xi32>, vector<16xi32>], vector<16xi32>,
      %parallel_loop3A_522 = tpu.vector_load_idx %arg13[%parallel_loop3A_486, %rem3A_220] : memref<2000x8xi32, #tpu.memory_space<vmem>>[vector<16xi32>, vector<16xi32>], vector<16xi32>,
      %parallel_loop3A_523 = vector.bitcast %parallel_loop3A_521 : vector<16xi32> to vector<32xbf16>
      %parallel_loop3A_524 = vector.bitcast %parallel_loop3A_522 : vector<16xi32> to vector<32xbf16>
      %parallel_loop3A_525 = arith.mulf %parallel_loop3A_523, %parallel_loop3A_524 : vector<32xbf16>
      %parallel_loop3A_526 = arith.addf %parallel_loop3A_514, %parallel_loop3A_525 : vector<32xbf16>
      %parallel_loop3A_527 = tpu.vector_load_idx %arg11[%parallel_loop3A_486, %rem3A_257] : memref<2000x8xi32, #tpu.memory_space<vmem>>[vector<16xi32>, vector<16xi32>], vector<16xi32>,
      %parallel_loop3A_528 = tpu.vector_load_idx %arg13[%parallel_loop3A_486, %rem3A_257] : memref<2000x8xi32, #tpu.memory_space<vmem>>[vector<16xi32>, vector<16xi32>], vector<16xi32>,
      %parallel_loop3A_529 = vector.bitcast %parallel_loop3A_527 : vector<16xi32> to vector<32xbf16>
      %parallel_loop3A_530 = vector.bitcast %parallel_loop3A_528 : vector<16xi32> to vector<32xbf16>
      %parallel_loop3A_531 = arith.mulf %parallel_loop3A_529, %parallel_loop3A_530 : vector<32xbf16>
      %parallel_loop3A_532 = arith.addf %parallel_loop3A_520, %parallel_loop3A_531 : vector<32xbf16>
      %parallel_loop3A_533 = tpu.vector_load_idx %arg11[%parallel_loop3A_486, %rem3A_294] : memref<2000x8xi32, #tpu.memory_space<vmem>>[vector<16xi32>, vector<16xi32>], vector<16xi32>,
      %parallel_loop3A_534 = tpu.vector_load_idx %arg13[%parallel_loop3A_486, %rem3A_294] : memref<2000x8xi32, #tpu.memory_space<vmem>>[vector<16xi32>, vector<16xi32>], vector<16xi32>,
      %parallel_loop3A_535 = vector.bitcast %parallel_loop3A_533 : vector<16xi32> to vector<32xbf16>
      %parallel_loop3A_536 = vector.bitcast %parallel_loop3A_534 : vector<16xi32> to vector<32xbf16>
      %parallel_loop3A_537 = arith.mulf %parallel_loop3A_535, %parallel_loop3A_536 : vector<32xbf16>
      %parallel_loop3A_538 = arith.addf %parallel_loop3A_526, %parallel_loop3A_537 : vector<32xbf16>
      %parallel_loop3A_539 = tpu.unpack_subelements %parallel_loop3A_532, 0 {pack_format = #tpu.pack_format<interleaved>} : vector<32xbf16> -> vector<16xf32>
      %parallel_loop3A_540 = tpu.unpack_subelements %parallel_loop3A_532, 1 {pack_format = #tpu.pack_format<interleaved>} : vector<32xbf16> -> vector<16xf32>
      %parallel_loop3A_541 = tpu.unpack_subelements %parallel_loop3A_538, 0 {pack_format = #tpu.pack_format<interleaved>} : vector<32xbf16> -> vector<16xf32>
      %parallel_loop3A_542 = tpu.unpack_subelements %parallel_loop3A_538, 1 {pack_format = #tpu.pack_format<interleaved>} : vector<32xbf16> -> vector<16xf32>
      %parallel_loop3A_543 = arith.addf %parallel_loop3A_539, %parallel_loop3A_540 : vector<16xf32>
      %parallel_loop3A_544 = arith.addf %parallel_loop3A_541, %parallel_loop3A_542 : vector<16xf32>
      %parallel_loop3A_545 = arith.addf %parallel_loop3A_543, %parallel_loop3A_544 : vector<16xf32>
      %parallel_loop3A_546 = arith.constant 0.000000e+00 : f32
      %parallel_loop3A_547 = vector.broadcast %parallel_loop3A_546 : f32 to vector<16xf32>
      %parallel_loop3A_548 = arith.subf %parallel_loop3A_547, %parallel_loop3A_545 : vector<16xf32>
      %parallel_loop3A_549 = math.exp %parallel_loop3A_548 : vector<16xf32>
      %parallel_loop3A_550 = arith.constant 1.000000e+00 : f32
      %parallel_loop3A_551 = vector.broadcast %parallel_loop3A_550 : f32 to vector<16xf32>
      %parallel_loop3A_552 = arith.addf %parallel_loop3A_551, %parallel_loop3A_549 : vector<16xf32>
      %parallel_loop3A_553 = arith.constant 1.000000e+00 : f32
      %parallel_loop3A_554 = vector.broadcast %parallel_loop3A_553 : f32 to vector<16xf32>
      %parallel_loop3A_555 = arith.divf %parallel_loop3A_554, %parallel_loop3A_552 : vector<16xf32>
      %parallel_loop3A_556 = arith.constant 16 : i32
      %parallel_loop3A_557 = arith.muli %parallel_loop3A_482, %parallel_loop3A_556 : i32
      %parallel_loop3A_558 = arith.index_cast %parallel_loop3A_557 : i32 to index
      %parallel_loop3A_559 = tpu.vector_load %arg15[%parallel_loop3A_558] {strides = array<i32>} : memref<2000xf32, #tpu.memory_space<vmem>>, vector<16xf32>,
      tpu.vector_store %arg15[%parallel_loop3A_558], %parallel_loop3A_555 {strides = array<i32>} : memref<2000xf32, #tpu.memory_space<vmem>>, vector<16xf32>,
    } {sc.loop_unroll_factor = 4 : i64, sc.parallel_access}
    %add3A_374 = arith.constant 2000 : i32
    %add3A_375 = arith.addi %mul3A_6, %add3A_374 : i32
    %dma_start3A_376 = tpu.memref_slice %arg5[%add3A_375] : memref<1600000xf32, #tpu.memory_space<hbm>> -> memref<2000xf32, #tpu.memory_space<hbm>>
    %dma_start3A_377 = tpu.memref_slice %arg5[%add3A_375] : memref<1600000xf32, #tpu.memory_space<hbm>> -> memref<2000xf32, #tpu.memory_space<hbm>>
    tpu.enqueue_dma source(%arg15 : memref<2000xf32, #tpu.memory_space<vmem>>) target(%dma_start3A_377 : memref<2000xf32, #tpu.memory_space<hbm>>) target_semaphore(%arg25 : memref<!tpu.dma_semaphore, #tpu.memory_space<semaphore_mem>>)
    %add3A_378 = arith.constant 6000 : i32
    %add3A_379 = arith.addi %mul3A_6, %add3A_378 : i32
    %dma_start3A_380 = tpu.memref_slice %arg2[%add3A_379] : memref<1600000xi32, #tpu.memory_space<hbm>> -> memref<2000xi32, #tpu.memory_space<hbm>>
    %dma_start3A_381 = tpu.memref_slice %arg2[%add3A_379] : memref<1600000xi32, #tpu.memory_space<hbm>> -> memref<2000xi32, #tpu.memory_space<hbm>>
    tpu.enqueue_dma source(%dma_start3A_381 : memref<2000xi32, #tpu.memory_space<hbm>>) target(%arg7 : memref<2000xi32, #tpu.memory_space<vmem>>) target_semaphore(%arg17 : memref<!tpu.dma_semaphore, #tpu.memory_space<semaphore_mem>>)
    %dma_start3A_382 = tpu.memref_slice %arg3[%add3A_379] : memref<1600000xi32, #tpu.memory_space<hbm>> -> memref<2000xi32, #tpu.memory_space<hbm>>
    %dma_start3A_383 = tpu.memref_slice %arg3[%add3A_379] : memref<1600000xi32, #tpu.memory_space<hbm>> -> memref<2000xi32, #tpu.memory_space<hbm>>
    tpu.enqueue_dma source(%dma_start3A_383 : memref<2000xi32, #tpu.memory_space<hbm>>) target(%arg9 : memref<2000xi32, #tpu.memory_space<vmem>>) target_semaphore(%arg19 : memref<!tpu.dma_semaphore, #tpu.memory_space<semaphore_mem>>)
    %scan3A = arith.constant 0 : i32
    %scan3A_384 = arith.constant 1 : i32
    %scan3A_385 = arith.constant 10 : i32
    %scan3A_386 = arith.addi %scan3A_384, %scan3A_385 : i32
    %scan3A_387 = arith.constant 1 : i32
    scf.for %scan3A_482 = %scan3A_384 to %scan3A_386 step %scan3A_387  : i32 {
      %mul3A_483 = arith.constant 2 : i32
      %mul3A_484 = arith.muli %scan3A_482, %mul3A_483 : i32
      %add3A_485 = arith.constant 0 : i32
      %add3A_486 = arith.addi %mul3A_484, %add3A_485 : i32
      %dma_wait3A_487 = arith.constant 0 : i32
      %dma_wait3A_488 = arith.constant 0 : i32
      %dma_wait3A_489 = tpu.memref_slice %arg26[%dma_wait3A_487, %dma_wait3A_488] : memref<50000x8xi32, #tpu.memory_space<vmem_shared>> -> memref<50000x8xi32, #tpu.memory_space<vmem_shared>>
      tpu.wait_indirect_dma semaphore(%arg20 : memref<!tpu.dma_semaphore, #tpu.memory_space<semaphore_mem>>) src(%dma_wait3A_489 : memref<50000x8xi32, #tpu.memory_space<vmem_shared>>) dst(%arg10 : memref<2000x8xi32, #tpu.memory_space<vmem>>)
      %dma_wait3A_490 = arith.constant 0 : i32
      %dma_wait3A_491 = arith.constant 0 : i32
      %dma_wait3A_492 = tpu.memref_slice %arg26[%dma_wait3A_490, %dma_wait3A_491] : memref<50000x8xi32, #tpu.memory_space<vmem_shared>> -> memref<50000x8xi32, #tpu.memory_space<vmem_shared>>
      tpu.wait_indirect_dma semaphore(%arg22 : memref<!tpu.dma_semaphore, #tpu.memory_space<semaphore_mem>>) src(%dma_wait3A_492 : memref<50000x8xi32, #tpu.memory_space<vmem_shared>>) dst(%arg12 : memref<2000x8xi32, #tpu.memory_space<vmem>>)
      %dma_wait3A_493 = arith.constant 0 : i32
      %dma_wait3A_494 = tpu.memref_slice %arg2[%dma_wait3A_493] : memref<1600000xi32, #tpu.memory_space<hbm>> -> memref<2000xi32, #tpu.memory_space<hbm>>
      %dma_wait3A_495 = arith.constant 0 : i32
      %dma_wait3A_496 = tpu.memref_slice %arg2[%dma_wait3A_495] : memref<1600000xi32, #tpu.memory_space<hbm>> -> memref<2000xi32, #tpu.memory_space<hbm>>
      tpu.wait_dma2 semaphore(%arg17 : memref<!tpu.dma_semaphore, #tpu.memory_space<semaphore_mem>>) src(%dma_wait3A_496 : memref<2000xi32, #tpu.memory_space<hbm>>) dst(%arg7 : memref<2000xi32, #tpu.memory_space<vmem>>)
      %dma_wait3A_497 = arith.constant 0 : i32
      %dma_wait3A_498 = tpu.memref_slice %arg3[%dma_wait3A_497] : memref<1600000xi32, #tpu.memory_space<hbm>> -> memref<2000xi32, #tpu.memory_space<hbm>>
      %dma_wait3A_499 = arith.constant 0 : i32
      %dma_wait3A_500 = tpu.memref_slice %arg3[%dma_wait3A_499] : memref<1600000xi32, #tpu.memory_space<hbm>> -> memref<2000xi32, #tpu.memory_space<hbm>>
      tpu.wait_dma2 semaphore(%arg19 : memref<!tpu.dma_semaphore, #tpu.memory_space<semaphore_mem>>) src(%dma_wait3A_500 : memref<2000xi32, #tpu.memory_space<hbm>>) dst(%arg9 : memref<2000xi32, #tpu.memory_space<vmem>>)
      %dma_start3A_501 = arith.constant 0 : i32
      %dma_start3A_502 = arith.constant 0 : i32
      %dma_start3A_503 = tpu.memref_slice %arg26[%dma_start3A_501, %dma_start3A_502] : memref<50000x8xi32, #tpu.memory_space<vmem_shared>> -> memref<50000x8xi32, #tpu.memory_space<vmem_shared>>
      tpu.enqueue_indirect_dma source(%dma_start3A_503 : memref<50000x8xi32, #tpu.memory_space<vmem_shared>>) target(%arg11 : memref<2000x8xi32, #tpu.memory_space<vmem>>) offsets(%arg7 : memref<2000xi32, #tpu.memory_space<vmem>>) semaphore(%arg21 : memref<!tpu.dma_semaphore, #tpu.memory_space<semaphore_mem>>)
      %dma_start3A_504 = arith.constant 0 : i32
      %dma_start3A_505 = arith.constant 0 : i32
      %dma_start3A_506 = tpu.memref_slice %arg26[%dma_start3A_504, %dma_start3A_505] : memref<50000x8xi32, #tpu.memory_space<vmem_shared>> -> memref<50000x8xi32, #tpu.memory_space<vmem_shared>>
      tpu.enqueue_indirect_dma source(%dma_start3A_506 : memref<50000x8xi32, #tpu.memory_space<vmem_shared>>) target(%arg13 : memref<2000x8xi32, #tpu.memory_space<vmem>>) offsets(%arg9 : memref<2000xi32, #tpu.memory_space<vmem>>) semaphore(%arg23 : memref<!tpu.dma_semaphore, #tpu.memory_space<semaphore_mem>>)
      %dma_wait3A_507 = arith.constant 0 : i32
      %dma_wait3A_508 = tpu.memref_slice %arg5[%dma_wait3A_507] : memref<1600000xf32, #tpu.memory_space<hbm>> -> memref<2000xf32, #tpu.memory_space<hbm>>
      %dma_wait3A_509 = arith.constant 0 : i32
      %dma_wait3A_510 = tpu.memref_slice %arg5[%dma_wait3A_509] : memref<1600000xf32, #tpu.memory_space<hbm>> -> memref<2000xf32, #tpu.memory_space<hbm>>
      tpu.wait_dma2 semaphore(%arg24 : memref<!tpu.dma_semaphore, #tpu.memory_space<semaphore_mem>>) src(%arg14 : memref<2000xf32, #tpu.memory_space<vmem>>) dst(%dma_wait3A_510 : memref<2000xf32, #tpu.memory_space<hbm>>)
      %parallel_loop3A_511 = arith.constant 0 : i32
      %parallel_loop3A_512 = arith.constant 125 : i32
      %parallel_loop3A_513 = arith.constant 1 : i32
      scf.for %parallel_loop3A_571 = %parallel_loop3A_511 to %parallel_loop3A_512 step %parallel_loop3A_513  : i32 {
        %parallel_loop3A_572 = arith.constant 16 : i32
        %parallel_loop3A_573 = arith.muli %parallel_loop3A_571, %parallel_loop3A_572 : i32
        %parallel_loop3A_574 = vector.broadcast %parallel_loop3A_573 : i32 to vector<16xi32>
        %parallel_loop3A_575 = arith.addi %parallel_loop3A_574, %iota3A : vector<16xi32>
        %parallel_loop3A_576 = arith.constant 0.000000e+00 : bf16
        %parallel_loop3A_577 = vector.broadcast %parallel_loop3A_576 : bf16 to vector<32xbf16>
        %parallel_loop3A_578 = arith.constant 0.000000e+00 : bf16
        %parallel_loop3A_579 = vector.broadcast %parallel_loop3A_578 : bf16 to vector<32xbf16>
        %parallel_loop3A_580 = tpu.vector_load_idx %arg10[%parallel_loop3A_575, %rem3A_35] : memref<2000x8xi32, #tpu.memory_space<vmem>>[vector<16xi32>, vector<16xi32>], vector<16xi32>,
        %parallel_loop3A_581 = tpu.vector_load_idx %arg12[%parallel_loop3A_575, %rem3A_35] : memref<2000x8xi32, #tpu.memory_space<vmem>>[vector<16xi32>, vector<16xi32>], vector<16xi32>,
        %parallel_loop3A_582 = vector.bitcast %parallel_loop3A_580 : vector<16xi32> to vector<32xbf16>
        %parallel_loop3A_583 = vector.bitcast %parallel_loop3A_581 : vector<16xi32> to vector<32xbf16>
        %parallel_loop3A_584 = arith.mulf %parallel_loop3A_582, %parallel_loop3A_583 : vector<32xbf16>
        %parallel_loop3A_585 = arith.addf %parallel_loop3A_577, %parallel_loop3A_584 : vector<32xbf16>
        %parallel_loop3A_586 = tpu.vector_load_idx %arg10[%parallel_loop3A_575, %rem3A_72] : memref<2000x8xi32, #tpu.memory_space<vmem>>[vector<16xi32>, vector<16xi32>], vector<16xi32>,
        %parallel_loop3A_587 = tpu.vector_load_idx %arg12[%parallel_loop3A_575, %rem3A_72] : memref<2000x8xi32, #tpu.memory_space<vmem>>[vector<16xi32>, vector<16xi32>], vector<16xi32>,
        %parallel_loop3A_588 = vector.bitcast %parallel_loop3A_586 : vector<16xi32> to vector<32xbf16>
        %parallel_loop3A_589 = vector.bitcast %parallel_loop3A_587 : vector<16xi32> to vector<32xbf16>
        %parallel_loop3A_590 = arith.mulf %parallel_loop3A_588, %parallel_loop3A_589 : vector<32xbf16>
        %parallel_loop3A_591 = arith.addf %parallel_loop3A_579, %parallel_loop3A_590 : vector<32xbf16>
        %parallel_loop3A_592 = tpu.vector_load_idx %arg10[%parallel_loop3A_575, %rem3A_109] : memref<2000x8xi32, #tpu.memory_space<vmem>>[vector<16xi32>, vector<16xi32>], vector<16xi32>,
        %parallel_loop3A_593 = tpu.vector_load_idx %arg12[%parallel_loop3A_575, %rem3A_109] : memref<2000x8xi32, #tpu.memory_space<vmem>>[vector<16xi32>, vector<16xi32>], vector<16xi32>,
        %parallel_loop3A_594 = vector.bitcast %parallel_loop3A_592 : vector<16xi32> to vector<32xbf16>
        %parallel_loop3A_595 = vector.bitcast %parallel_loop3A_593 : vector<16xi32> to vector<32xbf16>
        %parallel_loop3A_596 = arith.mulf %parallel_loop3A_594, %parallel_loop3A_595 : vector<32xbf16>
        %parallel_loop3A_597 = arith.addf %parallel_loop3A_585, %parallel_loop3A_596 : vector<32xbf16>
        %parallel_loop3A_598 = tpu.vector_load_idx %arg10[%parallel_loop3A_575, %rem3A_146] : memref<2000x8xi32, #tpu.memory_space<vmem>>[vector<16xi32>, vector<16xi32>], vector<16xi32>,
        %parallel_loop3A_599 = tpu.vector_load_idx %arg12[%parallel_loop3A_575, %rem3A_146] : memref<2000x8xi32, #tpu.memory_space<vmem>>[vector<16xi32>, vector<16xi32>], vector<16xi32>,
        %parallel_loop3A_600 = vector.bitcast %parallel_loop3A_598 : vector<16xi32> to vector<32xbf16>
        %parallel_loop3A_601 = vector.bitcast %parallel_loop3A_599 : vector<16xi32> to vector<32xbf16>
        %parallel_loop3A_602 = arith.mulf %parallel_loop3A_600, %parallel_loop3A_601 : vector<32xbf16>
        %parallel_loop3A_603 = arith.addf %parallel_loop3A_591, %parallel_loop3A_602 : vector<32xbf16>
        %parallel_loop3A_604 = tpu.vector_load_idx %arg10[%parallel_loop3A_575, %rem3A_183] : memref<2000x8xi32, #tpu.memory_space<vmem>>[vector<16xi32>, vector<16xi32>], vector<16xi32>,
        %parallel_loop3A_605 = tpu.vector_load_idx %arg12[%parallel_loop3A_575, %rem3A_183] : memref<2000x8xi32, #tpu.memory_space<vmem>>[vector<16xi32>, vector<16xi32>], vector<16xi32>,
        %parallel_loop3A_606 = vector.bitcast %parallel_loop3A_604 : vector<16xi32> to vector<32xbf16>
        %parallel_loop3A_607 = vector.bitcast %parallel_loop3A_605 : vector<16xi32> to vector<32xbf16>
        %parallel_loop3A_608 = arith.mulf %parallel_loop3A_606, %parallel_loop3A_607 : vector<32xbf16>
        %parallel_loop3A_609 = arith.addf %parallel_loop3A_597, %parallel_loop3A_608 : vector<32xbf16>
        %parallel_loop3A_610 = tpu.vector_load_idx %arg10[%parallel_loop3A_575, %rem3A_220] : memref<2000x8xi32, #tpu.memory_space<vmem>>[vector<16xi32>, vector<16xi32>], vector<16xi32>,
        %parallel_loop3A_611 = tpu.vector_load_idx %arg12[%parallel_loop3A_575, %rem3A_220] : memref<2000x8xi32, #tpu.memory_space<vmem>>[vector<16xi32>, vector<16xi32>], vector<16xi32>,
        %parallel_loop3A_612 = vector.bitcast %parallel_loop3A_610 : vector<16xi32> to vector<32xbf16>
        %parallel_loop3A_613 = vector.bitcast %parallel_loop3A_611 : vector<16xi32> to vector<32xbf16>
        %parallel_loop3A_614 = arith.mulf %parallel_loop3A_612, %parallel_loop3A_613 : vector<32xbf16>
        %parallel_loop3A_615 = arith.addf %parallel_loop3A_603, %parallel_loop3A_614 : vector<32xbf16>
        %parallel_loop3A_616 = tpu.vector_load_idx %arg10[%parallel_loop3A_575, %rem3A_257] : memref<2000x8xi32, #tpu.memory_space<vmem>>[vector<16xi32>, vector<16xi32>], vector<16xi32>,
        %parallel_loop3A_617 = tpu.vector_load_idx %arg12[%parallel_loop3A_575, %rem3A_257] : memref<2000x8xi32, #tpu.memory_space<vmem>>[vector<16xi32>, vector<16xi32>], vector<16xi32>,
        %parallel_loop3A_618 = vector.bitcast %parallel_loop3A_616 : vector<16xi32> to vector<32xbf16>
        %parallel_loop3A_619 = vector.bitcast %parallel_loop3A_617 : vector<16xi32> to vector<32xbf16>
        %parallel_loop3A_620 = arith.mulf %parallel_loop3A_618, %parallel_loop3A_619 : vector<32xbf16>
        %parallel_loop3A_621 = arith.addf %parallel_loop3A_609, %parallel_loop3A_620 : vector<32xbf16>
        %parallel_loop3A_622 = tpu.vector_load_idx %arg10[%parallel_loop3A_575, %rem3A_294] : memref<2000x8xi32, #tpu.memory_space<vmem>>[vector<16xi32>, vector<16xi32>], vector<16xi32>,
        %parallel_loop3A_623 = tpu.vector_load_idx %arg12[%parallel_loop3A_575, %rem3A_294] : memref<2000x8xi32, #tpu.memory_space<vmem>>[vector<16xi32>, vector<16xi32>], vector<16xi32>,
        %parallel_loop3A_624 = vector.bitcast %parallel_loop3A_622 : vector<16xi32> to vector<32xbf16>
        %parallel_loop3A_625 = vector.bitcast %parallel_loop3A_623 : vector<16xi32> to vector<32xbf16>
        %parallel_loop3A_626 = arith.mulf %parallel_loop3A_624, %parallel_loop3A_625 : vector<32xbf16>
        %parallel_loop3A_627 = arith.addf %parallel_loop3A_615, %parallel_loop3A_626 : vector<32xbf16>
        %parallel_loop3A_628 = tpu.unpack_subelements %parallel_loop3A_621, 0 {pack_format = #tpu.pack_format<interleaved>} : vector<32xbf16> -> vector<16xf32>
        %parallel_loop3A_629 = tpu.unpack_subelements %parallel_loop3A_621, 1 {pack_format = #tpu.pack_format<interleaved>} : vector<32xbf16> -> vector<16xf32>
        %parallel_loop3A_630 = tpu.unpack_subelements %parallel_loop3A_627, 0 {pack_format = #tpu.pack_format<interleaved>} : vector<32xbf16> -> vector<16xf32>
        %parallel_loop3A_631 = tpu.unpack_subelements %parallel_loop3A_627, 1 {pack_format = #tpu.pack_format<interleaved>} : vector<32xbf16> -> vector<16xf32>
        %parallel_loop3A_632 = arith.addf %parallel_loop3A_628, %parallel_loop3A_629 : vector<16xf32>
        %parallel_loop3A_633 = arith.addf %parallel_loop3A_630, %parallel_loop3A_631 : vector<16xf32>
        %parallel_loop3A_634 = arith.addf %parallel_loop3A_632, %parallel_loop3A_633 : vector<16xf32>
        %parallel_loop3A_635 = arith.constant 0.000000e+00 : f32
        %parallel_loop3A_636 = vector.broadcast %parallel_loop3A_635 : f32 to vector<16xf32>
        %parallel_loop3A_637 = arith.subf %parallel_loop3A_636, %parallel_loop3A_634 : vector<16xf32>
        %parallel_loop3A_638 = math.exp %parallel_loop3A_637 : vector<16xf32>
        %parallel_loop3A_639 = arith.constant 1.000000e+00 : f32
        %parallel_loop3A_640 = vector.broadcast %parallel_loop3A_639 : f32 to vector<16xf32>
        %parallel_loop3A_641 = arith.addf %parallel_loop3A_640, %parallel_loop3A_638 : vector<16xf32>
        %parallel_loop3A_642 = arith.constant 1.000000e+00 : f32
        %parallel_loop3A_643 = vector.broadcast %parallel_loop3A_642 : f32 to vector<16xf32>
        %parallel_loop3A_644 = arith.divf %parallel_loop3A_643, %parallel_loop3A_641 : vector<16xf32>
        %parallel_loop3A_645 = arith.constant 16 : i32
        %parallel_loop3A_646 = arith.muli %parallel_loop3A_571, %parallel_loop3A_645 : i32
        %parallel_loop3A_647 = arith.index_cast %parallel_loop3A_646 : i32 to index
        %parallel_loop3A_648 = tpu.vector_load %arg14[%parallel_loop3A_647] {strides = array<i32>} : memref<2000xf32, #tpu.memory_space<vmem>>, vector<16xf32>,
        tpu.vector_store %arg14[%parallel_loop3A_647], %parallel_loop3A_644 {strides = array<i32>} : memref<2000xf32, #tpu.memory_space<vmem>>, vector<16xf32>,
      } {sc.loop_unroll_factor = 4 : i64, sc.parallel_access}
      %mul3A_514 = arith.constant 2000 : i32
      %mul3A_515 = arith.muli %add3A_486, %mul3A_514 : i32
      %add3A_516 = arith.addi %mul3A_6, %mul3A_515 : i32
      %dma_start3A_517 = tpu.memref_slice %arg5[%add3A_516] : memref<1600000xf32, #tpu.memory_space<hbm>> -> memref<2000xf32, #tpu.memory_space<hbm>>
      %dma_start3A_518 = tpu.memref_slice %arg5[%add3A_516] : memref<1600000xf32, #tpu.memory_space<hbm>> -> memref<2000xf32, #tpu.memory_space<hbm>>
      tpu.enqueue_dma source(%arg14 : memref<2000xf32, #tpu.memory_space<vmem>>) target(%dma_start3A_518 : memref<2000xf32, #tpu.memory_space<hbm>>) target_semaphore(%arg24 : memref<!tpu.dma_semaphore, #tpu.memory_space<semaphore_mem>>)
      %add3A_519 = arith.constant 2 : i32
      %add3A_520 = arith.addi %add3A_486, %add3A_519 : i32
      %mul3A_521 = arith.constant 2000 : i32
      %mul3A_522 = arith.muli %add3A_520, %mul3A_521 : i32
      %add3A_523 = arith.addi %mul3A_6, %mul3A_522 : i32
      %dma_start3A_524 = tpu.memref_slice %arg2[%add3A_523] : memref<1600000xi32, #tpu.memory_space<hbm>> -> memref<2000xi32, #tpu.memory_space<hbm>>
      %dma_start3A_525 = tpu.memref_slice %arg2[%add3A_523] : memref<1600000xi32, #tpu.memory_space<hbm>> -> memref<2000xi32, #tpu.memory_space<hbm>>
      tpu.enqueue_dma source(%dma_start3A_525 : memref<2000xi32, #tpu.memory_space<hbm>>) target(%arg6 : memref<2000xi32, #tpu.memory_space<vmem>>) target_semaphore(%arg16 : memref<!tpu.dma_semaphore, #tpu.memory_space<semaphore_mem>>)
      %dma_start3A_526 = tpu.memref_slice %arg3[%add3A_523] : memref<1600000xi32, #tpu.memory_space<hbm>> -> memref<2000xi32, #tpu.memory_space<hbm>>
      %dma_start3A_527 = tpu.memref_slice %arg3[%add3A_523] : memref<1600000xi32, #tpu.memory_space<hbm>> -> memref<2000xi32, #tpu.memory_space<hbm>>
      tpu.enqueue_dma source(%dma_start3A_527 : memref<2000xi32, #tpu.memory_space<hbm>>) target(%arg8 : memref<2000xi32, #tpu.memory_space<vmem>>) target_semaphore(%arg18 : memref<!tpu.dma_semaphore, #tpu.memory_space<semaphore_mem>>)
      %add3A_528 = arith.constant 1 : i32
      %add3A_529 = arith.addi %mul3A_484, %add3A_528 : i32
      %dma_wait3A_530 = arith.constant 0 : i32
      %dma_wait3A_531 = arith.constant 0 : i32
      %dma_wait3A_532 = tpu.memref_slice %arg26[%dma_wait3A_530, %dma_wait3A_531] : memref<50000x8xi32, #tpu.memory_space<vmem_shared>> -> memref<50000x8xi32, #tpu.memory_space<vmem_shared>>
      tpu.wait_indirect_dma semaphore(%arg21 : memref<!tpu.dma_semaphore, #tpu.memory_space<semaphore_mem>>) src(%dma_wait3A_532 : memref<50000x8xi32, #tpu.memory_space<vmem_shared>>) dst(%arg11 : memref<2000x8xi32, #tpu.memory_space<vmem>>)
      %dma_wait3A_533 = arith.constant 0 : i32
      %dma_wait3A_534 = arith.constant 0 : i32
      %dma_wait3A_535 = tpu.memref_slice %arg26[%dma_wait3A_533, %dma_wait3A_534] : memref<50000x8xi32, #tpu.memory_space<vmem_shared>> -> memref<50000x8xi32, #tpu.memory_space<vmem_shared>>
      tpu.wait_indirect_dma semaphore(%arg23 : memref<!tpu.dma_semaphore, #tpu.memory_space<semaphore_mem>>) src(%dma_wait3A_535 : memref<50000x8xi32, #tpu.memory_space<vmem_shared>>) dst(%arg13 : memref<2000x8xi32, #tpu.memory_space<vmem>>)
      %dma_wait3A_536 = arith.constant 0 : i32
      %dma_wait3A_537 = tpu.memref_slice %arg2[%dma_wait3A_536] : memref<1600000xi32, #tpu.memory_space<hbm>> -> memref<2000xi32, #tpu.memory_space<hbm>>
      %dma_wait3A_538 = arith.constant 0 : i32
      %dma_wait3A_539 = tpu.memref_slice %arg2[%dma_wait3A_538] : memref<1600000xi32, #tpu.memory_space<hbm>> -> memref<2000xi32, #tpu.memory_space<hbm>>
      tpu.wait_dma2 semaphore(%arg16 : memref<!tpu.dma_semaphore, #tpu.memory_space<semaphore_mem>>) src(%dma_wait3A_539 : memref<2000xi32, #tpu.memory_space<hbm>>) dst(%arg6 : memref<2000xi32, #tpu.memory_space<vmem>>)
      %dma_wait3A_540 = arith.constant 0 : i32
      %dma_wait3A_541 = tpu.memref_slice %arg3[%dma_wait3A_540] : memref<1600000xi32, #tpu.memory_space<hbm>> -> memref<2000xi32, #tpu.memory_space<hbm>>
      %dma_wait3A_542 = arith.constant 0 : i32
      %dma_wait3A_543 = tpu.memref_slice %arg3[%dma_wait3A_542] : memref<1600000xi32, #tpu.memory_space<hbm>> -> memref<2000xi32, #tpu.memory_space<hbm>>
      tpu.wait_dma2 semaphore(%arg18 : memref<!tpu.dma_semaphore, #tpu.memory_space<semaphore_mem>>) src(%dma_wait3A_543 : memref<2000xi32, #tpu.memory_space<hbm>>) dst(%arg8 : memref<2000xi32, #tpu.memory_space<vmem>>)
      %dma_start3A_544 = arith.constant 0 : i32
      %dma_start3A_545 = arith.constant 0 : i32
      %dma_start3A_546 = tpu.memref_slice %arg26[%dma_start3A_544, %dma_start3A_545] : memref<50000x8xi32, #tpu.memory_space<vmem_shared>> -> memref<50000x8xi32, #tpu.memory_space<vmem_shared>>
      tpu.enqueue_indirect_dma source(%dma_start3A_546 : memref<50000x8xi32, #tpu.memory_space<vmem_shared>>) target(%arg10 : memref<2000x8xi32, #tpu.memory_space<vmem>>) offsets(%arg6 : memref<2000xi32, #tpu.memory_space<vmem>>) semaphore(%arg20 : memref<!tpu.dma_semaphore, #tpu.memory_space<semaphore_mem>>)
      %dma_start3A_547 = arith.constant 0 : i32
      %dma_start3A_548 = arith.constant 0 : i32
      %dma_start3A_549 = tpu.memref_slice %arg26[%dma_start3A_547, %dma_start3A_548] : memref<50000x8xi32, #tpu.memory_space<vmem_shared>> -> memref<50000x8xi32, #tpu.memory_space<vmem_shared>>
      tpu.enqueue_indirect_dma source(%dma_start3A_549 : memref<50000x8xi32, #tpu.memory_space<vmem_shared>>) target(%arg12 : memref<2000x8xi32, #tpu.memory_space<vmem>>) offsets(%arg8 : memref<2000xi32, #tpu.memory_space<vmem>>) semaphore(%arg22 : memref<!tpu.dma_semaphore, #tpu.memory_space<semaphore_mem>>)
      %dma_wait3A_550 = arith.constant 0 : i32
      %dma_wait3A_551 = tpu.memref_slice %arg5[%dma_wait3A_550] : memref<1600000xf32, #tpu.memory_space<hbm>> -> memref<2000xf32, #tpu.memory_space<hbm>>
      %dma_wait3A_552 = arith.constant 0 : i32
      %dma_wait3A_553 = tpu.memref_slice %arg5[%dma_wait3A_552] : memref<1600000xf32, #tpu.memory_space<hbm>> -> memref<2000xf32, #tpu.memory_space<hbm>>
      tpu.wait_dma2 semaphore(%arg25 : memref<!tpu.dma_semaphore, #tpu.memory_space<semaphore_mem>>) src(%arg15 : memref<2000xf32, #tpu.memory_space<vmem>>) dst(%dma_wait3A_553 : memref<2000xf32, #tpu.memory_space<hbm>>)
      %parallel_loop3A_554 = arith.constant 0 : i32
      %parallel_loop3A_555 = arith.constant 125 : i32
      %parallel_loop3A_556 = arith.constant 1 : i32
      scf.for %parallel_loop3A_571 = %parallel_loop3A_554 to %parallel_loop3A_555 step %parallel_loop3A_556  : i32 {
        %parallel_loop3A_572 = arith.constant 16 : i32
        %parallel_loop3A_573 = arith.muli %parallel_loop3A_571, %parallel_loop3A_572 : i32
        %parallel_loop3A_574 = vector.broadcast %parallel_loop3A_573 : i32 to vector<16xi32>
        %parallel_loop3A_575 = arith.addi %parallel_loop3A_574, %iota3A : vector<16xi32>
        %parallel_loop3A_576 = arith.constant 0.000000e+00 : bf16
        %parallel_loop3A_577 = vector.broadcast %parallel_loop3A_576 : bf16 to vector<32xbf16>
        %parallel_loop3A_578 = arith.constant 0.000000e+00 : bf16
        %parallel_loop3A_579 = vector.broadcast %parallel_loop3A_578 : bf16 to vector<32xbf16>
        %parallel_loop3A_580 = tpu.vector_load_idx %arg11[%parallel_loop3A_575, %rem3A_35] : memref<2000x8xi32, #tpu.memory_space<vmem>>[vector<16xi32>, vector<16xi32>], vector<16xi32>,
        %parallel_loop3A_581 = tpu.vector_load_idx %arg13[%parallel_loop3A_575, %rem3A_35] : memref<2000x8xi32, #tpu.memory_space<vmem>>[vector<16xi32>, vector<16xi32>], vector<16xi32>,
        %parallel_loop3A_582 = vector.bitcast %parallel_loop3A_580 : vector<16xi32> to vector<32xbf16>
        %parallel_loop3A_583 = vector.bitcast %parallel_loop3A_581 : vector<16xi32> to vector<32xbf16>
        %parallel_loop3A_584 = arith.mulf %parallel_loop3A_582, %parallel_loop3A_583 : vector<32xbf16>
        %parallel_loop3A_585 = arith.addf %parallel_loop3A_577, %parallel_loop3A_584 : vector<32xbf16>
        %parallel_loop3A_586 = tpu.vector_load_idx %arg11[%parallel_loop3A_575, %rem3A_72] : memref<2000x8xi32, #tpu.memory_space<vmem>>[vector<16xi32>, vector<16xi32>], vector<16xi32>,
        %parallel_loop3A_587 = tpu.vector_load_idx %arg13[%parallel_loop3A_575, %rem3A_72] : memref<2000x8xi32, #tpu.memory_space<vmem>>[vector<16xi32>, vector<16xi32>], vector<16xi32>,
        %parallel_loop3A_588 = vector.bitcast %parallel_loop3A_586 : vector<16xi32> to vector<32xbf16>
        %parallel_loop3A_589 = vector.bitcast %parallel_loop3A_587 : vector<16xi32> to vector<32xbf16>
        %parallel_loop3A_590 = arith.mulf %parallel_loop3A_588, %parallel_loop3A_589 : vector<32xbf16>
        %parallel_loop3A_591 = arith.addf %parallel_loop3A_579, %parallel_loop3A_590 : vector<32xbf16>
        %parallel_loop3A_592 = tpu.vector_load_idx %arg11[%parallel_loop3A_575, %rem3A_109] : memref<2000x8xi32, #tpu.memory_space<vmem>>[vector<16xi32>, vector<16xi32>], vector<16xi32>,
        %parallel_loop3A_593 = tpu.vector_load_idx %arg13[%parallel_loop3A_575, %rem3A_109] : memref<2000x8xi32, #tpu.memory_space<vmem>>[vector<16xi32>, vector<16xi32>], vector<16xi32>,
        %parallel_loop3A_594 = vector.bitcast %parallel_loop3A_592 : vector<16xi32> to vector<32xbf16>
        %parallel_loop3A_595 = vector.bitcast %parallel_loop3A_593 : vector<16xi32> to vector<32xbf16>
        %parallel_loop3A_596 = arith.mulf %parallel_loop3A_594, %parallel_loop3A_595 : vector<32xbf16>
        %parallel_loop3A_597 = arith.addf %parallel_loop3A_585, %parallel_loop3A_596 : vector<32xbf16>
        %parallel_loop3A_598 = tpu.vector_load_idx %arg11[%parallel_loop3A_575, %rem3A_146] : memref<2000x8xi32, #tpu.memory_space<vmem>>[vector<16xi32>, vector<16xi32>], vector<16xi32>,
        %parallel_loop3A_599 = tpu.vector_load_idx %arg13[%parallel_loop3A_575, %rem3A_146] : memref<2000x8xi32, #tpu.memory_space<vmem>>[vector<16xi32>, vector<16xi32>], vector<16xi32>,
        %parallel_loop3A_600 = vector.bitcast %parallel_loop3A_598 : vector<16xi32> to vector<32xbf16>
        %parallel_loop3A_601 = vector.bitcast %parallel_loop3A_599 : vector<16xi32> to vector<32xbf16>
        %parallel_loop3A_602 = arith.mulf %parallel_loop3A_600, %parallel_loop3A_601 : vector<32xbf16>
        %parallel_loop3A_603 = arith.addf %parallel_loop3A_591, %parallel_loop3A_602 : vector<32xbf16>
        %parallel_loop3A_604 = tpu.vector_load_idx %arg11[%parallel_loop3A_575, %rem3A_183] : memref<2000x8xi32, #tpu.memory_space<vmem>>[vector<16xi32>, vector<16xi32>], vector<16xi32>,
        %parallel_loop3A_605 = tpu.vector_load_idx %arg13[%parallel_loop3A_575, %rem3A_183] : memref<2000x8xi32, #tpu.memory_space<vmem>>[vector<16xi32>, vector<16xi32>], vector<16xi32>,
        %parallel_loop3A_606 = vector.bitcast %parallel_loop3A_604 : vector<16xi32> to vector<32xbf16>
        %parallel_loop3A_607 = vector.bitcast %parallel_loop3A_605 : vector<16xi32> to vector<32xbf16>
        %parallel_loop3A_608 = arith.mulf %parallel_loop3A_606, %parallel_loop3A_607 : vector<32xbf16>
        %parallel_loop3A_609 = arith.addf %parallel_loop3A_597, %parallel_loop3A_608 : vector<32xbf16>
        %parallel_loop3A_610 = tpu.vector_load_idx %arg11[%parallel_loop3A_575, %rem3A_220] : memref<2000x8xi32, #tpu.memory_space<vmem>>[vector<16xi32>, vector<16xi32>], vector<16xi32>,
        %parallel_loop3A_611 = tpu.vector_load_idx %arg13[%parallel_loop3A_575, %rem3A_220] : memref<2000x8xi32, #tpu.memory_space<vmem>>[vector<16xi32>, vector<16xi32>], vector<16xi32>,
        %parallel_loop3A_612 = vector.bitcast %parallel_loop3A_610 : vector<16xi32> to vector<32xbf16>
        %parallel_loop3A_613 = vector.bitcast %parallel_loop3A_611 : vector<16xi32> to vector<32xbf16>
        %parallel_loop3A_614 = arith.mulf %parallel_loop3A_612, %parallel_loop3A_613 : vector<32xbf16>
        %parallel_loop3A_615 = arith.addf %parallel_loop3A_603, %parallel_loop3A_614 : vector<32xbf16>
        %parallel_loop3A_616 = tpu.vector_load_idx %arg11[%parallel_loop3A_575, %rem3A_257] : memref<2000x8xi32, #tpu.memory_space<vmem>>[vector<16xi32>, vector<16xi32>], vector<16xi32>,
        %parallel_loop3A_617 = tpu.vector_load_idx %arg13[%parallel_loop3A_575, %rem3A_257] : memref<2000x8xi32, #tpu.memory_space<vmem>>[vector<16xi32>, vector<16xi32>], vector<16xi32>,
        %parallel_loop3A_618 = vector.bitcast %parallel_loop3A_616 : vector<16xi32> to vector<32xbf16>
        %parallel_loop3A_619 = vector.bitcast %parallel_loop3A_617 : vector<16xi32> to vector<32xbf16>
        %parallel_loop3A_620 = arith.mulf %parallel_loop3A_618, %parallel_loop3A_619 : vector<32xbf16>
        %parallel_loop3A_621 = arith.addf %parallel_loop3A_609, %parallel_loop3A_620 : vector<32xbf16>
        %parallel_loop3A_622 = tpu.vector_load_idx %arg11[%parallel_loop3A_575, %rem3A_294] : memref<2000x8xi32, #tpu.memory_space<vmem>>[vector<16xi32>, vector<16xi32>], vector<16xi32>,
        %parallel_loop3A_623 = tpu.vector_load_idx %arg13[%parallel_loop3A_575, %rem3A_294] : memref<2000x8xi32, #tpu.memory_space<vmem>>[vector<16xi32>, vector<16xi32>], vector<16xi32>,
        %parallel_loop3A_624 = vector.bitcast %parallel_loop3A_622 : vector<16xi32> to vector<32xbf16>
        %parallel_loop3A_625 = vector.bitcast %parallel_loop3A_623 : vector<16xi32> to vector<32xbf16>
        %parallel_loop3A_626 = arith.mulf %parallel_loop3A_624, %parallel_loop3A_625 : vector<32xbf16>
        %parallel_loop3A_627 = arith.addf %parallel_loop3A_615, %parallel_loop3A_626 : vector<32xbf16>
        %parallel_loop3A_628 = tpu.unpack_subelements %parallel_loop3A_621, 0 {pack_format = #tpu.pack_format<interleaved>} : vector<32xbf16> -> vector<16xf32>
        %parallel_loop3A_629 = tpu.unpack_subelements %parallel_loop3A_621, 1 {pack_format = #tpu.pack_format<interleaved>} : vector<32xbf16> -> vector<16xf32>
        %parallel_loop3A_630 = tpu.unpack_subelements %parallel_loop3A_627, 0 {pack_format = #tpu.pack_format<interleaved>} : vector<32xbf16> -> vector<16xf32>
        %parallel_loop3A_631 = tpu.unpack_subelements %parallel_loop3A_627, 1 {pack_format = #tpu.pack_format<interleaved>} : vector<32xbf16> -> vector<16xf32>
        %parallel_loop3A_632 = arith.addf %parallel_loop3A_628, %parallel_loop3A_629 : vector<16xf32>
        %parallel_loop3A_633 = arith.addf %parallel_loop3A_630, %parallel_loop3A_631 : vector<16xf32>
        %parallel_loop3A_634 = arith.addf %parallel_loop3A_632, %parallel_loop3A_633 : vector<16xf32>
        %parallel_loop3A_635 = arith.constant 0.000000e+00 : f32
        %parallel_loop3A_636 = vector.broadcast %parallel_loop3A_635 : f32 to vector<16xf32>
        %parallel_loop3A_637 = arith.subf %parallel_loop3A_636, %parallel_loop3A_634 : vector<16xf32>
        %parallel_loop3A_638 = math.exp %parallel_loop3A_637 : vector<16xf32>
        %parallel_loop3A_639 = arith.constant 1.000000e+00 : f32
        %parallel_loop3A_640 = vector.broadcast %parallel_loop3A_639 : f32 to vector<16xf32>
        %parallel_loop3A_641 = arith.addf %parallel_loop3A_640, %parallel_loop3A_638 : vector<16xf32>
        %parallel_loop3A_642 = arith.constant 1.000000e+00 : f32
        %parallel_loop3A_643 = vector.broadcast %parallel_loop3A_642 : f32 to vector<16xf32>
        %parallel_loop3A_644 = arith.divf %parallel_loop3A_643, %parallel_loop3A_641 : vector<16xf32>
        %parallel_loop3A_645 = arith.constant 16 : i32
        %parallel_loop3A_646 = arith.muli %parallel_loop3A_571, %parallel_loop3A_645 : i32
        %parallel_loop3A_647 = arith.index_cast %parallel_loop3A_646 : i32 to index
        %parallel_loop3A_648 = tpu.vector_load %arg15[%parallel_loop3A_647] {strides = array<i32>} : memref<2000xf32, #tpu.memory_space<vmem>>, vector<16xf32>,
        tpu.vector_store %arg15[%parallel_loop3A_647], %parallel_loop3A_644 {strides = array<i32>} : memref<2000xf32, #tpu.memory_space<vmem>>, vector<16xf32>,
      } {sc.loop_unroll_factor = 4 : i64, sc.parallel_access}
      %mul3A_557 = arith.constant 2000 : i32
      %mul3A_558 = arith.muli %add3A_529, %mul3A_557 : i32
      %add3A_559 = arith.addi %mul3A_6, %mul3A_558 : i32
      %dma_start3A_560 = tpu.memref_slice %arg5[%add3A_559] : memref<1600000xf32, #tpu.memory_space<hbm>> -> memref<2000xf32, #tpu.memory_space<hbm>>
      %dma_start3A_561 = tpu.memref_slice %arg5[%add3A_559] : memref<1600000xf32, #tpu.memory_space<hbm>> -> memref<2000xf32, #tpu.memory_space<hbm>>
      tpu.enqueue_dma source(%arg15 : memref<2000xf32, #tpu.memory_space<vmem>>) target(%dma_start3A_561 : memref<2000xf32, #tpu.memory_space<hbm>>) target_semaphore(%arg25 : memref<!tpu.dma_semaphore, #tpu.memory_space<semaphore_mem>>)
      %add3A_562 = arith.constant 2 : i32
      %add3A_563 = arith.addi %add3A_529, %add3A_562 : i32
      %mul3A_564 = arith.constant 2000 : i32
      %mul3A_565 = arith.muli %add3A_563, %mul3A_564 : i32
      %add3A_566 = arith.addi %mul3A_6, %mul3A_565 : i32
      %dma_start3A_567 = tpu.memref_slice %arg2[%add3A_566] : memref<1600000xi32, #tpu.memory_space<hbm>> -> memref<2000xi32, #tpu.memory_space<hbm>>
      %dma_start3A_568 = tpu.memref_slice %arg2[%add3A_566] : memref<1600000xi32, #tpu.memory_space<hbm>> -> memref<2000xi32, #tpu.memory_space<hbm>>
      tpu.enqueue_dma source(%dma_start3A_568 : memref<2000xi32, #tpu.memory_space<hbm>>) target(%arg7 : memref<2000xi32, #tpu.memory_space<vmem>>) target_semaphore(%arg17 : memref<!tpu.dma_semaphore, #tpu.memory_space<semaphore_mem>>)
      %dma_start3A_569 = tpu.memref_slice %arg3[%add3A_566] : memref<1600000xi32, #tpu.memory_space<hbm>> -> memref<2000xi32, #tpu.memory_space<hbm>>
      %dma_start3A_570 = tpu.memref_slice %arg3[%add3A_566] : memref<1600000xi32, #tpu.memory_space<hbm>> -> memref<2000xi32, #tpu.memory_space<hbm>>
      tpu.enqueue_dma source(%dma_start3A_570 : memref<2000xi32, #tpu.memory_space<hbm>>) target(%arg9 : memref<2000xi32, #tpu.memory_space<vmem>>) target_semaphore(%arg19 : memref<!tpu.dma_semaphore, #tpu.memory_space<semaphore_mem>>)
    }
    %scan3A_388 = arith.constant 10 : i32
    %dma_wait3A_389 = arith.constant 0 : i32
    %dma_wait3A_390 = arith.constant 0 : i32
    %dma_wait3A_391 = tpu.memref_slice %arg26[%dma_wait3A_389, %dma_wait3A_390] : memref<50000x8xi32, #tpu.memory_space<vmem_shared>> -> memref<50000x8xi32, #tpu.memory_space<vmem_shared>>
    tpu.wait_indirect_dma semaphore(%arg20 : memref<!tpu.dma_semaphore, #tpu.memory_space<semaphore_mem>>) src(%dma_wait3A_391 : memref<50000x8xi32, #tpu.memory_space<vmem_shared>>) dst(%arg10 : memref<2000x8xi32, #tpu.memory_space<vmem>>)
    %dma_wait3A_392 = arith.constant 0 : i32
    %dma_wait3A_393 = arith.constant 0 : i32
    %dma_wait3A_394 = tpu.memref_slice %arg26[%dma_wait3A_392, %dma_wait3A_393] : memref<50000x8xi32, #tpu.memory_space<vmem_shared>> -> memref<50000x8xi32, #tpu.memory_space<vmem_shared>>
    tpu.wait_indirect_dma semaphore(%arg22 : memref<!tpu.dma_semaphore, #tpu.memory_space<semaphore_mem>>) src(%dma_wait3A_394 : memref<50000x8xi32, #tpu.memory_space<vmem_shared>>) dst(%arg12 : memref<2000x8xi32, #tpu.memory_space<vmem>>)
    %dma_wait3A_395 = arith.constant 0 : i32
    %dma_wait3A_396 = tpu.memref_slice %arg2[%dma_wait3A_395] : memref<1600000xi32, #tpu.memory_space<hbm>> -> memref<2000xi32, #tpu.memory_space<hbm>>
    %dma_wait3A_397 = arith.constant 0 : i32
    %dma_wait3A_398 = tpu.memref_slice %arg2[%dma_wait3A_397] : memref<1600000xi32, #tpu.memory_space<hbm>> -> memref<2000xi32, #tpu.memory_space<hbm>>
    tpu.wait_dma2 semaphore(%arg17 : memref<!tpu.dma_semaphore, #tpu.memory_space<semaphore_mem>>) src(%dma_wait3A_398 : memref<2000xi32, #tpu.memory_space<hbm>>) dst(%arg7 : memref<2000xi32, #tpu.memory_space<vmem>>)
    %dma_wait3A_399 = arith.constant 0 : i32
    %dma_wait3A_400 = tpu.memref_slice %arg3[%dma_wait3A_399] : memref<1600000xi32, #tpu.memory_space<hbm>> -> memref<2000xi32, #tpu.memory_space<hbm>>
    %dma_wait3A_401 = arith.constant 0 : i32
    %dma_wait3A_402 = tpu.memref_slice %arg3[%dma_wait3A_401] : memref<1600000xi32, #tpu.memory_space<hbm>> -> memref<2000xi32, #tpu.memory_space<hbm>>
    tpu.wait_dma2 semaphore(%arg19 : memref<!tpu.dma_semaphore, #tpu.memory_space<semaphore_mem>>) src(%dma_wait3A_402 : memref<2000xi32, #tpu.memory_space<hbm>>) dst(%arg9 : memref<2000xi32, #tpu.memory_space<vmem>>)
    %dma_start3A_403 = arith.constant 0 : i32
    %dma_start3A_404 = arith.constant 0 : i32
    %dma_start3A_405 = tpu.memref_slice %arg26[%dma_start3A_403, %dma_start3A_404] : memref<50000x8xi32, #tpu.memory_space<vmem_shared>> -> memref<50000x8xi32, #tpu.memory_space<vmem_shared>>
    tpu.enqueue_indirect_dma source(%dma_start3A_405 : memref<50000x8xi32, #tpu.memory_space<vmem_shared>>) target(%arg11 : memref<2000x8xi32, #tpu.memory_space<vmem>>) offsets(%arg7 : memref<2000xi32, #tpu.memory_space<vmem>>) semaphore(%arg21 : memref<!tpu.dma_semaphore, #tpu.memory_space<semaphore_mem>>)
    %dma_start3A_406 = arith.constant 0 : i32
    %dma_start3A_407 = arith.constant 0 : i32
    %dma_start3A_408 = tpu.memref_slice %arg26[%dma_start3A_406, %dma_start3A_407] : memref<50000x8xi32, #tpu.memory_space<vmem_shared>> -> memref<50000x8xi32, #tpu.memory_space<vmem_shared>>
    tpu.enqueue_indirect_dma source(%dma_start3A_408 : memref<50000x8xi32, #tpu.memory_space<vmem_shared>>) target(%arg13 : memref<2000x8xi32, #tpu.memory_space<vmem>>) offsets(%arg9 : memref<2000xi32, #tpu.memory_space<vmem>>) semaphore(%arg23 : memref<!tpu.dma_semaphore, #tpu.memory_space<semaphore_mem>>)
    %dma_wait3A_409 = arith.constant 0 : i32
    %dma_wait3A_410 = tpu.memref_slice %arg5[%dma_wait3A_409] : memref<1600000xf32, #tpu.memory_space<hbm>> -> memref<2000xf32, #tpu.memory_space<hbm>>
    %dma_wait3A_411 = arith.constant 0 : i32
    %dma_wait3A_412 = tpu.memref_slice %arg5[%dma_wait3A_411] : memref<1600000xf32, #tpu.memory_space<hbm>> -> memref<2000xf32, #tpu.memory_space<hbm>>
    tpu.wait_dma2 semaphore(%arg24 : memref<!tpu.dma_semaphore, #tpu.memory_space<semaphore_mem>>) src(%arg14 : memref<2000xf32, #tpu.memory_space<vmem>>) dst(%dma_wait3A_412 : memref<2000xf32, #tpu.memory_space<hbm>>)
    %parallel_loop3A_413 = arith.constant 0 : i32
    %parallel_loop3A_414 = arith.constant 125 : i32
    %parallel_loop3A_415 = arith.constant 1 : i32
    scf.for %parallel_loop3A_482 = %parallel_loop3A_413 to %parallel_loop3A_414 step %parallel_loop3A_415  : i32 {
      %parallel_loop3A_483 = arith.constant 16 : i32
      %parallel_loop3A_484 = arith.muli %parallel_loop3A_482, %parallel_loop3A_483 : i32
      %parallel_loop3A_485 = vector.broadcast %parallel_loop3A_484 : i32 to vector<16xi32>
      %parallel_loop3A_486 = arith.addi %parallel_loop3A_485, %iota3A : vector<16xi32>
      %parallel_loop3A_487 = arith.constant 0.000000e+00 : bf16
      %parallel_loop3A_488 = vector.broadcast %parallel_loop3A_487 : bf16 to vector<32xbf16>
      %parallel_loop3A_489 = arith.constant 0.000000e+00 : bf16
      %parallel_loop3A_490 = vector.broadcast %parallel_loop3A_489 : bf16 to vector<32xbf16>
      %parallel_loop3A_491 = tpu.vector_load_idx %arg10[%parallel_loop3A_486, %rem3A_35] : memref<2000x8xi32, #tpu.memory_space<vmem>>[vector<16xi32>, vector<16xi32>], vector<16xi32>,
      %parallel_loop3A_492 = tpu.vector_load_idx %arg12[%parallel_loop3A_486, %rem3A_35] : memref<2000x8xi32, #tpu.memory_space<vmem>>[vector<16xi32>, vector<16xi32>], vector<16xi32>,
      %parallel_loop3A_493 = vector.bitcast %parallel_loop3A_491 : vector<16xi32> to vector<32xbf16>
      %parallel_loop3A_494 = vector.bitcast %parallel_loop3A_492 : vector<16xi32> to vector<32xbf16>
      %parallel_loop3A_495 = arith.mulf %parallel_loop3A_493, %parallel_loop3A_494 : vector<32xbf16>
      %parallel_loop3A_496 = arith.addf %parallel_loop3A_488, %parallel_loop3A_495 : vector<32xbf16>
      %parallel_loop3A_497 = tpu.vector_load_idx %arg10[%parallel_loop3A_486, %rem3A_72] : memref<2000x8xi32, #tpu.memory_space<vmem>>[vector<16xi32>, vector<16xi32>], vector<16xi32>,
      %parallel_loop3A_498 = tpu.vector_load_idx %arg12[%parallel_loop3A_486, %rem3A_72] : memref<2000x8xi32, #tpu.memory_space<vmem>>[vector<16xi32>, vector<16xi32>], vector<16xi32>,
      %parallel_loop3A_499 = vector.bitcast %parallel_loop3A_497 : vector<16xi32> to vector<32xbf16>
      %parallel_loop3A_500 = vector.bitcast %parallel_loop3A_498 : vector<16xi32> to vector<32xbf16>
      %parallel_loop3A_501 = arith.mulf %parallel_loop3A_499, %parallel_loop3A_500 : vector<32xbf16>
      %parallel_loop3A_502 = arith.addf %parallel_loop3A_490, %parallel_loop3A_501 : vector<32xbf16>
      %parallel_loop3A_503 = tpu.vector_load_idx %arg10[%parallel_loop3A_486, %rem3A_109] : memref<2000x8xi32, #tpu.memory_space<vmem>>[vector<16xi32>, vector<16xi32>], vector<16xi32>,
      %parallel_loop3A_504 = tpu.vector_load_idx %arg12[%parallel_loop3A_486, %rem3A_109] : memref<2000x8xi32, #tpu.memory_space<vmem>>[vector<16xi32>, vector<16xi32>], vector<16xi32>,
      %parallel_loop3A_505 = vector.bitcast %parallel_loop3A_503 : vector<16xi32> to vector<32xbf16>
      %parallel_loop3A_506 = vector.bitcast %parallel_loop3A_504 : vector<16xi32> to vector<32xbf16>
      %parallel_loop3A_507 = arith.mulf %parallel_loop3A_505, %parallel_loop3A_506 : vector<32xbf16>
      %parallel_loop3A_508 = arith.addf %parallel_loop3A_496, %parallel_loop3A_507 : vector<32xbf16>
      %parallel_loop3A_509 = tpu.vector_load_idx %arg10[%parallel_loop3A_486, %rem3A_146] : memref<2000x8xi32, #tpu.memory_space<vmem>>[vector<16xi32>, vector<16xi32>], vector<16xi32>,
      %parallel_loop3A_510 = tpu.vector_load_idx %arg12[%parallel_loop3A_486, %rem3A_146] : memref<2000x8xi32, #tpu.memory_space<vmem>>[vector<16xi32>, vector<16xi32>], vector<16xi32>,
      %parallel_loop3A_511 = vector.bitcast %parallel_loop3A_509 : vector<16xi32> to vector<32xbf16>
      %parallel_loop3A_512 = vector.bitcast %parallel_loop3A_510 : vector<16xi32> to vector<32xbf16>
      %parallel_loop3A_513 = arith.mulf %parallel_loop3A_511, %parallel_loop3A_512 : vector<32xbf16>
      %parallel_loop3A_514 = arith.addf %parallel_loop3A_502, %parallel_loop3A_513 : vector<32xbf16>
      %parallel_loop3A_515 = tpu.vector_load_idx %arg10[%parallel_loop3A_486, %rem3A_183] : memref<2000x8xi32, #tpu.memory_space<vmem>>[vector<16xi32>, vector<16xi32>], vector<16xi32>,
      %parallel_loop3A_516 = tpu.vector_load_idx %arg12[%parallel_loop3A_486, %rem3A_183] : memref<2000x8xi32, #tpu.memory_space<vmem>>[vector<16xi32>, vector<16xi32>], vector<16xi32>,
      %parallel_loop3A_517 = vector.bitcast %parallel_loop3A_515 : vector<16xi32> to vector<32xbf16>
      %parallel_loop3A_518 = vector.bitcast %parallel_loop3A_516 : vector<16xi32> to vector<32xbf16>
      %parallel_loop3A_519 = arith.mulf %parallel_loop3A_517, %parallel_loop3A_518 : vector<32xbf16>
      %parallel_loop3A_520 = arith.addf %parallel_loop3A_508, %parallel_loop3A_519 : vector<32xbf16>
      %parallel_loop3A_521 = tpu.vector_load_idx %arg10[%parallel_loop3A_486, %rem3A_220] : memref<2000x8xi32, #tpu.memory_space<vmem>>[vector<16xi32>, vector<16xi32>], vector<16xi32>,
      %parallel_loop3A_522 = tpu.vector_load_idx %arg12[%parallel_loop3A_486, %rem3A_220] : memref<2000x8xi32, #tpu.memory_space<vmem>>[vector<16xi32>, vector<16xi32>], vector<16xi32>,
      %parallel_loop3A_523 = vector.bitcast %parallel_loop3A_521 : vector<16xi32> to vector<32xbf16>
      %parallel_loop3A_524 = vector.bitcast %parallel_loop3A_522 : vector<16xi32> to vector<32xbf16>
      %parallel_loop3A_525 = arith.mulf %parallel_loop3A_523, %parallel_loop3A_524 : vector<32xbf16>
      %parallel_loop3A_526 = arith.addf %parallel_loop3A_514, %parallel_loop3A_525 : vector<32xbf16>
      %parallel_loop3A_527 = tpu.vector_load_idx %arg10[%parallel_loop3A_486, %rem3A_257] : memref<2000x8xi32, #tpu.memory_space<vmem>>[vector<16xi32>, vector<16xi32>], vector<16xi32>,
      %parallel_loop3A_528 = tpu.vector_load_idx %arg12[%parallel_loop3A_486, %rem3A_257] : memref<2000x8xi32, #tpu.memory_space<vmem>>[vector<16xi32>, vector<16xi32>], vector<16xi32>,
      %parallel_loop3A_529 = vector.bitcast %parallel_loop3A_527 : vector<16xi32> to vector<32xbf16>
      %parallel_loop3A_530 = vector.bitcast %parallel_loop3A_528 : vector<16xi32> to vector<32xbf16>
      %parallel_loop3A_531 = arith.mulf %parallel_loop3A_529, %parallel_loop3A_530 : vector<32xbf16>
      %parallel_loop3A_532 = arith.addf %parallel_loop3A_520, %parallel_loop3A_531 : vector<32xbf16>
      %parallel_loop3A_533 = tpu.vector_load_idx %arg10[%parallel_loop3A_486, %rem3A_294] : memref<2000x8xi32, #tpu.memory_space<vmem>>[vector<16xi32>, vector<16xi32>], vector<16xi32>,
      %parallel_loop3A_534 = tpu.vector_load_idx %arg12[%parallel_loop3A_486, %rem3A_294] : memref<2000x8xi32, #tpu.memory_space<vmem>>[vector<16xi32>, vector<16xi32>], vector<16xi32>,
      %parallel_loop3A_535 = vector.bitcast %parallel_loop3A_533 : vector<16xi32> to vector<32xbf16>
      %parallel_loop3A_536 = vector.bitcast %parallel_loop3A_534 : vector<16xi32> to vector<32xbf16>
      %parallel_loop3A_537 = arith.mulf %parallel_loop3A_535, %parallel_loop3A_536 : vector<32xbf16>
      %parallel_loop3A_538 = arith.addf %parallel_loop3A_526, %parallel_loop3A_537 : vector<32xbf16>
      %parallel_loop3A_539 = tpu.unpack_subelements %parallel_loop3A_532, 0 {pack_format = #tpu.pack_format<interleaved>} : vector<32xbf16> -> vector<16xf32>
      %parallel_loop3A_540 = tpu.unpack_subelements %parallel_loop3A_532, 1 {pack_format = #tpu.pack_format<interleaved>} : vector<32xbf16> -> vector<16xf32>
      %parallel_loop3A_541 = tpu.unpack_subelements %parallel_loop3A_538, 0 {pack_format = #tpu.pack_format<interleaved>} : vector<32xbf16> -> vector<16xf32>
      %parallel_loop3A_542 = tpu.unpack_subelements %parallel_loop3A_538, 1 {pack_format = #tpu.pack_format<interleaved>} : vector<32xbf16> -> vector<16xf32>
      %parallel_loop3A_543 = arith.addf %parallel_loop3A_539, %parallel_loop3A_540 : vector<16xf32>
      %parallel_loop3A_544 = arith.addf %parallel_loop3A_541, %parallel_loop3A_542 : vector<16xf32>
      %parallel_loop3A_545 = arith.addf %parallel_loop3A_543, %parallel_loop3A_544 : vector<16xf32>
      %parallel_loop3A_546 = arith.constant 0.000000e+00 : f32
      %parallel_loop3A_547 = vector.broadcast %parallel_loop3A_546 : f32 to vector<16xf32>
      %parallel_loop3A_548 = arith.subf %parallel_loop3A_547, %parallel_loop3A_545 : vector<16xf32>
      %parallel_loop3A_549 = math.exp %parallel_loop3A_548 : vector<16xf32>
      %parallel_loop3A_550 = arith.constant 1.000000e+00 : f32
      %parallel_loop3A_551 = vector.broadcast %parallel_loop3A_550 : f32 to vector<16xf32>
      %parallel_loop3A_552 = arith.addf %parallel_loop3A_551, %parallel_loop3A_549 : vector<16xf32>
      %parallel_loop3A_553 = arith.constant 1.000000e+00 : f32
      %parallel_loop3A_554 = vector.broadcast %parallel_loop3A_553 : f32 to vector<16xf32>
      %parallel_loop3A_555 = arith.divf %parallel_loop3A_554, %parallel_loop3A_552 : vector<16xf32>
      %parallel_loop3A_556 = arith.constant 16 : i32
      %parallel_loop3A_557 = arith.muli %parallel_loop3A_482, %parallel_loop3A_556 : i32
      %parallel_loop3A_558 = arith.index_cast %parallel_loop3A_557 : i32 to index
      %parallel_loop3A_559 = tpu.vector_load %arg14[%parallel_loop3A_558] {strides = array<i32>} : memref<2000xf32, #tpu.memory_space<vmem>>, vector<16xf32>,
      tpu.vector_store %arg14[%parallel_loop3A_558], %parallel_loop3A_555 {strides = array<i32>} : memref<2000xf32, #tpu.memory_space<vmem>>, vector<16xf32>,
    } {sc.loop_unroll_factor = 4 : i64, sc.parallel_access}
    %add3A_416 = arith.constant 44000 : i32
    %add3A_417 = arith.addi %mul3A_6, %add3A_416 : i32
    %dma_start3A_418 = tpu.memref_slice %arg5[%add3A_417] : memref<1600000xf32, #tpu.memory_space<hbm>> -> memref<2000xf32, #tpu.memory_space<hbm>>
    %dma_start3A_419 = tpu.memref_slice %arg5[%add3A_417] : memref<1600000xf32, #tpu.memory_space<hbm>> -> memref<2000xf32, #tpu.memory_space<hbm>>
    tpu.enqueue_dma source(%arg14 : memref<2000xf32, #tpu.memory_space<vmem>>) target(%dma_start3A_419 : memref<2000xf32, #tpu.memory_space<hbm>>) target_semaphore(%arg24 : memref<!tpu.dma_semaphore, #tpu.memory_space<semaphore_mem>>)
    %add3A_420 = arith.constant 48000 : i32
    %add3A_421 = arith.addi %mul3A_6, %add3A_420 : i32
    %dma_start3A_422 = tpu.memref_slice %arg2[%add3A_421] : memref<1600000xi32, #tpu.memory_space<hbm>> -> memref<2000xi32, #tpu.memory_space<hbm>>
    %dma_start3A_423 = tpu.memref_slice %arg2[%add3A_421] : memref<1600000xi32, #tpu.memory_space<hbm>> -> memref<2000xi32, #tpu.memory_space<hbm>>
    tpu.enqueue_dma source(%dma_start3A_423 : memref<2000xi32, #tpu.memory_space<hbm>>) target(%arg6 : memref<2000xi32, #tpu.memory_space<vmem>>) target_semaphore(%arg16 : memref<!tpu.dma_semaphore, #tpu.memory_space<semaphore_mem>>)
    %dma_start3A_424 = tpu.memref_slice %arg3[%add3A_421] : memref<1600000xi32, #tpu.memory_space<hbm>> -> memref<2000xi32, #tpu.memory_space<hbm>>
    %dma_start3A_425 = tpu.memref_slice %arg3[%add3A_421] : memref<1600000xi32, #tpu.memory_space<hbm>> -> memref<2000xi32, #tpu.memory_space<hbm>>
    tpu.enqueue_dma source(%dma_start3A_425 : memref<2000xi32, #tpu.memory_space<hbm>>) target(%arg8 : memref<2000xi32, #tpu.memory_space<vmem>>) target_semaphore(%arg18 : memref<!tpu.dma_semaphore, #tpu.memory_space<semaphore_mem>>)
    %dma_wait3A_426 = arith.constant 0 : i32
    %dma_wait3A_427 = arith.constant 0 : i32
    %dma_wait3A_428 = tpu.memref_slice %arg26[%dma_wait3A_426, %dma_wait3A_427] : memref<50000x8xi32, #tpu.memory_space<vmem_shared>> -> memref<50000x8xi32, #tpu.memory_space<vmem_shared>>
    tpu.wait_indirect_dma semaphore(%arg21 : memref<!tpu.dma_semaphore, #tpu.memory_space<semaphore_mem>>) src(%dma_wait3A_428 : memref<50000x8xi32, #tpu.memory_space<vmem_shared>>) dst(%arg11 : memref<2000x8xi32, #tpu.memory_space<vmem>>)
    %dma_wait3A_429 = arith.constant 0 : i32
    %dma_wait3A_430 = arith.constant 0 : i32
    %dma_wait3A_431 = tpu.memref_slice %arg26[%dma_wait3A_429, %dma_wait3A_430] : memref<50000x8xi32, #tpu.memory_space<vmem_shared>> -> memref<50000x8xi32, #tpu.memory_space<vmem_shared>>
    tpu.wait_indirect_dma semaphore(%arg23 : memref<!tpu.dma_semaphore, #tpu.memory_space<semaphore_mem>>) src(%dma_wait3A_431 : memref<50000x8xi32, #tpu.memory_space<vmem_shared>>) dst(%arg13 : memref<2000x8xi32, #tpu.memory_space<vmem>>)
    %dma_wait3A_432 = arith.constant 0 : i32
    %dma_wait3A_433 = tpu.memref_slice %arg2[%dma_wait3A_432] : memref<1600000xi32, #tpu.memory_space<hbm>> -> memref<2000xi32, #tpu.memory_space<hbm>>
    %dma_wait3A_434 = arith.constant 0 : i32
    %dma_wait3A_435 = tpu.memref_slice %arg2[%dma_wait3A_434] : memref<1600000xi32, #tpu.memory_space<hbm>> -> memref<2000xi32, #tpu.memory_space<hbm>>
    tpu.wait_dma2 semaphore(%arg16 : memref<!tpu.dma_semaphore, #tpu.memory_space<semaphore_mem>>) src(%dma_wait3A_435 : memref<2000xi32, #tpu.memory_space<hbm>>) dst(%arg6 : memref<2000xi32, #tpu.memory_space<vmem>>)
    %dma_wait3A_436 = arith.constant 0 : i32
    %dma_wait3A_437 = tpu.memref_slice %arg3[%dma_wait3A_436] : memref<1600000xi32, #tpu.memory_space<hbm>> -> memref<2000xi32, #tpu.memory_space<hbm>>
    %dma_wait3A_438 = arith.constant 0 : i32
    %dma_wait3A_439 = tpu.memref_slice %arg3[%dma_wait3A_438] : memref<1600000xi32, #tpu.memory_space<hbm>> -> memref<2000xi32, #tpu.memory_space<hbm>>
    tpu.wait_dma2 semaphore(%arg18 : memref<!tpu.dma_semaphore, #tpu.memory_space<semaphore_mem>>) src(%dma_wait3A_439 : memref<2000xi32, #tpu.memory_space<hbm>>) dst(%arg8 : memref<2000xi32, #tpu.memory_space<vmem>>)
    %dma_start3A_440 = arith.constant 0 : i32
    %dma_start3A_441 = arith.constant 0 : i32
    %dma_start3A_442 = tpu.memref_slice %arg26[%dma_start3A_440, %dma_start3A_441] : memref<50000x8xi32, #tpu.memory_space<vmem_shared>> -> memref<50000x8xi32, #tpu.memory_space<vmem_shared>>
    tpu.enqueue_indirect_dma source(%dma_start3A_442 : memref<50000x8xi32, #tpu.memory_space<vmem_shared>>) target(%arg10 : memref<2000x8xi32, #tpu.memory_space<vmem>>) offsets(%arg6 : memref<2000xi32, #tpu.memory_space<vmem>>) semaphore(%arg20 : memref<!tpu.dma_semaphore, #tpu.memory_space<semaphore_mem>>)
    %dma_start3A_443 = arith.constant 0 : i32
    %dma_start3A_444 = arith.constant 0 : i32
    %dma_start3A_445 = tpu.memref_slice %arg26[%dma_start3A_443, %dma_start3A_444] : memref<50000x8xi32, #tpu.memory_space<vmem_shared>> -> memref<50000x8xi32, #tpu.memory_space<vmem_shared>>
    tpu.enqueue_indirect_dma source(%dma_start3A_445 : memref<50000x8xi32, #tpu.memory_space<vmem_shared>>) target(%arg12 : memref<2000x8xi32, #tpu.memory_space<vmem>>) offsets(%arg8 : memref<2000xi32, #tpu.memory_space<vmem>>) semaphore(%arg22 : memref<!tpu.dma_semaphore, #tpu.memory_space<semaphore_mem>>)
    %dma_wait3A_446 = arith.constant 0 : i32
    %dma_wait3A_447 = tpu.memref_slice %arg5[%dma_wait3A_446] : memref<1600000xf32, #tpu.memory_space<hbm>> -> memref<2000xf32, #tpu.memory_space<hbm>>
    %dma_wait3A_448 = arith.constant 0 : i32
    %dma_wait3A_449 = tpu.memref_slice %arg5[%dma_wait3A_448] : memref<1600000xf32, #tpu.memory_space<hbm>> -> memref<2000xf32, #tpu.memory_space<hbm>>
    tpu.wait_dma2 semaphore(%arg25 : memref<!tpu.dma_semaphore, #tpu.memory_space<semaphore_mem>>) src(%arg15 : memref<2000xf32, #tpu.memory_space<vmem>>) dst(%dma_wait3A_449 : memref<2000xf32, #tpu.memory_space<hbm>>)
    %parallel_loop3A_450 = arith.constant 0 : i32
    %parallel_loop3A_451 = arith.constant 125 : i32
    %parallel_loop3A_452 = arith.constant 1 : i32
    scf.for %parallel_loop3A_482 = %parallel_loop3A_450 to %parallel_loop3A_451 step %parallel_loop3A_452  : i32 {
      %parallel_loop3A_483 = arith.constant 16 : i32
      %parallel_loop3A_484 = arith.muli %parallel_loop3A_482, %parallel_loop3A_483 : i32
      %parallel_loop3A_485 = vector.broadcast %parallel_loop3A_484 : i32 to vector<16xi32>
      %parallel_loop3A_486 = arith.addi %parallel_loop3A_485, %iota3A : vector<16xi32>
      %parallel_loop3A_487 = arith.constant 0.000000e+00 : bf16
      %parallel_loop3A_488 = vector.broadcast %parallel_loop3A_487 : bf16 to vector<32xbf16>
      %parallel_loop3A_489 = arith.constant 0.000000e+00 : bf16
      %parallel_loop3A_490 = vector.broadcast %parallel_loop3A_489 : bf16 to vector<32xbf16>
      %parallel_loop3A_491 = tpu.vector_load_idx %arg11[%parallel_loop3A_486, %rem3A_35] : memref<2000x8xi32, #tpu.memory_space<vmem>>[vector<16xi32>, vector<16xi32>], vector<16xi32>,
      %parallel_loop3A_492 = tpu.vector_load_idx %arg13[%parallel_loop3A_486, %rem3A_35] : memref<2000x8xi32, #tpu.memory_space<vmem>>[vector<16xi32>, vector<16xi32>], vector<16xi32>,
      %parallel_loop3A_493 = vector.bitcast %parallel_loop3A_491 : vector<16xi32> to vector<32xbf16>
      %parallel_loop3A_494 = vector.bitcast %parallel_loop3A_492 : vector<16xi32> to vector<32xbf16>
      %parallel_loop3A_495 = arith.mulf %parallel_loop3A_493, %parallel_loop3A_494 : vector<32xbf16>
      %parallel_loop3A_496 = arith.addf %parallel_loop3A_488, %parallel_loop3A_495 : vector<32xbf16>
      %parallel_loop3A_497 = tpu.vector_load_idx %arg11[%parallel_loop3A_486, %rem3A_72] : memref<2000x8xi32, #tpu.memory_space<vmem>>[vector<16xi32>, vector<16xi32>], vector<16xi32>,
      %parallel_loop3A_498 = tpu.vector_load_idx %arg13[%parallel_loop3A_486, %rem3A_72] : memref<2000x8xi32, #tpu.memory_space<vmem>>[vector<16xi32>, vector<16xi32>], vector<16xi32>,
      %parallel_loop3A_499 = vector.bitcast %parallel_loop3A_497 : vector<16xi32> to vector<32xbf16>
      %parallel_loop3A_500 = vector.bitcast %parallel_loop3A_498 : vector<16xi32> to vector<32xbf16>
      %parallel_loop3A_501 = arith.mulf %parallel_loop3A_499, %parallel_loop3A_500 : vector<32xbf16>
      %parallel_loop3A_502 = arith.addf %parallel_loop3A_490, %parallel_loop3A_501 : vector<32xbf16>
      %parallel_loop3A_503 = tpu.vector_load_idx %arg11[%parallel_loop3A_486, %rem3A_109] : memref<2000x8xi32, #tpu.memory_space<vmem>>[vector<16xi32>, vector<16xi32>], vector<16xi32>,
      %parallel_loop3A_504 = tpu.vector_load_idx %arg13[%parallel_loop3A_486, %rem3A_109] : memref<2000x8xi32, #tpu.memory_space<vmem>>[vector<16xi32>, vector<16xi32>], vector<16xi32>,
      %parallel_loop3A_505 = vector.bitcast %parallel_loop3A_503 : vector<16xi32> to vector<32xbf16>
      %parallel_loop3A_506 = vector.bitcast %parallel_loop3A_504 : vector<16xi32> to vector<32xbf16>
      %parallel_loop3A_507 = arith.mulf %parallel_loop3A_505, %parallel_loop3A_506 : vector<32xbf16>
      %parallel_loop3A_508 = arith.addf %parallel_loop3A_496, %parallel_loop3A_507 : vector<32xbf16>
      %parallel_loop3A_509 = tpu.vector_load_idx %arg11[%parallel_loop3A_486, %rem3A_146] : memref<2000x8xi32, #tpu.memory_space<vmem>>[vector<16xi32>, vector<16xi32>], vector<16xi32>,
      %parallel_loop3A_510 = tpu.vector_load_idx %arg13[%parallel_loop3A_486, %rem3A_146] : memref<2000x8xi32, #tpu.memory_space<vmem>>[vector<16xi32>, vector<16xi32>], vector<16xi32>,
      %parallel_loop3A_511 = vector.bitcast %parallel_loop3A_509 : vector<16xi32> to vector<32xbf16>
      %parallel_loop3A_512 = vector.bitcast %parallel_loop3A_510 : vector<16xi32> to vector<32xbf16>
      %parallel_loop3A_513 = arith.mulf %parallel_loop3A_511, %parallel_loop3A_512 : vector<32xbf16>
      %parallel_loop3A_514 = arith.addf %parallel_loop3A_502, %parallel_loop3A_513 : vector<32xbf16>
      %parallel_loop3A_515 = tpu.vector_load_idx %arg11[%parallel_loop3A_486, %rem3A_183] : memref<2000x8xi32, #tpu.memory_space<vmem>>[vector<16xi32>, vector<16xi32>], vector<16xi32>,
      %parallel_loop3A_516 = tpu.vector_load_idx %arg13[%parallel_loop3A_486, %rem3A_183] : memref<2000x8xi32, #tpu.memory_space<vmem>>[vector<16xi32>, vector<16xi32>], vector<16xi32>,
      %parallel_loop3A_517 = vector.bitcast %parallel_loop3A_515 : vector<16xi32> to vector<32xbf16>
      %parallel_loop3A_518 = vector.bitcast %parallel_loop3A_516 : vector<16xi32> to vector<32xbf16>
      %parallel_loop3A_519 = arith.mulf %parallel_loop3A_517, %parallel_loop3A_518 : vector<32xbf16>
      %parallel_loop3A_520 = arith.addf %parallel_loop3A_508, %parallel_loop3A_519 : vector<32xbf16>
      %parallel_loop3A_521 = tpu.vector_load_idx %arg11[%parallel_loop3A_486, %rem3A_220] : memref<2000x8xi32, #tpu.memory_space<vmem>>[vector<16xi32>, vector<16xi32>], vector<16xi32>,
      %parallel_loop3A_522 = tpu.vector_load_idx %arg13[%parallel_loop3A_486, %rem3A_220] : memref<2000x8xi32, #tpu.memory_space<vmem>>[vector<16xi32>, vector<16xi32>], vector<16xi32>,
      %parallel_loop3A_523 = vector.bitcast %parallel_loop3A_521 : vector<16xi32> to vector<32xbf16>
      %parallel_loop3A_524 = vector.bitcast %parallel_loop3A_522 : vector<16xi32> to vector<32xbf16>
      %parallel_loop3A_525 = arith.mulf %parallel_loop3A_523, %parallel_loop3A_524 : vector<32xbf16>
      %parallel_loop3A_526 = arith.addf %parallel_loop3A_514, %parallel_loop3A_525 : vector<32xbf16>
      %parallel_loop3A_527 = tpu.vector_load_idx %arg11[%parallel_loop3A_486, %rem3A_257] : memref<2000x8xi32, #tpu.memory_space<vmem>>[vector<16xi32>, vector<16xi32>], vector<16xi32>,
      %parallel_loop3A_528 = tpu.vector_load_idx %arg13[%parallel_loop3A_486, %rem3A_257] : memref<2000x8xi32, #tpu.memory_space<vmem>>[vector<16xi32>, vector<16xi32>], vector<16xi32>,
      %parallel_loop3A_529 = vector.bitcast %parallel_loop3A_527 : vector<16xi32> to vector<32xbf16>
      %parallel_loop3A_530 = vector.bitcast %parallel_loop3A_528 : vector<16xi32> to vector<32xbf16>
      %parallel_loop3A_531 = arith.mulf %parallel_loop3A_529, %parallel_loop3A_530 : vector<32xbf16>
      %parallel_loop3A_532 = arith.addf %parallel_loop3A_520, %parallel_loop3A_531 : vector<32xbf16>
      %parallel_loop3A_533 = tpu.vector_load_idx %arg11[%parallel_loop3A_486, %rem3A_294] : memref<2000x8xi32, #tpu.memory_space<vmem>>[vector<16xi32>, vector<16xi32>], vector<16xi32>,
      %parallel_loop3A_534 = tpu.vector_load_idx %arg13[%parallel_loop3A_486, %rem3A_294] : memref<2000x8xi32, #tpu.memory_space<vmem>>[vector<16xi32>, vector<16xi32>], vector<16xi32>,
      %parallel_loop3A_535 = vector.bitcast %parallel_loop3A_533 : vector<16xi32> to vector<32xbf16>
      %parallel_loop3A_536 = vector.bitcast %parallel_loop3A_534 : vector<16xi32> to vector<32xbf16>
      %parallel_loop3A_537 = arith.mulf %parallel_loop3A_535, %parallel_loop3A_536 : vector<32xbf16>
      %parallel_loop3A_538 = arith.addf %parallel_loop3A_526, %parallel_loop3A_537 : vector<32xbf16>
      %parallel_loop3A_539 = tpu.unpack_subelements %parallel_loop3A_532, 0 {pack_format = #tpu.pack_format<interleaved>} : vector<32xbf16> -> vector<16xf32>
      %parallel_loop3A_540 = tpu.unpack_subelements %parallel_loop3A_532, 1 {pack_format = #tpu.pack_format<interleaved>} : vector<32xbf16> -> vector<16xf32>
      %parallel_loop3A_541 = tpu.unpack_subelements %parallel_loop3A_538, 0 {pack_format = #tpu.pack_format<interleaved>} : vector<32xbf16> -> vector<16xf32>
      %parallel_loop3A_542 = tpu.unpack_subelements %parallel_loop3A_538, 1 {pack_format = #tpu.pack_format<interleaved>} : vector<32xbf16> -> vector<16xf32>
      %parallel_loop3A_543 = arith.addf %parallel_loop3A_539, %parallel_loop3A_540 : vector<16xf32>
      %parallel_loop3A_544 = arith.addf %parallel_loop3A_541, %parallel_loop3A_542 : vector<16xf32>
      %parallel_loop3A_545 = arith.addf %parallel_loop3A_543, %parallel_loop3A_544 : vector<16xf32>
      %parallel_loop3A_546 = arith.constant 0.000000e+00 : f32
      %parallel_loop3A_547 = vector.broadcast %parallel_loop3A_546 : f32 to vector<16xf32>
      %parallel_loop3A_548 = arith.subf %parallel_loop3A_547, %parallel_loop3A_545 : vector<16xf32>
      %parallel_loop3A_549 = math.exp %parallel_loop3A_548 : vector<16xf32>
      %parallel_loop3A_550 = arith.constant 1.000000e+00 : f32
      %parallel_loop3A_551 = vector.broadcast %parallel_loop3A_550 : f32 to vector<16xf32>
      %parallel_loop3A_552 = arith.addf %parallel_loop3A_551, %parallel_loop3A_549 : vector<16xf32>
      %parallel_loop3A_553 = arith.constant 1.000000e+00 : f32
      %parallel_loop3A_554 = vector.broadcast %parallel_loop3A_553 : f32 to vector<16xf32>
      %parallel_loop3A_555 = arith.divf %parallel_loop3A_554, %parallel_loop3A_552 : vector<16xf32>
      %parallel_loop3A_556 = arith.constant 16 : i32
      %parallel_loop3A_557 = arith.muli %parallel_loop3A_482, %parallel_loop3A_556 : i32
      %parallel_loop3A_558 = arith.index_cast %parallel_loop3A_557 : i32 to index
      %parallel_loop3A_559 = tpu.vector_load %arg15[%parallel_loop3A_558] {strides = array<i32>} : memref<2000xf32, #tpu.memory_space<vmem>>, vector<16xf32>,
      tpu.vector_store %arg15[%parallel_loop3A_558], %parallel_loop3A_555 {strides = array<i32>} : memref<2000xf32, #tpu.memory_space<vmem>>, vector<16xf32>,
    } {sc.loop_unroll_factor = 4 : i64, sc.parallel_access}
    %add3A_453 = arith.constant 46000 : i32
    %add3A_454 = arith.addi %mul3A_6, %add3A_453 : i32
    %dma_start3A_455 = tpu.memref_slice %arg5[%add3A_454] : memref<1600000xf32, #tpu.memory_space<hbm>> -> memref<2000xf32, #tpu.memory_space<hbm>>
    %dma_start3A_456 = tpu.memref_slice %arg5[%add3A_454] : memref<1600000xf32, #tpu.memory_space<hbm>> -> memref<2000xf32, #tpu.memory_space<hbm>>
    tpu.enqueue_dma source(%arg15 : memref<2000xf32, #tpu.memory_space<vmem>>) target(%dma_start3A_456 : memref<2000xf32, #tpu.memory_space<hbm>>) target_semaphore(%arg25 : memref<!tpu.dma_semaphore, #tpu.memory_space<semaphore_mem>>)
    %dma_wait3A_457 = arith.constant 0 : i32
    %dma_wait3A_458 = arith.constant 0 : i32
    %dma_wait3A_459 = tpu.memref_slice %arg26[%dma_wait3A_457, %dma_wait3A_458] : memref<50000x8xi32, #tpu.memory_space<vmem_shared>> -> memref<50000x8xi32, #tpu.memory_space<vmem_shared>>
    tpu.wait_indirect_dma semaphore(%arg20 : memref<!tpu.dma_semaphore, #tpu.memory_space<semaphore_mem>>) src(%dma_wait3A_459 : memref<50000x8xi32, #tpu.memory_space<vmem_shared>>) dst(%arg10 : memref<2000x8xi32, #tpu.memory_space<vmem>>)
    %dma_wait3A_460 = arith.constant 0 : i32
    %dma_wait3A_461 = arith.constant 0 : i32
    %dma_wait3A_462 = tpu.memref_slice %arg26[%dma_wait3A_460, %dma_wait3A_461] : memref<50000x8xi32, #tpu.memory_space<vmem_shared>> -> memref<50000x8xi32, #tpu.memory_space<vmem_shared>>
    tpu.wait_indirect_dma semaphore(%arg22 : memref<!tpu.dma_semaphore, #tpu.memory_space<semaphore_mem>>) src(%dma_wait3A_462 : memref<50000x8xi32, #tpu.memory_space<vmem_shared>>) dst(%arg12 : memref<2000x8xi32, #tpu.memory_space<vmem>>)
    %dma_wait3A_463 = arith.constant 0 : i32
    %dma_wait3A_464 = tpu.memref_slice %arg5[%dma_wait3A_463] : memref<1600000xf32, #tpu.memory_space<hbm>> -> memref<2000xf32, #tpu.memory_space<hbm>>
    %dma_wait3A_465 = arith.constant 0 : i32
    %dma_wait3A_466 = tpu.memref_slice %arg5[%dma_wait3A_465] : memref<1600000xf32, #tpu.memory_space<hbm>> -> memref<2000xf32, #tpu.memory_space<hbm>>
    tpu.wait_dma2 semaphore(%arg24 : memref<!tpu.dma_semaphore, #tpu.memory_space<semaphore_mem>>) src(%arg14 : memref<2000xf32, #tpu.memory_space<vmem>>) dst(%dma_wait3A_466 : memref<2000xf32, #tpu.memory_space<hbm>>)
    %parallel_loop3A_467 = arith.constant 0 : i32
    %parallel_loop3A_468 = arith.constant 125 : i32
    %parallel_loop3A_469 = arith.constant 1 : i32
    scf.for %parallel_loop3A_482 = %parallel_loop3A_467 to %parallel_loop3A_468 step %parallel_loop3A_469  : i32 {
      %parallel_loop3A_483 = arith.constant 16 : i32
      %parallel_loop3A_484 = arith.muli %parallel_loop3A_482, %parallel_loop3A_483 : i32
      %parallel_loop3A_485 = vector.broadcast %parallel_loop3A_484 : i32 to vector<16xi32>
      %parallel_loop3A_486 = arith.addi %parallel_loop3A_485, %iota3A : vector<16xi32>
      %parallel_loop3A_487 = arith.constant 0.000000e+00 : bf16
      %parallel_loop3A_488 = vector.broadcast %parallel_loop3A_487 : bf16 to vector<32xbf16>
      %parallel_loop3A_489 = arith.constant 0.000000e+00 : bf16
      %parallel_loop3A_490 = vector.broadcast %parallel_loop3A_489 : bf16 to vector<32xbf16>
      %parallel_loop3A_491 = tpu.vector_load_idx %arg10[%parallel_loop3A_486, %rem3A_35] : memref<2000x8xi32, #tpu.memory_space<vmem>>[vector<16xi32>, vector<16xi32>], vector<16xi32>,
      %parallel_loop3A_492 = tpu.vector_load_idx %arg12[%parallel_loop3A_486, %rem3A_35] : memref<2000x8xi32, #tpu.memory_space<vmem>>[vector<16xi32>, vector<16xi32>], vector<16xi32>,
      %parallel_loop3A_493 = vector.bitcast %parallel_loop3A_491 : vector<16xi32> to vector<32xbf16>
      %parallel_loop3A_494 = vector.bitcast %parallel_loop3A_492 : vector<16xi32> to vector<32xbf16>
      %parallel_loop3A_495 = arith.mulf %parallel_loop3A_493, %parallel_loop3A_494 : vector<32xbf16>
      %parallel_loop3A_496 = arith.addf %parallel_loop3A_488, %parallel_loop3A_495 : vector<32xbf16>
      %parallel_loop3A_497 = tpu.vector_load_idx %arg10[%parallel_loop3A_486, %rem3A_72] : memref<2000x8xi32, #tpu.memory_space<vmem>>[vector<16xi32>, vector<16xi32>], vector<16xi32>,
      %parallel_loop3A_498 = tpu.vector_load_idx %arg12[%parallel_loop3A_486, %rem3A_72] : memref<2000x8xi32, #tpu.memory_space<vmem>>[vector<16xi32>, vector<16xi32>], vector<16xi32>,
      %parallel_loop3A_499 = vector.bitcast %parallel_loop3A_497 : vector<16xi32> to vector<32xbf16>
      %parallel_loop3A_500 = vector.bitcast %parallel_loop3A_498 : vector<16xi32> to vector<32xbf16>
      %parallel_loop3A_501 = arith.mulf %parallel_loop3A_499, %parallel_loop3A_500 : vector<32xbf16>
      %parallel_loop3A_502 = arith.addf %parallel_loop3A_490, %parallel_loop3A_501 : vector<32xbf16>
      %parallel_loop3A_503 = tpu.vector_load_idx %arg10[%parallel_loop3A_486, %rem3A_109] : memref<2000x8xi32, #tpu.memory_space<vmem>>[vector<16xi32>, vector<16xi32>], vector<16xi32>,
      %parallel_loop3A_504 = tpu.vector_load_idx %arg12[%parallel_loop3A_486, %rem3A_109] : memref<2000x8xi32, #tpu.memory_space<vmem>>[vector<16xi32>, vector<16xi32>], vector<16xi32>,
      %parallel_loop3A_505 = vector.bitcast %parallel_loop3A_503 : vector<16xi32> to vector<32xbf16>
      %parallel_loop3A_506 = vector.bitcast %parallel_loop3A_504 : vector<16xi32> to vector<32xbf16>
      %parallel_loop3A_507 = arith.mulf %parallel_loop3A_505, %parallel_loop3A_506 : vector<32xbf16>
      %parallel_loop3A_508 = arith.addf %parallel_loop3A_496, %parallel_loop3A_507 : vector<32xbf16>
      %parallel_loop3A_509 = tpu.vector_load_idx %arg10[%parallel_loop3A_486, %rem3A_146] : memref<2000x8xi32, #tpu.memory_space<vmem>>[vector<16xi32>, vector<16xi32>], vector<16xi32>,
      %parallel_loop3A_510 = tpu.vector_load_idx %arg12[%parallel_loop3A_486, %rem3A_146] : memref<2000x8xi32, #tpu.memory_space<vmem>>[vector<16xi32>, vector<16xi32>], vector<16xi32>,
      %parallel_loop3A_511 = vector.bitcast %parallel_loop3A_509 : vector<16xi32> to vector<32xbf16>
      %parallel_loop3A_512 = vector.bitcast %parallel_loop3A_510 : vector<16xi32> to vector<32xbf16>
      %parallel_loop3A_513 = arith.mulf %parallel_loop3A_511, %parallel_loop3A_512 : vector<32xbf16>
      %parallel_loop3A_514 = arith.addf %parallel_loop3A_502, %parallel_loop3A_513 : vector<32xbf16>
      %parallel_loop3A_515 = tpu.vector_load_idx %arg10[%parallel_loop3A_486, %rem3A_183] : memref<2000x8xi32, #tpu.memory_space<vmem>>[vector<16xi32>, vector<16xi32>], vector<16xi32>,
      %parallel_loop3A_516 = tpu.vector_load_idx %arg12[%parallel_loop3A_486, %rem3A_183] : memref<2000x8xi32, #tpu.memory_space<vmem>>[vector<16xi32>, vector<16xi32>], vector<16xi32>,
      %parallel_loop3A_517 = vector.bitcast %parallel_loop3A_515 : vector<16xi32> to vector<32xbf16>
      %parallel_loop3A_518 = vector.bitcast %parallel_loop3A_516 : vector<16xi32> to vector<32xbf16>
      %parallel_loop3A_519 = arith.mulf %parallel_loop3A_517, %parallel_loop3A_518 : vector<32xbf16>
      %parallel_loop3A_520 = arith.addf %parallel_loop3A_508, %parallel_loop3A_519 : vector<32xbf16>
      %parallel_loop3A_521 = tpu.vector_load_idx %arg10[%parallel_loop3A_486, %rem3A_220] : memref<2000x8xi32, #tpu.memory_space<vmem>>[vector<16xi32>, vector<16xi32>], vector<16xi32>,
      %parallel_loop3A_522 = tpu.vector_load_idx %arg12[%parallel_loop3A_486, %rem3A_220] : memref<2000x8xi32, #tpu.memory_space<vmem>>[vector<16xi32>, vector<16xi32>], vector<16xi32>,
      %parallel_loop3A_523 = vector.bitcast %parallel_loop3A_521 : vector<16xi32> to vector<32xbf16>
      %parallel_loop3A_524 = vector.bitcast %parallel_loop3A_522 : vector<16xi32> to vector<32xbf16>
      %parallel_loop3A_525 = arith.mulf %parallel_loop3A_523, %parallel_loop3A_524 : vector<32xbf16>
      %parallel_loop3A_526 = arith.addf %parallel_loop3A_514, %parallel_loop3A_525 : vector<32xbf16>
      %parallel_loop3A_527 = tpu.vector_load_idx %arg10[%parallel_loop3A_486, %rem3A_257] : memref<2000x8xi32, #tpu.memory_space<vmem>>[vector<16xi32>, vector<16xi32>], vector<16xi32>,
      %parallel_loop3A_528 = tpu.vector_load_idx %arg12[%parallel_loop3A_486, %rem3A_257] : memref<2000x8xi32, #tpu.memory_space<vmem>>[vector<16xi32>, vector<16xi32>], vector<16xi32>,
      %parallel_loop3A_529 = vector.bitcast %parallel_loop3A_527 : vector<16xi32> to vector<32xbf16>
      %parallel_loop3A_530 = vector.bitcast %parallel_loop3A_528 : vector<16xi32> to vector<32xbf16>
      %parallel_loop3A_531 = arith.mulf %parallel_loop3A_529, %parallel_loop3A_530 : vector<32xbf16>
      %parallel_loop3A_532 = arith.addf %parallel_loop3A_520, %parallel_loop3A_531 : vector<32xbf16>
      %parallel_loop3A_533 = tpu.vector_load_idx %arg10[%parallel_loop3A_486, %rem3A_294] : memref<2000x8xi32, #tpu.memory_space<vmem>>[vector<16xi32>, vector<16xi32>], vector<16xi32>,
      %parallel_loop3A_534 = tpu.vector_load_idx %arg12[%parallel_loop3A_486, %rem3A_294] : memref<2000x8xi32, #tpu.memory_space<vmem>>[vector<16xi32>, vector<16xi32>], vector<16xi32>,
      %parallel_loop3A_535 = vector.bitcast %parallel_loop3A_533 : vector<16xi32> to vector<32xbf16>
      %parallel_loop3A_536 = vector.bitcast %parallel_loop3A_534 : vector<16xi32> to vector<32xbf16>
      %parallel_loop3A_537 = arith.mulf %parallel_loop3A_535, %parallel_loop3A_536 : vector<32xbf16>
      %parallel_loop3A_538 = arith.addf %parallel_loop3A_526, %parallel_loop3A_537 : vector<32xbf16>
      %parallel_loop3A_539 = tpu.unpack_subelements %parallel_loop3A_532, 0 {pack_format = #tpu.pack_format<interleaved>} : vector<32xbf16> -> vector<16xf32>
      %parallel_loop3A_540 = tpu.unpack_subelements %parallel_loop3A_532, 1 {pack_format = #tpu.pack_format<interleaved>} : vector<32xbf16> -> vector<16xf32>
      %parallel_loop3A_541 = tpu.unpack_subelements %parallel_loop3A_538, 0 {pack_format = #tpu.pack_format<interleaved>} : vector<32xbf16> -> vector<16xf32>
      %parallel_loop3A_542 = tpu.unpack_subelements %parallel_loop3A_538, 1 {pack_format = #tpu.pack_format<interleaved>} : vector<32xbf16> -> vector<16xf32>
      %parallel_loop3A_543 = arith.addf %parallel_loop3A_539, %parallel_loop3A_540 : vector<16xf32>
      %parallel_loop3A_544 = arith.addf %parallel_loop3A_541, %parallel_loop3A_542 : vector<16xf32>
      %parallel_loop3A_545 = arith.addf %parallel_loop3A_543, %parallel_loop3A_544 : vector<16xf32>
      %parallel_loop3A_546 = arith.constant 0.000000e+00 : f32
      %parallel_loop3A_547 = vector.broadcast %parallel_loop3A_546 : f32 to vector<16xf32>
      %parallel_loop3A_548 = arith.subf %parallel_loop3A_547, %parallel_loop3A_545 : vector<16xf32>
      %parallel_loop3A_549 = math.exp %parallel_loop3A_548 : vector<16xf32>
      %parallel_loop3A_550 = arith.constant 1.000000e+00 : f32
      %parallel_loop3A_551 = vector.broadcast %parallel_loop3A_550 : f32 to vector<16xf32>
      %parallel_loop3A_552 = arith.addf %parallel_loop3A_551, %parallel_loop3A_549 : vector<16xf32>
      %parallel_loop3A_553 = arith.constant 1.000000e+00 : f32
      %parallel_loop3A_554 = vector.broadcast %parallel_loop3A_553 : f32 to vector<16xf32>
      %parallel_loop3A_555 = arith.divf %parallel_loop3A_554, %parallel_loop3A_552 : vector<16xf32>
      %parallel_loop3A_556 = arith.constant 16 : i32
      %parallel_loop3A_557 = arith.muli %parallel_loop3A_482, %parallel_loop3A_556 : i32
      %parallel_loop3A_558 = arith.index_cast %parallel_loop3A_557 : i32 to index
      %parallel_loop3A_559 = tpu.vector_load %arg14[%parallel_loop3A_558] {strides = array<i32>} : memref<2000xf32, #tpu.memory_space<vmem>>, vector<16xf32>,
      tpu.vector_store %arg14[%parallel_loop3A_558], %parallel_loop3A_555 {strides = array<i32>} : memref<2000xf32, #tpu.memory_space<vmem>>, vector<16xf32>,
    } {sc.loop_unroll_factor = 4 : i64, sc.parallel_access}
    %add3A_470 = arith.constant 48000 : i32
    %add3A_471 = arith.addi %mul3A_6, %add3A_470 : i32
    %dma_start3A_472 = tpu.memref_slice %arg5[%add3A_471] : memref<1600000xf32, #tpu.memory_space<hbm>> -> memref<2000xf32, #tpu.memory_space<hbm>>
    %dma_start3A_473 = tpu.memref_slice %arg5[%add3A_471] : memref<1600000xf32, #tpu.memory_space<hbm>> -> memref<2000xf32, #tpu.memory_space<hbm>>
    tpu.enqueue_dma source(%arg14 : memref<2000xf32, #tpu.memory_space<vmem>>) target(%dma_start3A_473 : memref<2000xf32, #tpu.memory_space<hbm>>) target_semaphore(%arg24 : memref<!tpu.dma_semaphore, #tpu.memory_space<semaphore_mem>>)
    %dma_wait3A_474 = arith.constant 0 : i32
    %dma_wait3A_475 = tpu.memref_slice %arg5[%dma_wait3A_474] : memref<1600000xf32, #tpu.memory_space<hbm>> -> memref<2000xf32, #tpu.memory_space<hbm>>
    %dma_wait3A_476 = arith.constant 0 : i32
    %dma_wait3A_477 = tpu.memref_slice %arg5[%dma_wait3A_476] : memref<1600000xf32, #tpu.memory_space<hbm>> -> memref<2000xf32, #tpu.memory_space<hbm>>
    tpu.wait_dma2 semaphore(%arg25 : memref<!tpu.dma_semaphore, #tpu.memory_space<semaphore_mem>>) src(%arg15 : memref<2000xf32, #tpu.memory_space<vmem>>) dst(%dma_wait3A_477 : memref<2000xf32, #tpu.memory_space<hbm>>)
    %dma_wait3A_478 = arith.constant 0 : i32
    %dma_wait3A_479 = tpu.memref_slice %arg5[%dma_wait3A_478] : memref<1600000xf32, #tpu.memory_space<hbm>> -> memref<2000xf32, #tpu.memory_space<hbm>>
    %dma_wait3A_480 = arith.constant 0 : i32
    %dma_wait3A_481 = tpu.memref_slice %arg5[%dma_wait3A_480] : memref<1600000xf32, #tpu.memory_space<hbm>> -> memref<2000xf32, #tpu.memory_space<hbm>>
    tpu.wait_dma2 semaphore(%arg24 : memref<!tpu.dma_semaphore, #tpu.memory_space<semaphore_mem>>) src(%arg14 : memref<2000xf32, #tpu.memory_space<vmem>>) dst(%dma_wait3A_481 : memref<2000xf32, #tpu.memory_space<hbm>>)
    return
  }
}

</mosaic_0001>

<sc_bundles>
// kernel: kernel.3.cloned.1.call-start
scs
__scs_entry_jumppad:
0x0: {  	(pc) =	sbr.rel $0x88, $3  }
0x1: {  	(tag) =	ssettag $0x0;
	lr =	simm.s32 $0x1  }
0x2: {  	[smem:$0x3F9E] =	sst lr;
	_ =	strace $0xD0000000  }
0x3: {  	_ = 	snop  }
0x4: {  	_ = 	snop  }
0x5: {  	_ = 	snop  }
0x6: {  	_ = 	snop  }
0x7: {  	_ = 	snop  }
__scs_overlays_trampoline_lowered:
0x8: {  	[smem:$0x3FAD] =	sst s0  }
0x9: {  	[smem:$0x3FAE] =	sst s1  }
0xa: {  	[smem:$0x3FAF] =	sst s2  }
0xb: {  	[smem:$0x3FB0] =	sst s3  }
0xc: {  	[smem:$0x3FB1] =	sst s4  }
0xd: {  	[smem:$0x3FB2] =	sst s5  }
0xe: {  	[smem:$0x3FB3] =	sst s6  }
0xf: {  	[smem:$0x3FB4] =	sst s7  }
0x10: {  	[smem:$0x3FB5] =	sst s8  }
0x11: {  	[smem:$0x3FB6] =	sst s9;
	s0 =	simm.s32 @!p0 $0x0  }
0x12: {  	s1 =	sld [smem:$0x3F9C];
	s0 =	simm.s32 @p0 $0x1  }
0x13: {  	[smem:$0x3FB7] =	sst s0;
	s0 =	simm.s32 @!p1 $0x0  }
0x14: {  	s2 =	sld [smem:$0x3F9B];
	s0 =	simm.s32 @p1 $0x1  }
0x15: {  	[smem:$0x3FB8] =	sst s0;
	s0 =	simm.s32 @!p2 $0x0  }
0x16: {  	s3 =	sld [smem:$0x3FDB];
	s0 =	simm.s32 @p2 $0x1  }
0x17: {  	s4 =	simm.s32 $0x1BF5;
	[smem:$0x3FBA] =	sst s0  }
0x18: {  	s0 =	sld [smem:$0x3F9D];
	_ =	swait.ge [sflag:s4], $0x0  }
0x19: {  	s7 =	sld [smem:$0x3F9E]  }
0x1a: {  	s8 =	sadd.s32 $0xFFFFE003, lr  }
0x1b: {  	s9 =	sadd.s32 $0xFFFFFEF7, lr;
	s5 =	simm.s32 $0xFFFFFFFF;
	p2 =	slt.u32 s8, $0xFFFFF086  }
0x1c: {  	p1 =	slt.u32 s9, $0xF7A;
	s5 =	simm.s32 @!p2 $0x0  }
0x1d: {  	s5 =	simm.s32 @p1 $0x1;
	p0 =	seq.s32 s7, s2  }
0x1e: {  	s7 =	smul.u32 @!p0 $0xF7A, s2;
	p2 =	seq.s32 @!p0 s5, $0x0  }
0x1f: {  	s9 =	smul.u32 $0xF7A, s1;
	s8 =	simm.s32 @!p0 $0x1BF5;
	p2 =	por !p2, p0  }
0x20: {  	[sflag:s8] =	ssyncset.s32 @!p0 $0xFFFFF086;
	s6 =	sadd.s32 @!p0 s3, s7;
	s7 =	simm.s32 @!p0 $0x108  }
0x21: {  	s3 =	sadd.s32 s3, s9;
	s6 =	sadd.s32 @!p0 $0x88, s6;
	s7 =	simm.s32 @p2 $0x1082  }
0x22: {  	[simem:s7], [sflag:s8] =	dma.local @!p0 [hbm:s6], $0xF7A  }
0x23: {  	s9 =	sor.u32 $0xD0000000, s2;
	s6 =	simm.s32 $0x108;
	_ =	swait.ge @!p0 [sflag:s8], $0x0  }
0x24: {  	s3 =	sadd.s32 $0x88, s3;
	s6 =	simm.s32 @!p1 $0x1082;
	[sflag:s4] =	ssyncset.s32 $0xFFFFF086  }
0x25: {  	[simem:s6], [sflag:s4] =	dma.local [hbm:s3], $0xF7A  }
0x26: {  	[smem:$0x3F9E] =	sst s1;
	(tag) =	ssettag s2;
	_ =	strace s9  }
0x27: {  	s1 =	sld [smem:$0x3FAE]  }
0x28: {  	s2 =	sld [smem:$0x3FAF]  }
0x29: {  	s4 =	sld [smem:$0x3FB1]  }
0x2a: {  	p0 =	seq.s32 s5, $0x0;
	s5 =	sld [smem:$0x3FB2]  }
0x2b: {  	s6 =	sld [smem:$0x3FB3]  }
0x2c: {  	s7 =	sld [smem:$0x3FB4]  }
0x2d: {  	s3 =	simm.s32 $0x108;
	s8 =	sld [smem:$0x3FB5]  }
0x2e: {  	s3 =	simm.s32 @!p0 $0x1082;
	s9 =	sld [smem:$0x3FB6]  }
0x2f: {  	lr =	sadd.s32 s0, s3;
	s0 =	sld [smem:$0x3FAD]  }
0x30: {  	s3 =	sld [smem:$0x3FB0]  }
0x31: {  	[smem:$0x3FB9] =	sst s10  }
0x32: {  	s10 =	sld [smem:$0x3FB7];
	_ =	sdelay $0x3  }
0x33: {  	p0 =	seq.s32 s10, $0x1;
	s10 =	sld [smem:$0x3FB9];
	_ =	sdelay $0x3  }
0x34: {  	[smem:$0x3FB9] =	sst s10  }
0x35: {  	s10 =	sld [smem:$0x3FB8];
	_ =	sdelay $0x3  }
0x36: {  	p1 =	seq.s32 s10, $0x1;
	s10 =	sld [smem:$0x3FB9];
	_ =	sdelay $0x3  }
0x37: {  	[smem:$0x3FB9] =	sst s10  }
0x38: {  	s10 =	sld [smem:$0x3FBA]  }
0x39: {  	_ = 	snop;
	(pc) =	sbr.ind lr, $3  }
0x3a: {  	_ = 	snop  }
0x3b: {  	_ = 	snop  }
0x3c: {  	p2 =	seq.s32 s10, $0x1;
	s10 =	sld [smem:$0x3FB9]  }
0x3d: {  	_ =	shalt  }
0x3e: {  	_ =	shalt  }
0x3f: {  	_ =	shalt  }
0x40: {  	_ =	shalt  }
0x41: {  	_ =	shalt  }
0x42: {  	_ =	shalt  }
0x43: {  	_ =	shalt  }
0x44: {  	_ =	shalt  }
0x45: {  	_ =	shalt  }
0x46: {  	_ =	shalt  }
0x47: {  	_ =	shalt  }
0x48: {  	_ =	shalt  }
0x49: {  	_ =	shalt  }
0x4a: {  	_ =	shalt  }
0x4b: {  	_ =	shalt  }
0x4c: {  	_ =	shalt  }
0x4d: {  	_ =	shalt  }
0x4e: {  	_ =	shalt  }
0x4f: {  	_ =	shalt  }
0x50: {  	_ =	shalt  }
0x51: {  	_ =	shalt  }
0x52: {  	_ =	shalt  }
0x53: {  	_ =	shalt  }
0x54: {  	_ =	shalt  }
0x55: {  	_ =	shalt  }
0x56: {  	_ =	shalt  }
0x57: {  	_ =	shalt  }
0x58: {  	_ =	shalt  }
0x59: {  	_ =	shalt  }
0x5a: {  	_ =	shalt  }
0x5b: {  	_ =	shalt  }
0x5c: {  	_ =	shalt  }
0x5d: {  	_ =	shalt  }
0x5e: {  	_ =	shalt  }
0x5f: {  	_ =	shalt  }
0x60: {  	_ =	shalt  }
0x61: {  	_ =	shalt  }
0x62: {  	_ =	shalt  }
0x63: {  	_ =	shalt  }
0x64: {  	_ =	shalt  }
0x65: {  	_ =	shalt  }
0x66: {  	_ =	shalt  }
0x67: {  	_ =	shalt  }
0x68: {  	_ =	shalt  }
0x69: {  	_ =	shalt  }
0x6a: {  	_ =	shalt  }
0x6b: {  	_ =	shalt  }
0x6c: {  	_ =	shalt  }
0x6d: {  	_ =	shalt  }
0x6e: {  	_ =	shalt  }
0x6f: {  	_ =	shalt  }
0x70: {  	_ =	shalt  }
0x71: {  	_ =	shalt  }
0x72: {  	_ =	shalt  }
0x73: {  	_ =	shalt  }
0x74: {  	_ =	shalt  }
0x75: {  	_ =	shalt  }
0x76: {  	_ =	shalt  }
0x77: {  	_ =	shalt  }
0x78: {  	_ =	shalt  }
0x79: {  	_ =	shalt  }
0x7a: {  	_ =	shalt  }
0x7b: {  	_ =	shalt  }
0x7c: {  	_ =	shalt  }
0x7d: {  	_ =	shalt  }
0x7e: {  	_ =	shalt  }
0x7f: {  	_ =	shalt  }
0x80: {  	_ =	shalt  }
0x81: {  	_ =	shalt  }
0x82: {  	_ =	shalt  }
0x83: {  	_ =	shalt  }
0x84: {  	_ =	shalt  }
0x85: {  	_ =	shalt  }
0x86: {  	_ =	shalt  }
0x87: {  	_ =	shalt  }
.Lfunc_end0:
.L_simem_size_0:
called_computation_lowered:
.L_overlay_start_0:
0x88: {  	s2 =	sld [smem:$0x3FD9]  }
0x89: {  	s3 =	sld [smem:$0x3FFE];
	_ =	sdelay $0x1  }
0x8a: {  	s1 =	srdreg.scid  }
0x8b: {  	s0 =	sand.u32 $0x1, s1  }
0x8c: {  	s17 =	sshll.u32 s0, $0xA;
	s2 =	sadd.s32 s3, s2  }
0x8d: {  	s2 =	sadd.s32 s2, s17  }
0x8e: {  	[smem:$0x3FC5] =	sst s2  }
0x8f: {  	_ = 	snop  }
0x90: {  	s2 =	sld [smem:$0x3FC9]  }
0x91: {  	s18 =	sld [smem:$0x3FC8]  }
0x92: {  	s4 =	sld [smem:$0x3FD0];
	(tm) =	ssettm $0x1  }
0x93: {  	s5 =	sld [smem:$0x3FFB];
	_ =	sdelay $0x3  }
0x94: {  	_ =	strace s5  }
0x95: {  	s5 =	sld [smem:$0x3FFC];
	_ =	sdelay $0x3  }
0x96: {  	_ =	strace s5  }
0x97: {  	s5 =	sld [smem:$0x3FFD];
	_ =	sdelay $0x3  }
0x98: {  	_ =	strace s5  }
0x99: {  	_ =	strace $0x8FFFFFFF  }
0x9a: {  	s19 =	sld [smem:$0x3FDB];
	_ =	sdelay $0x1  }
0x9b: {  	s6 =	simm.s32 $_scs_section_size  }
0x9c: {  	s7 =	simm.s32 $_size__tile_overlayer_lowered;
	s8 =	simm.s32 $_tile_overlayer_lowered  }
0x9d: {  	s22 =	simm.s32 $0x1BFF;
	s21 =	sshll.u32 s8, $0x1;
	s5 =	sadd.s32 s6, s19  }
0x9e: {  	s9 =	simm.s32 $0x0;
	s20 =	sshll.u32 s7, $0x1;
	s7 =	sadd.s32 s21, s5  }
0x9f: {  	[timem:s9], [sflag:s22] =	dma.local [hbm:s7], s20  }
0xa0: {  	_ =	swait.ge [sflag:s22], s20  }
0xa1: {  	s6 =	ssub.s32 $0x0, s20;
	[sflag:s22] =	ssyncset.done $0x0  }
0xa2: {  	[sflag:s22] =	ssyncadd.s32 s6;
	_ =	sdelay $0x1  }
0xa3: {  	s23 =	simm.s32 $0x1B8B  }
0xa4: {  	_ =	swait.ge [sflag:s23], $0x1  }
0xa5: {  	[sflag:s23] =	ssyncset.done $0x0  }
0xa6: {  	s25 =	simm.s32 $0x1B8E;
	s24 =	sld [smem:$0x3FFE];
	[sflag:s23] =	ssyncadd.s32 $0xFFFFFFFF  }
0xa7: {  	s26 =	simm.s32 $execute0_lowered;
	[smem:$0x3FD2] =	sst s25  }
0xa8: {  	s7 =	sshll.u32 s26, $0x1;
	_ =	strace $0x80000046;
	[dreg:$0x1] =	wrdreg $0xFFFFFFFF  }
0xa9: {  	s28 =	simm.s32 $_size_execute0_lowered;
	s5 =	sadd.s32 s5, s7;
	[dreg:$0x0] =	wrdreg $0x0  }
0xaa: {  	s7 =	sshll.u32 s28, $0x1;
	[dreg:$0x2] =	wrdreg s5  }
0xab: {  	[dreg:$0x3] =	wrdreg s7  }
0xac: {  	[dreg:$0x4] =	wrdreg $0xC0  }
0xad: {  	_ =	task [dreg:s9], $0x5FFFF  }
0xae: {  	[dreg:$0x1] =	wrdreg $0xFFFFFFFF  }
0xaf: {  	[dreg:$0x0] =	wrdreg $0x60  }
0xb0: {  	[dreg:$0x2] =	wrdreg s2  }
0xb1: {  	[dreg:$0x3] =	wrdreg s18  }
0xb2: {  	[dreg:$0x4] =	wrdreg s24  }
0xb3: {  	[dreg:$0x5] =	wrdreg s4  }
0xb4: {  	[dreg:$0x6] =	wrdreg $0x128E00  }
0xb5: {  	[dreg:$0x7] =	wrdreg $0x9  }
0xb6: {  	_ =	task.clear_ibuf [dreg:s9], $0x8FFFF;
	_ =	strace $0x90000046  }
0xb7: {  	s29 =	simm.s32 $0x9;
	_ =	strace $0x80000048  }
0xb8: {  	_ =	swait.ge [sflag:s29], $0x1  }
0xb9: {  	[sflag:s29] =	ssyncadd.s32 $0xFFFFFFFF  }
0xba: {  	_ =	strace $0x90000048  }
0xbb: {  	_ =	sfence  }
0xbc: {  	s30 =	sld [smem:$0x0];
	_ =	sdelay $0x2  }
0xbd: {  	s31 =	sshll.u32 s1, $0xD;
	s1 =	sshrl.u32 s1, $0x2  }
0xbe: {  	s3 =	sand.u32 $0x4000, s31;
	s1 =	sadd.s32 s1, s30  }
0xbf: {  	s0 =	sor.u32 s3, s0;
	s1 =	sshll.u32 s1, $0x11  }
0xc0: {  	s0 =	sor.u32 s1, s0  }
0xc1: {  	s0 =	sadd.s32 $0x8F2B, s0  }
0xc2: {  	[sflag:s0] =	ssyncadd.remote.s32 $0x1  }
0xc3: {  	_ =	sfence.sel $0xFFFF  }
0xc4: {  	[dreg:$0x0] =	wrdreg $0xFFFFFFFF;
	(pc) =	sbr.abs _section_cstart, $3  }
0xc5: {  	[dreg:$0x1] =	wrdreg $0xFFFFFFFF  }
0xc6: {  	_ =	task.clear_ibuf [dreg:s9], $0x2FFFF;
	_ =	strace $0x9FFFFFFF  }
0xc7: {  	(tm) =	ssettm $0x7FFFFFFF  }
tec
execute0_lowered:
.L_overlay_start_1:
0x0: {  	(tag) =	ssettag $0x1  }
0x1: {  	v0 =	vimm.s32 $0x776655;
	v1 =	vimm.s32 $0x44332211;
	v3 =	vlaneseq.u32  }
0x2: {  	v2 =	vimm.s32 $0x22110077;
	v4 =	vimm.s32 $0x66554433;
	v5 =	vimm.s32 $0x33221100  }
0x3: {  	v6 =	vimm.s32 $0x77665544;
	vm14 =	vcmask $0x300;
	vm13 =	vcmask $0x704  }
0x4: {  	vm12 =	vcmask $0xB08;
	vm11 =	vcmask $0xF0C;
	vm10 =	vcmask $0x1310  }
0x5: {  	vm9 =	vcmask $0x1714;
	vm8 =	vcmask $0x1B18;
	vm7 =	vcmask $0x1F1C  }
0x6: {  	vm6 =	vcmask $0x2320;
	vm5 =	vcmask $0x2724;
	vm4 =	vcmask $0x2B28  }
0x7: {  	vm3 =	vcmask $0x2F2C;
	vm2 =	vcmask $0x3330;
	vm1 =	vcmask $0x3734  }
0x8: {  	vm0 =	vcmask $0x3B38;
	v61 =	vimm.s32 $0x3E79;
	v62 =	vimm.s32 $0x3E7A  }
0x9: {  	v63 =	vimm.s32 $0x3E7B;
	v15 =	vimm.s32 $0x3E7C;
	v16 =	vimm.s32 $0x3E7D  }
0xa: {  	v17 =	vimm.s32 $0x3E7E;
	v0 =	vunpack.c.l.s4.s8 v0;
	v1 =	vunpack.c.l.s4.s8 v1  }
0xb: {  	v2 =	vunpack.c.l.s4.s8 v2;
	v4 =	vunpack.c.l.s4.s8 v4;
	v5 =	vunpack.c.l.s4.s8 v5  }
0xc: {  	v6 =	vunpack.c.l.s4.s8 v6;
	v15 =	vsel vm14, $0x3E05, v15;
	v16 =	vsel vm14, $0x3E06, v16  }
0xd: {  	v17 =	vsel vm14, $0x3E07, v17;
	v15 =	vsel vm13, $0x3E0D, v15;
	v16 =	vsel vm13, $0x3E0E, v16  }
0xe: {  	v17 =	vsel vm13, $0x3E0F, v17;
	v7 =	vunpack.c.0.s8.s32 v0;
	v8 =	vunpack.c.0.s8.s32 v1  }
0xf: {  	v0 =	vimm.s32 $0x11007766;
	v1 =	vimm.s32 $0x55443322;
	v11 =	vunpack.c.0.s8.s32 v2  }
0x10: {  	v12 =	vunpack.c.0.s8.s32 v4;
	v5 =	vunpack.c.0.s8.s32 v5;
	v6 =	vunpack.c.0.s8.s32 v6  }
0x11: {  	v15 =	vsel vm12, $0x3E16, v15;
	v16 =	vsel vm12, $0x3E17, v16;
	v17 =	vsel vm12, $0x3E10, v17  }
0x12: {  	v0 =	vunpack.c.l.s4.s8 v0;
	v1 =	vunpack.c.l.s4.s8 v1;
	v15 =	vsel vm11, $0x3E1E, v15  }
0x13: {  	v16 =	vsel vm11, $0x3E1F, v16;
	v17 =	vsel vm11, $0x3E18, v17;
	v4 =	vcombine.low v12, v11  }
0x14: {  	v5 =	vcombine.low v6, v5;
	v15 =	vsel vm10, $0x3E27, v15;
	v16 =	vsel vm10, $0x3E20, v16  }
0x15: {  	v17 =	vsel vm10, $0x3E21, v17;
	v9 =	vunpack.c.0.s8.s32 v0;
	v10 =	vunpack.c.0.s8.s32 v1  }
0x16: {  	v0 =	vmul.u32 $0x8, v3;
	v1 =	vcombine.low v8, v7;
	v7 =	vcombine.low v7, v8  }
0x17: {  	v2 =	vcombine.low v10, v9;
	v8 =	vcombine.low v9, v10;
	v9 =	vimm.s32 $0x3E7F  }
0x18: {  	v3 =	vshrl.u32 v3, $0x1;
	v10 =	vimm.s32 $0x3E78;
	v9 =	vsel vm14, $0x3E00, v9  }
0x19: {  	v15 =	vsel vm9, $0x3E2F, v15;
	v10 =	vsel vm14, $0x3E01, v10;
	v9 =	vsel vm13, $0x3E08, v9  }
0x1a: {  	v16 =	vsel vm9, $0x3E28, v16;
	v10 =	vsel vm13, $0x3E09, v10;
	v9 =	vsel vm12, $0x3E11, v9  }
0x1b: {  	v17 =	vsel vm9, $0x3E29, v17;
	v10 =	vsel vm12, $0x3E12, v10;
	v9 =	vsel vm11, $0x3E19, v9  }
0x1c: {  	s0 =	rddreg [dreg:$0x0];
	v15 =	vsel vm8, $0x3E30, v15;
	v10 =	vsel vm11, $0x3E1A, v10;
	v9 =	vsel vm10, $0x3E22, v9  }
0x1d: {  	s1 =	rddreg [dreg:$0x1];
	v16 =	vsel vm8, $0x3E31, v16;
	v10 =	vsel vm10, $0x3E23, v10;
	v9 =	vsel vm9, $0x3E2A, v9  }
0x1e: {  	s3 =	rddreg [dreg:$0x2];
	v17 =	vsel vm8, $0x3E32, v17;
	v10 =	vsel vm9, $0x3E2B, v10;
	v9 =	vsel vm8, $0x3E33, v9  }
0x1f: {  	s12 =	rddreg [dreg:$0x3];
	v15 =	vsel vm7, $0x3E38, v15;
	v10 =	vsel vm8, $0x3E34, v10;
	v9 =	vsel vm7, $0x3E3B, v9  }
0x20: {  	s4 =	rddreg [dreg:$0x4];
	v16 =	vsel vm7, $0x3E39, v16;
	v10 =	vsel vm7, $0x3E3C, v10;
	v9 =	vsel vm6, $0x3E44, v9  }
0x21: {  	s5 =	simm.s32 $0x0;
	s6 =	srdreg.scid;
	s2 =	stileid.u32;
	v17 =	vsel vm7, $0x3E3A, v17;
	v10 =	vsel vm6, $0x3E45, v10;
	v9 =	vsel vm5, $0x3E4C, v9  }
0x22: {  	s28 =	simm.s32 $0x9;
	s29 =	simm.s32 $0xA;
	[smem:$0x7FF] =	sst s5;
	v15 =	vsel vm6, $0x3E41, v15;
	v10 =	vsel vm5, $0x3E4D, v10;
	v9 =	vsel vm4, $0x3E55, v9  }
0x23: {  	s6 =	sand.u32 $0x1, s6;
	s8 =	smul.u32 $0x61A8, s2;
	s7 =	sshll.u32 s2, $0x1;
	v16 =	vsel vm6, $0x3E42, v16;
	v10 =	vsel vm4, $0x3E56, v10;
	v9 =	vsel vm3, $0x3E5D, v9  }
0x24: {  	s24 =	sshll.u32 s2, $0x6;
	s9 =	ssub.s32 $0x2, s6;
	s6 =	sor.u32 s6, s7;
	v17 =	vsel vm6, $0x3E43, v17;
	v10 =	vsel vm3, $0x3E5E, v10;
	v9 =	vsel vm2, $0x3E66, v9  }
0x25: {  	s10 =	sshrl.u32 s9, $0x1;
	s11 =	sshrl.u32 s8, $0x3;
	s7 =	smul.u32 $0xC350, s6;
	v15 =	vsel vm5, $0x3E49, v15;
	v10 =	vsel vm2, $0x3E67, v10;
	v13 =	vsel vm1, $0x3E6E, v9  }
0x26: {  	s8 =	sadd.s32 s8, s4;
	s6 =	ssub.s32 s9, s10;
	s3 =	sadd.s32 s3, s11;
	[tilespmem:$0x1FF20] =	vst v2;
	v16 =	vsel vm5, $0x3E4A, v16;
	v14 =	vsel vm1, $0x3E6F, v10;
	v6 =	vsel vm0, $0x3E77, v13  }
0x27: {  	s9 =	smov.u32 s1;
	s11 =	simm.s32 $0x3;
	s26 =	sadd.s32 $0x7D0, s7;
	v17 =	vsel vm5, $0x3E4B, v17;
	v15 =	vsel vm4, $0x3E52, v15;
	[tilespmem:$0x1FF30] =	vst v6;
	v6 =	vsel vm0, $0x3E70, v14  }
0x28: {  	s25 =	sshrl.u32 s7, $0x3;
	s16 =	sadd.s32 $0xFA0, s7;
	s20 =	sadd.s32 $0x1770, s7;
	v16 =	vsel vm4, $0x3E53, v16;
	v17 =	vsel vm4, $0x3E54, v17;
	v15 =	vsel vm3, $0x3E5A, v15;
	[tilespmem:$0x1FF40] =	vst v6  }
0x29: {  	s30 =	sadd.s32 s0, s25;
	v16 =	vsel vm3, $0x3E5B, v16;
	v9 =	vcombine.low v11, v12;
	v12 =	vsel vm14, $0x3E02, v61;
	_ =	strace $0x80000047;
	[dreg:$0x6] =	wrdreg s3  }
0x2a: {  	s31 =	sshrl.u32 s26, $0x3;
	s14 =	sadd.s32 s1, s25;
	v17 =	vsel vm3, $0x3E5C, v17;
	v13 =	vsel vm14, $0x3E03, v62;
	v12 =	vsel vm13, $0x3E0A, v12;
	[dreg:$0x8] =	wrdreg s30  }
0x2b: {  	s13 =	sadd.s32 s12, s25;
	s18 =	sshrl.u32 s16, $0x3;
	v14 =	vsel vm14, $0x3E04, v63;
	v13 =	vsel vm13, $0x3E0B, v13;
	v12 =	vsel vm12, $0x3E13, v12;
	[dreg:$0xb] =	wrdreg s26  }
0x2c: {  	s21 =	sshrl.u32 s20, $0x3;
	s15 =	sadd.s32 s0, s31;
	v14 =	vsel vm13, $0x3E0C, v14;
	v13 =	vsel vm12, $0x3E14, v13;
	v12 =	vsel vm11, $0x3E1B, v12;
	[dreg:$0x9] =	wrdreg s14  }
0x2d: {  	s10 =	sadd.s32 $0x1770, s25;
	s17 =	sadd.s32 s1, s31;
	v14 =	vsel vm12, $0x3E15, v14;
	v13 =	vsel vm11, $0x3E1C, v13;
	v12 =	vsel vm10, $0x3E24, v12;
	[dreg:$0xa] =	wrdreg s15  }
0x2e: {  	s25 =	smax.u32 s6, $0x1;
	s6 =	simm.s32 $0x7D0;
	[dreg:$0xc] =	wrdreg s17;
	v14 =	vsel vm11, $0x3E1D, v14;
	v13 =	vsel vm10, $0x3E25, v13;
	v12 =	vsel vm9, $0x3E2C, v12  }
0x2f: {  	s2 =	sadd.s32 s0, s18;
	s19 =	sadd.s32 s1, s18;
	[dreg:$0x10] =	wrdreg s16;
	v14 =	vsel vm10, $0x3E26, v14;
	v13 =	vsel vm9, $0x3E2D, v13;
	v12 =	vsel vm8, $0x3E35, v12  }
0x30: {  	s22 =	sadd.s32 s1, s21;
	s23 =	sadd.s32 s1, s10;
	[dreg:$0xe] =	wrdreg s2;
	v14 =	vsel vm9, $0x3E2E, v14;
	v13 =	vsel vm8, $0x3E36, v13;
	v12 =	vsel vm7, $0x3E3D, v12  }
0x31: {  	s18 =	simm.s32 $0x2;
	s1 =	simm.s32 $0x0;
	[dreg:$0xf] =	wrdreg s19;
	v14 =	vsel vm8, $0x3E37, v14;
	v13 =	vsel vm7, $0x3E3E, v13;
	v12 =	vsel vm6, $0x3E46, v12  }
0x32: {  	s3 =	sor.u32 $0x1C0B, s24;
	s14 =	smov.u32 s7;
	[dreg:$0x13] =	wrdreg s22;
	v14 =	vsel vm7, $0x3E3F, v14;
	v13 =	vsel vm6, $0x3E47, v13;
	v12 =	vsel vm5, $0x3E4E, v12  }
0x33: {  	s19 =	smov.u32 s20;
	s2 =	sadd.s32 s0, s21;
	[dreg:$0x15] =	wrdreg s23;
	[tilespmem:$0x1FFB0] =	vst v0;
	v14 =	vsel vm6, $0x3E40, v14;
	v13 =	vsel vm5, $0x3E4F, v13;
	v12 =	vsel vm4, $0x3E57, v12  }
0x34: {  	s7 =	smov.u32 s12;
	s24 =	sadd.s32 s12, s10;
	[dreg:$0x17] =	wrdreg s25;
	[tilespmem:$0x1FFC0] =	vst v1;
	v14 =	vsel vm5, $0x3E48, v14;
	v13 =	vsel vm4, $0x3E50, v13;
	v12 =	vsel vm3, $0x3E5F, v12  }
0x35: {  	s26 =	sshrl.u32 s8, $0x3;
	s30 =	sadd.s32 $0x157C, s13;
	[dreg:$0xd] =	wrdreg s13;
	[tilespmem:$0x1FFD0] =	vst v4;
	v14 =	vsel vm4, $0x3E51, v14;
	v13 =	vsel vm3, $0x3E58, v13;
	v12 =	vsel vm2, $0x3E60, v12  }
0x36: {  	s8 =	simm.s32 $0x1770;
	s15 =	simm.s32 $0x5;
	[tilespmem:$0x1FFE0] =	vst v7;
	[dreg:$0x7] =	wrdreg s3;
	v14 =	vsel vm3, $0x3E59, v14;
	v13 =	vsel vm2, $0x3E61, v13;
	v12 =	vsel vm1, $0x3E68, v12  }
0x37: {  	s17 =	simm.s32 $0x7;
	s20 =	simm.s32 $0x4;
	[tilespmem:$0x1FFF0] =	vst v3;
	[dreg:$0x12] =	wrdreg s2;
	v14 =	vsel vm2, $0x3E62, v14;
	v13 =	vsel vm1, $0x3E69, v13;
	v6 =	vsel vm0, $0x3E71, v12  }
0x38: {  	v15 =	vsel vm2, $0x3E63, v15;
	s21 =	simm.s32 $0x5DC0;
	s22 =	simm.s32 $0xDAC0;
	[dreg:$0x16] =	wrdreg s24;
	v14 =	vsel vm1, $0x3E6A, v14;
	[tilespmem:$0x1FF50] =	vst v6;
	v6 =	vsel vm0, $0x3E72, v13  }
0x39: {  	v16 =	vsel vm2, $0x3E64, v16;
	v15 =	vsel vm1, $0x3E6B, v15;
	s25 =	simm.s32 $0x8;
	s3 =	sadd.s32 s12, s31;
	[dreg:$0x18] =	wrdreg s26;
	[tilespmem:$0x1FF60] =	vst v6;
	v6 =	vsel vm0, $0x3E73, v14  }
0x3a: {  	v17 =	vsel vm2, $0x3E65, v17;
	v16 =	vsel vm1, $0x3E6C, v16;
	s2 =	smov.u32 s0;
	s0 =	sadd.s32 s0, s10;
	[dreg:$0x19] =	wrdreg s30;
	[tilespmem:$0x1FF70] =	vst v6;
	v6 =	vsel vm0, $0x3E74, v15  }
0x3b: {  	v17 =	vsel vm1, $0x3E6D, v17;
	s31 =	sadd.s32 $0x1676, s13;
	s10 =	simm.s32 $0x1;
	[dreg:$0x11] =	wrdreg s3;
	[tilespmem:$0x1FF80] =	vst v6;
	v6 =	vsel vm0, $0x3E75, v16  }
0x3c: {  	s12 =	simm.s32 $0x1F40;
	s13 =	simm.s32 $0x9C40;
	[dreg:$0x14] =	wrdreg s0;
	[tilespmem:$0x1FF90] =	vst v6;
	v6 =	vsel vm0, $0x3E76, v17  }
0x3d: {  	s24 =	simm.s32 $0x6;
	[dreg:$0x1a] =	wrdreg s31;
	s3 =	simm.s32 $0xFA0;
	[tilespmem:$0x1FFA0] =	vst v6  }
.LBB2_1:
0x3e: {  	[dreg:$0x1b] =	wrdreg s1  }
0x3f: {  	s0 =	rddreg [dreg:$0x6]  }
0x40: {  	s23 =	rddreg [dreg:$0x7]  }
0x41: {  	s16 =	rddreg [dreg:$0x18];
	s26 =	simm.s32 $0xB  }
0x42: {  	[spmem:s16], [sflag:s23] =	dma.local [hbm:s0], $0xC35  }
0x43: {  	_ =	swait.ge [sflag:s26], $0xC35  }
0x44: {  	[sflag:s26] =	ssyncset.done $0x0  }
0x45: {  	[sflag:s26] =	ssyncadd.s32 $0xFFFFF3CB  }
0x46: {  	[bflag:$0x0] =	sbarrier.arrive $0xFFFF  }
0x47: {  	s31 =	rddreg [dreg:$0x8]  }
0x48: {  	[tilespmem:s5], [sflag:$0x1] =	stream.linear.gather [hbm4b:s31+s5], $0x7D0, $0x38;
	[tilespmem:$0x18A88] =	vst v63  }
0x49: {  	s1 =	rddreg [dreg:$0x9]  }
0x4a: {  	[tilespmem:s3], [sflag:$0x3] =	stream.linear.gather [hbm4b:s1+s5], $0x7D0, $0x38;
	[tilespmem:$0x18A88] =	vst v63  }
0x4b: {  	s16 =	rddreg [dreg:$0xa]  }
0x4c: {  	[tilespmem:s6], [sflag:$0x2] =	stream.linear.gather [hbm4b:s16+s5], $0x7D0, $0x38;
	[tilespmem:$0x18A88] =	vst v63  }
0x4d: {  	s23 =	rddreg [dreg:$0xc]  }
0x4e: {  	[tilespmem:s8], [sflag:$0x4] =	stream.linear.gather [hbm4b:s23+s5], $0x7D0, $0x38;
	[tilespmem:$0x18A88] =	vst v63  }
0x4f: {  	_ =	swait.ge [sflag:s10], $0x7D0  }
0x50: {  	[sflag:s10] =	ssyncset.done $0x0  }
0x51: {  	[sflag:s10] =	ssyncadd.s32 $0xFFFFF830  }
0x52: {  	_ =	swait.ge [sflag:s11], $0x7D0  }
0x53: {  	[sflag:s11] =	ssyncset.done $0x0  }
0x54: {  	[sflag:s11] =	ssyncadd.s32 $0xFFFFF830  }
0x55: {  	[tilespmem:s12], [sflag:$0x5] =	stream.indirect.gather [spmem:s4], $0x8, s5, s6, $0xb8;
	[tilespmem:$0x18A88] =	vst v63  }
0x56: {  	_ = 	snop  }
0x57: {  	[tilespmem:s13], [sflag:$0x7] =	stream.indirect.gather [spmem:s4], $0x8, s3, s6, $0xb8;
	[tilespmem:$0x18A88] =	vst v63  }
0x58: {  	_ =	swait.ge [sflag:s15], $0x3E80  }
0x59: {  	[sflag:s15] =	ssyncset.done $0x0  }
0x5a: {  	[sflag:s15] =	ssyncadd.s32 $0xFFFFC180  }
0x5b: {  	_ =	swait.ge [sflag:s17], $0x3E80  }
0x5c: {  	[sflag:s17] =	ssyncset.done $0x0  }
0x5d: {  	[sflag:s17] =	ssyncadd.s32 $0xFFFFC180  }
0x5e: {  	s26 =	simm.s32 $0x30;
	_ =	swait.ge [sflag:s18], $0x7D0  }
0x5f: {  	v18 =	vmov s26;
	[sflag:s18] =	ssyncset.done $0x0  }
0x60: {  	v18 =	vshll.u32 v18, $0x3;
	[sflag:s18] =	ssyncadd.s32 $0xFFFFF830  }
0x61: {  	v18 =	vor.u32 v0, v18;
	_ =	swait.ge [sflag:s20], $0x7D0  }
0x62: {  	v19 =	vor.u32 v8, v18;
	[sflag:s20] =	ssyncset.done $0x0  }
0x63: {  	[sflag:s20] =	ssyncadd.s32 $0xFFFFF830  }
0x64: {  	v20 =	vor.u32 v5, v18;
	[tilespmem:s21], [sflag:$0x6] =	stream.indirect.gather [spmem:s4], $0x8, s6, s6, $0xb8;
	[tilespmem:$0x18A88] =	vst v63  }
0x65: {  	_ = 	snop  }
0x66: {  	v23 =	vor.u32 v3, v18;
	v2 =	vld [tilespmem:$0x1FF20];
	[tilespmem:s22], [sflag:$0x8] =	stream.indirect.gather [spmem:s4], $0x8, s8, s6, $0xb8  }
0x67: {  	v22 =	vld.idx.msk [tilespmem:v19+s12+$0x0], $0xffff  }
0x68: {  	v25 =	vor.u32 v1, v18;
	v19 =	vld.idx.msk [tilespmem:v19+s13+$0x0], $0xffff  }
0x69: {  	v24 =	vld.idx.msk [tilespmem:v20+s12+$0x0], $0xffff  }
0x6a: {  	s31 =	simm.s32 $0x10;
	v27 =	vor.u32 v4, v18;
	v20 =	vld.idx.msk [tilespmem:v20+s13+$0x0], $0xffff  }
0x6b: {  	v30 =	vmov s31;
	v28 =	vld.idx.msk [tilespmem:v23+s12+$0x0], $0xffff  }
0x6c: {  	v29 =	vor.u32 v7, v18;
	v30 =	vshll.u32 v30, $0x3;
	v23 =	vld.idx.msk [tilespmem:v23+s13+$0x0], $0xffff  }
0x6d: {  	v30 =	vor.u32 v0, v30;
	v31 =	vld.idx.msk [tilespmem:v25+s12+$0x0], $0xffff  }
0x6e: {  	s0 =	simm.s32 $0x20;
	v33 =	vor.u32 v3, v30;
	v25 =	vld.idx.msk [tilespmem:v25+s13+$0x0], $0xffff  }
0x6f: {  	v34 =	vmov s0;
	v32 =	vld.idx.msk [tilespmem:v27+s12+$0x0], $0xffff  }
0x70: {  	v34 =	vshll.u32 v34, $0x3;
	v36 =	vor.u32 v1, v30;
	v27 =	vld.idx.msk [tilespmem:v27+s13+$0x0], $0xffff  }
0x71: {  	v34 =	vor.u32 v0, v34;
	v35 =	vld.idx.msk [tilespmem:v29+s12+$0x0], $0xffff  }
0x72: {  	v38 =	vor.u32 v3, v34;
	v29 =	vld.idx.msk [tilespmem:v29+s13+$0x0], $0xffff  }
0x73: {  	v39 =	vmov s5;
	v40 =	vld.idx.msk [tilespmem:v33+s12+$0x0], $0xffff  }
0x74: {  	v39 =	vshll.u32 v39, $0x3;
	v41 =	vor.u32 v1, v34;
	v33 =	vld.idx.msk [tilespmem:v33+s13+$0x0], $0xffff  }
0x75: {  	v39 =	vor.u32 v0, v39;
	v42 =	vld.idx.msk [tilespmem:v36+s12+$0x0], $0xffff  }
0x76: {  	v43 =	vor.u32 v3, v39;
	v36 =	vld.idx.msk [tilespmem:v36+s13+$0x0], $0xffff  }
0x77: {  	v44 =	vld.idx.msk [tilespmem:v38+s12+$0x0], $0xffff  }
0x78: {  	v45 =	vor.u32 v1, v39;
	v38 =	vld.idx.msk [tilespmem:v38+s13+$0x0], $0xffff  }
0x79: {  	v46 =	vld.idx.msk [tilespmem:v41+s12+$0x0], $0xffff  }
0x7a: {  	v61 =	vor.u32 v7, v34;
	v41 =	vld.idx.msk [tilespmem:v41+s13+$0x0], $0xffff  }
0x7b: {  	v12 =	vor.u32 v5, v39;
	v48 =	vld.idx.msk [tilespmem:v43+s12+$0x0], $0xffff  }
0x7c: {  	v14 =	vor.u32 v8, v34;
	v43 =	vld.idx.msk [tilespmem:v43+s13+$0x0], $0xffff  }
0x7d: {  	v21 =	vor.u32 v2, v18;
	v50 =	vld.idx.msk [tilespmem:v45+s12+$0x0], $0xffff  }
0x7e: {  	v45 =	vld.idx.msk [tilespmem:v45+s13+$0x0], $0xffff  }
0x7f: {  	v18 =	vor.u32 v9, v18;
	v55 =	vld.idx.msk [tilespmem:v61+s12+$0x0], $0xffff  }
0x80: {  	v57 =	vld.idx.msk [tilespmem:v12+s12+$0x0], $0xffff  }
0x81: {  	v47 =	vor.u32 v2, v30;
	v58 =	vld.idx.msk [tilespmem:v14+s12+$0x0], $0xffff  }
0x82: {  	v26 =	vld.idx.msk [tilespmem:v21+s12+$0x0], $0xffff  }
0x83: {  	v49 =	vor.u32 v4, v30;
	v21 =	vld.idx.msk [tilespmem:v21+s13+$0x0], $0xffff  }
0x84: {  	v37 =	vld.idx.msk [tilespmem:v18+s12+$0x0], $0xffff  }
0x85: {  	v51 =	vor.u32 v2, v34;
	v18 =	vld.idx.msk [tilespmem:v18+s13+$0x0], $0xffff  }
0x86: {  	v56 =	vor.u32 v8, v30;
	v52 =	vld.idx.msk [tilespmem:v47+s12+$0x0], $0xffff  }
0x87: {  	v47 =	vld.idx.msk [tilespmem:v47+s13+$0x0], $0xffff  }
0x88: {  	v23 =	vmul.bf16 v23, v28;
	v28 =	vld.idx.msk [tilespmem:v49+s12+$0x0], $0xffff  }
0x89: {  	v53 =	vor.u32 v4, v34;
	v25 =	vmul.bf16 v25, v31;
	v31 =	vld.idx.msk [tilespmem:v49+s13+$0x0], $0xffff  }
0x8a: {  	v60 =	vor.u32 v5, v34;
	v27 =	vmul.bf16 v27, v32;
	v32 =	vld.idx.msk [tilespmem:v51+s13+$0x0], $0xffff  }
0x8b: {  	v6 =	vimm.bf16 $0.0e+00;
	v20 =	vmul.bf16 v20, v24;
	v36 =	vmul.bf16 v36, v42;
	v42 =	vld.idx.msk [tilespmem:v56+s12+$0x0], $0xffff  }
0x8c: {  	v24 =	vor.u32 v5, v30;
	v41 =	vmul.bf16 v41, v46;
	v46 =	vld.idx.msk [tilespmem:v56+s13+$0x0], $0xffff;
	v25 =	vadd.bf16 v6, v25  }
0x8d: {  	v19 =	vmul.bf16 v19, v22;
	v33 =	vmul.bf16 v33, v40;
	v40 =	vld.idx.msk [tilespmem:v14+s13+$0x0], $0xffff  }
0x8e: {  	v22 =	vor.u32 v7, v30;
	v25 =	vadd.bf16 v27, v25;
	v27 =	vmul.bf16 v29, v35;
	v29 =	vld.idx.msk [tilespmem:v53+s13+$0x0], $0xffff  }
0x8f: {  	v35 =	vld.idx.msk [tilespmem:v60+s13+$0x0], $0xffff  }
0x90: {  	v21 =	vmul.bf16 v21, v26;
	v26 =	vld.idx.msk [tilespmem:v51+s12+$0x0], $0xffff  }
0x91: {  	v30 =	vor.u32 v9, v30;
	v51 =	vld.idx.msk [tilespmem:v24+s12+$0x0], $0xffff  }
0x92: {  	v24 =	vld.idx.msk [tilespmem:v24+s13+$0x0], $0xffff  }
0x93: {  	v54 =	vor.u32 v2, v39;
	v49 =	vld.idx.msk [tilespmem:v22+s12+$0x0], $0xffff  }
0x94: {  	v59 =	vor.u32 v4, v39;
	v22 =	vld.idx.msk [tilespmem:v22+s13+$0x0], $0xffff  }
0x95: {  	v13 =	vor.u32 v7, v39;
	v34 =	vor.u32 v9, v34;
	v18 =	vmul.bf16 v18, v37;
	v37 =	vld.idx.msk [tilespmem:v61+s13+$0x0], $0xffff  }
0x96: {  	v38 =	vmul.bf16 v38, v44;
	v23 =	vadd.bf16 v6, v23;
	v28 =	vmul.bf16 v31, v28;
	v31 =	vld.idx.msk [tilespmem:v30+s12+$0x0], $0xffff  }
0x97: {  	s1 =	simm.s32 $0x70;
	v43 =	vmul.bf16 v43, v48;
	v33 =	vadd.bf16 v6, v33;
	v36 =	vadd.bf16 v6, v36;
	v30 =	vld.idx.msk [tilespmem:v30+s13+$0x0], $0xffff  }
0x98: {  	v56 =	vmov s1;
	v25 =	vadd.bf16 v27, v25;
	v27 =	vld.idx.msk [tilespmem:v54+s13+$0x0], $0xffff;
	v21 =	vadd.bf16 v21, v23  }
0x99: {  	v45 =	vmul.bf16 v45, v50;
	v38 =	vadd.bf16 v6, v38;
	v41 =	vadd.bf16 v6, v41;
	v23 =	vld.idx.msk [tilespmem:v53+s12+$0x0], $0xffff  }
0x9a: {  	v15 =	vmul.bf16 v47, v52;
	v52 =	vor.u32 v8, v39;
	v53 =	vld.idx.msk [tilespmem:v12+s13+$0x0], $0xffff;
	v20 =	vadd.bf16 v20, v21  }
0x9b: {  	v43 =	vadd.bf16 v6, v43;
	v39 =	vor.u32 v9, v39;
	v18 =	vadd.bf16 v18, v25;
	v25 =	vld.idx.msk [tilespmem:v59+s13+$0x0], $0xffff  }
0x9c: {  	v40 =	vmul.bf16 v40, v58;
	v28 =	vadd.bf16 v28, v36;
	v21 =	vld.idx.msk [tilespmem:v54+s12+$0x0], $0xffff;
	v19 =	vadd.bf16 v19, v20  }
0x9d: {  	v36 =	vshll.u32 v56, $0x3;
	v54 =	vld.idx.msk [tilespmem:v13+s13+$0x0], $0xffff;
	v63 =	vunpack.i.u.bf16.f32 v18;
	v18 =	vunpack.i.l.bf16.f32 v18  }
0x9e: {  	v20 =	vld.idx.msk [tilespmem:v59+s12+$0x0], $0xffff;
	v59 =	vor.u32 v0, v36;
	v62 =	vunpack.i.u.bf16.f32 v19;
	v19 =	vunpack.i.l.bf16.f32 v19  }
0x9f: {  	v61 =	vld.idx.msk [tilespmem:v52+s12+$0x0], $0xffff;
	v18 =	vadd.f32 v18, v63;
	v12 =	vor.u32 v2, v59;
	v19 =	vadd.f32 v19, v62  }
0xa0: {  	v33 =	vadd.bf16 v15, v33;
	v26 =	vmul.bf16 v32, v26;
	v24 =	vmul.bf16 v24, v51;
	v63 =	vld.idx.msk [tilespmem:v52+s13+$0x0], $0xffff  }
0xa1: {  	s26 =	simm.s32 $0x50;
	v30 =	vmul.bf16 v30, v31;
	v31 =	vor.u32 v4, v59;
	v18 =	vadd.f32 v18, v19;
	v19 =	vld.idx.msk [tilespmem:v60+s12+$0x0], $0xffff  }
0xa2: {  	v22 =	vmul.bf16 v22, v49;
	v51 =	vmov s26;
	v23 =	vmul.bf16 v29, v23;
	v60 =	vld.idx.msk [tilespmem:v34+s12+$0x0], $0xffff  }
0xa3: {  	v29 =	vor.u32 v8, v59;
	v26 =	vadd.bf16 v26, v38;
	v32 =	vor.u32 v9, v59;
	v34 =	vld.idx.msk [tilespmem:v34+s13+$0x0], $0xffff  }
0xa4: {  	v24 =	vadd.bf16 v24, v33;
	v22 =	vadd.bf16 v22, v28;
	v28 =	vor.u32 v3, v59;
	v15 =	vld.idx.msk [tilespmem:v12+s12+$0x0], $0xffff  }
0xa5: {  	v20 =	vmul.bf16 v25, v20;
	v25 =	vadd.bf16 v6, v45;
	v45 =	vld.idx.msk [tilespmem:v12+s13+$0x0], $0xffff;
	v18 =	vsub.f32 $0.0e+00, v18  }
0xa6: {  	v14 =	vor.u32 v1, v59;
	v21 =	vmul.bf16 v27, v21;
	v23 =	vadd.bf16 v23, v41;
	v58 =	vld.idx.msk [tilespmem:v31+s12+$0x0], $0xffff  }
0xa7: {  	v62 =	vor.u32 v5, v59;
	v22 =	vadd.bf16 v30, v22;
	v31 =	vld.idx.msk [tilespmem:v31+s13+$0x0], $0xffff;
	v18 =	vmul.f32 $1.442695020e+00, v18  }
0xa8: {  	v38 =	vmul.bf16 v63, v61;
	v12 =	vld.idx.msk [tilespmem:v32+s12+$0x0], $0xffff;
	v20 =	vadd.bf16 v20, v25;
	v25 =	vmul.bf16 v37, v55  }
0xa9: {  	s23 =	simm.s32 $0x40;
	v21 =	vadd.bf16 v21, v43;
	v19 =	vmul.bf16 v35, v19;
	(erf) = vpow2.f32 v18;
	v18 =	vld.idx.msk [tilespmem:v13+s12+$0x0], $0xffff  }
0xaa: {  	v32 =	vld.idx.msk [tilespmem:v32+s13+$0x0], $0xffff;
	v23 =	vadd.bf16 v25, v23;
	v34 =	vmul.bf16 v34, v60;
	v13 =	vmov s23  }
0xab: {  	v56 =	vld.idx.msk [tilespmem:v14+s13+$0x0], $0xffff;
	v45 =	vmul.bf16 v45, v15;
	v26 =	vadd.bf16 v19, v26;
	v19 =	vmul.bf16 v53, v57  }
0xac: {  	v31 =	vmul.bf16 v31, v58;
	v33 =	vshll.u32 v13, $0x3;
	v53 =	vld.idx.msk [tilespmem:v28+s12+$0x0], $0xffff;
	v23 =	vadd.bf16 v34, v23  }
0xad: {  	v28 =	vld.idx.msk [tilespmem:v28+s13+$0x0], $0xffff;
	v13 =	vunpack.i.u.bf16.f32 v22;
	v22 =	vunpack.i.l.bf16.f32 v22;
	v21 =	vadd.bf16 v19, v21  }
0xae: {  	v55 =	vld.idx.msk [tilespmem:v14+s12+$0x0], $0xffff;
	v19 =	vmul.bf16 v46, v42;
	v18 =	vmul.bf16 v54, v18;
	v54 =	vor.u32 v7, v59  }
0xaf: {  	v41 =	vld.idx.msk [tilespmem:v62+s13+$0x0], $0xffff;
	v32 =	vmul.bf16 v32, v12;
	v22 =	vadd.f32 v22, v13;
	v26 =	vadd.bf16 v40, v26  }
0xb0: {  	v25 =	vld.idx.msk [tilespmem:v62+s12+$0x0], $0xffff;
	v42 =	vshll.u32 v51, $0x3;
	v24 =	vadd.bf16 v19, v24;
	v19 =	vor.u32 v0, v33  }
0xb1: {  	v35 =	vld.idx.msk [tilespmem:v29+s12+$0x0], $0xffff;
	v50 =	vunpack.i.u.bf16.f32 v26;
	v26 =	vunpack.i.l.bf16.f32 v26;
	v61 =	vor.u32 v3, v19  }
0xb2: {  	v29 =	vld.idx.msk [tilespmem:v29+s13+$0x0], $0xffff;
	v28 =	vmul.bf16 v28, v53;
	v15 =	vor.u32 v1, v19;
	v53 =	vunpack.i.u.bf16.f32 v23;
	v27 =	vpop (erf)  }
0xb3: {  	v52 =	vadd.bf16 v18, v20;
	v18 =	vor.u32 v0, v42;
	v27 =	vadd.f32 $1.000000000e+00, v27;
	v60 =	vld.idx.msk [tilespmem:v54+s12+$0x0], $0xffff  }
0xb4: {  	v63 =	vunpack.i.u.bf16.f32 v24;
	v24 =	vunpack.i.l.bf16.f32 v24;
	v57 =	vor.u32 v3, v18;
	v43 =	vld.idx.msk [tilespmem:v54+s13+$0x0], $0xffff  }
0xb5: {  	v23 =	vunpack.i.l.bf16.f32 v23;
	v24 =	vadd.f32 v24, v63;
	(erf) = vrcp.f32 v27;
	v27 =	vld.idx.msk [tilespmem:v39+s12+$0x0], $0xffff  }
0xb6: {  	v26 =	vadd.f32 v26, v50;
	v23 =	vadd.f32 v23, v53;
	v30 =	vor.u32 v1, v18;
	v39 =	vld.idx.msk [tilespmem:v39+s13+$0x0], $0xffff  }
0xb7: {  	v25 =	vmul.bf16 v41, v25;
	v33 =	vmul.bf16 v56, v55;
	v22 =	vadd.f32 v22, v24;
	v24 =	vld.idx.msk [tilespmem:v61+s12+$0x0], $0xffff  }
0xb8: {  	s31 =	simm.s32 $0x60;
	v29 =	vmul.bf16 v29, v35;
	v21 =	vadd.bf16 v38, v21;
	v23 =	vadd.f32 v23, v26;
	v26 =	vld.idx.msk [tilespmem:v15+s12+$0x0], $0xffff  }
0xb9: {  	v20 =	vmov s31;
	v33 =	vadd.bf16 v6, v33;
	v48 =	vor.u32 v2, v18;
	v14 =	vld.idx.msk [tilespmem:v57+s12+$0x0], $0xffff  }
0xba: {  	v20 =	vshll.u32 v20, $0x3;
	v28 =	vadd.bf16 v6, v28;
	v51 =	vor.u32 v4, v18;
	v36 =	vld.idx.msk [tilespmem:v57+s13+$0x0], $0xffff  }
0xbb: {  	v13 =	vor.u32 v7, v18;
	v20 =	vor.u32 v0, v20;
	v49 =	vld.idx.msk [tilespmem:v30+s12+$0x0], $0xffff;
	v27 =	vmul.bf16 v39, v27  }
0xbc: {  	v31 =	vadd.bf16 v31, v33;
	v62 =	vor.u32 v1, v20;
	v28 =	vadd.bf16 v45, v28;
	v30 =	vld.idx.msk [tilespmem:v30+s13+$0x0], $0xffff  }
0xbd: {  	v54 =	vunpack.i.u.bf16.f32 v21;
	v21 =	vunpack.i.l.bf16.f32 v21;
	v57 =	vld.idx.msk [tilespmem:v61+s13+$0x0], $0xffff;
	v27 =	vadd.bf16 v27, v52  }
0xbe: {  	v56 =	vor.u32 v2, v20;
	v21 =	vadd.f32 v21, v54;
	v23 =	vsub.f32 $0.0e+00, v23;
	v61 =	vld.idx.msk [tilespmem:v48+s13+$0x0], $0xffff  }
0xbf: {  	v41 =	vld.idx.msk [tilespmem:v51+s13+$0x0], $0xffff;
	v34 =	vmul.bf16 v43, v60;
	v55 =	vunpack.i.u.bf16.f32 v27;
	v27 =	vunpack.i.l.bf16.f32 v27  }
0xc0: {  	v58 =	vor.u32 v4, v20;
	v25 =	vadd.bf16 v25, v28;
	v46 =	vld.idx.msk [tilespmem:v13+s13+$0x0], $0xffff;
	v27 =	vadd.f32 v27, v55  }
0xc1: {  	v59 =	vor.u32 v3, v20;
	v22 =	vsub.f32 $0.0e+00, v22;
	v28 =	vld.idx.msk [tilespmem:v62+s12+$0x0], $0xffff;
	v31 =	vadd.bf16 v34, v31  }
0xc2: {  	v23 =	vmul.f32 $1.442695020e+00, v23;
	v25 =	vadd.bf16 v29, v25;
	v40 =	vld.idx.msk [tilespmem:v62+s13+$0x0], $0xffff;
	v21 =	vadd.f32 v27, v21  }
0xc3: {  	v29 =	vor.u32 v2, v19;
	v22 =	vmul.f32 $1.442695020e+00, v22;
	v62 =	vld.idx.msk [tilespmem:v51+s12+$0x0], $0xffff;
	v31 =	vadd.bf16 v32, v31  }
0xc4: {  	v63 =	vld.idx.msk [tilespmem:v56+s13+$0x0], $0xffff;
	v60 =	vunpack.i.u.bf16.f32 v25;
	v25 =	vunpack.i.l.bf16.f32 v25;
	v21 =	vsub.f32 $0.0e+00, v21  }
0xc5: {  	v35 =	vld.idx.msk [tilespmem:v58+s13+$0x0], $0xffff;
	(erf) = vpow2.f32 v22;
	v22 =	vunpack.i.u.bf16.f32 v31;
	v31 =	vunpack.i.l.bf16.f32 v31  }
0xc6: {  	v39 =	vld.idx.msk [tilespmem:v59+s13+$0x0], $0xffff;
	v25 =	vadd.f32 v25, v60;
	v22 =	vadd.f32 v31, v22;
	v21 =	vmul.f32 $1.442695020e+00, v21  }
0xc7: {  	(erf) = vpow2.f32 v23;
	v52 =	vld.idx.msk [tilespmem:v59+s12+$0x0], $0xffff  }
0xc8: {  	v23 =	vor.u32 v4, v19;
	v59 =	vld.idx.msk [tilespmem:v48+s12+$0x0], $0xffff;
	(erf) = vpow2.f32 v21;
	v21 =	vadd.f32 v22, v25  }
0xc9: {  	v12 =	vld.idx.msk [tilespmem:v29+s12+$0x0], $0xffff  }
0xca: {  	v29 =	vld.idx.msk [tilespmem:v29+s13+$0x0], $0xffff;
	v21 =	vsub.f32 $0.0e+00, v21  }
0xcb: {  	v31 =	vld.idx.msk [tilespmem:v56+s12+$0x0], $0xffff;
	v25 =	vor.u32 v5, v18  }
0xcc: {  	v36 =	vmul.bf16 v36, v14;
	v27 =	vld.idx.msk [tilespmem:v15+s13+$0x0], $0xffff;
	v21 =	vmul.f32 $1.442695020e+00, v21  }
0xcd: {  	v30 =	vmul.bf16 v30, v49;
	v49 =	vor.u32 v5, v20;
	v24 =	vmul.bf16 v57, v24;
	v15 =	vld.idx.msk [tilespmem:v23+s12+$0x0], $0xffff  }
0xce: {  	v57 =	vor.u32 v5, v19;
	v36 =	vadd.bf16 v6, v36;
	v14 =	vpop (erf);
	v22 =	vld.idx.msk [tilespmem:v58+s12+$0x0], $0xffff;
	(erf) = vpow2.f32 v21  }
0xcf: {  	v28 =	vmul.bf16 v40, v28;
	v30 =	vadd.bf16 v6, v30;
	v24 =	vadd.bf16 v6, v24;
	v23 =	vld.idx.msk [tilespmem:v23+s13+$0x0], $0xffff;
	v50 =	vpop (erf)  }
0xd0: {  	v33 =	vmul.bf16 v39, v52;
	v52 =	vor.u32 v7, v20;
	v51 =	vadd.f32 $1.000000000e+00, v50;
	v54 =	vpop (erf);
	v21 =	vld.idx.msk [tilespmem:v25+s12+$0x0], $0xffff  }
0xd1: {  	v53 =	vmul.bf16 v41, v62;
	v28 =	vadd.bf16 v6, v28;
	v41 =	vadd.f32 $1.000000000e+00, v54;
	v25 =	vld.idx.msk [tilespmem:v25+s13+$0x0], $0xffff;
	v56 =	vpop (erf)  }
0xd2: {  	v37 =	vmul.bf16 v61, v59;
	v39 =	vld.idx.msk [tilespmem:v49+s13+$0x0], $0xffff;
	(erf) = vrcp.f32 v51;
	v42 =	vadd.f32 $1.000000000e+00, v56  }
0xd3: {  	v59 =	vor.u32 v7, v19;
	v58 =	vld.idx.msk [tilespmem:v49+s12+$0x0], $0xffff;
	v22 =	vmul.bf16 v35, v22;
	(erf) = vrcp.f32 v41  }
0xd4: {  	v55 =	vld.idx.msk [tilespmem:v13+s12+$0x0], $0xffff;
	v61 =	vor.u32 v8, v18;
	v27 =	vmul.bf16 v27, v26;
	(erf) = vrcp.f32 v42  }
0xd5: {  	v33 =	vadd.bf16 v6, v33;
	v31 =	vmul.bf16 v63, v31;
	v60 =	vld.idx.msk [tilespmem:v52+s12+$0x0], $0xffff;
	v23 =	vmul.bf16 v23, v15  }
0xd6: {  	v62 =	vld.idx.msk [tilespmem:v52+s13+$0x0], $0xffff;
	v63 =	vmul.bf16 v25, v21;
	v21 =	vor.u32 v9, v18;
	v18 =	vadd.bf16 v6, v27  }
0xd7: {  	v29 =	vmul.bf16 v29, v12;
	v37 =	vadd.bf16 v37, v36;
	v26 =	vld.idx.msk [tilespmem:v57+s12+$0x0], $0xffff;
	v28 =	vadd.bf16 v22, v28;
	v22 =	vpop (erf)  }
0xd8: {  	v43 =	vld.idx.msk [tilespmem:v59+s12+$0x0], $0xffff;
	v36 =	vadd.bf16 v23, v18;
	v23 =	vmul.bf16 v39, v58;
	v10 =	vadd.f32 $1.000000000e+00, v22  }
0xd9: {  	s16 =	simm.s32 $0x11960;
	v30 =	vadd.bf16 v53, v30;
	v34 =	vadd.bf16 v29, v24;
	v24 =	vmul.bf16 v46, v55;
	v44 =	vld.idx.msk [tilespmem:v59+s13+$0x0], $0xffff  }
0xda: {  	[tilespmem:s16+$0x10] =	vst v14;
	v31 =	vadd.bf16 v31, v33;
	v46 =	vld.idx.msk [tilespmem:v61+s12+$0x0], $0xffff;
	v22 =	vor.u32 v8, v20;
	(erf) = vrcp.f32 v10  }
0xdb: {  	v29 =	vor.u32 v8, v19;
	v19 =	vor.u32 v9, v19;
	v38 =	vadd.bf16 v24, v30;
	v47 =	vld.idx.msk [tilespmem:v61+s13+$0x0], $0xffff;
	v27 =	vpop (erf)  }
0xdc: {  	v25 =	vld.idx.msk [tilespmem:v57+s13+$0x0], $0xffff;
	v40 =	vadd.bf16 v23, v31;
	v20 =	vor.u32 v9, v20;
	[tilespmem:s16+$0xFFFFFFF0] =	vst v27;
	v23 =	vpop (erf)  }
0xdd: {  	s30 =	simm.s32 $0x4;
	s26 =	simm.s32 $0x80;
	v24 =	vmul.bf16 v62, v60;
	v37 =	vadd.bf16 v63, v37;
	v48 =	vld.idx.msk [tilespmem:v21+s12+$0x0], $0xffff;
	[tilespmem:s16+$0x0] =	vst v23;
	v23 =	vpop (erf)  }
.LBB2_2:
0xde: {  	v50 =	vld.idx.msk [tilespmem:v21+s13+$0x0], $0xffff  }
0xdf: {  	v52 =	vld.idx.msk [tilespmem:v22+s12+$0x0], $0xffff  }
0xe0: {  	v53 =	vld.idx.msk [tilespmem:v22+s13+$0x0], $0xffff  }
0xe1: {  	v55 =	vld.idx.msk [tilespmem:v20+s12+$0x0], $0xffff  }
0xe2: {  	s23 =	sadd.s32 $0x10, s26;
	[tilespmem:s16+$0xFFFFFFE0] =	vst v23;
	v58 =	vld.idx.msk [tilespmem:v20+s13+$0x0], $0xffff  }
0xe3: {  	v27 =	vmov s26;
	s16 =	sadd.s32 $0x40, s16;
	s1 =	sadd.s32 $0x20, s26;
	v51 =	vadd.bf16 v24, v28;
	v21 =	vpop (erf);
	v24 =	vmov s23;
	v62 =	vld.idx.msk [tilespmem:v29+s12+$0x0], $0xffff  }
0xe4: {  	v23 =	vshll.u32 v27, $0x3;
	v63 =	vld.idx.msk [tilespmem:v29+s13+$0x0], $0xffff;
	[tilespmem:s16+$0x10] =	vst v21;
	v21 =	vshll.u32 v24, $0x3;
	v24 =	vmov s1  }
0xe5: {  	s31 =	sadd.s32 $0x30, s26;
	v10 =	vld.idx.msk [tilespmem:v19+s12+$0x0], $0xffff;
	v56 =	vor.u32 v0, v23;
	v21 =	vor.u32 v0, v21;
	v22 =	vshll.u32 v24, $0x3  }
0xe6: {  	v12 =	vld.idx.msk [tilespmem:v19+s13+$0x0], $0xffff;
	v41 =	vor.u32 v1, v56;
	v49 =	vmul.bf16 v25, v26;
	v25 =	vmov s31  }
0xe7: {  	v57 =	vor.u32 v0, v22;
	v59 =	vor.u32 v3, v21;
	v43 =	vmul.bf16 v44, v43  }
0xe8: {  	v46 =	vmul.bf16 v47, v46;
	v25 =	vshll.u32 v25, $0x3;
	v47 =	vmul.bf16 v50, v48  }
0xe9: {  	v2 =	vld [tilespmem:$0x1FF20];
	v54 =	vor.u32 v0, v25;
	v36 =	vadd.bf16 v43, v36;
	v43 =	vmul.bf16 v53, v52  }
0xea: {  	v50 =	vmul.bf16 v63, v62;
	v37 =	vadd.bf16 v46, v37;
	v63 =	vmul.bf16 v58, v55  }
0xeb: {  	v10 =	vmul.bf16 v12, v10;
	v22 =	vor.u32 v8, v54;
	v58 =	vadd.bf16 v47, v38  }
0xec: {  	v47 =	vunpack.i.u.bf16.f32 v37;
	v62 =	vadd.bf16 v63, v51;
	v63 =	vunpack.i.l.bf16.f32 v37  }
0xed: {  	v20 =	vor.u32 v5, v54;
	v10 =	vadd.bf16 v10, v36;
	v36 =	vadd.f32 v63, v47;
	v63 =	vld.idx.msk [tilespmem:v59+s13+$0x0], $0xffff  }
0xee: {  	v11 =	vor.u32 v2, v54;
	v47 =	vld.idx.msk [tilespmem:v41+s12+$0x0], $0xffff  }
0xef: {  	v40 =	vadd.bf16 v43, v40;
	v53 =	vunpack.i.u.bf16.f32 v62;
	v43 =	vunpack.i.l.bf16.f32 v62;
	v62 =	vld.idx.msk [tilespmem:v59+s12+$0x0], $0xffff  }
0xf0: {  	v30 =	vor.u32 v4, v56;
	v24 =	vor.u32 v7, v56;
	v29 =	vor.u32 v8, v56;
	v13 =	vld.idx.msk [tilespmem:v22+s12+$0x0], $0xffff  }
0xf1: {  	v19 =	vor.u32 v9, v56;
	v42 =	vor.u32 v3, v56;
	v14 =	vor.u32 v3, v54;
	v15 =	vld.idx.msk [tilespmem:v22+s13+$0x0], $0xffff  }
0xf2: {  	v61 =	vor.u32 v3, v57;
	v45 =	vor.u32 v1, v57;
	v33 =	vor.u32 v2, v57;
	v16 =	vld.idx.msk [tilespmem:v20+s12+$0x0], $0xffff  }
0xf3: {  	v32 =	vor.u32 v4, v57;
	v27 =	vor.u32 v5, v57;
	v17 =	vor.u32 v1, v54;
	v18 =	vld.idx.msk [tilespmem:v20+s13+$0x0], $0xffff  }
0xf4: {  	v26 =	vor.u32 v7, v57;
	v22 =	vor.u32 v8, v57;
	v20 =	vor.u32 v9, v57;
	v57 =	vld.idx.msk [tilespmem:v11+s12+$0x0], $0xffff  }
0xf5: {  	v31 =	vor.u32 v2, v56;
	v25 =	vor.u32 v5, v56;
	v56 =	vor.u32 v4, v54;
	v11 =	vld.idx.msk [tilespmem:v11+s13+$0x0], $0xffff  }
0xf6: {  	v44 =	vld.idx.msk [tilespmem:v14+s12+$0x0], $0xffff  }
0xf7: {  	v48 =	vor.u32 v7, v54;
	v14 =	vld.idx.msk [tilespmem:v14+s13+$0x0], $0xffff  }
0xf8: {  	v34 =	vadd.bf16 v49, v34;
	v49 =	vld.idx.msk [tilespmem:v17+s12+$0x0], $0xffff  }
0xf9: {  	v52 =	vor.u32 v9, v54;
	v17 =	vld.idx.msk [tilespmem:v17+s13+$0x0], $0xffff  }
0xfa: {  	v6 =	vimm.bf16 $0.0e+00;
	v38 =	vld.idx.msk [tilespmem:v56+s12+$0x0], $0xffff  }
0xfb: {  	v60 =	vor.u32 v1, v21;
	v34 =	vadd.bf16 v50, v34;
	v50 =	vunpack.i.u.bf16.f32 v58;
	v46 =	vld.idx.msk [tilespmem:v56+s13+$0x0], $0xffff  }
0xfc: {  	v12 =	vunpack.i.l.bf16.f32 v58;
	v51 =	vunpack.i.u.bf16.f32 v40;
	v40 =	vunpack.i.l.bf16.f32 v40;
	v37 =	vld.idx.msk [tilespmem:v48+s12+$0x0], $0xffff  }
0xfd: {  	v54 =	vunpack.i.u.bf16.f32 v34;
	v34 =	vunpack.i.l.bf16.f32 v34;
	v48 =	vld.idx.msk [tilespmem:v48+s13+$0x0], $0xffff;
	v14 =	vmul.bf16 v14, v44  }
0xfe: {  	v58 =	vunpack.i.u.bf16.f32 v10;
	v10 =	vunpack.i.l.bf16.f32 v10;
	v44 =	vld.idx.msk [tilespmem:v52+s12+$0x0], $0xffff;
	v17 =	vmul.bf16 v17, v49  }
0xff: {  	v12 =	vadd.f32 v12, v50;
	v49 =	vld.idx.msk [tilespmem:v52+s13+$0x0], $0xffff;
	v11 =	vmul.bf16 v11, v57;
	v14 =	vadd.bf16 v6, v14  }
0x100: {  	v55 =	vld.idx.msk [tilespmem:v31+s12+$0x0], $0xffff;
	v54 =	vadd.f32 v34, v54;
	v38 =	vmul.bf16 v46, v38;
	v17 =	vadd.bf16 v6, v17  }
0x101: {  	v31 =	vld.idx.msk [tilespmem:v31+s13+$0x0], $0xffff;
	v10 =	vadd.f32 v10, v58;
	v50 =	vmul.bf16 v18, v16;
	v11 =	vadd.bf16 v11, v14  }
0x102: {  	v58 =	vld.idx.msk [tilespmem:v45+s12+$0x0], $0xffff;
	v12 =	vadd.f32 v12, v36;
	v37 =	vmul.bf16 v48, v37;
	v17 =	vadd.bf16 v38, v17  }
0x103: {  	v56 =	vld.idx.msk [tilespmem:v61+s13+$0x0], $0xffff;
	v10 =	vadd.f32 v10, v54;
	v13 =	vmul.bf16 v15, v13;
	v11 =	vadd.bf16 v50, v11  }
0x104: {  	v54 =	vld.idx.msk [tilespmem:v33+s12+$0x0], $0xffff;
	v16 =	vadd.f32 v40, v51;
	v57 =	vmul.bf16 v49, v44;
	v17 =	vadd.bf16 v37, v17  }
0x105: {  	v59 =	vmul.bf16 v63, v62;
	v63 =	vld.idx.msk [tilespmem:v42+s13+$0x0], $0xffff;
	v51 =	vadd.f32 v43, v53;
	v11 =	vadd.bf16 v13, v11  }
0x106: {  	v35 =	vor.u32 v4, v21;
	v39 =	vor.u32 v2, v21;
	v46 =	vld.idx.msk [tilespmem:v60+s12+$0x0], $0xffff;
	v17 =	vadd.bf16 v57, v17  }
0x107: {  	v12 =	vsub.f32 $0.0e+00, v12;
	v18 =	vld.idx.msk [tilespmem:v60+s13+$0x0], $0xffff;
	v16 =	vadd.f32 v51, v16;
	v62 =	vunpack.i.u.bf16.f32 v11  }
0x108: {  	v60 =	vld.idx.msk [tilespmem:v45+s13+$0x0], $0xffff;
	v11 =	vunpack.i.l.bf16.f32 v11;
	v45 =	vunpack.i.u.bf16.f32 v17;
	v17 =	vunpack.i.l.bf16.f32 v17  }
0x109: {  	v53 =	vld.idx.msk [tilespmem:v61+s12+$0x0], $0xffff;
	v11 =	vadd.f32 v11, v62;
	v17 =	vadd.f32 v17, v45  }
0x10a: {  	v12 =	vmul.f32 $1.442695020e+00, v12;
	v48 =	vld.idx.msk [tilespmem:v41+s13+$0x0], $0xffff;
	v16 =	vsub.f32 $0.0e+00, v16  }
0x10b: {  	v10 =	vsub.f32 $0.0e+00, v10;
	v52 =	vld.idx.msk [tilespmem:v35+s13+$0x0], $0xffff;
	v11 =	vadd.f32 v17, v11  }
0x10c: {  	(erf) = vpow2.f32 v12;
	v49 =	vld.idx.msk [tilespmem:v39+s12+$0x0], $0xffff;
	v16 =	vmul.f32 $1.442695020e+00, v16  }
0x10d: {  	v10 =	vmul.f32 $1.442695020e+00, v10;
	v17 =	vld.idx.msk [tilespmem:v39+s13+$0x0], $0xffff;
	v11 =	vsub.f32 $0.0e+00, v11  }
0x10e: {  	v50 =	vld.idx.msk [tilespmem:v35+s12+$0x0], $0xffff;
	(erf) = vpow2.f32 v16  }
0x10f: {  	v61 =	vld.idx.msk [tilespmem:v42+s12+$0x0], $0xffff;
	(erf) = vpow2.f32 v10;
	v11 =	vmul.f32 $1.442695020e+00, v11  }
0x110: {  	v23 =	vor.u32 v5, v21;
	v33 =	vld.idx.msk [tilespmem:v33+s13+$0x0], $0xffff;
	v16 =	vmul.bf16 v48, v47  }
0x111: {  	v18 =	vmul.bf16 v18, v46;
	v10 =	vld.idx.msk [tilespmem:v32+s12+$0x0], $0xffff;
	(erf) = vpow2.f32 v11  }
0x112: {  	v11 =	vadd.bf16 v6, v16;
	v16 =	vmul.bf16 v17, v49;
	v17 =	vld.idx.msk [tilespmem:v32+s13+$0x0], $0xffff  }
0x113: {  	v43 =	vld.idx.msk [tilespmem:v24+s12+$0x0], $0xffff;
	v18 =	vadd.bf16 v6, v18;
	v14 =	vmul.bf16 v52, v50  }
0x114: {  	v28 =	vor.u32 v7, v21;
	v51 =	vmul.bf16 v63, v61;
	v61 =	vld.idx.msk [tilespmem:v27+s12+$0x0], $0xffff;
	v13 =	vadd.bf16 v6, v59  }
0x115: {  	v2 =	vmov v5;
	v15 =	vmul.bf16 v56, v53;
	v57 =	vld.idx.msk [tilespmem:v23+s12+$0x0], $0xffff;
	v56 =	vpop (erf);
	v14 =	vadd.bf16 v14, v18  }
0x116: {  	v5 =	vmovc v0;
	v18 =	vmul.bf16 v33, v54;
	v33 =	vadd.f32 $1.000000000e+00, v56;
	v13 =	vadd.bf16 v16, v13;
	v16 =	vld.idx.msk [tilespmem:v30+s12+$0x0], $0xffff  }
0x117: {  	v0 =	vor.u32 v8, v21;
	v36 =	vmul.bf16 v60, v58;
	v30 =	vld.idx.msk [tilespmem:v30+s13+$0x0], $0xffff;
	v3 =	vmul.bf16 v17, v10;
	v17 =	vpop (erf)  }
0x118: {  	v15 =	vadd.bf16 v6, v15;
	v23 =	vld.idx.msk [tilespmem:v23+s13+$0x0], $0xffff;
	v17 =	vadd.f32 $1.000000000e+00, v17;
	v58 =	vpop (erf);
	(erf) = vrcp.f32 v33  }
0x119: {  	v59 =	vld.idx.msk [tilespmem:v28+s13+$0x0], $0xffff;
	v60 =	vadd.f32 $1.000000000e+00, v58  }
0x11a: {  	v15 =	vadd.bf16 v18, v15;
	v18 =	vld.idx.msk [tilespmem:v28+s12+$0x0], $0xffff;
	v10 =	vpop (erf);
	(erf) = vrcp.f32 v17  }
0x11b: {  	v44 =	vld.idx.msk [tilespmem:v24+s13+$0x0], $0xffff;
	v10 =	vadd.f32 $1.000000000e+00, v10;
	(erf) = vrcp.f32 v60  }
0x11c: {  	v62 =	vmul.bf16 v30, v16;
	v16 =	vld.idx.msk [tilespmem:v27+s13+$0x0], $0xffff  }
0x11d: {  	v46 =	vld.idx.msk [tilespmem:v0+s12+$0x0], $0xffff;
	(erf) = vrcp.f32 v10;
	v10 =	vmul.bf16 v23, v57  }
0x11e: {  	s30 =	sadd.s32 $0x4, s30;
	v21 =	vor.u32 v9, v21;
	v53 =	vadd.bf16 v6, v36;
	v17 =	vld.idx.msk [tilespmem:v26+s12+$0x0], $0xffff  }
0x11f: {  	p0 =	slt.u32 s30, $0x78;
	v36 =	vadd.bf16 v62, v11;
	v11 =	vld.idx.msk [tilespmem:v26+s13+$0x0], $0xffff;
	v37 =	vadd.bf16 v10, v13;
	v10 =	vmul.bf16 v59, v18  }
.Ltmp0:
0x120: {  	v31 =	vmul.bf16 v31, v55;
	v12 =	vadd.bf16 v6, v51;
	v28 =	vadd.bf16 v3, v53;
	v3 =	vld [tilespmem:$0x1FFF0];
	(pc) =	sbr.rel @p0 .LBB2_2-.Ltmp0, $4  }
0x121: {  	v26 =	vld.idx.msk [tilespmem:v25+s12+$0x0], $0xffff;
	v6 =	vmul.bf16 v16, v61;
	v63 =	vpop (erf)  }
0x122: {  	v34 =	vadd.bf16 v31, v12;
	v25 =	vld.idx.msk [tilespmem:v25+s13+$0x0], $0xffff;
	[tilespmem:s16+$0xFFFFFFF0] =	vst v63  }
0x123: {  	v40 =	vadd.bf16 v6, v15;
	v38 =	vadd.bf16 v10, v14;
	v47 =	vld.idx.msk [tilespmem:v0+s13+$0x0], $0xffff;
	v10 =	vpop (erf)  }
0x124: {  	s26 =	sadd.s32 $0x40, s26;
	v24 =	vmul.bf16 v11, v17;
	v0 =	vmov v5;
	v5 =	vmov v2;
	v48 =	vld.idx.msk [tilespmem:v21+s12+$0x0], $0xffff;
	[tilespmem:s16+$0x0] =	vst v10;
	v23 =	vpop (erf)  }
0x125: {  	_ =	sdelay $0x3  }
0x126: {  	v10 =	vld.idx.msk [tilespmem:v21+s13+$0x0], $0xffff  }
0x127: {  	v11 =	vld.idx.msk [tilespmem:v22+s12+$0x0], $0xffff  }
0x128: {  	v12 =	vld.idx.msk [tilespmem:v22+s13+$0x0], $0xffff  }
0x129: {  	v13 =	vld.idx.msk [tilespmem:v20+s12+$0x0], $0xffff  }
0x12a: {  	v14 =	vld.idx.msk [tilespmem:v20+s13+$0x0], $0xffff  }
0x12b: {  	v15 =	vld.idx.msk [tilespmem:v29+s12+$0x0], $0xffff  }
0x12c: {  	v16 =	vld.idx.msk [tilespmem:v29+s13+$0x0], $0xffff  }
0x12d: {  	v17 =	vld.idx.msk [tilespmem:v19+s12+$0x0], $0xffff  }
0x12e: {  	v18 =	vld.idx.msk [tilespmem:v19+s13+$0x0], $0xffff  }
0x12f: {  	v20 =	vmul.bf16 v44, v43;
	v19 =	vmul.bf16 v25, v26  }
0x130: {  	v21 =	vadd.bf16 v24, v28;
	v22 =	vmul.bf16 v47, v46  }
0x131: {  	v20 =	vadd.bf16 v20, v36;
	v19 =	vadd.bf16 v19, v34;
	v10 =	vmul.bf16 v10, v48  }
0x132: {  	v11 =	vmul.bf16 v12, v11;
	v41 =	vadd.bf16 v22, v37;
	v13 =	vmul.bf16 v14, v13  }
0x133: {  	v42 =	vmul.bf16 v16, v15;
	v43 =	vmul.bf16 v18, v17;
	v10 =	vadd.bf16 v10, v38  }
0x134: {  	v16 =	vunpack.i.u.bf16.f32 v41;
	v11 =	vadd.bf16 v11, v40;
	v13 =	vadd.bf16 v13, v21  }
0x135: {  	v14 =	vadd.bf16 v42, v19;
	v15 =	vadd.bf16 v43, v20;
	v12 =	vunpack.i.l.bf16.f32 v41  }
0x136: {  	v12 =	vadd.f32 v12, v16;
	v17 =	vunpack.i.u.bf16.f32 v10;
	v10 =	vunpack.i.l.bf16.f32 v10  }
0x137: {  	v18 =	vunpack.i.u.bf16.f32 v11;
	v11 =	vunpack.i.l.bf16.f32 v11;
	v19 =	vunpack.i.u.bf16.f32 v13  }
0x138: {  	v13 =	vunpack.i.l.bf16.f32 v13;
	v20 =	vunpack.i.u.bf16.f32 v14;
	v14 =	vunpack.i.l.bf16.f32 v14  }
0x139: {  	v16 =	vunpack.i.u.bf16.f32 v15;
	v10 =	vadd.f32 v10, v17;
	v11 =	vadd.f32 v11, v18  }
0x13a: {  	v15 =	vunpack.i.l.bf16.f32 v15;
	v13 =	vadd.f32 v13, v19;
	v14 =	vadd.f32 v14, v20  }
0x13b: {  	v15 =	vadd.f32 v15, v16;
	v10 =	vadd.f32 v10, v12  }
0x13c: {  	v11 =	vadd.f32 v13, v11  }
0x13d: {  	v44 =	vadd.f32 v15, v14;
	v10 =	vsub.f32 $0.0e+00, v10  }
0x13e: {  	v11 =	vsub.f32 $0.0e+00, v11  }
0x13f: {  	v12 =	vsub.f32 $0.0e+00, v44;
	v10 =	vmul.f32 $1.442695020e+00, v10  }
0x140: {  	v11 =	vmul.f32 $1.442695020e+00, v11  }
0x141: {  	(erf) = vpow2.f32 v10;
	v10 =	vmul.f32 $1.442695020e+00, v12  }
0x142: {  	(erf) = vpow2.f32 v11  }
0x143: {  	(erf) = vpow2.f32 v10;
	_ =	sdelay $0x5  }
0x144: {  	v10 =	vpop (erf)  }
0x145: {  	v11 =	vpop (erf)  }
0x146: {  	v11 =	vadd.f32 $1.000000000e+00, v11;
	v45 =	vpop (erf)  }
0x147: {  	v12 =	vadd.f32 $1.000000000e+00, v45;
	v46 =	vpop (erf)  }
0x148: {  	(erf) = vrcp.f32 v11;
	v11 =	vadd.f32 $1.000000000e+00, v46  }
0x149: {  	(erf) = vrcp.f32 v12  }
0x14a: {  	(erf) = vrcp.f32 v11;
	_ =	sdelay $0x5  }
0x14b: {  	[tilespmem:s16+$0xFFFFFFE0] =	vst v23;
	s1 =	sadd.s32 $0x40, s16  }
0x14c: {  	[tilespmem:s1+$0x10] =	vst v10;
	v10 =	vpop (erf)  }
0x14d: {  	[tilespmem:s1+$0xFFFFFFF0] =	vst v10;
	v10 =	vpop (erf)  }
0x14e: {  	[tilespmem:s1+$0x0] =	vst v10;
	v10 =	vpop (erf)  }
0x14f: {  	[tilespmem:s1+$0xFFFFFFE0] =	vst v10  }
0x150: {  	v6 =	vld [tilespmem:$0x1FF30];
	_ =	sdelay $0x7  }
0x151: {  	v10 =	vld.idx.msk [tilespmem:v6+s12+$0x0], $0xffff  }
0x152: {  	v11 =	vld.idx.msk [tilespmem:v6+s13+$0x0], $0xffff  }
0x153: {  	v6 =	vld [tilespmem:$0x1FF40];
	_ =	sdelay $0x7  }
0x154: {  	v47 =	vld.idx.msk [tilespmem:v6+s12+$0x0], $0xffff  }
0x155: {  	v48 =	vld.idx.msk [tilespmem:v6+s13+$0x0], $0xffff  }
0x156: {  	v6 =	vld [tilespmem:$0x1FF50];
	_ =	sdelay $0x7  }
0x157: {  	v49 =	vld.idx.msk [tilespmem:v6+s12+$0x0], $0xffff  }
0x158: {  	v50 =	vld.idx.msk [tilespmem:v6+s13+$0x0], $0xffff  }
0x159: {  	v6 =	vld [tilespmem:$0x1FF60];
	_ =	sdelay $0x7  }
0x15a: {  	v16 =	vld.idx.msk [tilespmem:v6+s12+$0x0], $0xffff  }
0x15b: {  	v17 =	vld.idx.msk [tilespmem:v6+s13+$0x0], $0xffff  }
0x15c: {  	v6 =	vld [tilespmem:$0x1FF70];
	_ =	sdelay $0x7  }
0x15d: {  	v18 =	vld.idx.msk [tilespmem:v6+s12+$0x0], $0xffff  }
0x15e: {  	v19 =	vld.idx.msk [tilespmem:v6+s13+$0x0], $0xffff  }
0x15f: {  	v6 =	vld [tilespmem:$0x1FF80];
	_ =	sdelay $0x6  }
0x160: {  	v23 =	vld [tilespmem:$0x1FFA0]  }
0x161: {  	v20 =	vld.idx.msk [tilespmem:v6+s12+$0x0], $0xffff  }
0x162: {  	v21 =	vld.idx.msk [tilespmem:v6+s13+$0x0], $0xffff  }
0x163: {  	v6 =	vld [tilespmem:$0x1FF90];
	_ =	sdelay $0x6  }
0x164: {  	v51 =	vld.idx.msk [tilespmem:v23+s12+$0x0], $0xffff  }
0x165: {  	v10 =	vmul.bf16 v11, v10;
	v22 =	vld.idx.msk [tilespmem:v6+s12+$0x0], $0xffff  }
0x166: {  	v12 =	vmul.bf16 v48, v47;
	v11 =	vld.idx.msk [tilespmem:v6+s13+$0x0], $0xffff;
	v6 =	vimm.bf16 $0.0e+00  }
0x167: {  	v52 =	vld.idx.msk [tilespmem:v23+s13+$0x0], $0xffff;
	v14 =	vmul.bf16 v50, v49;
	v10 =	vadd.bf16 v6, v10  }
0x168: {  	v16 =	vmul.bf16 v17, v16;
	v12 =	vadd.bf16 v6, v12  }
0x169: {  	v53 =	vmul.bf16 v19, v18;
	v10 =	vadd.bf16 v14, v10  }
0x16a: {  	v12 =	vadd.bf16 v16, v12;
	v16 =	vmul.bf16 v21, v20  }
0x16b: {  	v10 =	vadd.bf16 v53, v10;
	v11 =	vmul.bf16 v11, v22  }
0x16c: {  	v13 =	vmul.bf16 v52, v51;
	v12 =	vadd.bf16 v16, v12  }
0x16d: {  	v10 =	vadd.bf16 v11, v10  }
0x16e: {  	v11 =	vadd.bf16 v13, v12  }
0x16f: {  	v54 =	vunpack.i.u.bf16.f32 v10  }
0x170: {  	v10 =	vunpack.i.l.bf16.f32 v10;
	v13 =	vunpack.i.u.bf16.f32 v11;
	v11 =	vunpack.i.l.bf16.f32 v11  }
0x171: {  	v10 =	vadd.f32 v10, v54;
	v11 =	vadd.f32 v11, v13;
	_ =	sdelay $0x1  }
0x172: {  	v10 =	vadd.f32 v11, v10;
	_ =	sdelay $0x1  }
0x173: {  	v10 =	vsub.f32 $0.0e+00, v10;
	_ =	sdelay $0x1  }
0x174: {  	v10 =	vmul.f32 $1.442695020e+00, v10;
	_ =	sdelay $0x1  }
0x175: {  	(erf) = vpow2.f32 v10;
	_ =	sdelay $0x8  }
0x176: {  	v10 =	vpop (erf)  }
0x177: {  	v10 =	vadd.f32 $1.000000000e+00, v10;
	_ =	sdelay $0x1  }
0x178: {  	(erf) = vrcp.f32 v10;
	_ =	sdelay $0x8  }
0x179: {  	v10 =	vpop (erf)  }
0x17a: {  	s16 =	simm.s32 $0x0;
	s1 =	simm.s32 $0x11940;
	s0 =	rddreg [dreg:$0xd];
	[tilespmem:$0x12100] =	vst v10  }
0x17b: {  	[hbm4b:s0+s16] =	stream.linear.scatter [tilespmem:s1], [sflag:$0x9], $0x7D0, $0x38;
	[tilespmem:$0x18A88] =	vst v63  }
0x17c: {  	s23 =	rddreg [dreg:$0xe]  }
0x17d: {  	[tilespmem:s16], [sflag:$0x1] =	stream.linear.gather [hbm4b:s23+s16], $0x7D0, $0x38;
	[tilespmem:$0x18A88] =	vst v63  }
0x17e: {  	s26 =	rddreg [dreg:$0xf]  }
0x17f: {  	[tilespmem:s3], [sflag:$0x3] =	stream.linear.gather [hbm4b:s26+s16], $0x7D0, $0x38;
	[tilespmem:$0x18A88] =	vst v63  }
0x180: {  	_ =	swait.ge [sflag:s24], $0x3E80  }
0x181: {  	[sflag:s24] =	ssyncset.done $0x0  }
0x182: {  	[sflag:s24] =	ssyncadd.s32 $0xFFFFC180  }
0x183: {  	_ =	swait.ge [sflag:s25], $0x3E80  }
0x184: {  	[sflag:s25] =	ssyncset.done $0x0  }
0x185: {  	[sflag:s25] =	ssyncadd.s32 $0xFFFFC180  }
0x186: {  	s23 =	simm.s32 $0x30;
	_ =	swait.ge [sflag:s10], $0x7D0  }
0x187: {  	v10 =	vmov s23;
	[sflag:s10] =	ssyncset.done $0x0  }
0x188: {  	v10 =	vshll.u32 v10, $0x3;
	[sflag:s10] =	ssyncadd.s32 $0xFFFFF830  }
0x189: {  	v10 =	vor.u32 v0, v10;
	_ =	swait.ge [sflag:s11], $0x7D0  }
0x18a: {  	v11 =	vor.u32 v8, v10;
	[sflag:s11] =	ssyncset.done $0x0  }
0x18b: {  	[sflag:s11] =	ssyncadd.s32 $0xFFFFF830  }
0x18c: {  	v55 =	vor.u32 v5, v10;
	[tilespmem:s12], [sflag:$0x5] =	stream.indirect.gather [spmem:s4], $0x8, s16, s6, $0xb8;
	[tilespmem:$0x18A88] =	vst v63  }
0x18d: {  	_ = 	snop  }
0x18e: {  	v58 =	vor.u32 v3, v10;
	v2 =	vld [tilespmem:$0x1FF20];
	[tilespmem:s13], [sflag:$0x7] =	stream.indirect.gather [spmem:s4], $0x8, s3, s6, $0xb8  }
0x18f: {  	v57 =	vld.idx.msk [tilespmem:v11+s21+$0x0], $0xffff  }
0x190: {  	v17 =	vor.u32 v1, v10;
	v11 =	vld.idx.msk [tilespmem:v11+s22+$0x0], $0xffff  }
0x191: {  	v16 =	vld.idx.msk [tilespmem:v55+s21+$0x0], $0xffff  }
0x192: {  	s31 =	simm.s32 $0x10;
	v19 =	vor.u32 v4, v10;
	v12 =	vld.idx.msk [tilespmem:v55+s22+$0x0], $0xffff  }
0x193: {  	v22 =	vmov s31;
	v20 =	vld.idx.msk [tilespmem:v58+s21+$0x0], $0xffff  }
0x194: {  	v22 =	vshll.u32 v22, $0x3;
	v21 =	vor.u32 v7, v10;
	v15 =	vld.idx.msk [tilespmem:v58+s22+$0x0], $0xffff  }
0x195: {  	v22 =	vor.u32 v0, v22;
	v23 =	vld.idx.msk [tilespmem:v17+s21+$0x0], $0xffff  }
0x196: {  	v25 =	vor.u32 v3, v22;
	s0 =	simm.s32 $0x20;
	v17 =	vld.idx.msk [tilespmem:v17+s22+$0x0], $0xffff  }
0x197: {  	v26 =	vmov s0;
	v24 =	vld.idx.msk [tilespmem:v19+s21+$0x0], $0xffff  }
0x198: {  	v28 =	vor.u32 v1, v22;
	v26 =	vshll.u32 v26, $0x3;
	v19 =	vld.idx.msk [tilespmem:v19+s22+$0x0], $0xffff  }
0x199: {  	v26 =	vor.u32 v0, v26;
	v27 =	vld.idx.msk [tilespmem:v21+s21+$0x0], $0xffff  }
0x19a: {  	v30 =	vor.u32 v3, v26;
	v21 =	vld.idx.msk [tilespmem:v21+s22+$0x0], $0xffff  }
0x19b: {  	v31 =	vmov s16;
	v32 =	vld.idx.msk [tilespmem:v25+s21+$0x0], $0xffff  }
0x19c: {  	v31 =	vshll.u32 v31, $0x3;
	v33 =	vor.u32 v1, v26;
	v25 =	vld.idx.msk [tilespmem:v25+s22+$0x0], $0xffff  }
0x19d: {  	v31 =	vor.u32 v0, v31;
	v34 =	vld.idx.msk [tilespmem:v28+s21+$0x0], $0xffff  }
0x19e: {  	v35 =	vor.u32 v3, v31;
	v28 =	vld.idx.msk [tilespmem:v28+s22+$0x0], $0xffff  }
0x19f: {  	v59 =	vld.idx.msk [tilespmem:v30+s21+$0x0], $0xffff  }
0x1a0: {  	v60 =	vor.u32 v1, v31;
	v30 =	vld.idx.msk [tilespmem:v30+s22+$0x0], $0xffff  }
0x1a1: {  	v61 =	vld.idx.msk [tilespmem:v33+s21+$0x0], $0xffff  }
0x1a2: {  	v50 =	vor.u32 v7, v22;
	v33 =	vld.idx.msk [tilespmem:v33+s22+$0x0], $0xffff  }
0x1a3: {  	v40 =	vld.idx.msk [tilespmem:v35+s21+$0x0], $0xffff  }
0x1a4: {  	v56 =	vor.u32 v2, v10;
	v35 =	vld.idx.msk [tilespmem:v35+s22+$0x0], $0xffff  }
0x1a5: {  	v42 =	vld.idx.msk [tilespmem:v60+s21+$0x0], $0xffff  }
0x1a6: {  	v10 =	vor.u32 v9, v10;
	v37 =	vld.idx.msk [tilespmem:v60+s22+$0x0], $0xffff  }
0x1a7: {  	v53 =	vld.idx.msk [tilespmem:v50+s21+$0x0], $0xffff  }
0x1a8: {  	v39 =	vor.u32 v2, v22;
	v14 =	vld.idx.msk [tilespmem:v50+s22+$0x0], $0xffff  }
0x1a9: {  	v18 =	vld.idx.msk [tilespmem:v56+s21+$0x0], $0xffff  }
0x1aa: {  	v41 =	vor.u32 v4, v22;
	v13 =	vld.idx.msk [tilespmem:v56+s22+$0x0], $0xffff  }
0x1ab: {  	v29 =	vld.idx.msk [tilespmem:v10+s21+$0x0], $0xffff  }
0x1ac: {  	v62 =	vor.u32 v2, v26;
	v10 =	vld.idx.msk [tilespmem:v10+s22+$0x0], $0xffff  }
0x1ad: {  	v55 =	vor.u32 v7, v31;
	v63 =	vld.idx.msk [tilespmem:v39+s21+$0x0], $0xffff  }
0x1ae: {  	v58 =	vor.u32 v8, v26;
	v39 =	vld.idx.msk [tilespmem:v39+s22+$0x0], $0xffff  }
0x1af: {  	v45 =	vor.u32 v4, v26;
	v15 =	vmul.bf16 v15, v20;
	v20 =	vld.idx.msk [tilespmem:v41+s21+$0x0], $0xffff  }
0x1b0: {  	v17 =	vmul.bf16 v17, v23;
	v23 =	vld.idx.msk [tilespmem:v41+s22+$0x0], $0xffff  }
0x1b1: {  	v19 =	vmul.bf16 v19, v24;
	v24 =	vld.idx.msk [tilespmem:v62+s22+$0x0], $0xffff;
	v12 =	vmul.bf16 v12, v16;
	v16 =	vor.u32 v5, v22  }
0x1b2: {  	v46 =	vld.idx.msk [tilespmem:v55+s22+$0x0], $0xffff;
	v17 =	vadd.bf16 v6, v17  }
0x1b3: {  	v11 =	vmul.bf16 v11, v57;
	v57 =	vor.u32 v8, v22;
	v25 =	vmul.bf16 v25, v32;
	v32 =	vld.idx.msk [tilespmem:v58+s22+$0x0], $0xffff  }
0x1b4: {  	v17 =	vadd.bf16 v19, v17;
	v19 =	vmul.bf16 v21, v27;
	v21 =	vld.idx.msk [tilespmem:v45+s22+$0x0], $0xffff  }
0x1b5: {  	v22 =	vor.u32 v9, v22;
	v13 =	vmul.bf16 v13, v18;
	v18 =	vld.idx.msk [tilespmem:v62+s21+$0x0], $0xffff  }
0x1b6: {  	v43 =	vld.idx.msk [tilespmem:v16+s21+$0x0], $0xffff  }
0x1b7: {  	v16 =	vld.idx.msk [tilespmem:v16+s22+$0x0], $0xffff  }
0x1b8: {  	v48 =	vor.u32 v2, v31;
	v30 =	vmul.bf16 v30, v59;
	v59 =	vld.idx.msk [tilespmem:v57+s21+$0x0], $0xffff  }
0x1b9: {  	v33 =	vmul.bf16 v33, v61;
	v61 =	vld.idx.msk [tilespmem:v57+s22+$0x0], $0xffff  }
0x1ba: {  	v54 =	vor.u32 v5, v31;
	v20 =	vmul.bf16 v23, v20;
	v23 =	vld.idx.msk [tilespmem:v22+s21+$0x0], $0xffff  }
0x1bb: {  	v49 =	vor.u32 v4, v31;
	v28 =	vmul.bf16 v28, v34;
	v15 =	vadd.bf16 v6, v15;
	v22 =	vld.idx.msk [tilespmem:v22+s22+$0x0], $0xffff  }
0x1bc: {  	v10 =	vmul.bf16 v10, v29;
	v60 =	vmul.bf16 v39, v63;
	v63 =	vld.idx.msk [tilespmem:v58+s21+$0x0], $0xffff  }
0x1bd: {  	v29 =	vor.u32 v7, v26;
	v17 =	vadd.bf16 v19, v17;
	v19 =	vld.idx.msk [tilespmem:v48+s22+$0x0], $0xffff;
	v13 =	vadd.bf16 v13, v15  }
0x1be: {  	v35 =	vmul.bf16 v35, v40;
	v28 =	vadd.bf16 v6, v28;
	v15 =	vld.idx.msk [tilespmem:v45+s21+$0x0], $0xffff  }
0x1bf: {  	v27 =	vor.u32 v5, v26;
	v26 =	vor.u32 v9, v26;
	v45 =	vld.idx.msk [tilespmem:v54+s22+$0x0], $0xffff;
	v12 =	vadd.bf16 v12, v13  }
0x1c0: {  	s1 =	simm.s32 $0x70;
	v14 =	vmul.bf16 v14, v53;
	v25 =	vadd.bf16 v6, v25;
	v10 =	vadd.bf16 v10, v17;
	v17 =	vld.idx.msk [tilespmem:v49+s22+$0x0], $0xffff  }
0x1c1: {  	v20 =	vadd.bf16 v20, v28;
	v28 =	vmov s1;
	v13 =	vld.idx.msk [tilespmem:v48+s21+$0x0], $0xffff;
	v11 =	vadd.bf16 v11, v12  }
0x1c2: {  	v28 =	vshll.u32 v28, $0x3;
	v52 =	vunpack.i.u.bf16.f32 v10;
	v10 =	vunpack.i.l.bf16.f32 v10;
	v56 =	vld.idx.msk [tilespmem:v29+s21+$0x0], $0xffff  }
0x1c3: {  	v29 =	vld.idx.msk [tilespmem:v29+s22+$0x0], $0xffff;
	v18 =	vmul.bf16 v24, v18;
	v51 =	vunpack.i.u.bf16.f32 v11;
	v11 =	vunpack.i.l.bf16.f32 v11  }
0x1c4: {  	v24 =	vor.u32 v0, v28;
	v28 =	vld.idx.msk [tilespmem:v26+s21+$0x0], $0xffff;
	v10 =	vadd.f32 v10, v52;
	v11 =	vadd.f32 v11, v51  }
0x1c5: {  	v30 =	vadd.bf16 v6, v30;
	v33 =	vadd.bf16 v6, v33;
	v62 =	vor.u32 v8, v31;
	v26 =	vld.idx.msk [tilespmem:v26+s22+$0x0], $0xffff  }
0x1c6: {  	v35 =	vadd.bf16 v6, v35;
	v31 =	vor.u32 v9, v31;
	v10 =	vadd.f32 v10, v11;
	v11 =	vld.idx.msk [tilespmem:v27+s21+$0x0], $0xffff  }
0x1c7: {  	v37 =	vmul.bf16 v37, v42;
	v25 =	vadd.bf16 v60, v25;
	v14 =	vadd.bf16 v14, v20;
	v27 =	vld.idx.msk [tilespmem:v27+s22+$0x0], $0xffff  }
0x1c8: {  	v16 =	vmul.bf16 v16, v43;
	v34 =	vmul.bf16 v61, v59;
	v12 =	vld.idx.msk [tilespmem:v49+s21+$0x0], $0xffff;
	v10 =	vsub.f32 $0.0e+00, v10  }
0x1c9: {  	v22 =	vmul.bf16 v22, v23;
	v49 =	vld.idx.msk [tilespmem:v54+s21+$0x0], $0xffff;
	v42 =	vor.u32 v5, v24;
	v20 =	vor.u32 v3, v24  }
0x1ca: {  	v44 =	vld.idx.msk [tilespmem:v62+s22+$0x0], $0xffff;
	v54 =	vor.u32 v7, v24;
	v15 =	vmul.bf16 v21, v15;
	v10 =	vmul.f32 $1.442695020e+00, v10  }
0x1cb: {  	v48 =	vld.idx.msk [tilespmem:v31+s21+$0x0], $0xffff;
	v21 =	vor.u32 v8, v24;
	v18 =	vadd.bf16 v18, v30;
	v13 =	vmul.bf16 v19, v13  }
0x1cc: {  	v31 =	vld.idx.msk [tilespmem:v31+s22+$0x0], $0xffff;
	v16 =	vadd.bf16 v16, v25;
	v11 =	vmul.bf16 v27, v11;
	(erf) = vpow2.f32 v10  }
0x1cd: {  	v30 =	vld.idx.msk [tilespmem:v62+s21+$0x0], $0xffff;
	v15 =	vadd.bf16 v15, v33;
	v12 =	vmul.bf16 v17, v12;
	v17 =	vadd.bf16 v6, v37  }
0x1ce: {  	v13 =	vadd.bf16 v13, v35;
	v33 =	vld.idx.msk [tilespmem:v42+s22+$0x0], $0xffff;
	v11 =	vadd.bf16 v11, v18;
	v18 =	vmul.bf16 v45, v49  }
0x1cf: {  	s26 =	simm.s32 $0x50;
	v32 =	vmul.bf16 v32, v63;
	v14 =	vadd.bf16 v22, v14;
	v52 =	vld.idx.msk [tilespmem:v20+s21+$0x0], $0xffff;
	v12 =	vadd.bf16 v12, v17  }
0x1d0: {  	v53 =	vld.idx.msk [tilespmem:v20+s22+$0x0], $0xffff;
	v17 =	vmul.bf16 v29, v56;
	v13 =	vadd.bf16 v18, v13;
	v18 =	vmov s26  }
0x1d1: {  	v16 =	vadd.bf16 v34, v16;
	v26 =	vmul.bf16 v26, v28;
	v35 =	vld.idx.msk [tilespmem:v54+s22+$0x0], $0xffff;
	v18 =	vshll.u32 v18, $0x3  }
0x1d2: {  	v29 =	vor.u32 v1, v24;
	v15 =	vadd.bf16 v17, v15;
	v17 =	vld.idx.msk [tilespmem:v42+s21+$0x0], $0xffff;
	v18 =	vor.u32 v0, v18  }
0x1d3: {  	v60 =	vunpack.i.u.bf16.f32 v14;
	v14 =	vunpack.i.l.bf16.f32 v14;
	v27 =	vld.idx.msk [tilespmem:v21+s21+$0x0], $0xffff;
	v28 =	vor.u32 v3, v18  }
0x1d4: {  	v14 =	vadd.f32 v14, v60;
	v57 =	vunpack.i.u.bf16.f32 v16;
	v21 =	vld.idx.msk [tilespmem:v21+s22+$0x0], $0xffff;
	v15 =	vadd.bf16 v26, v15  }
0x1d5: {  	v16 =	vunpack.i.l.bf16.f32 v16;
	v10 =	vld.idx.msk [tilespmem:v55+s21+$0x0], $0xffff;
	v11 =	vadd.bf16 v32, v11;
	v22 =	vor.u32 v1, v18;
	v19 =	vpop (erf)  }
0x1d6: {  	v16 =	vadd.f32 v16, v57;
	v26 =	vld.idx.msk [tilespmem:v54+s21+$0x0], $0xffff;
	v41 =	vunpack.i.u.bf16.f32 v15;
	v19 =	vadd.f32 $1.000000000e+00, v19  }
0x1d7: {  	v55 =	vld.idx.msk [tilespmem:v29+s21+$0x0], $0xffff;
	v15 =	vunpack.i.l.bf16.f32 v15;
	v39 =	vunpack.i.u.bf16.f32 v11;
	v40 =	vor.u32 v4, v18  }
0x1d8: {  	v11 =	vunpack.i.l.bf16.f32 v11;
	v61 =	vld.idx.msk [tilespmem:v28+s21+$0x0], $0xffff;
	(erf) = vrcp.f32 v19;
	v19 =	vor.u32 v2, v24  }
0x1d9: {  	v15 =	vadd.f32 v15, v41;
	v11 =	vadd.f32 v11, v39;
	v28 =	vld.idx.msk [tilespmem:v28+s22+$0x0], $0xffff  }
0x1da: {  	v14 =	vadd.f32 v14, v16;
	v63 =	vld.idx.msk [tilespmem:v22+s21+$0x0], $0xffff  }
0x1db: {  	s23 =	simm.s32 $0x40;
	v23 =	vor.u32 v4, v24;
	v11 =	vadd.f32 v15, v11;
	v22 =	vld.idx.msk [tilespmem:v22+s22+$0x0], $0xffff;
	v24 =	vor.u32 v9, v24  }
0x1dc: {  	v25 =	vmov s23;
	v14 =	vsub.f32 $0.0e+00, v14;
	v10 =	vmul.bf16 v46, v10;
	v46 =	vld.idx.msk [tilespmem:v40+s21+$0x0], $0xffff  }
0x1dd: {  	s31 =	simm.s32 $0x60;
	v25 =	vshll.u32 v25, $0x3;
	v30 =	vmul.bf16 v44, v30;
	v11 =	vsub.f32 $0.0e+00, v11;
	v50 =	vld.idx.msk [tilespmem:v19+s21+$0x0], $0xffff  }
0x1de: {  	v14 =	vmul.f32 $1.442695020e+00, v14;
	v17 =	vmul.bf16 v33, v17;
	v51 =	vld.idx.msk [tilespmem:v19+s22+$0x0], $0xffff;
	v19 =	vmov s31  }
0x1df: {  	v33 =	vld.idx.msk [tilespmem:v40+s22+$0x0], $0xffff;
	v11 =	vmul.f32 $1.442695020e+00, v11;
	v20 =	vshll.u32 v19, $0x3;
	v19 =	vor.u32 v0, v25  }
0x1e0: {  	v13 =	vadd.bf16 v30, v13;
	(erf) = vpow2.f32 v14;
	v58 =	vld.idx.msk [tilespmem:v24+s21+$0x0], $0xffff;
	v30 =	vor.u32 v3, v19  }
0x1e1: {  	v21 =	vmul.bf16 v21, v27;
	(erf) = vpow2.f32 v11;
	v25 =	vld.idx.msk [tilespmem:v29+s22+$0x0], $0xffff;
	v11 =	vor.u32 v4, v19  }
0x1e2: {  	v10 =	vadd.bf16 v10, v12;
	v29 =	vmul.bf16 v31, v48;
	v31 =	vld.idx.msk [tilespmem:v23+s21+$0x0], $0xffff;
	v20 =	vor.u32 v0, v20  }
0x1e3: {  	v12 =	vmul.bf16 v53, v52;
	v42 =	vunpack.i.u.bf16.f32 v13;
	v23 =	vld.idx.msk [tilespmem:v23+s22+$0x0], $0xffff;
	v56 =	vor.u32 v3, v20  }
0x1e4: {  	v13 =	vunpack.i.l.bf16.f32 v13;
	v24 =	vld.idx.msk [tilespmem:v24+s22+$0x0], $0xffff;
	v10 =	vadd.bf16 v29, v10;
	v54 =	vor.u32 v5, v20  }
0x1e5: {  	v12 =	vadd.bf16 v6, v12;
	v29 =	vor.u32 v1, v20;
	v59 =	vmul.bf16 v51, v50;
	v16 =	vld.idx.msk [tilespmem:v30+s21+$0x0], $0xffff  }
0x1e6: {  	v27 =	vunpack.i.u.bf16.f32 v10;
	v10 =	vunpack.i.l.bf16.f32 v10;
	v25 =	vmul.bf16 v25, v55;
	v53 =	vld.idx.msk [tilespmem:v11+s21+$0x0], $0xffff  }
0x1e7: {  	v13 =	vadd.f32 v13, v42;
	v51 =	vor.u32 v7, v18;
	v10 =	vadd.f32 v10, v27;
	v11 =	vld.idx.msk [tilespmem:v11+s22+$0x0], $0xffff  }
0x1e8: {  	v23 =	vmul.bf16 v23, v31;
	v12 =	vadd.bf16 v59, v12;
	v25 =	vadd.bf16 v6, v25;
	v32 =	vld.idx.msk [tilespmem:v56+s22+$0x0], $0xffff  }
0x1e9: {  	v24 =	vmul.bf16 v24, v58;
	v31 =	vor.u32 v1, v19;
	v10 =	vadd.f32 v10, v13;
	v58 =	vld.idx.msk [tilespmem:v54+s21+$0x0], $0xffff  }
0x1ea: {  	v26 =	vmul.bf16 v35, v26;
	v12 =	vadd.bf16 v17, v12;
	v17 =	vld.idx.msk [tilespmem:v29+s21+$0x0], $0xffff;
	v23 =	vadd.bf16 v23, v25  }
0x1eb: {  	v62 =	vor.u32 v2, v18;
	v29 =	vld.idx.msk [tilespmem:v29+s22+$0x0], $0xffff  }
0x1ec: {  	v27 =	vor.u32 v4, v20;
	v25 =	vld.idx.msk [tilespmem:v56+s21+$0x0], $0xffff;
	v10 =	vsub.f32 $0.0e+00, v10;
	v23 =	vadd.bf16 v26, v23  }
0x1ed: {  	v38 =	vld.idx.msk [tilespmem:v51+s22+$0x0], $0xffff;
	v12 =	vadd.bf16 v21, v12  }
0x1ee: {  	v44 =	vld.idx.msk [tilespmem:v31+s21+$0x0], $0xffff;
	v10 =	vmul.f32 $1.442695020e+00, v10;
	v23 =	vadd.bf16 v24, v23  }
0x1ef: {  	v43 =	vor.u32 v2, v20;
	v45 =	vld.idx.msk [tilespmem:v31+s22+$0x0], $0xffff;
	v24 =	vunpack.i.u.bf16.f32 v12;
	v12 =	vunpack.i.l.bf16.f32 v12  }
0x1f0: {  	v31 =	vld.idx.msk [tilespmem:v62+s22+$0x0], $0xffff;
	(erf) = vpow2.f32 v10;
	v47 =	vunpack.i.u.bf16.f32 v23;
	v23 =	vunpack.i.l.bf16.f32 v23  }
0x1f1: {  	v21 =	vor.u32 v2, v19;
	v48 =	vld.idx.msk [tilespmem:v27+s21+$0x0], $0xffff;
	v12 =	vadd.f32 v12, v24;
	v14 =	vadd.f32 v23, v47  }
0x1f2: {  	v26 =	vld.idx.msk [tilespmem:v30+s22+$0x0], $0xffff  }
0x1f3: {  	v49 =	vor.u32 v5, v18;
	v30 =	vld.idx.msk [tilespmem:v62+s21+$0x0], $0xffff;
	v10 =	vadd.f32 v14, v12  }
0x1f4: {  	v22 =	vmul.bf16 v22, v63;
	v27 =	vld.idx.msk [tilespmem:v27+s22+$0x0], $0xffff  }
0x1f5: {  	v28 =	vmul.bf16 v28, v61;
	v61 =	vor.u32 v8, v18;
	v24 =	vld.idx.msk [tilespmem:v43+s22+$0x0], $0xffff;
	v10 =	vsub.f32 $0.0e+00, v10  }
0x1f6: {  	v22 =	vadd.bf16 v6, v22;
	v52 =	vpop (erf);
	v17 =	vmul.bf16 v29, v17;
	v25 =	vmul.bf16 v32, v25;
	v50 =	vld.idx.msk [tilespmem:v21+s21+$0x0], $0xffff  }
0x1f7: {  	v59 =	vor.u32 v7, v19;
	v29 =	vpop (erf);
	v23 =	vld.idx.msk [tilespmem:v43+s21+$0x0], $0xffff;
	v16 =	vmul.bf16 v26, v16;
	v10 =	vmul.f32 $1.442695020e+00, v10  }
0x1f8: {  	v55 =	vpop (erf);
	v26 =	vadd.f32 $1.000000000e+00, v29;
	v29 =	vor.u32 v7, v20;
	v30 =	vmul.bf16 v31, v30;
	v14 =	vld.idx.msk [tilespmem:v49+s22+$0x0], $0xffff  }
0x1f9: {  	v31 =	vmul.bf16 v33, v46;
	v33 =	vadd.f32 $1.000000000e+00, v55;
	v56 =	vpop (erf);
	(erf) = vpow2.f32 v10;
	v10 =	vld.idx.msk [tilespmem:v49+s21+$0x0], $0xffff  }
0x1fa: {  	v21 =	vld.idx.msk [tilespmem:v21+s22+$0x0], $0xffff;
	(erf) = vrcp.f32 v26;
	v26 =	vadd.bf16 v6, v28;
	v28 =	vadd.f32 $1.000000000e+00, v56  }
0x1fb: {  	v57 =	vor.u32 v5, v19;
	v32 =	vld.idx.msk [tilespmem:v54+s22+$0x0], $0xffff;
	v13 =	vmul.bf16 v45, v44;
	(erf) = vrcp.f32 v33  }
0x1fc: {  	v17 =	vadd.bf16 v6, v17;
	v44 =	vld.idx.msk [tilespmem:v59+s22+$0x0], $0xffff;
	v25 =	vadd.bf16 v6, v25;
	(erf) = vrcp.f32 v28  }
0x1fd: {  	v11 =	vmul.bf16 v11, v53;
	v43 =	vld.idx.msk [tilespmem:v59+s21+$0x0], $0xffff;
	v13 =	vadd.bf16 v6, v13;
	v60 =	vadd.bf16 v31, v22  }
0x1fe: {  	v23 =	vmul.bf16 v24, v23;
	v24 =	vld.idx.msk [tilespmem:v51+s21+$0x0], $0xffff;
	v30 =	vadd.bf16 v30, v26;
	v10 =	vmul.bf16 v14, v10  }
0x1ff: {  	v12 =	vmul.bf16 v27, v48;
	v22 =	vmul.bf16 v21, v50;
	v21 =	vor.u32 v9, v18;
	v31 =	vld.idx.msk [tilespmem:v29+s21+$0x0], $0xffff  }
0x200: {  	v16 =	vadd.bf16 v6, v16;
	v29 =	vld.idx.msk [tilespmem:v29+s22+$0x0], $0xffff;
	v37 =	vadd.bf16 v10, v30;
	v10 =	vmul.bf16 v32, v58  }
0x201: {  	v46 =	vld.idx.msk [tilespmem:v61+s21+$0x0], $0xffff;
	v27 =	vor.u32 v8, v19;
	v19 =	vor.u32 v9, v19;
	v23 =	vadd.bf16 v23, v25  }
0x202: {  	s16 =	simm.s32 $0x12130;
	v47 =	vld.idx.msk [tilespmem:v61+s22+$0x0], $0xffff;
	v36 =	vadd.bf16 v11, v13;
	v34 =	vadd.bf16 v22, v16;
	v22 =	vor.u32 v8, v20;
	v62 =	vpop (erf)  }
0x203: {  	[tilespmem:s16+$0x10] =	vst v52;
	v25 =	vld.idx.msk [tilespmem:v57+s22+$0x0], $0xffff;
	v63 =	vmul.bf16 v38, v24;
	v28 =	vadd.bf16 v12, v17;
	v11 =	vpop (erf);
	v12 =	vadd.f32 $1.000000000e+00, v62  }
0x204: {  	v20 =	vor.u32 v9, v20;
	v48 =	vld.idx.msk [tilespmem:v21+s21+$0x0], $0xffff;
	v40 =	vadd.bf16 v10, v23;
	[tilespmem:s16+$0xFFFFFFF0] =	vst v11;
	v10 =	vpop (erf)  }
0x205: {  	s30 =	simm.s32 $0x4;
	s26 =	simm.s32 $0x80;
	v24 =	vmul.bf16 v29, v31;
	v26 =	vld.idx.msk [tilespmem:v57+s21+$0x0], $0xffff;
	v38 =	vadd.bf16 v63, v60;
	(erf) = vrcp.f32 v12;
	[tilespmem:s16+$0x0] =	vst v10;
	v23 =	vpop (erf)  }
.LBB2_4:
0x206: {  	v12 =	vld.idx.msk [tilespmem:v21+s22+$0x0], $0xffff  }
0x207: {  	v17 =	vld.idx.msk [tilespmem:v22+s21+$0x0], $0xffff  }
0x208: {  	v10 =	vmov s26;
	s31 =	sadd.s32 $0x30, s26;
	v49 =	vld.idx.msk [tilespmem:v22+s22+$0x0], $0xffff  }
0x209: {  	s23 =	sadd.s32 $0x10, s26;
	s1 =	sadd.s32 $0x20, s26;
	v50 =	vld.idx.msk [tilespmem:v20+s21+$0x0], $0xffff;
	v13 =	vadd.bf16 v24, v28;
	v10 =	vshll.u32 v10, $0x3;
	v16 =	vmov s31  }
0x20a: {  	v51 =	vld.idx.msk [tilespmem:v20+s22+$0x0], $0xffff;
	v15 =	vmov s23;
	v54 =	vmov s1;
	v16 =	vshll.u32 v16, $0x3  }
0x20b: {  	[tilespmem:s16+$0xFFFFFFE0] =	vst v23;
	v2 =	vld [tilespmem:$0x1FF20];
	v53 =	vshll.u32 v15, $0x3;
	v15 =	vshll.u32 v54, $0x3;
	v16 =	vor.u32 v0, v16  }
0x20c: {  	v55 =	vld.idx.msk [tilespmem:v27+s21+$0x0], $0xffff;
	v10 =	vor.u32 v0, v10;
	v15 =	vor.u32 v0, v15;
	v21 =	vor.u32 v8, v16  }
0x20d: {  	v56 =	vld.idx.msk [tilespmem:v27+s22+$0x0], $0xffff;
	v42 =	vor.u32 v3, v10;
	v41 =	vor.u32 v1, v10;
	v30 =	vor.u32 v4, v10  }
0x20e: {  	s16 =	sadd.s32 $0x40, s16;
	v57 =	vld.idx.msk [tilespmem:v19+s21+$0x0], $0xffff;
	v14 =	vpop (erf);
	v24 =	vor.u32 v7, v10;
	v27 =	vor.u32 v8, v10;
	v20 =	vor.u32 v5, v16  }
0x20f: {  	v11 =	vmul.bf16 v25, v26;
	[tilespmem:s16+$0x10] =	vst v14;
	v14 =	vor.u32 v0, v53;
	v54 =	vor.u32 v3, v15  }
0x210: {  	v59 =	vld.idx.msk [tilespmem:v19+s22+$0x0], $0xffff;
	v45 =	vor.u32 v1, v15;
	v32 =	vor.u32 v4, v15;
	v61 =	vor.u32 v3, v16  }
0x211: {  	v23 =	vor.u32 v5, v15;
	v26 =	vor.u32 v7, v15;
	v22 =	vor.u32 v8, v15;
	v60 =	vld.idx.msk [tilespmem:v21+s21+$0x0], $0xffff  }
0x212: {  	v43 =	vmul.bf16 v44, v43;
	v52 =	vor.u32 v3, v14;
	v53 =	vor.u32 v1, v14;
	v62 =	vld.idx.msk [tilespmem:v21+s22+$0x0], $0xffff  }
0x213: {  	v39 =	vor.u32 v2, v14;
	v35 =	vor.u32 v4, v14;
	v58 =	vor.u32 v2, v16;
	v63 =	vld.idx.msk [tilespmem:v20+s21+$0x0], $0xffff  }
0x214: {  	v33 =	vor.u32 v2, v15;
	v31 =	vor.u32 v2, v10;
	v29 =	vor.u32 v5, v14;
	v18 =	vld.idx.msk [tilespmem:v20+s22+$0x0], $0xffff  }
0x215: {  	v28 =	vor.u32 v7, v14;
	v2 =	vor.u32 v8, v14;
	v12 =	vmul.bf16 v12, v48;
	v44 =	vld.idx.msk [tilespmem:v61+s21+$0x0], $0xffff  }
0x216: {  	v11 =	vadd.bf16 v11, v34;
	v34 =	vmul.bf16 v47, v46;
	v55 =	vmul.bf16 v56, v55;
	v46 =	vld.idx.msk [tilespmem:v61+s22+$0x0], $0xffff  }
0x217: {  	v59 =	vmul.bf16 v59, v57;
	v21 =	vor.u32 v9, v14;
	v14 =	vor.u32 v1, v16;
	v57 =	vld.idx.msk [tilespmem:v54+s22+$0x0], $0xffff  }
0x218: {  	v56 =	vmul.bf16 v51, v50;
	v12 =	vadd.bf16 v12, v38;
	v20 =	vor.u32 v9, v15;
	v15 =	vld.idx.msk [tilespmem:v58+s21+$0x0], $0xffff  }
0x219: {  	v19 =	vor.u32 v9, v10;
	v25 =	vor.u32 v5, v10;
	v10 =	vld.idx.msk [tilespmem:v58+s22+$0x0], $0xffff;
	v58 =	vor.u32 v4, v16  }
0x21a: {  	v13 =	vadd.bf16 v56, v13;
	v48 =	vunpack.i.u.bf16.f32 v12;
	v12 =	vunpack.i.l.bf16.f32 v12;
	v56 =	vld.idx.msk [tilespmem:v52+s21+$0x0], $0xffff  }
0x21b: {  	v17 =	vmul.bf16 v49, v17;
	v47 =	vor.u32 v7, v16;
	v12 =	vadd.f32 v12, v48;
	v48 =	vld.idx.msk [tilespmem:v53+s21+$0x0], $0xffff  }
0x21c: {  	v36 =	vadd.bf16 v43, v36;
	v43 =	vld.idx.msk [tilespmem:v14+s21+$0x0], $0xffff  }
0x21d: {  	v17 =	vadd.bf16 v17, v40;
	v34 =	vadd.bf16 v34, v37;
	v16 =	vor.u32 v9, v16;
	v14 =	vld.idx.msk [tilespmem:v14+s22+$0x0], $0xffff  }
0x21e: {  	v6 =	vimm.bf16 $0.0e+00;
	v11 =	vadd.bf16 v55, v11;
	v36 =	vadd.bf16 v59, v36;
	v38 =	vld.idx.msk [tilespmem:v58+s21+$0x0], $0xffff  }
0x21f: {  	v49 =	vunpack.i.u.bf16.f32 v17;
	v17 =	vunpack.i.l.bf16.f32 v17;
	v61 =	vunpack.i.u.bf16.f32 v34;
	v37 =	vld.idx.msk [tilespmem:v58+s22+$0x0], $0xffff  }
0x220: {  	v34 =	vunpack.i.l.bf16.f32 v34;
	v51 =	vunpack.i.u.bf16.f32 v13;
	v13 =	vunpack.i.l.bf16.f32 v13;
	v40 =	vld.idx.msk [tilespmem:v47+s21+$0x0], $0xffff  }
0x221: {  	v55 =	vunpack.i.u.bf16.f32 v11;
	v11 =	vunpack.i.l.bf16.f32 v11;
	v47 =	vld.idx.msk [tilespmem:v47+s22+$0x0], $0xffff;
	v44 =	vmul.bf16 v46, v44  }
0x222: {  	v17 =	vadd.f32 v17, v49;
	v59 =	vadd.f32 v34, v61;
	v46 =	vld.idx.msk [tilespmem:v16+s21+$0x0], $0xffff;
	v14 =	vmul.bf16 v14, v43  }
0x223: {  	v13 =	vadd.f32 v13, v51;
	v16 =	vld.idx.msk [tilespmem:v16+s22+$0x0], $0xffff;
	v10 =	vmul.bf16 v10, v15;
	v44 =	vadd.bf16 v6, v44  }
0x224: {  	v50 =	vld.idx.msk [tilespmem:v53+s22+$0x0], $0xffff;
	v11 =	vadd.f32 v11, v55;
	v37 =	vmul.bf16 v37, v38;
	v14 =	vadd.bf16 v6, v14  }
0x225: {  	v53 =	vld.idx.msk [tilespmem:v54+s21+$0x0], $0xffff;
	v12 =	vadd.f32 v12, v59;
	v18 =	vmul.bf16 v18, v63;
	v10 =	vadd.bf16 v10, v44  }
0x226: {  	v61 =	vld.idx.msk [tilespmem:v52+s22+$0x0], $0xffff;
	v13 =	vadd.f32 v13, v17;
	v52 =	vmul.bf16 v47, v40;
	v14 =	vadd.bf16 v37, v14  }
0x227: {  	v43 =	vunpack.i.u.bf16.f32 v36;
	v10 =	vadd.bf16 v18, v10;
	v18 =	vmul.bf16 v62, v60  }
0x228: {  	v51 =	vld.idx.msk [tilespmem:v32+s22+$0x0], $0xffff;
	v36 =	vunpack.i.l.bf16.f32 v36;
	v16 =	vmul.bf16 v16, v46;
	v14 =	vadd.bf16 v52, v14  }
0x229: {  	v55 =	vld.idx.msk [tilespmem:v29+s21+$0x0], $0xffff;
	v36 =	vadd.f32 v36, v43;
	v10 =	vadd.bf16 v18, v10  }
0x22a: {  	v29 =	vld.idx.msk [tilespmem:v29+s22+$0x0], $0xffff;
	v12 =	vsub.f32 $0.0e+00, v12;
	v63 =	vmul.bf16 v57, v53;
	v14 =	vadd.bf16 v16, v14  }
0x22b: {  	v58 =	vld.idx.msk [tilespmem:v45+s21+$0x0], $0xffff;
	v59 =	vmul.bf16 v61, v56;
	v11 =	vadd.f32 v36, v11;
	v17 =	vunpack.i.u.bf16.f32 v10  }
0x22c: {  	v57 =	vld.idx.msk [tilespmem:v28+s21+$0x0], $0xffff;
	v10 =	vunpack.i.l.bf16.f32 v10;
	v61 =	vunpack.i.u.bf16.f32 v14;
	v14 =	vunpack.i.l.bf16.f32 v14  }
0x22d: {  	v44 =	vld.idx.msk [tilespmem:v39+s21+$0x0], $0xffff;
	v10 =	vadd.f32 v10, v17;
	v14 =	vadd.f32 v14, v61  }
0x22e: {  	v13 =	vsub.f32 $0.0e+00, v13;
	v12 =	vmul.f32 $1.442695020e+00, v12;
	v60 =	vld.idx.msk [tilespmem:v42+s22+$0x0], $0xffff  }
0x22f: {  	v11 =	vsub.f32 $0.0e+00, v11;
	v16 =	vld.idx.msk [tilespmem:v42+s21+$0x0], $0xffff;
	v10 =	vadd.f32 v14, v10  }
0x230: {  	v13 =	vmul.f32 $1.442695020e+00, v13;
	(erf) = vpow2.f32 v12;
	v62 =	vld.idx.msk [tilespmem:v41+s21+$0x0], $0xffff  }
0x231: {  	v46 =	vld.idx.msk [tilespmem:v35+s21+$0x0], $0xffff;
	v11 =	vmul.f32 $1.442695020e+00, v11;
	v10 =	vsub.f32 $0.0e+00, v10  }
0x232: {  	(erf) = vpow2.f32 v13;
	v18 =	vld.idx.msk [tilespmem:v45+s22+$0x0], $0xffff  }
0x233: {  	v17 =	vld.idx.msk [tilespmem:v41+s22+$0x0], $0xffff;
	(erf) = vpow2.f32 v11;
	v10 =	vmul.f32 $1.442695020e+00, v10  }
0x234: {  	v47 =	vmul.bf16 v60, v16;
	v16 =	vld.idx.msk [tilespmem:v35+s22+$0x0], $0xffff  }
0x235: {  	v38 =	vmul.bf16 v50, v48;
	v48 =	vld.idx.msk [tilespmem:v33+s21+$0x0], $0xffff;
	(erf) = vpow2.f32 v10  }
0x236: {  	v11 =	vld.idx.msk [tilespmem:v32+s21+$0x0], $0xffff  }
0x237: {  	v45 =	vld.idx.msk [tilespmem:v39+s22+$0x0], $0xffff  }
0x238: {  	v15 =	vadd.bf16 v6, v59;
	v18 =	vmul.bf16 v18, v58;
	v49 =	vmul.bf16 v17, v62;
	v17 =	vld.idx.msk [tilespmem:v33+s22+$0x0], $0xffff  }
0x239: {  	v38 =	vadd.bf16 v6, v38;
	v36 =	vadd.bf16 v6, v63;
	v54 =	vpop (erf);
	v53 =	vmul.bf16 v16, v46;
	v16 =	vld.idx.msk [tilespmem:v30+s21+$0x0], $0xffff  }
0x23a: {  	v18 =	vadd.bf16 v6, v18;
	v33 =	vadd.f32 $1.000000000e+00, v54;
	v30 =	vld.idx.msk [tilespmem:v30+s22+$0x0], $0xffff  }
0x23b: {  	v59 =	vld.idx.msk [tilespmem:v28+s22+$0x0], $0xffff;
	v56 =	vpop (erf);
	v12 =	vadd.bf16 v6, v47;
	v10 =	vadd.bf16 v6, v49;
	v6 =	vmul.bf16 v51, v11  }
0x23c: {  	v43 =	vld.idx.msk [tilespmem:v24+s21+$0x0], $0xffff;
	v14 =	vadd.f32 $1.000000000e+00, v56;
	v58 =	vpop (erf);
	(erf) = vrcp.f32 v33  }
0x23d: {  	v52 =	vld.idx.msk [tilespmem:v31+s21+$0x0], $0xffff;
	v50 =	vmul.bf16 v45, v44;
	v28 =	vadd.bf16 v6, v18;
	v18 =	vadd.f32 $1.000000000e+00, v58  }
0x23e: {  	v31 =	vld.idx.msk [tilespmem:v31+s22+$0x0], $0xffff;
	v17 =	vmul.bf16 v17, v48;
	v11 =	vpop (erf);
	(erf) = vrcp.f32 v14  }
0x23f: {  	v44 =	vld.idx.msk [tilespmem:v24+s22+$0x0], $0xffff;
	v61 =	vmul.bf16 v30, v16;
	(erf) = vrcp.f32 v18  }
0x240: {  	v13 =	vadd.bf16 v50, v15;
	v62 =	vld.idx.msk [tilespmem:v23+s22+$0x0], $0xffff;
	v17 =	vadd.bf16 v17, v36  }
0x241: {  	v60 =	vld.idx.msk [tilespmem:v23+s21+$0x0], $0xffff;
	v36 =	vadd.bf16 v61, v10;
	v10 =	vmul.bf16 v29, v55;
	v11 =	vadd.f32 $1.000000000e+00, v11  }
0x242: {  	s30 =	sadd.s32 $0x4, s30;
	v16 =	vld.idx.msk [tilespmem:v26+s21+$0x0], $0xffff  }
0x243: {  	p0 =	slt.u32 s30, $0x78;
	v37 =	vadd.bf16 v10, v13;
	v10 =	vmul.bf16 v59, v57;
	(erf) = vrcp.f32 v11;
	v11 =	vld.idx.msk [tilespmem:v26+s22+$0x0], $0xffff  }
.Ltmp1:
0x244: {  	v46 =	vld.idx.msk [tilespmem:v2+s21+$0x0], $0xffff;
	(pc) =	sbr.rel @p0 .LBB2_4-.Ltmp1, $4  }
0x245: {  	v31 =	vmul.bf16 v31, v52;
	v15 =	vadd.bf16 v53, v38;
	v63 =	vpop (erf);
	v26 =	vld.idx.msk [tilespmem:v25+s21+$0x0], $0xffff  }
0x246: {  	v6 =	vmul.bf16 v62, v60;
	[tilespmem:s16+$0xFFFFFFF0] =	vst v63;
	v25 =	vld.idx.msk [tilespmem:v25+s22+$0x0], $0xffff  }
0x247: {  	v34 =	vadd.bf16 v31, v12;
	v38 =	vadd.bf16 v10, v15;
	v47 =	vld.idx.msk [tilespmem:v2+s22+$0x0], $0xffff;
	v10 =	vpop (erf)  }
0x248: {  	s26 =	sadd.s32 $0x40, s26;
	v40 =	vadd.bf16 v6, v17;
	v48 =	vld.idx.msk [tilespmem:v21+s21+$0x0], $0xffff;
	v24 =	vmul.bf16 v11, v16;
	[tilespmem:s16+$0x0] =	vst v10;
	v23 =	vpop (erf)  }
0x249: {  	_ =	sdelay $0x3  }
0x24a: {  	v10 =	vld.idx.msk [tilespmem:v21+s22+$0x0], $0xffff  }
0x24b: {  	v11 =	vld.idx.msk [tilespmem:v22+s21+$0x0], $0xffff  }
0x24c: {  	v12 =	vld.idx.msk [tilespmem:v22+s22+$0x0], $0xffff  }
0x24d: {  	v13 =	vld.idx.msk [tilespmem:v20+s21+$0x0], $0xffff  }
0x24e: {  	v14 =	vld.idx.msk [tilespmem:v20+s22+$0x0], $0xffff  }
0x24f: {  	v15 =	vld.idx.msk [tilespmem:v27+s21+$0x0], $0xffff  }
0x250: {  	v16 =	vld.idx.msk [tilespmem:v27+s22+$0x0], $0xffff  }
0x251: {  	v17 =	vld.idx.msk [tilespmem:v19+s21+$0x0], $0xffff  }
0x252: {  	v18 =	vld.idx.msk [tilespmem:v19+s22+$0x0], $0xffff  }
0x253: {  	v31 =	vmul.bf16 v44, v43;
	v30 =	vmul.bf16 v25, v26  }
0x254: {  	v32 =	vadd.bf16 v24, v28;
	v33 =	vmul.bf16 v47, v46  }
0x255: {  	v20 =	vadd.bf16 v31, v36;
	v19 =	vadd.bf16 v30, v34;
	v10 =	vmul.bf16 v10, v48  }
0x256: {  	v11 =	vmul.bf16 v12, v11;
	v35 =	vadd.bf16 v33, v37;
	v13 =	vmul.bf16 v14, v13  }
0x257: {  	v36 =	vmul.bf16 v16, v15;
	v37 =	vmul.bf16 v18, v17;
	v10 =	vadd.bf16 v10, v38  }
0x258: {  	v39 =	vunpack.i.u.bf16.f32 v35;
	v11 =	vadd.bf16 v11, v40;
	v13 =	vadd.bf16 v13, v32  }
0x259: {  	v14 =	vadd.bf16 v36, v19;
	v15 =	vadd.bf16 v37, v20;
	v12 =	vunpack.i.l.bf16.f32 v35  }
0x25a: {  	v12 =	vadd.f32 v12, v39;
	v40 =	vunpack.i.u.bf16.f32 v10;
	v10 =	vunpack.i.l.bf16.f32 v10  }
0x25b: {  	v41 =	vunpack.i.u.bf16.f32 v11;
	v11 =	vunpack.i.l.bf16.f32 v11;
	v42 =	vunpack.i.u.bf16.f32 v13  }
0x25c: {  	v13 =	vunpack.i.l.bf16.f32 v13;
	v43 =	vunpack.i.u.bf16.f32 v14;
	v14 =	vunpack.i.l.bf16.f32 v14  }
0x25d: {  	v44 =	vunpack.i.u.bf16.f32 v15;
	v10 =	vadd.f32 v10, v40;
	v11 =	vadd.f32 v11, v41  }
0x25e: {  	v15 =	vunpack.i.l.bf16.f32 v15;
	v13 =	vadd.f32 v13, v42;
	v14 =	vadd.f32 v14, v43  }
0x25f: {  	v15 =	vadd.f32 v15, v44;
	v10 =	vadd.f32 v10, v12  }
0x260: {  	v11 =	vadd.f32 v13, v11  }
0x261: {  	v45 =	vadd.f32 v15, v14;
	v10 =	vsub.f32 $0.0e+00, v10  }
0x262: {  	v11 =	vsub.f32 $0.0e+00, v11  }
0x263: {  	v12 =	vsub.f32 $0.0e+00, v45;
	v10 =	vmul.f32 $1.442695020e+00, v10  }
0x264: {  	v11 =	vmul.f32 $1.442695020e+00, v11  }
0x265: {  	(erf) = vpow2.f32 v10;
	v10 =	vmul.f32 $1.442695020e+00, v12  }
0x266: {  	(erf) = vpow2.f32 v11  }
0x267: {  	(erf) = vpow2.f32 v10;
	_ =	sdelay $0x5  }
0x268: {  	v10 =	vpop (erf)  }
0x269: {  	v11 =	vpop (erf)  }
0x26a: {  	v11 =	vadd.f32 $1.000000000e+00, v11;
	v46 =	vpop (erf)  }
0x26b: {  	v12 =	vadd.f32 $1.000000000e+00, v46;
	v47 =	vpop (erf)  }
0x26c: {  	(erf) = vrcp.f32 v11;
	v11 =	vadd.f32 $1.000000000e+00, v47  }
0x26d: {  	(erf) = vrcp.f32 v12  }
0x26e: {  	(erf) = vrcp.f32 v11;
	_ =	sdelay $0x5  }
0x26f: {  	[tilespmem:s16+$0xFFFFFFE0] =	vst v23;
	s26 =	sadd.s32 $0x40, s16  }
0x270: {  	[tilespmem:s26+$0x10] =	vst v10;
	v10 =	vpop (erf)  }
0x271: {  	[tilespmem:s26+$0xFFFFFFF0] =	vst v10;
	v10 =	vpop (erf)  }
0x272: {  	[tilespmem:s26+$0x0] =	vst v10;
	v10 =	vpop (erf)  }
0x273: {  	[tilespmem:s26+$0xFFFFFFE0] =	vst v10  }
0x274: {  	v0 =	vld [tilespmem:$0x1FF30];
	_ =	sdelay $0x7  }
0x275: {  	v10 =	vld.idx.msk [tilespmem:v0+s21+$0x0], $0xffff  }
0x276: {  	v11 =	vld.idx.msk [tilespmem:v0+s22+$0x0], $0xffff  }
0x277: {  	v0 =	vld [tilespmem:$0x1FF40];
	_ =	sdelay $0x7  }
0x278: {  	v48 =	vld.idx.msk [tilespmem:v0+s21+$0x0], $0xffff  }
0x279: {  	v49 =	vld.idx.msk [tilespmem:v0+s22+$0x0], $0xffff  }
0x27a: {  	v0 =	vld [tilespmem:$0x1FF50];
	_ =	sdelay $0x7  }
0x27b: {  	v50 =	vld.idx.msk [tilespmem:v0+s21+$0x0], $0xffff  }
0x27c: {  	v51 =	vld.idx.msk [tilespmem:v0+s22+$0x0], $0xffff  }
0x27d: {  	v0 =	vld [tilespmem:$0x1FF60];
	_ =	sdelay $0x7  }
0x27e: {  	v52 =	vld.idx.msk [tilespmem:v0+s21+$0x0], $0xffff  }
0x27f: {  	v53 =	vld.idx.msk [tilespmem:v0+s22+$0x0], $0xffff  }
0x280: {  	v0 =	vld [tilespmem:$0x1FF70];
	_ =	sdelay $0x7  }
0x281: {  	v54 =	vld.idx.msk [tilespmem:v0+s21+$0x0], $0xffff  }
0x282: {  	v55 =	vld.idx.msk [tilespmem:v0+s22+$0x0], $0xffff  }
0x283: {  	v0 =	vld [tilespmem:$0x1FF80];
	_ =	sdelay $0x6  }
0x284: {  	v1 =	vld [tilespmem:$0x1FFA0]  }
0x285: {  	v56 =	vld.idx.msk [tilespmem:v0+s21+$0x0], $0xffff  }
0x286: {  	v57 =	vld.idx.msk [tilespmem:v0+s22+$0x0], $0xffff  }
0x287: {  	v0 =	vld [tilespmem:$0x1FF90];
	_ =	sdelay $0x6  }
0x288: {  	v59 =	vld.idx.msk [tilespmem:v1+s21+$0x0], $0xffff  }
0x289: {  	v10 =	vmul.bf16 v11, v10;
	v58 =	vld.idx.msk [tilespmem:v0+s21+$0x0], $0xffff  }
0x28a: {  	v12 =	vmul.bf16 v49, v48;
	v11 =	vld.idx.msk [tilespmem:v0+s22+$0x0], $0xffff;
	v0 =	vimm.bf16 $0.0e+00  }
0x28b: {  	v60 =	vld.idx.msk [tilespmem:v1+s22+$0x0], $0xffff;
	v14 =	vmul.bf16 v51, v50;
	v10 =	vadd.bf16 v0, v10  }
0x28c: {  	v16 =	vmul.bf16 v53, v52;
	v12 =	vadd.bf16 v0, v12  }
0x28d: {  	v61 =	vmul.bf16 v55, v54;
	v10 =	vadd.bf16 v14, v10  }
0x28e: {  	v62 =	vmul.bf16 v57, v56;
	v12 =	vadd.bf16 v16, v12  }
0x28f: {  	v10 =	vadd.bf16 v61, v10;
	v11 =	vmul.bf16 v11, v58  }
0x290: {  	v13 =	vmul.bf16 v60, v59;
	v12 =	vadd.bf16 v62, v12  }
0x291: {  	v10 =	vadd.bf16 v11, v10  }
0x292: {  	v11 =	vadd.bf16 v13, v12  }
0x293: {  	v63 =	vunpack.i.u.bf16.f32 v10  }
0x294: {  	v10 =	vunpack.i.l.bf16.f32 v10;
	v13 =	vunpack.i.u.bf16.f32 v11;
	v11 =	vunpack.i.l.bf16.f32 v11  }
0x295: {  	v10 =	vadd.f32 v10, v63;
	v11 =	vadd.f32 v11, v13;
	_ =	sdelay $0x1  }
0x296: {  	v10 =	vadd.f32 v11, v10;
	_ =	sdelay $0x1  }
0x297: {  	v10 =	vsub.f32 $0.0e+00, v10;
	_ =	sdelay $0x1  }
0x298: {  	v10 =	vmul.f32 $1.442695020e+00, v10;
	_ =	sdelay $0x1  }
0x299: {  	(erf) = vpow2.f32 v10;
	_ =	sdelay $0x8  }
0x29a: {  	v10 =	vpop (erf)  }
0x29b: {  	v10 =	vadd.f32 $1.000000000e+00, v10;
	_ =	sdelay $0x1  }
0x29c: {  	(erf) = vrcp.f32 v10;
	_ =	sdelay $0x8  }
0x29d: {  	v10 =	vpop (erf)  }
0x29e: {  	s1 =	simm.s32 $0x12110;
	s0 =	rddreg [dreg:$0x11];
	[tilespmem:$0x128D0] =	vst v10  }
0x29f: {  	[hbm4b:s0+s5] =	stream.linear.scatter [tilespmem:s1], [sflag:$0xA], $0x7D0, $0x38;
	[tilespmem:$0x18A88] =	vst v63  }
0x2a0: {  	s30 =	rddreg [dreg:$0x12]  }
0x2a1: {  	[tilespmem:s6], [sflag:$0x2] =	stream.linear.gather [hbm4b:s30+s5], $0x7D0, $0x38;
	[tilespmem:$0x18A88] =	vst v63  }
0x2a2: {  	s16 =	simm.s32 $0x1;
	s31 =	rddreg [dreg:$0x13]  }
0x2a3: {  	[tilespmem:s8], [sflag:$0x4] =	stream.linear.gather [hbm4b:s31+s5], $0x7D0, $0x38;
	[tilespmem:$0x18A88] =	vst v63  }
.LBB2_6:
0x2a4: {  	_ =	swait.ge [sflag:s15], $0x3E80  }
0x2a5: {  	[sflag:s15] =	ssyncset.done $0x0  }
0x2a6: {  	[sflag:s15] =	ssyncadd.s32 $0xFFFFC180  }
0x2a7: {  	_ =	swait.ge [sflag:s17], $0x3E80  }
0x2a8: {  	[sflag:s17] =	ssyncset.done $0x0  }
0x2a9: {  	[sflag:s17] =	ssyncadd.s32 $0xFFFFC180  }
0x2aa: {  	_ =	swait.ge [sflag:s18], $0x7D0  }
0x2ab: {  	[sflag:s18] =	ssyncset.done $0x0  }
0x2ac: {  	[sflag:s18] =	ssyncadd.s32 $0xFFFFF830  }
0x2ad: {  	_ =	swait.ge [sflag:s20], $0x7D0  }
0x2ae: {  	v1 =	vld [tilespmem:$0x1FFB0]  }
0x2af: {  	[sflag:s20] =	ssyncset.done $0x0  }
0x2b0: {  	s23 =	simm.s32 $0x30;
	[sflag:s20] =	ssyncadd.s32 $0xFFFFF830  }
0x2b1: {  	v10 =	vmov s23;
	[tilespmem:s21], [sflag:$0x6] =	stream.indirect.gather [spmem:s4], $0x8, s6, s6, $0xb8;
	[tilespmem:$0x18A88] =	vst v63  }
0x2b2: {  	v10 =	vshll.u32 v10, $0x3  }
0x2b3: {  	[tilespmem:s22], [sflag:$0x8] =	stream.indirect.gather [spmem:s4], $0x8, s8, s6, $0xb8;
	v10 =	vor.u32 v1, v10;
	[tilespmem:$0x18A88] =	vst v63  }
0x2b4: {  	_ =	swait.ge [sflag:s28], $0x7D0;
	v11 =	vor.u32 v8, v10  }
0x2b5: {  	v0 =	vld [tilespmem:$0x1FF20]  }
0x2b6: {  	s26 =	simm.s32 $0x10;
	v12 =	vor.u32 v5, v10;
	v2 =	vld [tilespmem:$0x1FFC0]  }
0x2b7: {  	v7 =	vmov v5;
	v22 =	vmov s26;
	[sflag:s28] =	ssyncset.done $0x0;
	v5 =	vld [tilespmem:$0x1FFD0]  }
0x2b8: {  	s0 =	simm.s32 $0x20;
	v22 =	vshll.u32 v22, $0x3;
	v15 =	vor.u32 v3, v10;
	v6 =	vld [tilespmem:$0x1FFE0];
	[sflag:s28] =	ssyncadd.s32 $0xFFFFF830  }
0x2b9: {  	v4 =	vmov v3;
	v26 =	vmov s0;
	v22 =	vor.u32 v1, v22;
	v14 =	vld.idx.msk [tilespmem:v11+s12+$0x0], $0xffff  }
0x2ba: {  	s1 =	simm.s32 $0x0;
	v26 =	vshll.u32 v26, $0x3;
	v25 =	vor.u32 v4, v22;
	v11 =	vld.idx.msk [tilespmem:v11+s13+$0x0], $0xffff  }
0x2bb: {  	v31 =	vmov s1;
	v26 =	vor.u32 v1, v26;
	v16 =	vld.idx.msk [tilespmem:v12+s12+$0x0], $0xffff  }
0x2bc: {  	v31 =	vshll.u32 v31, $0x3;
	v30 =	vor.u32 v4, v26;
	v12 =	vld.idx.msk [tilespmem:v12+s13+$0x0], $0xffff  }
0x2bd: {  	v31 =	vor.u32 v1, v31;
	v20 =	vld.idx.msk [tilespmem:v15+s12+$0x0], $0xffff  }
0x2be: {  	v35 =	vor.u32 v4, v31;
	v15 =	vld.idx.msk [tilespmem:v15+s13+$0x0], $0xffff  }
0x2bf: {  	v32 =	vld.idx.msk [tilespmem:v25+s12+$0x0], $0xffff  }
0x2c0: {  	v56 =	vor.u32 v7, v31;
	v25 =	vld.idx.msk [tilespmem:v25+s13+$0x0], $0xffff  }
0x2c1: {  	v48 =	vor.u32 v8, v22;
	v36 =	vld.idx.msk [tilespmem:v30+s12+$0x0], $0xffff  }
0x2c2: {  	v30 =	vld.idx.msk [tilespmem:v30+s13+$0x0], $0xffff  }
0x2c3: {  	v58 =	vor.u32 v8, v26;
	v40 =	vld.idx.msk [tilespmem:v35+s12+$0x0], $0xffff  }
0x2c4: {  	v13 =	vor.u32 v0, v10;
	v35 =	vld.idx.msk [tilespmem:v35+s13+$0x0], $0xffff  }
0x2c5: {  	v49 =	vld.idx.msk [tilespmem:v56+s12+$0x0], $0xffff  }
0x2c6: {  	v17 =	vor.u32 v2, v10;
	v59 =	vld.idx.msk [tilespmem:v48+s12+$0x0], $0xffff  }
0x2c7: {  	v61 =	vld.idx.msk [tilespmem:v48+s13+$0x0], $0xffff  }
0x2c8: {  	v19 =	vor.u32 v5, v10;
	v63 =	vld.idx.msk [tilespmem:v58+s12+$0x0], $0xffff  }
0x2c9: {  	v18 =	vld.idx.msk [tilespmem:v13+s12+$0x0], $0xffff  }
0x2ca: {  	v21 =	vor.u32 v6, v10;
	v13 =	vld.idx.msk [tilespmem:v13+s13+$0x0], $0xffff  }
0x2cb: {  	v23 =	vld.idx.msk [tilespmem:v17+s12+$0x0], $0xffff  }
0x2cc: {  	v10 =	vor.u32 v9, v10;
	v17 =	vld.idx.msk [tilespmem:v17+s13+$0x0], $0xffff  }
0x2cd: {  	v24 =	vld.idx.msk [tilespmem:v19+s12+$0x0], $0xffff  }
0x2ce: {  	v28 =	vor.u32 v2, v22;
	v19 =	vld.idx.msk [tilespmem:v19+s13+$0x0], $0xffff  }
0x2cf: {  	v27 =	vld.idx.msk [tilespmem:v21+s12+$0x0], $0xffff  }
0x2d0: {  	v33 =	vor.u32 v2, v26;
	v21 =	vld.idx.msk [tilespmem:v21+s13+$0x0], $0xffff  }
0x2d1: {  	v29 =	vld.idx.msk [tilespmem:v10+s12+$0x0], $0xffff  }
0x2d2: {  	v37 =	vor.u32 v2, v31;
	v10 =	vld.idx.msk [tilespmem:v10+s13+$0x0], $0xffff  }
0x2d3: {  	v34 =	vld.idx.msk [tilespmem:v28+s12+$0x0], $0xffff  }
0x2d4: {  	v39 =	vor.u32 v0, v22;
	v28 =	vld.idx.msk [tilespmem:v28+s13+$0x0], $0xffff  }
0x2d5: {  	v38 =	vld.idx.msk [tilespmem:v33+s12+$0x0], $0xffff  }
0x2d6: {  	v41 =	vor.u32 v5, v22;
	v33 =	vld.idx.msk [tilespmem:v33+s13+$0x0], $0xffff  }
0x2d7: {  	v51 =	vor.u32 v6, v22;
	v42 =	vld.idx.msk [tilespmem:v37+s12+$0x0], $0xffff  }
0x2d8: {  	v37 =	vld.idx.msk [tilespmem:v37+s13+$0x0], $0xffff  }
0x2d9: {  	v62 =	vor.u32 v8, v31;
	v46 =	vor.u32 v0, v31;
	v44 =	vld.idx.msk [tilespmem:v39+s12+$0x0], $0xffff  }
0x2da: {  	v50 =	vor.u32 v5, v31;
	v57 =	vor.u32 v6, v31;
	v31 =	vor.u32 v9, v31;
	v39 =	vld.idx.msk [tilespmem:v39+s13+$0x0], $0xffff  }
0x2db: {  	v15 =	vmul.bf16 v15, v20;
	v20 =	vld.idx.msk [tilespmem:v41+s12+$0x0], $0xffff  }
0x2dc: {  	v43 =	vor.u32 v0, v26;
	v55 =	vld.idx.msk [tilespmem:v51+s12+$0x0], $0xffff  }
0x2dd: {  	v3 =	vmovc v0;
	v0 =	vimm.bf16 $0.0e+00;
	v12 =	vmul.bf16 v12, v16;
	v11 =	vmul.bf16 v11, v14;
	v14 =	vld.idx.msk [tilespmem:v51+s13+$0x0], $0xffff  }
0x2de: {  	v16 =	vor.u32 v7, v22;
	v25 =	vmul.bf16 v25, v32;
	v32 =	vld.idx.msk [tilespmem:v58+s13+$0x0], $0xffff;
	v17 =	vmul.bf16 v17, v23  }
0x2df: {  	v48 =	vld.idx.msk [tilespmem:v31+s12+$0x0], $0xffff;
	v15 =	vadd.bf16 v0, v15;
	v13 =	vmul.bf16 v13, v18  }
0x2e0: {  	v23 =	vld.idx.msk [tilespmem:v41+s13+$0x0], $0xffff;
	v19 =	vmul.bf16 v19, v24;
	v17 =	vadd.bf16 v0, v17  }
0x2e1: {  	v45 =	vor.u32 v5, v26;
	v18 =	vld.idx.msk [tilespmem:v43+s12+$0x0], $0xffff;
	v13 =	vadd.bf16 v13, v15  }
0x2e2: {  	v22 =	vor.u32 v9, v22;
	v24 =	vld.idx.msk [tilespmem:v43+s13+$0x0], $0xffff;
	v17 =	vadd.bf16 v19, v17;
	v19 =	vmul.bf16 v21, v27  }
0x2e3: {  	v30 =	vmul.bf16 v30, v36;
	v35 =	vmul.bf16 v35, v40;
	v53 =	vld.idx.msk [tilespmem:v16+s12+$0x0], $0xffff;
	v12 =	vadd.bf16 v12, v13  }
0x2e4: {  	v10 =	vmul.bf16 v10, v29;
	v29 =	vor.u32 v6, v26;
	v16 =	vld.idx.msk [tilespmem:v16+s13+$0x0], $0xffff;
	v17 =	vadd.bf16 v19, v17  }
0x2e5: {  	v25 =	vadd.bf16 v0, v25;
	v60 =	vmul.bf16 v39, v44;
	v44 =	vld.idx.msk [tilespmem:v62+s13+$0x0], $0xffff;
	v11 =	vadd.bf16 v11, v12  }
0x2e6: {  	v30 =	vadd.bf16 v0, v30;
	v28 =	vmul.bf16 v28, v34;
	v15 =	vld.idx.msk [tilespmem:v45+s12+$0x0], $0xffff;
	v10 =	vadd.bf16 v10, v17  }
0x2e7: {  	v33 =	vmul.bf16 v33, v38;
	v37 =	vmul.bf16 v37, v42;
	v21 =	vld.idx.msk [tilespmem:v45+s13+$0x0], $0xffff;
	v52 =	vunpack.i.u.bf16.f32 v11  }
0x2e8: {  	v13 =	vld.idx.msk [tilespmem:v46+s12+$0x0], $0xffff;
	v11 =	vunpack.i.l.bf16.f32 v11;
	v54 =	vunpack.i.u.bf16.f32 v10;
	v10 =	vunpack.i.l.bf16.f32 v10  }
0x2e9: {  	v14 =	vmul.bf16 v14, v55;
	v47 =	vld.idx.msk [tilespmem:v29+s12+$0x0], $0xffff;
	v11 =	vadd.f32 v11, v52;
	v10 =	vadd.f32 v10, v54  }
0x2ea: {  	v35 =	vadd.bf16 v0, v35;
	v34 =	vmul.bf16 v61, v59;
	v32 =	vmul.bf16 v32, v63;
	v29 =	vld.idx.msk [tilespmem:v29+s13+$0x0], $0xffff  }
0x2eb: {  	v28 =	vadd.bf16 v0, v28;
	v20 =	vmul.bf16 v23, v20;
	v23 =	vld.idx.msk [tilespmem:v22+s12+$0x0], $0xffff;
	v10 =	vadd.f32 v10, v11  }
0x2ec: {  	v25 =	vadd.bf16 v60, v25;
	v27 =	vor.u32 v7, v26;
	v26 =	vor.u32 v9, v26;
	v22 =	vld.idx.msk [tilespmem:v22+s13+$0x0], $0xffff  }
0x2ed: {  	s26 =	simm.s32 $0x70;
	v33 =	vadd.bf16 v0, v33;
	v16 =	vmul.bf16 v16, v53;
	v19 =	vld.idx.msk [tilespmem:v46+s13+$0x0], $0xffff;
	v10 =	vsub.f32 $0.0e+00, v10  }
0x2ee: {  	s0 =	simm.s32 $0x40;
	v18 =	vmul.bf16 v24, v18;
	v12 =	vld.idx.msk [tilespmem:v50+s12+$0x0], $0xffff;
	v20 =	vadd.bf16 v20, v28;
	v28 =	vmov s26  }
0x2ef: {  	v16 =	vadd.bf16 v16, v25;
	v25 =	vmov s0;
	v17 =	vld.idx.msk [tilespmem:v50+s13+$0x0], $0xffff;
	v10 =	vmul.f32 $1.442695020e+00, v10  }
0x2f0: {  	v18 =	vadd.bf16 v18, v30;
	v30 =	vld.idx.msk [tilespmem:v62+s12+$0x0], $0xffff;
	v28 =	vshll.u32 v28, $0x3;
	v25 =	vshll.u32 v25, $0x3  }
0x2f1: {  	v24 =	vor.u32 v1, v28;
	v28 =	vld.idx.msk [tilespmem:v26+s12+$0x0], $0xffff;
	v15 =	vmul.bf16 v21, v15;
	(erf) = vpow2.f32 v10  }
0x2f2: {  	v26 =	vld.idx.msk [tilespmem:v26+s13+$0x0], $0xffff;
	v14 =	vadd.bf16 v14, v20;
	v16 =	vadd.bf16 v34, v16;
	v42 =	vor.u32 v7, v24  }
0x2f3: {  	v21 =	vor.u32 v8, v24;
	v20 =	vor.u32 v4, v24;
	v22 =	vmul.bf16 v22, v23;
	v11 =	vld.idx.msk [tilespmem:v27+s12+$0x0], $0xffff  }
0x2f4: {  	v23 =	vor.u32 v5, v24;
	v27 =	vld.idx.msk [tilespmem:v27+s13+$0x0], $0xffff;
	v12 =	vmul.bf16 v17, v12;
	v17 =	vadd.bf16 v0, v37  }
0x2f5: {  	v45 =	vld.idx.msk [tilespmem:v56+s13+$0x0], $0xffff;
	v13 =	vmul.bf16 v19, v13;
	v15 =	vadd.bf16 v15, v33;
	v54 =	vor.u32 v6, v24  }
0x2f6: {  	v46 =	vld.idx.msk [tilespmem:v57+s13+$0x0], $0xffff;
	v14 =	vadd.bf16 v22, v14;
	v12 =	vadd.bf16 v12, v17;
	v17 =	vmul.bf16 v29, v47  }
0x2f7: {  	v30 =	vmul.bf16 v44, v30;
	v13 =	vadd.bf16 v13, v35;
	v26 =	vmul.bf16 v26, v28;
	v33 =	vld.idx.msk [tilespmem:v42+s13+$0x0], $0xffff  }
0x2f8: {  	v60 =	vunpack.i.u.bf16.f32 v14;
	v14 =	vunpack.i.l.bf16.f32 v14;
	v15 =	vadd.bf16 v17, v15;
	v17 =	vld.idx.msk [tilespmem:v42+s12+$0x0], $0xffff  }
0x2f9: {  	v29 =	vor.u32 v2, v24;
	v14 =	vadd.f32 v14, v60;
	v11 =	vmul.bf16 v27, v11;
	v27 =	vld.idx.msk [tilespmem:v21+s12+$0x0], $0xffff  }
0x2fa: {  	v10 =	vld.idx.msk [tilespmem:v57+s12+$0x0], $0xffff;
	v15 =	vadd.bf16 v26, v15;
	v57 =	vunpack.i.u.bf16.f32 v16;
	v16 =	vunpack.i.l.bf16.f32 v16;
	v19 =	vpop (erf)  }
0x2fb: {  	v21 =	vld.idx.msk [tilespmem:v21+s13+$0x0], $0xffff;
	v11 =	vadd.bf16 v11, v18;
	v18 =	vmul.bf16 v45, v49;
	v19 =	vadd.f32 $1.000000000e+00, v19  }
0x2fc: {  	v35 =	vld.idx.msk [tilespmem:v54+s13+$0x0], $0xffff;
	v16 =	vadd.f32 v16, v57;
	v42 =	vunpack.i.u.bf16.f32 v15;
	v15 =	vunpack.i.l.bf16.f32 v15  }
0x2fd: {  	s1 =	simm.s32 $0x50;
	v26 =	vld.idx.msk [tilespmem:v54+s12+$0x0], $0xffff;
	v13 =	vadd.bf16 v18, v13;
	(erf) = vrcp.f32 v19;
	v19 =	vor.u32 v3, v24  }
0x2fe: {  	v31 =	vld.idx.msk [tilespmem:v31+s13+$0x0], $0xffff;
	v18 =	vmov s1;
	v11 =	vadd.bf16 v32, v11;
	v17 =	vmul.bf16 v33, v17  }
0x2ff: {  	v52 =	vld.idx.msk [tilespmem:v20+s12+$0x0], $0xffff;
	v15 =	vadd.f32 v15, v42;
	v14 =	vadd.f32 v14, v16;
	v18 =	vshll.u32 v18, $0x3  }
0x300: {  	v53 =	vld.idx.msk [tilespmem:v20+s13+$0x0], $0xffff;
	v21 =	vmul.bf16 v21, v27;
	v40 =	vunpack.i.u.bf16.f32 v11;
	v11 =	vunpack.i.l.bf16.f32 v11  }
0x301: {  	v55 =	vld.idx.msk [tilespmem:v29+s12+$0x0], $0xffff;
	v10 =	vmul.bf16 v46, v10;
	v18 =	vor.u32 v1, v18;
	v11 =	vadd.f32 v11, v40  }
0x302: {  	s26 =	simm.s32 $0x60;
	v13 =	vadd.bf16 v30, v13;
	v26 =	vmul.bf16 v35, v26;
	v28 =	vor.u32 v4, v18;
	v50 =	vld.idx.msk [tilespmem:v19+s12+$0x0], $0xffff  }
0x303: {  	v14 =	vsub.f32 $0.0e+00, v14;
	v11 =	vadd.f32 v15, v11;
	v51 =	vld.idx.msk [tilespmem:v19+s13+$0x0], $0xffff;
	v19 =	vmov s26  }
0x304: {  	v24 =	vor.u32 v9, v24;
	v20 =	vshll.u32 v19, $0x3;
	v19 =	vor.u32 v1, v25;
	v25 =	vld.idx.msk [tilespmem:v29+s13+$0x0], $0xffff  }
0x305: {  	v22 =	vor.u32 v2, v18;
	v41 =	vor.u32 v5, v18;
	v29 =	vmul.bf16 v31, v48;
	v31 =	vld.idx.msk [tilespmem:v23+s12+$0x0], $0xffff  }
0x306: {  	v10 =	vadd.bf16 v10, v12;
	v12 =	vmul.bf16 v53, v52;
	v11 =	vsub.f32 $0.0e+00, v11;
	v23 =	vld.idx.msk [tilespmem:v23+s13+$0x0], $0xffff  }
0x307: {  	v43 =	vunpack.i.u.bf16.f32 v13;
	v13 =	vunpack.i.l.bf16.f32 v13;
	v14 =	vmul.f32 $1.442695020e+00, v14;
	v61 =	vld.idx.msk [tilespmem:v28+s12+$0x0], $0xffff  }
0x308: {  	v52 =	vor.u32 v6, v18;
	v13 =	vadd.f32 v13, v43;
	v28 =	vld.idx.msk [tilespmem:v28+s13+$0x0], $0xffff;
	v11 =	vmul.f32 $1.442695020e+00, v11  }
0x309: {  	v12 =	vadd.bf16 v0, v12;
	(erf) = vpow2.f32 v14;
	v58 =	vld.idx.msk [tilespmem:v24+s12+$0x0], $0xffff;
	v25 =	vmul.bf16 v25, v55  }
0x30a: {  	(erf) = vpow2.f32 v11;
	v24 =	vld.idx.msk [tilespmem:v24+s13+$0x0], $0xffff;
	v30 =	vor.u32 v4, v19;
	v59 =	vmul.bf16 v51, v50  }
0x30b: {  	v63 =	vld.idx.msk [tilespmem:v22+s12+$0x0], $0xffff;
	v10 =	vadd.bf16 v29, v10;
	v23 =	vmul.bf16 v23, v31;
	v25 =	vadd.bf16 v0, v25  }
0x30c: {  	v22 =	vld.idx.msk [tilespmem:v22+s13+$0x0], $0xffff;
	v20 =	vor.u32 v1, v20;
	v11 =	vor.u32 v5, v19;
	v12 =	vadd.bf16 v59, v12  }
0x30d: {  	v47 =	vld.idx.msk [tilespmem:v41+s12+$0x0], $0xffff;
	v27 =	vunpack.i.u.bf16.f32 v10;
	v10 =	vunpack.i.l.bf16.f32 v10;
	v23 =	vadd.bf16 v23, v25  }
0x30e: {  	v33 =	vld.idx.msk [tilespmem:v41+s13+$0x0], $0xffff;
	v56 =	vor.u32 v4, v20;
	v10 =	vadd.f32 v10, v27;
	v12 =	vadd.bf16 v17, v12  }
0x30f: {  	v38 =	vld.idx.msk [tilespmem:v52+s13+$0x0], $0xffff;
	v29 =	vor.u32 v2, v20;
	v24 =	vmul.bf16 v24, v58;
	v23 =	vadd.bf16 v26, v23  }
0x310: {  	v16 =	vld.idx.msk [tilespmem:v30+s12+$0x0], $0xffff;
	v10 =	vadd.f32 v10, v13;
	v12 =	vadd.bf16 v21, v12  }
0x311: {  	v62 =	vor.u32 v3, v18;
	v54 =	vld.idx.msk [tilespmem:v11+s12+$0x0], $0xffff;
	v23 =	vadd.bf16 v24, v23  }
0x312: {  	v31 =	vor.u32 v2, v19;
	v11 =	vld.idx.msk [tilespmem:v11+s13+$0x0], $0xffff;
	v10 =	vsub.f32 $0.0e+00, v10;
	v24 =	vunpack.i.u.bf16.f32 v12  }
0x313: {  	v32 =	vld.idx.msk [tilespmem:v56+s13+$0x0], $0xffff;
	v12 =	vunpack.i.l.bf16.f32 v12;
	v48 =	vunpack.i.u.bf16.f32 v23;
	v23 =	vunpack.i.l.bf16.f32 v23  }
0x314: {  	v17 =	vld.idx.msk [tilespmem:v29+s12+$0x0], $0xffff;
	v10 =	vmul.f32 $1.442695020e+00, v10;
	v12 =	vadd.f32 v12, v24;
	v14 =	vadd.f32 v23, v48  }
0x315: {  	v27 =	vor.u32 v5, v20;
	v29 =	vld.idx.msk [tilespmem:v29+s13+$0x0], $0xffff  }
0x316: {  	v25 =	vld.idx.msk [tilespmem:v56+s12+$0x0], $0xffff;
	(erf) = vpow2.f32 v10;
	v10 =	vadd.f32 v14, v12  }
0x317: {  	v45 =	vld.idx.msk [tilespmem:v31+s12+$0x0], $0xffff  }
0x318: {  	v46 =	vld.idx.msk [tilespmem:v31+s13+$0x0], $0xffff;
	v10 =	vsub.f32 $0.0e+00, v10  }
0x319: {  	v55 =	vor.u32 v7, v20;
	v31 =	vld.idx.msk [tilespmem:v62+s13+$0x0], $0xffff  }
0x31a: {  	v44 =	vor.u32 v3, v20;
	v49 =	vld.idx.msk [tilespmem:v27+s12+$0x0], $0xffff;
	v10 =	vmul.f32 $1.442695020e+00, v10  }
0x31b: {  	v21 =	vor.u32 v3, v19;
	v27 =	vld.idx.msk [tilespmem:v27+s13+$0x0], $0xffff  }
0x31c: {  	v53 =	vpop (erf);
	v26 =	vld.idx.msk [tilespmem:v30+s13+$0x0], $0xffff;
	(erf) = vpow2.f32 v10  }
0x31d: {  	v22 =	vmul.bf16 v22, v63;
	v50 =	vor.u32 v7, v18;
	v30 =	vld.idx.msk [tilespmem:v62+s12+$0x0], $0xffff  }
0x31e: {  	v59 =	vld.idx.msk [tilespmem:v55+s12+$0x0], $0xffff  }
0x31f: {  	v28 =	vmul.bf16 v28, v61;
	v22 =	vadd.bf16 v0, v22;
	v17 =	vmul.bf16 v29, v17;
	v24 =	vld.idx.msk [tilespmem:v44+s13+$0x0], $0xffff  }
0x320: {  	v60 =	vor.u32 v6, v19;
	v58 =	vor.u32 v7, v19;
	v11 =	vmul.bf16 v11, v54;
	v51 =	vld.idx.msk [tilespmem:v21+s12+$0x0], $0xffff  }
0x321: {  	v29 =	vpop (erf);
	v25 =	vmul.bf16 v32, v25;
	v17 =	vadd.bf16 v0, v17;
	v23 =	vld.idx.msk [tilespmem:v44+s12+$0x0], $0xffff;
	v16 =	vmul.bf16 v26, v16  }
0x322: {  	v56 =	vpop (erf);
	v26 =	vadd.f32 $1.000000000e+00, v29;
	v29 =	vor.u32 v6, v20;
	v30 =	vmul.bf16 v31, v30;
	v14 =	vld.idx.msk [tilespmem:v50+s13+$0x0], $0xffff  }
0x323: {  	v31 =	vmul.bf16 v33, v47;
	v33 =	vadd.f32 $1.000000000e+00, v56;
	v12 =	vmul.bf16 v27, v49;
	v57 =	vpop (erf);
	v10 =	vld.idx.msk [tilespmem:v50+s12+$0x0], $0xffff  }
0x324: {  	v21 =	vld.idx.msk [tilespmem:v21+s13+$0x0], $0xffff;
	(erf) = vrcp.f32 v26;
	v26 =	vadd.bf16 v0, v28;
	v28 =	vadd.f32 $1.000000000e+00, v57  }
0x325: {  	v32 =	vld.idx.msk [tilespmem:v55+s13+$0x0], $0xffff;
	v13 =	vmul.bf16 v46, v45;
	v25 =	vadd.bf16 v0, v25;
	(erf) = vrcp.f32 v33;
	v62 =	vpop (erf)  }
0x326: {  	v43 =	vld.idx.msk [tilespmem:v60+s12+$0x0], $0xffff;
	(erf) = vrcp.f32 v28;
	v28 =	vadd.bf16 v12, v17;
	v12 =	vadd.f32 $1.000000000e+00, v62  }
0x327: {  	v61 =	vadd.bf16 v31, v22;
	v27 =	vor.u32 v8, v18;
	v23 =	vmul.bf16 v24, v23;
	v24 =	vld.idx.msk [tilespmem:v52+s12+$0x0], $0xffff  }
0x328: {  	v31 =	vld.idx.msk [tilespmem:v29+s12+$0x0], $0xffff;
	v30 =	vadd.bf16 v30, v26;
	v10 =	vmul.bf16 v14, v10;
	(erf) = vrcp.f32 v12  }
0x329: {  	v13 =	vadd.bf16 v0, v13;
	v22 =	vmul.bf16 v21, v51;
	v21 =	vor.u32 v9, v18;
	v29 =	vld.idx.msk [tilespmem:v29+s13+$0x0], $0xffff  }
0x32a: {  	s31 =	simm.s32 $0x11960;
	v23 =	vadd.bf16 v23, v25;
	v25 =	vld.idx.msk [tilespmem:v58+s13+$0x0], $0xffff;
	v37 =	vadd.bf16 v10, v30;
	v10 =	vmul.bf16 v32, v59  }
0x32b: {  	[tilespmem:s31+$0x10] =	vst v53;
	v16 =	vadd.bf16 v0, v16;
	v26 =	vld.idx.msk [tilespmem:v58+s12+$0x0], $0xffff  }
0x32c: {  	v44 =	vld.idx.msk [tilespmem:v60+s13+$0x0], $0xffff;
	v36 =	vadd.bf16 v11, v13;
	v18 =	vor.u32 v8, v19;
	v19 =	vor.u32 v9, v19  }
0x32d: {  	v34 =	vadd.bf16 v22, v16;
	v22 =	vor.u32 v8, v20;
	v46 =	vld.idx.msk [tilespmem:v27+s12+$0x0], $0xffff;
	v63 =	vmul.bf16 v38, v24;
	v11 =	vpop (erf)  }
0x32e: {  	v20 =	vor.u32 v9, v20;
	v47 =	vld.idx.msk [tilespmem:v27+s13+$0x0], $0xffff;
	v40 =	vadd.bf16 v10, v23;
	[tilespmem:s31+$0xFFFFFFF0] =	vst v11;
	v10 =	vpop (erf)  }
0x32f: {  	s30 =	simm.s32 $0x4;
	s26 =	simm.s32 $0x80;
	v48 =	vld.idx.msk [tilespmem:v21+s12+$0x0], $0xffff;
	v24 =	vmul.bf16 v29, v31;
	v38 =	vadd.bf16 v63, v61;
	[tilespmem:s31+$0x0] =	vst v10;
	v23 =	vpop (erf)  }
.LBB2_7:
0x330: {  	v10 =	vmov s26;
	s23 =	sadd.s32 $0x10, s26;
	v11 =	vmul.bf16 v25, v26  }
0x331: {  	s0 =	sadd.s32 $0x30, s26;
	v12 =	vld.idx.msk [tilespmem:v21+s13+$0x0], $0xffff;
	v13 =	vadd.bf16 v24, v28;
	v14 =	vpop (erf);
	[tilespmem:s31+$0xFFFFFFE0] =	vst v23;
	s31 =	sadd.s32 $0x40, s31;
	v10 =	vshll.u32 v10, $0x3;
	v15 =	vmov s23  }
0x332: {  	s23 =	sadd.s32 $0x20, s26;
	v16 =	vmov s0;
	v17 =	vld.idx.msk [tilespmem:v22+s12+$0x0], $0xffff;
	[tilespmem:s31+$0x10] =	vst v14;
	v43 =	vmul.bf16 v44, v43;
	v14 =	vshll.u32 v15, $0x3  }
0x333: {  	v15 =	vmov s23;
	v16 =	vshll.u32 v16, $0x3;
	v49 =	vld.idx.msk [tilespmem:v22+s13+$0x0], $0xffff;
	v10 =	vor.u32 v1, v10  }
0x334: {  	v14 =	vor.u32 v1, v14;
	v15 =	vshll.u32 v15, $0x3;
	v16 =	vor.u32 v1, v16;
	v50 =	vld.idx.msk [tilespmem:v20+s12+$0x0], $0xffff  }
0x335: {  	v11 =	vadd.bf16 v11, v34;
	v15 =	vor.u32 v1, v15;
	v21 =	vor.u32 v8, v16;
	v51 =	vld.idx.msk [tilespmem:v20+s13+$0x0], $0xffff  }
0x336: {  	v52 =	vor.u32 v4, v14;
	v53 =	vor.u32 v2, v14;
	v54 =	vor.u32 v4, v15;
	v55 =	vld.idx.msk [tilespmem:v18+s12+$0x0], $0xffff  }
0x337: {  	v42 =	vor.u32 v4, v10;
	v20 =	vor.u32 v7, v16;
	v45 =	vor.u32 v2, v15;
	v56 =	vld.idx.msk [tilespmem:v18+s13+$0x0], $0xffff  }
0x338: {  	v41 =	vor.u32 v2, v10;
	v39 =	vor.u32 v3, v14;
	v35 =	vor.u32 v5, v14;
	v57 =	vld.idx.msk [tilespmem:v19+s12+$0x0], $0xffff  }
0x339: {  	v58 =	vor.u32 v3, v16;
	v33 =	vor.u32 v3, v15;
	v32 =	vor.u32 v5, v15;
	v59 =	vld.idx.msk [tilespmem:v19+s13+$0x0], $0xffff  }
0x33a: {  	s30 =	sadd.s32 $0x4, s30;
	v31 =	vor.u32 v3, v10;
	v30 =	vor.u32 v5, v10;
	v29 =	vor.u32 v7, v14;
	v60 =	vld.idx.msk [tilespmem:v21+s12+$0x0], $0xffff  }
0x33b: {  	p0 =	slt.u32 s30, $0x78;
	v28 =	vor.u32 v6, v14;
	v61 =	vor.u32 v4, v16;
	v27 =	vor.u32 v7, v15;
	v62 =	vld.idx.msk [tilespmem:v21+s13+$0x0], $0xffff  }
0x33c: {  	v25 =	vor.u32 v7, v10;
	v24 =	vor.u32 v6, v10;
	v26 =	vor.u32 v6, v15;
	v63 =	vld.idx.msk [tilespmem:v20+s12+$0x0], $0xffff  }
0x33d: {  	v23 =	vor.u32 v8, v14;
	v21 =	vor.u32 v9, v14;
	v14 =	vor.u32 v2, v16;
	v0 =	vld.idx.msk [tilespmem:v20+s13+$0x0], $0xffff  }
0x33e: {  	v22 =	vor.u32 v8, v15;
	v18 =	vor.u32 v8, v10;
	v20 =	vor.u32 v9, v15;
	v15 =	vld.idx.msk [tilespmem:v58+s12+$0x0], $0xffff  }
0x33f: {  	v34 =	vmul.bf16 v47, v46;
	v19 =	vor.u32 v9, v10;
	v10 =	vld.idx.msk [tilespmem:v58+s13+$0x0], $0xffff;
	v58 =	vor.u32 v5, v16  }
0x340: {  	v36 =	vadd.bf16 v43, v36;
	v12 =	vmul.bf16 v12, v48;
	v44 =	vld.idx.msk [tilespmem:v61+s12+$0x0], $0xffff  }
0x341: {  	v47 =	vor.u32 v6, v16;
	v34 =	vadd.bf16 v34, v37;
	v17 =	vmul.bf16 v49, v17;
	v46 =	vld.idx.msk [tilespmem:v61+s13+$0x0], $0xffff  }
0x342: {  	v12 =	vadd.bf16 v12, v38;
	v37 =	vmul.bf16 v51, v50;
	v48 =	vmul.bf16 v56, v55;
	v43 =	vld.idx.msk [tilespmem:v14+s12+$0x0], $0xffff  }
0x343: {  	v50 =	vunpack.i.u.bf16.f32 v34;
	v49 =	vmul.bf16 v59, v57;
	v16 =	vor.u32 v9, v16;
	v14 =	vld.idx.msk [tilespmem:v14+s13+$0x0], $0xffff  }
0x344: {  	v17 =	vadd.bf16 v17, v40;
	v34 =	vunpack.i.l.bf16.f32 v34;
	v13 =	vadd.bf16 v37, v13;
	v38 =	vld.idx.msk [tilespmem:v58+s12+$0x0], $0xffff  }
0x345: {  	v11 =	vadd.bf16 v48, v11;
	v48 =	vunpack.i.u.bf16.f32 v12;
	v36 =	vadd.bf16 v49, v36;
	v37 =	vld.idx.msk [tilespmem:v58+s13+$0x0], $0xffff  }
0x346: {  	v12 =	vunpack.i.l.bf16.f32 v12;
	v51 =	vunpack.i.u.bf16.f32 v13;
	v49 =	vunpack.i.u.bf16.f32 v17;
	v40 =	vld.idx.msk [tilespmem:v47+s12+$0x0], $0xffff  }
0x347: {  	v13 =	vunpack.i.l.bf16.f32 v13;
	v57 =	vimm.bf16 $0.0e+00;
	v17 =	vunpack.i.l.bf16.f32 v17;
	v47 =	vld.idx.msk [tilespmem:v47+s13+$0x0], $0xffff  }
0x348: {  	v55 =	vunpack.i.u.bf16.f32 v11;
	v11 =	vunpack.i.l.bf16.f32 v11;
	v44 =	vmul.bf16 v46, v44;
	v46 =	vld.idx.msk [tilespmem:v16+s12+$0x0], $0xffff  }
0x349: {  	v14 =	vmul.bf16 v14, v43;
	v43 =	vunpack.i.u.bf16.f32 v36;
	v36 =	vunpack.i.l.bf16.f32 v36;
	v16 =	vld.idx.msk [tilespmem:v16+s13+$0x0], $0xffff  }
0x34a: {  	v10 =	vmul.bf16 v10, v15;
	v15 =	vadd.f32 v34, v50;
	v44 =	vadd.bf16 v57, v44;
	v56 =	vld.idx.msk [tilespmem:v52+s12+$0x0], $0xffff  }
0x34b: {  	v12 =	vadd.f32 v12, v48;
	v14 =	vadd.bf16 v57, v14;
	v37 =	vmul.bf16 v37, v38;
	v34 =	vld.idx.msk [tilespmem:v52+s13+$0x0], $0xffff  }
0x34c: {  	v17 =	vadd.f32 v17, v49;
	v0 =	vmul.bf16 v0, v63;
	v10 =	vadd.bf16 v10, v44;
	v38 =	vld.idx.msk [tilespmem:v53+s12+$0x0], $0xffff  }
0x34d: {  	v13 =	vadd.f32 v13, v51;
	v14 =	vadd.bf16 v37, v14;
	v37 =	vmul.bf16 v47, v40;
	v44 =	vld.idx.msk [tilespmem:v53+s13+$0x0], $0xffff  }
0x34e: {  	v11 =	vadd.f32 v11, v55;
	v0 =	vadd.bf16 v0, v10;
	v10 =	vmul.bf16 v62, v60;
	v40 =	vld.idx.msk [tilespmem:v54+s12+$0x0], $0xffff  }
0x34f: {  	v36 =	vadd.f32 v36, v43;
	v14 =	vadd.bf16 v37, v14;
	v16 =	vmul.bf16 v16, v46;
	v47 =	vld.idx.msk [tilespmem:v54+s13+$0x0], $0xffff  }
0x350: {  	v0 =	vadd.bf16 v10, v0;
	v10 =	vadd.f32 v12, v15;
	v37 =	vld.idx.msk [tilespmem:v45+s12+$0x0], $0xffff  }
0x351: {  	v13 =	vadd.f32 v13, v17;
	v12 =	vmul.bf16 v34, v56;
	v14 =	vadd.bf16 v16, v14;
	v15 =	vld.idx.msk [tilespmem:v45+s13+$0x0], $0xffff  }
0x352: {  	v11 =	vadd.f32 v36, v11;
	v17 =	vunpack.i.u.bf16.f32 v0;
	v10 =	vsub.f32 $0.0e+00, v10;
	v16 =	vld.idx.msk [tilespmem:v42+s12+$0x0], $0xffff  }
0x353: {  	v0 =	vunpack.i.l.bf16.f32 v0;
	v36 =	vunpack.i.u.bf16.f32 v14;
	v14 =	vunpack.i.l.bf16.f32 v14;
	v34 =	vld.idx.msk [tilespmem:v42+s13+$0x0], $0xffff  }
0x354: {  	v0 =	vadd.f32 v0, v17;
	v38 =	vmul.bf16 v44, v38;
	v14 =	vadd.f32 v14, v36;
	v42 =	vld.idx.msk [tilespmem:v41+s12+$0x0], $0xffff  }
0x355: {  	v13 =	vsub.f32 $0.0e+00, v13;
	v12 =	vadd.bf16 v57, v12;
	v36 =	vmul.bf16 v47, v40;
	v17 =	vld.idx.msk [tilespmem:v41+s13+$0x0], $0xffff  }
0x356: {  	v10 =	vmul.f32 $1.442695020e+00, v10;
	v38 =	vadd.bf16 v57, v38;
	v0 =	vadd.f32 v14, v0;
	v40 =	vld.idx.msk [tilespmem:v39+s12+$0x0], $0xffff  }
0x357: {  	v11 =	vsub.f32 $0.0e+00, v11;
	v36 =	vadd.bf16 v57, v36;
	v15 =	vmul.bf16 v15, v37;
	v14 =	vld.idx.msk [tilespmem:v39+s13+$0x0], $0xffff  }
0x358: {  	v13 =	vmul.f32 $1.442695020e+00, v13;
	v0 =	vsub.f32 $0.0e+00, v0;
	v37 =	vld.idx.msk [tilespmem:v35+s12+$0x0], $0xffff;
	(erf) = vpow2.f32 v10  }
0x359: {  	v11 =	vmul.f32 $1.442695020e+00, v11;
	v10 =	vmul.bf16 v34, v16;
	v15 =	vadd.bf16 v57, v15;
	v16 =	vld.idx.msk [tilespmem:v35+s13+$0x0], $0xffff  }
0x35a: {  	v0 =	vmul.f32 $1.442695020e+00, v0;
	v34 =	vld.idx.msk [tilespmem:v33+s12+$0x0], $0xffff;
	(erf) = vpow2.f32 v13  }
0x35b: {  	v10 =	vadd.bf16 v57, v10;
	v13 =	vmul.bf16 v17, v42;
	v17 =	vld.idx.msk [tilespmem:v33+s13+$0x0], $0xffff;
	(erf) = vpow2.f32 v11  }
0x35c: {  	v11 =	vld.idx.msk [tilespmem:v32+s12+$0x0], $0xffff;
	(erf) = vpow2.f32 v0  }
0x35d: {  	v0 =	vadd.bf16 v57, v13;
	v13 =	vmul.bf16 v14, v40;
	v14 =	vld.idx.msk [tilespmem:v32+s13+$0x0], $0xffff  }
0x35e: {  	v32 =	vld.idx.msk [tilespmem:v31+s12+$0x0], $0xffff  }
0x35f: {  	v12 =	vadd.bf16 v13, v12;
	v13 =	vmul.bf16 v16, v37;
	v31 =	vld.idx.msk [tilespmem:v31+s13+$0x0], $0xffff  }
0x360: {  	v16 =	vld.idx.msk [tilespmem:v30+s12+$0x0], $0xffff  }
0x361: {  	v13 =	vadd.bf16 v13, v38;
	v17 =	vmul.bf16 v17, v34;
	v30 =	vld.idx.msk [tilespmem:v30+s13+$0x0], $0xffff;
	v33 =	vpop (erf)  }
0x362: {  	v35 =	vld.idx.msk [tilespmem:v29+s12+$0x0], $0xffff;
	v33 =	vadd.f32 $1.000000000e+00, v33  }
0x363: {  	v17 =	vadd.bf16 v17, v36;
	v36 =	vmul.bf16 v14, v11;
	v29 =	vld.idx.msk [tilespmem:v29+s13+$0x0], $0xffff;
	v14 =	vpop (erf)  }
0x364: {  	v38 =	vld.idx.msk [tilespmem:v28+s12+$0x0], $0xffff;
	v14 =	vadd.f32 $1.000000000e+00, v14;
	v34 =	vpop (erf);
	(erf) = vrcp.f32 v33  }
0x365: {  	v31 =	vmul.bf16 v31, v32;
	v32 =	vld.idx.msk [tilespmem:v28+s13+$0x0], $0xffff;
	v28 =	vadd.bf16 v36, v15;
	v11 =	vpop (erf);
	v15 =	vadd.f32 $1.000000000e+00, v34  }
0x366: {  	v33 =	vld.idx.msk [tilespmem:v27+s12+$0x0], $0xffff;
	v11 =	vadd.f32 $1.000000000e+00, v11;
	(erf) = vrcp.f32 v14  }
0x367: {  	v34 =	vadd.bf16 v31, v10;
	v10 =	vmul.bf16 v30, v16;
	v14 =	vld.idx.msk [tilespmem:v27+s13+$0x0], $0xffff;
	(erf) = vrcp.f32 v15  }
0x368: {  	v15 =	vld.idx.msk [tilespmem:v26+s12+$0x0], $0xffff;
	(erf) = vrcp.f32 v11  }
0x369: {  	v36 =	vadd.bf16 v10, v0;
	v0 =	vmul.bf16 v29, v35;
	v10 =	vld.idx.msk [tilespmem:v26+s13+$0x0], $0xffff  }
0x36a: {  	v26 =	vld.idx.msk [tilespmem:v25+s12+$0x0], $0xffff  }
0x36b: {  	v37 =	vadd.bf16 v0, v12;
	v0 =	vmul.bf16 v32, v38;
	v25 =	vld.idx.msk [tilespmem:v25+s13+$0x0], $0xffff  }
.Ltmp2:
0x36c: {  	v43 =	vld.idx.msk [tilespmem:v24+s12+$0x0], $0xffff;
	(pc) =	sbr.rel @p0 .LBB2_7-.Ltmp2, $4  }
0x36d: {  	v38 =	vadd.bf16 v0, v13;
	v12 =	vmul.bf16 v14, v33;
	v44 =	vld.idx.msk [tilespmem:v24+s13+$0x0], $0xffff;
	v11 =	vpop (erf)  }
0x36e: {  	v46 =	vld.idx.msk [tilespmem:v23+s12+$0x0], $0xffff;
	[tilespmem:s31+$0xFFFFFFF0] =	vst v11  }
0x36f: {  	v40 =	vadd.bf16 v12, v17;
	v24 =	vmul.bf16 v10, v15;
	v47 =	vld.idx.msk [tilespmem:v23+s13+$0x0], $0xffff;
	v0 =	vpop (erf)  }
0x370: {  	s26 =	sadd.s32 $0x40, s26;
	v48 =	vld.idx.msk [tilespmem:v21+s12+$0x0], $0xffff;
	[tilespmem:s31+$0x0] =	vst v0;
	v23 =	vpop (erf)  }
0x371: {  	_ =	sdelay $0x3  }
0x372: {  	v0 =	vld.idx.msk [tilespmem:v21+s13+$0x0], $0xffff  }
0x373: {  	v10 =	vld.idx.msk [tilespmem:v22+s12+$0x0], $0xffff  }
0x374: {  	v11 =	vld.idx.msk [tilespmem:v22+s13+$0x0], $0xffff  }
0x375: {  	v12 =	vld.idx.msk [tilespmem:v20+s12+$0x0], $0xffff  }
0x376: {  	v13 =	vld.idx.msk [tilespmem:v20+s13+$0x0], $0xffff  }
0x377: {  	v14 =	vld.idx.msk [tilespmem:v18+s12+$0x0], $0xffff  }
0x378: {  	v15 =	vld.idx.msk [tilespmem:v18+s13+$0x0], $0xffff  }
0x379: {  	v16 =	vld.idx.msk [tilespmem:v19+s12+$0x0], $0xffff  }
0x37a: {  	v17 =	vld.idx.msk [tilespmem:v19+s13+$0x0], $0xffff  }
0x37b: {  	v18 =	vmul.bf16 v25, v26;
	v19 =	vmul.bf16 v44, v43  }
0x37c: {  	v20 =	vadd.bf16 v24, v28;
	v21 =	vmul.bf16 v47, v46  }
0x37d: {  	v18 =	vadd.bf16 v18, v34;
	v19 =	vadd.bf16 v19, v36;
	v0 =	vmul.bf16 v0, v48  }
0x37e: {  	v10 =	vmul.bf16 v11, v10;
	v11 =	vadd.bf16 v21, v37;
	v12 =	vmul.bf16 v13, v12  }
0x37f: {  	v36 =	vmul.bf16 v15, v14;
	v37 =	vmul.bf16 v17, v16;
	v0 =	vadd.bf16 v0, v38  }
0x380: {  	v39 =	vunpack.i.u.bf16.f32 v11;
	v10 =	vadd.bf16 v10, v40;
	v12 =	vadd.bf16 v12, v20  }
0x381: {  	v13 =	vadd.bf16 v36, v18;
	v14 =	vadd.bf16 v37, v19;
	v11 =	vunpack.i.l.bf16.f32 v11  }
0x382: {  	v11 =	vadd.f32 v11, v39;
	v16 =	vunpack.i.u.bf16.f32 v0;
	v0 =	vunpack.i.l.bf16.f32 v0  }
0x383: {  	v17 =	vunpack.i.u.bf16.f32 v10;
	v10 =	vunpack.i.l.bf16.f32 v10;
	v18 =	vunpack.i.u.bf16.f32 v12  }
0x384: {  	v12 =	vunpack.i.l.bf16.f32 v12;
	v19 =	vunpack.i.u.bf16.f32 v13;
	v13 =	vunpack.i.l.bf16.f32 v13  }
0x385: {  	v41 =	vunpack.i.u.bf16.f32 v14;
	v0 =	vadd.f32 v0, v16;
	v10 =	vadd.f32 v10, v17  }
0x386: {  	v14 =	vunpack.i.l.bf16.f32 v14;
	v12 =	vadd.f32 v12, v18;
	v13 =	vadd.f32 v13, v19  }
0x387: {  	v14 =	vadd.f32 v14, v41;
	v0 =	vadd.f32 v0, v11  }
0x388: {  	v10 =	vadd.f32 v12, v10  }
0x389: {  	v11 =	vadd.f32 v14, v13;
	v0 =	vsub.f32 $0.0e+00, v0  }
0x38a: {  	v10 =	vsub.f32 $0.0e+00, v10  }
0x38b: {  	v11 =	vsub.f32 $0.0e+00, v11;
	v0 =	vmul.f32 $1.442695020e+00, v0  }
0x38c: {  	v10 =	vmul.f32 $1.442695020e+00, v10  }
0x38d: {  	(erf) = vpow2.f32 v0;
	v0 =	vmul.f32 $1.442695020e+00, v11  }
0x38e: {  	(erf) = vpow2.f32 v10  }
0x38f: {  	(erf) = vpow2.f32 v0;
	_ =	sdelay $0x5  }
0x390: {  	v0 =	vpop (erf)  }
0x391: {  	v10 =	vpop (erf)  }
0x392: {  	v10 =	vadd.f32 $1.000000000e+00, v10;
	v11 =	vpop (erf)  }
0x393: {  	v11 =	vadd.f32 $1.000000000e+00, v11;
	v42 =	vpop (erf)  }
0x394: {  	(erf) = vrcp.f32 v10;
	v10 =	vadd.f32 $1.000000000e+00, v42  }
0x395: {  	(erf) = vrcp.f32 v11  }
0x396: {  	(erf) = vrcp.f32 v10;
	_ =	sdelay $0x5  }
0x397: {  	[tilespmem:s31+$0xFFFFFFE0] =	vst v23;
	s0 =	sadd.s32 $0x40, s31  }
0x398: {  	[tilespmem:s0+$0x10] =	vst v0;
	v0 =	vpop (erf)  }
0x399: {  	[tilespmem:s0+$0xFFFFFFF0] =	vst v0;
	v0 =	vpop (erf)  }
0x39a: {  	[tilespmem:s0+$0x0] =	vst v0;
	v0 =	vpop (erf)  }
0x39b: {  	[tilespmem:s0+$0xFFFFFFE0] =	vst v0  }
0x39c: {  	v10 =	vld [tilespmem:$0x1FF30];
	_ =	sdelay $0x1  }
0x39d: {  	v43 =	vld [tilespmem:$0x1FF40]  }
0x39e: {  	v44 =	vld [tilespmem:$0x1FF50]  }
0x39f: {  	v16 =	vld [tilespmem:$0x1FF60]  }
0x3a0: {  	v22 =	vld [tilespmem:$0x1FF90]  }
0x3a1: {  	v18 =	vld [tilespmem:$0x1FF70]  }
0x3a2: {  	v20 =	vld [tilespmem:$0x1FF80]  }
0x3a3: {  	v0 =	vld.idx.msk [tilespmem:v10+s12+$0x0], $0xffff  }
0x3a4: {  	v10 =	vld.idx.msk [tilespmem:v10+s13+$0x0], $0xffff  }
0x3a5: {  	v11 =	vld.idx.msk [tilespmem:v43+s12+$0x0], $0xffff  }
0x3a6: {  	v12 =	vld.idx.msk [tilespmem:v43+s13+$0x0], $0xffff  }
0x3a7: {  	v45 =	vld.idx.msk [tilespmem:v44+s12+$0x0], $0xffff  }
0x3a8: {  	v21 =	vld.idx.msk [tilespmem:v22+s12+$0x0], $0xffff  }
0x3a9: {  	v0 =	vmul.bf16 v10, v0;
	v10 =	vld.idx.msk [tilespmem:v22+s13+$0x0], $0xffff  }
0x3aa: {  	v22 =	vld [tilespmem:$0x1FFA0]  }
0x3ab: {  	v14 =	vld.idx.msk [tilespmem:v44+s13+$0x0], $0xffff  }
0x3ac: {  	v46 =	vld.idx.msk [tilespmem:v16+s12+$0x0], $0xffff  }
0x3ad: {  	v16 =	vld.idx.msk [tilespmem:v16+s13+$0x0], $0xffff  }
0x3ae: {  	v17 =	vld.idx.msk [tilespmem:v18+s12+$0x0], $0xffff  }
0x3af: {  	v18 =	vld.idx.msk [tilespmem:v18+s13+$0x0], $0xffff  }
0x3b0: {  	v19 =	vld.idx.msk [tilespmem:v20+s12+$0x0], $0xffff  }
0x3b1: {  	v20 =	vld.idx.msk [tilespmem:v20+s13+$0x0], $0xffff  }
0x3b2: {  	v49 =	vimm.bf16 $0.0e+00;
	v11 =	vmul.bf16 v12, v11;
	v47 =	vld.idx.msk [tilespmem:v22+s12+$0x0], $0xffff  }
0x3b3: {  	v13 =	vmul.bf16 v14, v45;
	v0 =	vadd.bf16 v49, v0;
	v51 =	vld.idx.msk [tilespmem:v22+s13+$0x0], $0xffff  }
0x3b4: {  	v15 =	vmul.bf16 v16, v46;
	v11 =	vadd.bf16 v49, v11  }
0x3b5: {  	v52 =	vmul.bf16 v18, v17;
	v0 =	vadd.bf16 v13, v0  }
0x3b6: {  	v53 =	vmul.bf16 v20, v19;
	v11 =	vadd.bf16 v15, v11  }
0x3b7: {  	v10 =	vmul.bf16 v10, v21;
	v0 =	vadd.bf16 v52, v0  }
0x3b8: {  	v11 =	vadd.bf16 v53, v11;
	v12 =	vmul.bf16 v51, v47  }
0x3b9: {  	v0 =	vadd.bf16 v10, v0  }
0x3ba: {  	v10 =	vadd.bf16 v12, v11  }
0x3bb: {  	v11 =	vunpack.i.u.bf16.f32 v0  }
0x3bc: {  	v0 =	vunpack.i.l.bf16.f32 v0;
	v12 =	vunpack.i.u.bf16.f32 v10;
	v10 =	vunpack.i.l.bf16.f32 v10  }
0x3bd: {  	v0 =	vadd.f32 v0, v11;
	v10 =	vadd.f32 v10, v12;
	_ =	sdelay $0x1  }
0x3be: {  	v0 =	vadd.f32 v10, v0;
	_ =	sdelay $0x1  }
0x3bf: {  	v0 =	vsub.f32 $0.0e+00, v0;
	_ =	sdelay $0x1  }
0x3c0: {  	v0 =	vmul.f32 $1.442695020e+00, v0;
	_ =	sdelay $0x1  }
0x3c1: {  	(erf) = vpow2.f32 v0;
	_ =	sdelay $0x8  }
0x3c2: {  	v0 =	vpop (erf)  }
0x3c3: {  	v0 =	vadd.f32 $1.000000000e+00, v0;
	_ =	sdelay $0x1  }
0x3c4: {  	(erf) = vrcp.f32 v0;
	_ =	sdelay $0x5  }
0x3c5: {  	s31 =	smul.u32 $0xFA0, s16;
	_ =	sdelay $0x1  }
0x3c6: {  	s23 =	sadd.s32 s14, s31  }
0x3c7: {  	s1 =	simm.s32 $0x11940;
	s0 =	sshrl.u32 s23, $0x3;
	v0 =	vpop (erf)  }
0x3c8: {  	s23 =	simm.s32 $0x0;
	s0 =	sadd.s32 s7, s0;
	s26 =	rddreg [dreg:$0x10];
	[tilespmem:$0x12100] =	vst v0  }
0x3c9: {  	[hbm4b:s0+s23] =	stream.linear.scatter [tilespmem:s1], [sflag:$0x9], $0x7D0, $0x38;
	[tilespmem:$0x18A88] =	vst v63  }
0x3ca: {  	s0 =	sadd.s32 s31, s26  }
0x3cb: {  	s0 =	sshrl.u32 s0, $0x3  }
0x3cc: {  	s26 =	sadd.s32 s2, s0  }
0x3cd: {  	[tilespmem:s23], [sflag:$0x1] =	stream.linear.gather [hbm4b:s26+s23], $0x7D0, $0x38;
	[tilespmem:$0x18A88] =	vst v63  }
0x3ce: {  	s0 =	sadd.s32 s9, s0  }
0x3cf: {  	[tilespmem:s3], [sflag:$0x3] =	stream.linear.gather [hbm4b:s0+s23], $0x7D0, $0x38;
	[tilespmem:$0x18A88] =	vst v63  }
0x3d0: {  	_ =	swait.ge [sflag:s24], $0x3E80  }
0x3d1: {  	[sflag:s24] =	ssyncset.done $0x0  }
0x3d2: {  	[sflag:s24] =	ssyncadd.s32 $0xFFFFC180  }
0x3d3: {  	_ =	swait.ge [sflag:s25], $0x3E80  }
0x3d4: {  	[sflag:s25] =	ssyncset.done $0x0  }
0x3d5: {  	[sflag:s25] =	ssyncadd.s32 $0xFFFFC180  }
0x3d6: {  	_ =	swait.ge [sflag:s10], $0x7D0  }
0x3d7: {  	[sflag:s10] =	ssyncset.done $0x0  }
0x3d8: {  	[sflag:s10] =	ssyncadd.s32 $0xFFFFF830  }
0x3d9: {  	s1 =	simm.s32 $0x30;
	_ =	swait.ge [sflag:s11], $0x7D0  }
0x3da: {  	v0 =	vmov s1;
	[sflag:s11] =	ssyncset.done $0x0  }
0x3db: {  	v0 =	vshll.u32 v0, $0x3;
	[sflag:s11] =	ssyncadd.s32 $0xFFFFF830  }
0x3dc: {  	v0 =	vor.u32 v1, v0;
	[tilespmem:s12], [sflag:$0x5] =	stream.indirect.gather [spmem:s4], $0x8, s23, s6, $0xb8;
	[tilespmem:$0x18A88] =	vst v63  }
0x3dd: {  	v10 =	vor.u32 v8, v0  }
0x3de: {  	[tilespmem:s13], [sflag:$0x7] =	stream.indirect.gather [spmem:s4], $0x8, s3, s6, $0xb8;
	[tilespmem:$0x18A88] =	vst v63  }
0x3df: {  	v11 =	vor.u32 v7, v0;
	_ =	swait.ge [sflag:s29], $0x7D0  }
0x3e0: {  	[sflag:s29] =	ssyncset.done $0x0  }
0x3e1: {  	v54 =	vor.u32 v3, v0;
	[sflag:s29] =	ssyncadd.s32 $0xFFFFF830  }
0x3e2: {  	v55 =	vld.idx.msk [tilespmem:v10+s21+$0x0], $0xffff  }
0x3e3: {  	v56 =	vor.u32 v4, v0;
	v10 =	vld.idx.msk [tilespmem:v10+s22+$0x0], $0xffff  }
0x3e4: {  	v57 =	vld.idx.msk [tilespmem:v11+s21+$0x0], $0xffff  }
0x3e5: {  	v16 =	vor.u32 v2, v0;
	v11 =	vld.idx.msk [tilespmem:v11+s22+$0x0], $0xffff  }
0x3e6: {  	v17 =	vld.idx.msk [tilespmem:v54+s21+$0x0], $0xffff  }
0x3e7: {  	v18 =	vor.u32 v5, v0;
	v12 =	vld.idx.msk [tilespmem:v54+s22+$0x0], $0xffff  }
0x3e8: {  	v19 =	vld.idx.msk [tilespmem:v56+s21+$0x0], $0xffff  }
0x3e9: {  	s26 =	simm.s32 $0x10;
	v20 =	vor.u32 v6, v0;
	v14 =	vld.idx.msk [tilespmem:v56+s22+$0x0], $0xffff  }
0x3ea: {  	v21 =	vmov s26;
	v22 =	vld.idx.msk [tilespmem:v16+s21+$0x0], $0xffff  }
0x3eb: {  	v0 =	vor.u32 v9, v0;
	v21 =	vshll.u32 v21, $0x3;
	v16 =	vld.idx.msk [tilespmem:v16+s22+$0x0], $0xffff  }
0x3ec: {  	v21 =	vor.u32 v1, v21;
	v23 =	vld.idx.msk [tilespmem:v18+s21+$0x0], $0xffff  }
0x3ed: {  	s1 =	simm.s32 $0x20;
	v24 =	vor.u32 v4, v21;
	v18 =	vld.idx.msk [tilespmem:v18+s22+$0x0], $0xffff  }
0x3ee: {  	v25 =	vmov s1;
	v26 =	vld.idx.msk [tilespmem:v20+s21+$0x0], $0xffff  }
0x3ef: {  	v25 =	vshll.u32 v25, $0x3;
	v27 =	vor.u32 v2, v21;
	v20 =	vld.idx.msk [tilespmem:v20+s22+$0x0], $0xffff  }
0x3f0: {  	v25 =	vor.u32 v1, v25;
	v28 =	vld.idx.msk [tilespmem:v0+s21+$0x0], $0xffff  }
0x3f1: {  	v29 =	vor.u32 v4, v25;
	v0 =	vld.idx.msk [tilespmem:v0+s22+$0x0], $0xffff  }
0x3f2: {  	v30 =	vmov s23;
	v31 =	vld.idx.msk [tilespmem:v24+s21+$0x0], $0xffff  }
0x3f3: {  	v30 =	vshll.u32 v30, $0x3;
	v32 =	vor.u32 v2, v25;
	v24 =	vld.idx.msk [tilespmem:v24+s22+$0x0], $0xffff  }
0x3f4: {  	v30 =	vor.u32 v1, v30;
	v33 =	vld.idx.msk [tilespmem:v27+s21+$0x0], $0xffff  }
0x3f5: {  	v58 =	vor.u32 v4, v30;
	v27 =	vld.idx.msk [tilespmem:v27+s22+$0x0], $0xffff  }
0x3f6: {  	v35 =	vld.idx.msk [tilespmem:v29+s21+$0x0], $0xffff  }
0x3f7: {  	v59 =	vor.u32 v2, v30;
	v29 =	vld.idx.msk [tilespmem:v29+s22+$0x0], $0xffff  }
0x3f8: {  	v37 =	vld.idx.msk [tilespmem:v32+s21+$0x0], $0xffff  }
0x3f9: {  	v60 =	vor.u32 v3, v21;
	v32 =	vld.idx.msk [tilespmem:v32+s22+$0x0], $0xffff  }
0x3fa: {  	v39 =	vld.idx.msk [tilespmem:v58+s21+$0x0], $0xffff  }
0x3fb: {  	v50 =	vor.u32 v7, v21;
	v34 =	vld.idx.msk [tilespmem:v58+s22+$0x0], $0xffff  }
0x3fc: {  	v41 =	vld.idx.msk [tilespmem:v59+s21+$0x0], $0xffff  }
0x3fd: {  	v51 =	vor.u32 v6, v21;
	v36 =	vld.idx.msk [tilespmem:v59+s22+$0x0], $0xffff  }
0x3fe: {  	v61 =	vor.u32 v5, v21;
	v62 =	vld.idx.msk [tilespmem:v60+s21+$0x0], $0xffff  }
0x3ff: {  	v38 =	vld.idx.msk [tilespmem:v60+s22+$0x0], $0xffff  }
0x400: {  	v42 =	vor.u32 v3, v25;
	v53 =	vld.idx.msk [tilespmem:v50+s21+$0x0], $0xffff  }
0x401: {  	v15 =	vld.idx.msk [tilespmem:v50+s22+$0x0], $0xffff  }
0x402: {  	v13 =	vld.idx.msk [tilespmem:v51+s22+$0x0], $0xffff  }
0x403: {  	v56 =	vor.u32 v7, v30;
	v14 =	vmul.bf16 v14, v19;
	v19 =	vld.idx.msk [tilespmem:v61+s21+$0x0], $0xffff  }
0x404: {  	v16 =	vmul.bf16 v16, v22;
	v22 =	vld.idx.msk [tilespmem:v61+s22+$0x0], $0xffff  }
0x405: {  	v59 =	vor.u32 v8, v21;
	v12 =	vmul.bf16 v12, v17;
	v17 =	vld.idx.msk [tilespmem:v42+s21+$0x0], $0xffff  }
0x406: {  	v43 =	vor.u32 v8, v30;
	v18 =	vmul.bf16 v18, v23;
	v23 =	vld.idx.msk [tilespmem:v42+s22+$0x0], $0xffff  }
0x407: {  	v63 =	vor.u32 v5, v25;
	v10 =	vmul.bf16 v10, v55;
	v55 =	vld.idx.msk [tilespmem:v51+s21+$0x0], $0xffff  }
0x408: {  	v60 =	vld.idx.msk [tilespmem:v56+s21+$0x0], $0xffff  }
0x409: {  	v44 =	vld.idx.msk [tilespmem:v56+s22+$0x0], $0xffff  }
0x40a: {  	v0 =	vmul.bf16 v0, v28;
	v28 =	vor.u32 v6, v25;
	v61 =	vld.idx.msk [tilespmem:v59+s21+$0x0], $0xffff;
	v14 =	vadd.bf16 v49, v14  }
0x40b: {  	v51 =	vld.idx.msk [tilespmem:v43+s22+$0x0], $0xffff;
	v16 =	vadd.bf16 v49, v16  }
0x40c: {  	v21 =	vor.u32 v9, v21;
	v12 =	vadd.bf16 v12, v14;
	v14 =	vld.idx.msk [tilespmem:v63+s21+$0x0], $0xffff  }
0x40d: {  	v16 =	vadd.bf16 v18, v16;
	v18 =	vmul.bf16 v20, v26;
	v20 =	vld.idx.msk [tilespmem:v63+s22+$0x0], $0xffff  }
0x40e: {  	v24 =	vmul.bf16 v24, v31;
	v31 =	vor.u32 v8, v25;
	v63 =	vld.idx.msk [tilespmem:v59+s22+$0x0], $0xffff  }
0x40f: {  	v48 =	vor.u32 v5, v30;
	v11 =	vmul.bf16 v11, v57;
	v27 =	vmul.bf16 v27, v33;
	v58 =	vld.idx.msk [tilespmem:v28+s21+$0x0], $0xffff  }
0x410: {  	v45 =	vor.u32 v3, v30;
	v29 =	vmul.bf16 v29, v35;
	v32 =	vmul.bf16 v32, v37;
	v28 =	vld.idx.msk [tilespmem:v28+s22+$0x0], $0xffff  }
0x411: {  	v57 =	vor.u32 v6, v30;
	v62 =	vmul.bf16 v38, v62;
	v19 =	vmul.bf16 v22, v19;
	v22 =	vld.idx.msk [tilespmem:v21+s21+$0x0], $0xffff  }
0x412: {  	v34 =	vmul.bf16 v34, v39;
	v30 =	vor.u32 v9, v30;
	v21 =	vld.idx.msk [tilespmem:v21+s22+$0x0], $0xffff;
	v11 =	vadd.bf16 v11, v12  }
0x413: {  	v36 =	vmul.bf16 v36, v41;
	v24 =	vadd.bf16 v49, v24;
	v47 =	vld.idx.msk [tilespmem:v31+s21+$0x0], $0xffff;
	v16 =	vadd.bf16 v18, v16  }
0x414: {  	s23 =	simm.s32 $0x50;
	v15 =	vmul.bf16 v15, v53;
	v27 =	vadd.bf16 v49, v27;
	v31 =	vld.idx.msk [tilespmem:v31+s22+$0x0], $0xffff;
	v10 =	vadd.bf16 v10, v11  }
0x415: {  	v53 =	vmov s23;
	v29 =	vadd.bf16 v49, v29;
	v12 =	vld.idx.msk [tilespmem:v45+s21+$0x0], $0xffff;
	v0 =	vadd.bf16 v0, v16  }
0x416: {  	v26 =	vor.u32 v7, v25;
	v25 =	vor.u32 v9, v25;
	v18 =	vld.idx.msk [tilespmem:v45+s22+$0x0], $0xffff;
	v52 =	vunpack.i.u.bf16.f32 v10  }
0x417: {  	v11 =	vld.idx.msk [tilespmem:v48+s21+$0x0], $0xffff;
	v10 =	vunpack.i.l.bf16.f32 v10;
	v54 =	vunpack.i.u.bf16.f32 v0;
	v0 =	vunpack.i.l.bf16.f32 v0  }
0x418: {  	s26 =	simm.s32 $0x70;
	v17 =	vmul.bf16 v23, v17;
	v16 =	vld.idx.msk [tilespmem:v48+s22+$0x0], $0xffff;
	v10 =	vadd.f32 v10, v52;
	v0 =	vadd.f32 v0, v54  }
0x419: {  	v32 =	vadd.bf16 v49, v32;
	v45 =	vld.idx.msk [tilespmem:v57+s22+$0x0], $0xffff;
	v19 =	vadd.bf16 v19, v27;
	v27 =	vmov s26  }
0x41a: {  	v17 =	vadd.bf16 v17, v29;
	v29 =	vld.idx.msk [tilespmem:v43+s21+$0x0], $0xffff;
	v27 =	vshll.u32 v27, $0x3;
	v0 =	vadd.f32 v0, v10  }
0x41b: {  	v34 =	vadd.bf16 v49, v34;
	v13 =	vmul.bf16 v13, v55;
	v23 =	vor.u32 v1, v27;
	v27 =	vld.idx.msk [tilespmem:v25+s21+$0x0], $0xffff  }
0x41c: {  	v14 =	vmul.bf16 v20, v14;
	v25 =	vld.idx.msk [tilespmem:v25+s22+$0x0], $0xffff;
	v20 =	vor.u32 v8, v23;
	v0 =	vsub.f32 $0.0e+00, v0  }
0x41d: {  	v24 =	vadd.bf16 v62, v24;
	v52 =	vld.idx.msk [tilespmem:v30+s21+$0x0], $0xffff;
	v11 =	vmul.bf16 v16, v11;
	v16 =	vadd.bf16 v49, v36  }
0x41e: {  	v13 =	vadd.bf16 v13, v19;
	v19 =	vor.u32 v4, v23;
	v30 =	vld.idx.msk [tilespmem:v30+s22+$0x0], $0xffff;
	v0 =	vmul.f32 $1.442695020e+00, v0  }
0x41f: {  	v21 =	vmul.bf16 v21, v22;
	v22 =	vor.u32 v5, v23;
	v10 =	vld.idx.msk [tilespmem:v26+s21+$0x0], $0xffff;
	v11 =	vadd.bf16 v11, v16  }
0x420: {  	s26 =	simm.s32 $0x60;
	v26 =	vld.idx.msk [tilespmem:v26+s22+$0x0], $0xffff;
	v16 =	vmul.bf16 v28, v58;
	v28 =	vor.u32 v2, v23;
	(erf) = vpow2.f32 v0  }
0x421: {  	v15 =	vadd.bf16 v15, v24;
	v55 =	vmov s26;
	v33 =	vmul.bf16 v63, v61;
	v24 =	vld.idx.msk [tilespmem:v20+s22+$0x0], $0xffff  }
0x422: {  	v35 =	vshll.u32 v55, $0x3;
	v50 =	vor.u32 v7, v23;
	v12 =	vmul.bf16 v18, v12;
	v0 =	vld.idx.msk [tilespmem:v57+s21+$0x0], $0xffff  }
0x423: {  	v31 =	vmul.bf16 v31, v47;
	v14 =	vadd.bf16 v14, v32;
	v13 =	vadd.bf16 v21, v13;
	v56 =	vld.idx.msk [tilespmem:v19+s22+$0x0], $0xffff  }
0x424: {  	v15 =	vadd.bf16 v33, v15;
	v29 =	vmul.bf16 v51, v29;
	v12 =	vadd.bf16 v12, v34;
	v59 =	vld.idx.msk [tilespmem:v22+s21+$0x0], $0xffff  }
0x425: {  	v25 =	vmul.bf16 v25, v27;
	v62 =	vunpack.i.u.bf16.f32 v13;
	v13 =	vunpack.i.l.bf16.f32 v13;
	v58 =	vld.idx.msk [tilespmem:v28+s21+$0x0], $0xffff  }
0x426: {  	s1 =	simm.s32 $0x40;
	v13 =	vadd.f32 v13, v62;
	v30 =	vmul.bf16 v30, v52;
	v10 =	vmul.bf16 v26, v10;
	v28 =	vld.idx.msk [tilespmem:v28+s22+$0x0], $0xffff  }
0x427: {  	v14 =	vadd.bf16 v16, v14;
	v26 =	vld.idx.msk [tilespmem:v20+s21+$0x0], $0xffff;
	v20 =	vmov s1;
	v0 =	vmul.bf16 v45, v0  }
0x428: {  	v22 =	vld.idx.msk [tilespmem:v22+s22+$0x0], $0xffff;
	v20 =	vshll.u32 v20, $0x3;
	v57 =	vor.u32 v6, v23;
	v10 =	vadd.bf16 v10, v17  }
0x429: {  	v0 =	vadd.bf16 v0, v11;
	v11 =	vld.idx.msk [tilespmem:v19+s21+$0x0], $0xffff;
	v19 =	vor.u32 v1, v20;
	v20 =	vor.u32 v1, v35;
	v18 =	vpop (erf)  }
0x42a: {  	v32 =	vld.idx.msk [tilespmem:v50+s22+$0x0], $0xffff;
	v10 =	vadd.bf16 v31, v10;
	v31 =	vor.u32 v4, v20;
	v18 =	vadd.f32 $1.000000000e+00, v18  }
0x42b: {  	v16 =	vld.idx.msk [tilespmem:v50+s21+$0x0], $0xffff;
	v14 =	vadd.bf16 v25, v14;
	v17 =	vmul.bf16 v44, v60;
	v28 =	vmul.bf16 v28, v58  }
0x42c: {  	v60 =	vunpack.i.u.bf16.f32 v15;
	(erf) = vrcp.f32 v18;
	v18 =	vor.u32 v3, v23  }
0x42d: {  	v15 =	vunpack.i.l.bf16.f32 v15;
	v22 =	vmul.bf16 v22, v59;
	v25 =	vld.idx.msk [tilespmem:v57+s21+$0x0], $0xffff;
	v28 =	vadd.bf16 v49, v28  }
0x42e: {  	v15 =	vadd.f32 v15, v60;
	v44 =	vunpack.i.u.bf16.f32 v14;
	v12 =	vadd.bf16 v17, v12;
	v34 =	vld.idx.msk [tilespmem:v57+s22+$0x0], $0xffff  }
0x42f: {  	v14 =	vunpack.i.l.bf16.f32 v14;
	v22 =	vadd.bf16 v22, v28;
	v23 =	vor.u32 v9, v23;
	v28 =	vld.idx.msk [tilespmem:v31+s21+$0x0], $0xffff  }
0x430: {  	v16 =	vmul.bf16 v32, v16;
	v13 =	vadd.f32 v13, v15;
	v12 =	vadd.bf16 v29, v12;
	v31 =	vld.idx.msk [tilespmem:v31+s22+$0x0], $0xffff  }
0x431: {  	v42 =	vunpack.i.u.bf16.f32 v10;
	v10 =	vunpack.i.l.bf16.f32 v10;
	v29 =	vor.u32 v4, v19;
	v17 =	vld.idx.msk [tilespmem:v18+s21+$0x0], $0xffff  }
0x432: {  	v14 =	vadd.f32 v14, v44;
	v24 =	vmul.bf16 v24, v26;
	v10 =	vadd.f32 v10, v42;
	v54 =	vld.idx.msk [tilespmem:v18+s22+$0x0], $0xffff  }
0x433: {  	v13 =	vsub.f32 $0.0e+00, v13;
	v45 =	vunpack.i.u.bf16.f32 v12;
	v40 =	vor.u32 v2, v19  }
0x434: {  	v12 =	vunpack.i.l.bf16.f32 v12;
	v25 =	vmul.bf16 v34, v25;
	v11 =	vmul.bf16 v56, v11;
	v61 =	vld.idx.msk [tilespmem:v23+s21+$0x0], $0xffff  }
0x435: {  	v18 =	vshll.u32 v53, $0x3;
	v23 =	vld.idx.msk [tilespmem:v23+s22+$0x0], $0xffff;
	v28 =	vmul.bf16 v31, v28;
	v31 =	vor.u32 v7, v20  }
0x436: {  	v0 =	vadd.bf16 v30, v0;
	v22 =	vadd.bf16 v25, v22;
	v46 =	vld.idx.msk [tilespmem:v29+s21+$0x0], $0xffff;
	v18 =	vor.u32 v1, v18  }
0x437: {  	v25 =	vld.idx.msk [tilespmem:v29+s22+$0x0], $0xffff;
	v11 =	vadd.bf16 v49, v11;
	v27 =	vor.u32 v4, v18;
	v17 =	vmul.bf16 v54, v17  }
0x438: {  	v12 =	vadd.f32 v12, v45;
	v10 =	vadd.f32 v14, v10;
	v26 =	vunpack.i.u.bf16.f32 v0;
	v48 =	vld.idx.msk [tilespmem:v40+s21+$0x0], $0xffff  }
0x439: {  	v0 =	vunpack.i.l.bf16.f32 v0;
	v50 =	vld.idx.msk [tilespmem:v40+s22+$0x0], $0xffff;
	v21 =	vor.u32 v2, v18;
	v11 =	vadd.bf16 v17, v11  }
0x43a: {  	v13 =	vmul.f32 $1.442695020e+00, v13;
	v0 =	vadd.f32 v0, v26;
	v23 =	vmul.bf16 v23, v61;
	v60 =	vld.idx.msk [tilespmem:v31+s21+$0x0], $0xffff  }
0x43b: {  	v10 =	vsub.f32 $0.0e+00, v10;
	v41 =	vor.u32 v3, v18;
	v31 =	vld.idx.msk [tilespmem:v31+s22+$0x0], $0xffff;
	v11 =	vadd.bf16 v16, v11  }
0x43c: {  	v30 =	vor.u32 v2, v20;
	v0 =	vadd.f32 v0, v12;
	v63 =	vld.idx.msk [tilespmem:v27+s21+$0x0], $0xffff;
	v22 =	vadd.bf16 v23, v22  }
0x43d: {  	v10 =	vmul.f32 $1.442695020e+00, v10;
	v43 =	vor.u32 v5, v18;
	v27 =	vld.idx.msk [tilespmem:v27+s22+$0x0], $0xffff;
	v11 =	vadd.bf16 v24, v11  }
0x43e: {  	(erf) = vpow2.f32 v13;
	v0 =	vsub.f32 $0.0e+00, v0;
	v17 =	vld.idx.msk [tilespmem:v21+s21+$0x0], $0xffff;
	v53 =	vunpack.i.u.bf16.f32 v22  }
0x43f: {  	v21 =	vld.idx.msk [tilespmem:v21+s22+$0x0], $0xffff;
	v22 =	vunpack.i.l.bf16.f32 v22;
	v23 =	vunpack.i.u.bf16.f32 v11;
	v11 =	vunpack.i.l.bf16.f32 v11  }
0x440: {  	v0 =	vmul.f32 $1.442695020e+00, v0;
	v29 =	vld.idx.msk [tilespmem:v41+s21+$0x0], $0xffff;
	v13 =	vadd.f32 v22, v53;
	v11 =	vadd.f32 v11, v23  }
0x441: {  	v47 =	vor.u32 v3, v20;
	(erf) = vpow2.f32 v10;
	v51 =	vld.idx.msk [tilespmem:v41+s22+$0x0], $0xffff  }
0x442: {  	v26 =	vor.u32 v5, v20;
	(erf) = vpow2.f32 v0;
	v52 =	vld.idx.msk [tilespmem:v43+s21+$0x0], $0xffff;
	v0 =	vadd.f32 v13, v11  }
0x443: {  	v32 =	vld.idx.msk [tilespmem:v43+s22+$0x0], $0xffff  }
0x444: {  	v16 =	vld.idx.msk [tilespmem:v30+s21+$0x0], $0xffff;
	v0 =	vsub.f32 $0.0e+00, v0  }
0x445: {  	v56 =	vor.u32 v6, v18;
	v30 =	vld.idx.msk [tilespmem:v30+s22+$0x0], $0xffff  }
0x446: {  	v10 =	vor.u32 v5, v19;
	v22 =	vld.idx.msk [tilespmem:v47+s21+$0x0], $0xffff;
	v0 =	vmul.f32 $1.442695020e+00, v0  }
0x447: {  	v11 =	vld.idx.msk [tilespmem:v26+s21+$0x0], $0xffff  }
0x448: {  	v57 =	vpop (erf);
	v24 =	vor.u32 v3, v19;
	v26 =	vld.idx.msk [tilespmem:v26+s22+$0x0], $0xffff;
	(erf) = vpow2.f32 v0  }
0x449: {  	v15 =	vmul.bf16 v25, v46;
	v54 =	vor.u32 v7, v18;
	v23 =	vld.idx.msk [tilespmem:v47+s22+$0x0], $0xffff  }
0x44a: {  	v37 =	vld.idx.msk [tilespmem:v56+s22+$0x0], $0xffff;
	v27 =	vmul.bf16 v27, v63;
	v17 =	vmul.bf16 v21, v17  }
0x44b: {  	v28 =	vadd.bf16 v49, v28;
	v21 =	vld.idx.msk [tilespmem:v10+s21+$0x0], $0xffff;
	v29 =	vmul.bf16 v51, v29;
	v32 =	vmul.bf16 v32, v52  }
0x44c: {  	v10 =	vld.idx.msk [tilespmem:v10+s22+$0x0], $0xffff;
	v16 =	vmul.bf16 v30, v16;
	v30 =	vpop (erf);
	v27 =	vadd.bf16 v49, v27;
	v17 =	vadd.bf16 v49, v17  }
0x44d: {  	v25 =	vadd.f32 $1.000000000e+00, v30;
	v30 =	vor.u32 v6, v20;
	v58 =	vpop (erf);
	v55 =	vld.idx.msk [tilespmem:v24+s21+$0x0], $0xffff;
	v11 =	vmul.bf16 v26, v11  }
0x44e: {  	v13 =	vld.idx.msk [tilespmem:v54+s22+$0x0], $0xffff;
	v33 =	vadd.f32 $1.000000000e+00, v58;
	v27 =	vadd.bf16 v29, v27;
	v22 =	vmul.bf16 v23, v22  }
0x44f: {  	v59 =	vpop (erf);
	v29 =	vor.u32 v6, v19;
	v61 =	vadd.bf16 v32, v17;
	v16 =	vadd.bf16 v49, v16;
	v0 =	vld.idx.msk [tilespmem:v54+s21+$0x0], $0xffff  }
0x450: {  	v24 =	vld.idx.msk [tilespmem:v24+s22+$0x0], $0xffff;
	v35 =	vadd.f32 $1.000000000e+00, v59;
	v17 =	vadd.bf16 v22, v28;
	(erf) = vrcp.f32 v25  }
0x451: {  	v23 =	vld.idx.msk [tilespmem:v56+s21+$0x0], $0xffff;
	v25 =	vor.u32 v7, v19;
	v28 =	vadd.bf16 v11, v16;
	(erf) = vrcp.f32 v33;
	v11 =	vpop (erf)  }
0x452: {  	(erf) = vrcp.f32 v35;
	v11 =	vadd.f32 $1.000000000e+00, v11  }
0x453: {  	v12 =	vmul.bf16 v50, v48;
	v10 =	vmul.bf16 v10, v21;
	v62 =	vld.idx.msk [tilespmem:v30+s21+$0x0], $0xffff  }
0x454: {  	v21 =	vor.u32 v9, v18;
	v30 =	vld.idx.msk [tilespmem:v30+s22+$0x0], $0xffff;
	v0 =	vmul.bf16 v13, v0;
	(erf) = vrcp.f32 v11  }
0x455: {  	v12 =	vadd.bf16 v49, v12;
	v22 =	vmul.bf16 v24, v55;
	v24 =	vor.u32 v8, v18;
	v43 =	vld.idx.msk [tilespmem:v29+s21+$0x0], $0xffff  }
0x456: {  	v63 =	vmul.bf16 v37, v23;
	v26 =	vld.idx.msk [tilespmem:v25+s21+$0x0], $0xffff;
	v37 =	vadd.bf16 v0, v27;
	v0 =	vmul.bf16 v31, v60  }
0x457: {  	s30 =	simm.s32 $0x12130;
	v15 =	vadd.bf16 v49, v15;
	v25 =	vld.idx.msk [tilespmem:v25+s22+$0x0], $0xffff  }
0x458: {  	[tilespmem:s30+$0x10] =	vst v57;
	v36 =	vadd.bf16 v10, v12;
	v44 =	vld.idx.msk [tilespmem:v29+s22+$0x0], $0xffff;
	v18 =	vor.u32 v8, v19  }
0x459: {  	v48 =	vld.idx.msk [tilespmem:v21+s21+$0x0], $0xffff;
	v34 =	vadd.bf16 v22, v15;
	v22 =	vor.u32 v8, v20;
	v20 =	vor.u32 v9, v20;
	v10 =	vpop (erf)  }
0x45a: {  	v19 =	vor.u32 v9, v19;
	v46 =	vld.idx.msk [tilespmem:v24+s21+$0x0], $0xffff;
	v40 =	vadd.bf16 v0, v17;
	[tilespmem:s30+$0xFFFFFFF0] =	vst v10;
	v0 =	vpop (erf)  }
0x45b: {  	s23 =	simm.s32 $0x80;
	s26 =	simm.s32 $0x4;
	v38 =	vadd.bf16 v63, v61;
	v47 =	vld.idx.msk [tilespmem:v24+s22+$0x0], $0xffff;
	v24 =	vmul.bf16 v30, v62;
	[tilespmem:s30+$0x0] =	vst v0;
	v23 =	vpop (erf)  }
.LBB2_9:
0x45c: {  	v0 =	vmov s23;
	s0 =	sadd.s32 $0x10, s23;
	v10 =	vmul.bf16 v25, v26  }
0x45d: {  	s1 =	sadd.s32 $0x30, s23;
	v11 =	vld.idx.msk [tilespmem:v21+s22+$0x0], $0xffff;
	v12 =	vadd.bf16 v24, v28;
	v13 =	vpop (erf);
	[tilespmem:s30+$0xFFFFFFE0] =	vst v23;
	s30 =	sadd.s32 $0x40, s30;
	v0 =	vshll.u32 v0, $0x3;
	v14 =	vmov s0  }
0x45e: {  	s0 =	sadd.s32 $0x20, s23;
	v15 =	vmov s1;
	v16 =	vld.idx.msk [tilespmem:v22+s21+$0x0], $0xffff;
	[tilespmem:s30+$0x10] =	vst v13;
	v43 =	vmul.bf16 v44, v43;
	v13 =	vshll.u32 v14, $0x3  }
0x45f: {  	v14 =	vmov s0;
	v15 =	vshll.u32 v15, $0x3;
	v17 =	vld.idx.msk [tilespmem:v22+s22+$0x0], $0xffff;
	v0 =	vor.u32 v1, v0  }
0x460: {  	v13 =	vor.u32 v1, v13;
	v14 =	vshll.u32 v14, $0x3;
	v15 =	vor.u32 v1, v15;
	v49 =	vld.idx.msk [tilespmem:v20+s21+$0x0], $0xffff  }
0x461: {  	v10 =	vadd.bf16 v10, v34;
	v14 =	vor.u32 v1, v14;
	v21 =	vor.u32 v8, v15;
	v50 =	vld.idx.msk [tilespmem:v20+s22+$0x0], $0xffff  }
0x462: {  	v51 =	vor.u32 v4, v13;
	v52 =	vor.u32 v2, v13;
	v53 =	vor.u32 v4, v14;
	v54 =	vld.idx.msk [tilespmem:v18+s21+$0x0], $0xffff  }
0x463: {  	v42 =	vor.u32 v4, v0;
	v20 =	vor.u32 v7, v15;
	v45 =	vor.u32 v2, v14;
	v55 =	vld.idx.msk [tilespmem:v18+s22+$0x0], $0xffff  }
0x464: {  	v41 =	vor.u32 v2, v0;
	v39 =	vor.u32 v3, v13;
	v35 =	vor.u32 v5, v13;
	v56 =	vld.idx.msk [tilespmem:v19+s21+$0x0], $0xffff  }
0x465: {  	v57 =	vor.u32 v3, v15;
	v33 =	vor.u32 v3, v14;
	v32 =	vor.u32 v5, v14;
	v58 =	vld.idx.msk [tilespmem:v19+s22+$0x0], $0xffff  }
0x466: {  	s26 =	sadd.s32 $0x4, s26;
	v31 =	vor.u32 v3, v0;
	v30 =	vor.u32 v5, v0;
	v29 =	vor.u32 v7, v13;
	v59 =	vld.idx.msk [tilespmem:v21+s21+$0x0], $0xffff  }
0x467: {  	p0 =	slt.u32 s26, $0x78;
	v28 =	vor.u32 v6, v13;
	v60 =	vor.u32 v4, v15;
	v27 =	vor.u32 v7, v14;
	v61 =	vld.idx.msk [tilespmem:v21+s22+$0x0], $0xffff  }
0x468: {  	v25 =	vor.u32 v7, v0;
	v24 =	vor.u32 v6, v0;
	v26 =	vor.u32 v6, v14;
	v62 =	vld.idx.msk [tilespmem:v20+s21+$0x0], $0xffff  }
0x469: {  	v23 =	vor.u32 v8, v13;
	v21 =	vor.u32 v9, v13;
	v13 =	vor.u32 v2, v15;
	v63 =	vld.idx.msk [tilespmem:v20+s22+$0x0], $0xffff  }
0x46a: {  	v22 =	vor.u32 v8, v14;
	v18 =	vor.u32 v8, v0;
	v20 =	vor.u32 v9, v14;
	v14 =	vld.idx.msk [tilespmem:v57+s21+$0x0], $0xffff  }
0x46b: {  	v34 =	vmul.bf16 v47, v46;
	v19 =	vor.u32 v9, v0;
	v0 =	vld.idx.msk [tilespmem:v57+s22+$0x0], $0xffff;
	v57 =	vor.u32 v5, v15  }
0x46c: {  	v36 =	vadd.bf16 v43, v36;
	v11 =	vmul.bf16 v11, v48;
	v44 =	vld.idx.msk [tilespmem:v60+s21+$0x0], $0xffff  }
0x46d: {  	v47 =	vor.u32 v6, v15;
	v34 =	vadd.bf16 v34, v37;
	v16 =	vmul.bf16 v17, v16;
	v46 =	vld.idx.msk [tilespmem:v60+s22+$0x0], $0xffff  }
0x46e: {  	v11 =	vadd.bf16 v11, v38;
	v37 =	vmul.bf16 v50, v49;
	v43 =	vmul.bf16 v55, v54;
	v17 =	vld.idx.msk [tilespmem:v13+s21+$0x0], $0xffff  }
0x46f: {  	v49 =	vunpack.i.u.bf16.f32 v34;
	v48 =	vmul.bf16 v58, v56;
	v15 =	vor.u32 v9, v15;
	v13 =	vld.idx.msk [tilespmem:v13+s22+$0x0], $0xffff  }
0x470: {  	v16 =	vadd.bf16 v16, v40;
	v34 =	vunpack.i.l.bf16.f32 v34;
	v12 =	vadd.bf16 v37, v12;
	v38 =	vld.idx.msk [tilespmem:v57+s21+$0x0], $0xffff  }
0x471: {  	v10 =	vadd.bf16 v43, v10;
	v43 =	vunpack.i.u.bf16.f32 v11;
	v36 =	vadd.bf16 v48, v36;
	v37 =	vld.idx.msk [tilespmem:v57+s22+$0x0], $0xffff  }
0x472: {  	v11 =	vunpack.i.l.bf16.f32 v11;
	v50 =	vunpack.i.u.bf16.f32 v12;
	v48 =	vunpack.i.u.bf16.f32 v16;
	v40 =	vld.idx.msk [tilespmem:v47+s21+$0x0], $0xffff  }
0x473: {  	v12 =	vunpack.i.l.bf16.f32 v12;
	v56 =	vimm.bf16 $0.0e+00;
	v16 =	vunpack.i.l.bf16.f32 v16;
	v47 =	vld.idx.msk [tilespmem:v47+s22+$0x0], $0xffff  }
0x474: {  	v54 =	vunpack.i.u.bf16.f32 v10;
	v10 =	vunpack.i.l.bf16.f32 v10;
	v44 =	vmul.bf16 v46, v44;
	v46 =	vld.idx.msk [tilespmem:v15+s21+$0x0], $0xffff  }
0x475: {  	v13 =	vmul.bf16 v13, v17;
	v17 =	vunpack.i.u.bf16.f32 v36;
	v36 =	vunpack.i.l.bf16.f32 v36;
	v15 =	vld.idx.msk [tilespmem:v15+s22+$0x0], $0xffff  }
0x476: {  	v0 =	vmul.bf16 v0, v14;
	v14 =	vadd.f32 v34, v49;
	v44 =	vadd.bf16 v56, v44;
	v55 =	vld.idx.msk [tilespmem:v51+s21+$0x0], $0xffff  }
0x477: {  	v11 =	vadd.f32 v11, v43;
	v13 =	vadd.bf16 v56, v13;
	v37 =	vmul.bf16 v37, v38;
	v34 =	vld.idx.msk [tilespmem:v51+s22+$0x0], $0xffff  }
0x478: {  	v16 =	vadd.f32 v16, v48;
	v43 =	vmul.bf16 v63, v62;
	v0 =	vadd.bf16 v0, v44;
	v38 =	vld.idx.msk [tilespmem:v52+s21+$0x0], $0xffff  }
0x479: {  	v12 =	vadd.f32 v12, v50;
	v13 =	vadd.bf16 v37, v13;
	v37 =	vmul.bf16 v47, v40;
	v44 =	vld.idx.msk [tilespmem:v52+s22+$0x0], $0xffff  }
0x47a: {  	v10 =	vadd.f32 v10, v54;
	v0 =	vadd.bf16 v43, v0;
	v43 =	vmul.bf16 v61, v59;
	v40 =	vld.idx.msk [tilespmem:v53+s21+$0x0], $0xffff  }
0x47b: {  	v17 =	vadd.f32 v36, v17;
	v13 =	vadd.bf16 v37, v13;
	v15 =	vmul.bf16 v15, v46;
	v47 =	vld.idx.msk [tilespmem:v53+s22+$0x0], $0xffff  }
0x47c: {  	v11 =	vadd.f32 v11, v14;
	v0 =	vadd.bf16 v43, v0;
	v36 =	vld.idx.msk [tilespmem:v45+s21+$0x0], $0xffff  }
0x47d: {  	v12 =	vadd.f32 v12, v16;
	v14 =	vmul.bf16 v34, v55;
	v13 =	vadd.bf16 v15, v13;
	v34 =	vld.idx.msk [tilespmem:v45+s22+$0x0], $0xffff  }
0x47e: {  	v11 =	vsub.f32 $0.0e+00, v11;
	v10 =	vadd.f32 v17, v10;
	v16 =	vunpack.i.u.bf16.f32 v0;
	v15 =	vld.idx.msk [tilespmem:v42+s21+$0x0], $0xffff  }
0x47f: {  	v0 =	vunpack.i.l.bf16.f32 v0;
	v37 =	vunpack.i.u.bf16.f32 v13;
	v13 =	vunpack.i.l.bf16.f32 v13;
	v17 =	vld.idx.msk [tilespmem:v42+s22+$0x0], $0xffff  }
0x480: {  	v0 =	vadd.f32 v0, v16;
	v38 =	vmul.bf16 v44, v38;
	v13 =	vadd.f32 v13, v37;
	v42 =	vld.idx.msk [tilespmem:v41+s21+$0x0], $0xffff  }
0x481: {  	v12 =	vsub.f32 $0.0e+00, v12;
	v14 =	vadd.bf16 v56, v14;
	v37 =	vmul.bf16 v47, v40;
	v16 =	vld.idx.msk [tilespmem:v41+s22+$0x0], $0xffff  }
0x482: {  	v11 =	vmul.f32 $1.442695020e+00, v11;
	v38 =	vadd.bf16 v56, v38;
	v0 =	vadd.f32 v13, v0;
	v40 =	vld.idx.msk [tilespmem:v39+s21+$0x0], $0xffff  }
0x483: {  	v10 =	vsub.f32 $0.0e+00, v10;
	v37 =	vadd.bf16 v56, v37;
	v34 =	vmul.bf16 v34, v36;
	v13 =	vld.idx.msk [tilespmem:v39+s22+$0x0], $0xffff  }
0x484: {  	v12 =	vmul.f32 $1.442695020e+00, v12;
	v0 =	vsub.f32 $0.0e+00, v0;
	v36 =	vld.idx.msk [tilespmem:v35+s21+$0x0], $0xffff;
	(erf) = vpow2.f32 v11  }
0x485: {  	v10 =	vmul.f32 $1.442695020e+00, v10;
	v11 =	vmul.bf16 v17, v15;
	v17 =	vadd.bf16 v56, v34;
	v15 =	vld.idx.msk [tilespmem:v35+s22+$0x0], $0xffff  }
0x486: {  	v0 =	vmul.f32 $1.442695020e+00, v0;
	v34 =	vld.idx.msk [tilespmem:v33+s21+$0x0], $0xffff;
	(erf) = vpow2.f32 v12  }
0x487: {  	v11 =	vadd.bf16 v56, v11;
	v12 =	vmul.bf16 v16, v42;
	v16 =	vld.idx.msk [tilespmem:v33+s22+$0x0], $0xffff;
	(erf) = vpow2.f32 v10  }
0x488: {  	v10 =	vld.idx.msk [tilespmem:v32+s21+$0x0], $0xffff;
	(erf) = vpow2.f32 v0  }
0x489: {  	v0 =	vadd.bf16 v56, v12;
	v12 =	vmul.bf16 v13, v40;
	v13 =	vld.idx.msk [tilespmem:v32+s22+$0x0], $0xffff  }
0x48a: {  	v32 =	vld.idx.msk [tilespmem:v31+s21+$0x0], $0xffff  }
0x48b: {  	v12 =	vadd.bf16 v12, v14;
	v14 =	vmul.bf16 v15, v36;
	v31 =	vld.idx.msk [tilespmem:v31+s22+$0x0], $0xffff  }
0x48c: {  	v15 =	vld.idx.msk [tilespmem:v30+s21+$0x0], $0xffff  }
0x48d: {  	v14 =	vadd.bf16 v14, v38;
	v16 =	vmul.bf16 v16, v34;
	v30 =	vld.idx.msk [tilespmem:v30+s22+$0x0], $0xffff;
	v33 =	vpop (erf)  }
0x48e: {  	v35 =	vld.idx.msk [tilespmem:v29+s21+$0x0], $0xffff;
	v33 =	vadd.f32 $1.000000000e+00, v33  }
0x48f: {  	v16 =	vadd.bf16 v16, v37;
	v36 =	vmul.bf16 v13, v10;
	v29 =	vld.idx.msk [tilespmem:v29+s22+$0x0], $0xffff;
	v13 =	vpop (erf)  }
0x490: {  	v38 =	vld.idx.msk [tilespmem:v28+s21+$0x0], $0xffff;
	v13 =	vadd.f32 $1.000000000e+00, v13;
	v34 =	vpop (erf);
	(erf) = vrcp.f32 v33  }
0x491: {  	v31 =	vmul.bf16 v31, v32;
	v32 =	vld.idx.msk [tilespmem:v28+s22+$0x0], $0xffff;
	v28 =	vadd.bf16 v36, v17;
	v10 =	vpop (erf);
	v17 =	vadd.f32 $1.000000000e+00, v34  }
0x492: {  	v33 =	vld.idx.msk [tilespmem:v27+s21+$0x0], $0xffff;
	v10 =	vadd.f32 $1.000000000e+00, v10;
	(erf) = vrcp.f32 v13  }
0x493: {  	v34 =	vadd.bf16 v31, v11;
	v11 =	vmul.bf16 v30, v15;
	v13 =	vld.idx.msk [tilespmem:v27+s22+$0x0], $0xffff;
	(erf) = vrcp.f32 v17  }
0x494: {  	v15 =	vld.idx.msk [tilespmem:v26+s21+$0x0], $0xffff;
	(erf) = vrcp.f32 v10  }
0x495: {  	v36 =	vadd.bf16 v11, v0;
	v0 =	vmul.bf16 v29, v35;
	v10 =	vld.idx.msk [tilespmem:v26+s22+$0x0], $0xffff  }
0x496: {  	v26 =	vld.idx.msk [tilespmem:v25+s21+$0x0], $0xffff  }
0x497: {  	v37 =	vadd.bf16 v0, v12;
	v0 =	vmul.bf16 v32, v38;
	v25 =	vld.idx.msk [tilespmem:v25+s22+$0x0], $0xffff  }
.Ltmp3:
0x498: {  	v43 =	vld.idx.msk [tilespmem:v24+s21+$0x0], $0xffff;
	(pc) =	sbr.rel @p0 .LBB2_9-.Ltmp3, $4  }
0x499: {  	v38 =	vadd.bf16 v0, v14;
	v12 =	vmul.bf16 v13, v33;
	v44 =	vld.idx.msk [tilespmem:v24+s22+$0x0], $0xffff;
	v11 =	vpop (erf)  }
0x49a: {  	v46 =	vld.idx.msk [tilespmem:v23+s21+$0x0], $0xffff;
	[tilespmem:s30+$0xFFFFFFF0] =	vst v11  }
0x49b: {  	v40 =	vadd.bf16 v12, v16;
	v24 =	vmul.bf16 v10, v15;
	v47 =	vld.idx.msk [tilespmem:v23+s22+$0x0], $0xffff;
	v0 =	vpop (erf)  }
0x49c: {  	s23 =	sadd.s32 $0x40, s23;
	v48 =	vld.idx.msk [tilespmem:v21+s21+$0x0], $0xffff;
	[tilespmem:s30+$0x0] =	vst v0;
	v23 =	vpop (erf)  }
0x49d: {  	_ =	sdelay $0x3  }
0x49e: {  	v0 =	vld.idx.msk [tilespmem:v21+s22+$0x0], $0xffff  }
0x49f: {  	v10 =	vld.idx.msk [tilespmem:v22+s21+$0x0], $0xffff  }
0x4a0: {  	v11 =	vld.idx.msk [tilespmem:v22+s22+$0x0], $0xffff  }
0x4a1: {  	v12 =	vld.idx.msk [tilespmem:v20+s21+$0x0], $0xffff  }
0x4a2: {  	v13 =	vld.idx.msk [tilespmem:v20+s22+$0x0], $0xffff  }
0x4a3: {  	v14 =	vld.idx.msk [tilespmem:v18+s21+$0x0], $0xffff  }
0x4a4: {  	v15 =	vld.idx.msk [tilespmem:v18+s22+$0x0], $0xffff  }
0x4a5: {  	v16 =	vld.idx.msk [tilespmem:v19+s21+$0x0], $0xffff  }
0x4a6: {  	v17 =	vld.idx.msk [tilespmem:v19+s22+$0x0], $0xffff  }
0x4a7: {  	v32 =	vmul.bf16 v25, v26;
	v33 =	vmul.bf16 v44, v43  }
0x4a8: {  	v35 =	vadd.bf16 v24, v28;
	v39 =	vmul.bf16 v47, v46  }
0x4a9: {  	v18 =	vadd.bf16 v32, v34;
	v19 =	vadd.bf16 v33, v36;
	v0 =	vmul.bf16 v0, v48  }
0x4aa: {  	v10 =	vmul.bf16 v11, v10;
	v11 =	vadd.bf16 v39, v37;
	v12 =	vmul.bf16 v13, v12  }
0x4ab: {  	v41 =	vmul.bf16 v15, v14;
	v42 =	vmul.bf16 v17, v16;
	v0 =	vadd.bf16 v0, v38  }
0x4ac: {  	v43 =	vunpack.i.u.bf16.f32 v11;
	v10 =	vadd.bf16 v10, v40;
	v12 =	vadd.bf16 v12, v35  }
0x4ad: {  	v13 =	vadd.bf16 v41, v18;
	v14 =	vadd.bf16 v42, v19;
	v11 =	vunpack.i.l.bf16.f32 v11  }
0x4ae: {  	v11 =	vadd.f32 v11, v43;
	v44 =	vunpack.i.u.bf16.f32 v0;
	v0 =	vunpack.i.l.bf16.f32 v0  }
0x4af: {  	v45 =	vunpack.i.u.bf16.f32 v10;
	v10 =	vunpack.i.l.bf16.f32 v10;
	v46 =	vunpack.i.u.bf16.f32 v12  }
0x4b0: {  	v12 =	vunpack.i.l.bf16.f32 v12;
	v47 =	vunpack.i.u.bf16.f32 v13;
	v13 =	vunpack.i.l.bf16.f32 v13  }
0x4b1: {  	v48 =	vunpack.i.u.bf16.f32 v14;
	v0 =	vadd.f32 v0, v44;
	v10 =	vadd.f32 v10, v45  }
0x4b2: {  	v14 =	vunpack.i.l.bf16.f32 v14;
	v12 =	vadd.f32 v12, v46;
	v13 =	vadd.f32 v13, v47  }
0x4b3: {  	v14 =	vadd.f32 v14, v48;
	v0 =	vadd.f32 v0, v11  }
0x4b4: {  	v10 =	vadd.f32 v12, v10  }
0x4b5: {  	v11 =	vadd.f32 v14, v13;
	v0 =	vsub.f32 $0.0e+00, v0  }
0x4b6: {  	v10 =	vsub.f32 $0.0e+00, v10  }
0x4b7: {  	v11 =	vsub.f32 $0.0e+00, v11;
	v0 =	vmul.f32 $1.442695020e+00, v0  }
0x4b8: {  	v10 =	vmul.f32 $1.442695020e+00, v10  }
0x4b9: {  	(erf) = vpow2.f32 v0;
	v0 =	vmul.f32 $1.442695020e+00, v11  }
0x4ba: {  	(erf) = vpow2.f32 v10  }
0x4bb: {  	(erf) = vpow2.f32 v0;
	_ =	sdelay $0x5  }
0x4bc: {  	v0 =	vpop (erf)  }
0x4bd: {  	v10 =	vpop (erf)  }
0x4be: {  	v10 =	vadd.f32 $1.000000000e+00, v10;
	v11 =	vpop (erf)  }
0x4bf: {  	v11 =	vadd.f32 $1.000000000e+00, v11;
	v49 =	vpop (erf)  }
0x4c0: {  	(erf) = vrcp.f32 v10;
	v10 =	vadd.f32 $1.000000000e+00, v49  }
0x4c1: {  	(erf) = vrcp.f32 v11  }
0x4c2: {  	(erf) = vrcp.f32 v10;
	_ =	sdelay $0x5  }
0x4c3: {  	[tilespmem:s30+$0xFFFFFFE0] =	vst v23;
	s0 =	sadd.s32 $0x40, s30  }
0x4c4: {  	[tilespmem:s0+$0x10] =	vst v0;
	v0 =	vpop (erf)  }
0x4c5: {  	[tilespmem:s0+$0xFFFFFFF0] =	vst v0;
	v0 =	vpop (erf)  }
0x4c6: {  	[tilespmem:s0+$0x0] =	vst v0;
	v0 =	vpop (erf)  }
0x4c7: {  	[tilespmem:s0+$0xFFFFFFE0] =	vst v0  }
0x4c8: {  	v1 =	vld [tilespmem:$0x1FF30];
	_ =	sdelay $0x7  }
0x4c9: {  	v0 =	vld.idx.msk [tilespmem:v1+s21+$0x0], $0xffff  }
0x4ca: {  	v10 =	vld.idx.msk [tilespmem:v1+s22+$0x0], $0xffff  }
0x4cb: {  	v1 =	vld [tilespmem:$0x1FF40];
	_ =	sdelay $0x7  }
0x4cc: {  	v11 =	vld.idx.msk [tilespmem:v1+s21+$0x0], $0xffff  }
0x4cd: {  	v50 =	vld.idx.msk [tilespmem:v1+s22+$0x0], $0xffff  }
0x4ce: {  	v1 =	vld [tilespmem:$0x1FF50];
	_ =	sdelay $0x7  }
0x4cf: {  	v51 =	vld.idx.msk [tilespmem:v1+s21+$0x0], $0xffff  }
0x4d0: {  	v52 =	vld.idx.msk [tilespmem:v1+s22+$0x0], $0xffff  }
0x4d1: {  	v1 =	vld [tilespmem:$0x1FF60];
	_ =	sdelay $0x7  }
0x4d2: {  	v53 =	vld.idx.msk [tilespmem:v1+s21+$0x0], $0xffff  }
0x4d3: {  	v54 =	vld.idx.msk [tilespmem:v1+s22+$0x0], $0xffff  }
0x4d4: {  	v1 =	vld [tilespmem:$0x1FF70];
	_ =	sdelay $0x7  }
0x4d5: {  	v55 =	vld.idx.msk [tilespmem:v1+s21+$0x0], $0xffff  }
0x4d6: {  	v56 =	vld.idx.msk [tilespmem:v1+s22+$0x0], $0xffff  }
0x4d7: {  	v1 =	vld [tilespmem:$0x1FF80];
	_ =	sdelay $0x6  }
0x4d8: {  	v2 =	vld [tilespmem:$0x1FFA0]  }
0x4d9: {  	v57 =	vld.idx.msk [tilespmem:v1+s21+$0x0], $0xffff  }
0x4da: {  	v58 =	vld.idx.msk [tilespmem:v1+s22+$0x0], $0xffff  }
0x4db: {  	v1 =	vld [tilespmem:$0x1FF90];
	_ =	sdelay $0x6  }
0x4dc: {  	v60 =	vld.idx.msk [tilespmem:v2+s21+$0x0], $0xffff  }
0x4dd: {  	v0 =	vmul.bf16 v10, v0;
	v59 =	vld.idx.msk [tilespmem:v1+s21+$0x0], $0xffff  }
0x4de: {  	v11 =	vmul.bf16 v50, v11;
	v10 =	vld.idx.msk [tilespmem:v1+s22+$0x0], $0xffff;
	v1 =	vimm.bf16 $0.0e+00  }
0x4df: {  	v61 =	vld.idx.msk [tilespmem:v2+s22+$0x0], $0xffff;
	v13 =	vmul.bf16 v52, v51;
	v0 =	vadd.bf16 v1, v0  }
0x4e0: {  	v15 =	vmul.bf16 v54, v53;
	v11 =	vadd.bf16 v1, v11  }
0x4e1: {  	v62 =	vmul.bf16 v56, v55;
	v0 =	vadd.bf16 v13, v0  }
0x4e2: {  	v63 =	vmul.bf16 v58, v57;
	v11 =	vadd.bf16 v15, v11  }
0x4e3: {  	v0 =	vadd.bf16 v62, v0;
	v10 =	vmul.bf16 v10, v59  }
0x4e4: {  	v12 =	vmul.bf16 v61, v60;
	v11 =	vadd.bf16 v63, v11  }
0x4e5: {  	v0 =	vadd.bf16 v10, v0  }
0x4e6: {  	v10 =	vadd.bf16 v12, v11  }
0x4e7: {  	v11 =	vunpack.i.u.bf16.f32 v0  }
0x4e8: {  	v0 =	vunpack.i.l.bf16.f32 v0;
	v12 =	vunpack.i.u.bf16.f32 v10;
	v10 =	vunpack.i.l.bf16.f32 v10  }
0x4e9: {  	v0 =	vadd.f32 v0, v11;
	v10 =	vadd.f32 v10, v12;
	_ =	sdelay $0x1  }
0x4ea: {  	v0 =	vadd.f32 v10, v0;
	_ =	sdelay $0x1  }
0x4eb: {  	v0 =	vsub.f32 $0.0e+00, v0;
	_ =	sdelay $0x1  }
0x4ec: {  	v0 =	vmul.f32 $1.442695020e+00, v0;
	_ =	sdelay $0x1  }
0x4ed: {  	(erf) = vpow2.f32 v0;
	_ =	sdelay $0x8  }
0x4ee: {  	v0 =	vpop (erf)  }
0x4ef: {  	v0 =	vadd.f32 $1.000000000e+00, v0;
	_ =	sdelay $0x1  }
0x4f0: {  	(erf) = vrcp.f32 v0;
	_ =	sdelay $0x6  }
0x4f1: {  	s0 =	rddreg [dreg:$0xb]  }
0x4f2: {  	s0 =	sadd.s32 s31, s0  }
0x4f3: {  	s1 =	simm.s32 $0x12110;
	s16 =	sadd.s32 $0x1, s16;
	s0 =	sshrl.u32 s0, $0x3;
	v0 =	vpop (erf)  }
0x4f4: {  	s30 =	sadd.s32 s31, s19;
	p0 =	sne.s32 s16, $0xB;
	s0 =	sadd.s32 s7, s0;
	[tilespmem:$0x128D0] =	vst v0  }
0x4f5: {  	[hbm4b:s0+s5] =	stream.linear.scatter [tilespmem:s1], [sflag:$0xA], $0x7D0, $0x38;
	[tilespmem:$0x18A88] =	vst v63  }
.Ltmp4:
0x4f6: {  	s0 =	sshrl.u32 s30, $0x3;
	(pc) =	sbr.rel @p0 .LBB2_6-.Ltmp4, $4  }
0x4f7: {  	s31 =	sadd.s32 s2, s0  }
0x4f8: {  	[tilespmem:s6], [sflag:$0x2] =	stream.linear.gather [hbm4b:s31+s5], $0x7D0, $0x38;
	[tilespmem:$0x18A88] =	vst v63  }
0x4f9: {  	s0 =	sadd.s32 s9, s0  }
0x4fa: {  	v3 =	vmov v4;
	v5 =	vmov v7;
	[tilespmem:s8], [sflag:$0x4] =	stream.linear.gather [hbm4b:s0+s5], $0x7D0, $0x38;
	[tilespmem:$0x18A88] =	vst v63  }
0x4fb: {  	_ =	swait.ge [sflag:s15], $0x3E80  }
0x4fc: {  	[sflag:s15] =	ssyncset.done $0x0  }
0x4fd: {  	[sflag:s15] =	ssyncadd.s32 $0xFFFFC180  }
0x4fe: {  	_ =	swait.ge [sflag:s17], $0x3E80  }
0x4ff: {  	[sflag:s17] =	ssyncset.done $0x0  }
0x500: {  	[sflag:s17] =	ssyncadd.s32 $0xFFFFC180  }
0x501: {  	_ =	swait.ge [sflag:s18], $0x7D0  }
0x502: {  	[sflag:s18] =	ssyncset.done $0x0  }
0x503: {  	[sflag:s18] =	ssyncadd.s32 $0xFFFFF830  }
0x504: {  	_ =	swait.ge [sflag:s20], $0x7D0  }
0x505: {  	v49 =	vld [tilespmem:$0x1FFB0]  }
0x506: {  	[sflag:s20] =	ssyncset.done $0x0  }
0x507: {  	s0 =	simm.s32 $0x30;
	[sflag:s20] =	ssyncadd.s32 $0xFFFFF830  }
0x508: {  	v0 =	vmov s0;
	[tilespmem:s21], [sflag:$0x6] =	stream.indirect.gather [spmem:s4], $0x8, s6, s6, $0xb8;
	[tilespmem:$0x18A88] =	vst v63  }
0x509: {  	v0 =	vshll.u32 v0, $0x3  }
0x50a: {  	[tilespmem:s22], [sflag:$0x8] =	stream.indirect.gather [spmem:s4], $0x8, s8, s6, $0xb8;
	v0 =	vor.u32 v49, v0;
	[tilespmem:$0x18A88] =	vst v63  }
0x50b: {  	_ =	swait.ge [sflag:s28], $0x7D0;
	v10 =	vor.u32 v8, v0  }
0x50c: {  	v2 =	vld [tilespmem:$0x1FF20]  }
0x50d: {  	s31 =	simm.s32 $0x10;
	v11 =	vor.u32 v5, v0;
	v1 =	vld [tilespmem:$0x1FFC0]  }
0x50e: {  	v21 =	vmov s31;
	[sflag:s28] =	ssyncset.done $0x0;
	v4 =	vld [tilespmem:$0x1FFD0]  }
0x50f: {  	s1 =	simm.s32 $0x20;
	v21 =	vshll.u32 v21, $0x3;
	v14 =	vor.u32 v3, v0;
	v7 =	vld [tilespmem:$0x1FFE0];
	[sflag:s28] =	ssyncadd.s32 $0xFFFFF830  }
0x510: {  	v25 =	vmov s1;
	v21 =	vor.u32 v49, v21;
	v13 =	vld.idx.msk [tilespmem:v10+s12+$0x0], $0xffff  }
0x511: {  	s16 =	simm.s32 $0x0;
	v25 =	vshll.u32 v25, $0x3;
	v24 =	vor.u32 v3, v21;
	v10 =	vld.idx.msk [tilespmem:v10+s13+$0x0], $0xffff  }
0x512: {  	v30 =	vmov s16;
	v25 =	vor.u32 v49, v25;
	v15 =	vld.idx.msk [tilespmem:v11+s12+$0x0], $0xffff  }
0x513: {  	v30 =	vshll.u32 v30, $0x3;
	v29 =	vor.u32 v3, v25;
	v11 =	vld.idx.msk [tilespmem:v11+s13+$0x0], $0xffff  }
0x514: {  	v30 =	vor.u32 v49, v30;
	v19 =	vld.idx.msk [tilespmem:v14+s12+$0x0], $0xffff  }
0x515: {  	v34 =	vor.u32 v3, v30;
	v14 =	vld.idx.msk [tilespmem:v14+s13+$0x0], $0xffff  }
0x516: {  	v31 =	vld.idx.msk [tilespmem:v24+s12+$0x0], $0xffff  }
0x517: {  	v53 =	vor.u32 v5, v21;
	v24 =	vld.idx.msk [tilespmem:v24+s13+$0x0], $0xffff  }
0x518: {  	v60 =	vor.u32 v5, v30;
	v35 =	vld.idx.msk [tilespmem:v29+s12+$0x0], $0xffff  }
0x519: {  	v47 =	vor.u32 v8, v21;
	v29 =	vld.idx.msk [tilespmem:v29+s13+$0x0], $0xffff  }
0x51a: {  	v12 =	vor.u32 v2, v0;
	v39 =	vld.idx.msk [tilespmem:v34+s12+$0x0], $0xffff  }
0x51b: {  	v34 =	vld.idx.msk [tilespmem:v34+s13+$0x0], $0xffff  }
0x51c: {  	v16 =	vor.u32 v1, v0;
	v57 =	vld.idx.msk [tilespmem:v53+s12+$0x0], $0xffff  }
0x51d: {  	v48 =	vld.idx.msk [tilespmem:v60+s12+$0x0], $0xffff  }
0x51e: {  	v18 =	vor.u32 v4, v0;
	v62 =	vld.idx.msk [tilespmem:v47+s12+$0x0], $0xffff  }
0x51f: {  	v17 =	vld.idx.msk [tilespmem:v12+s12+$0x0], $0xffff  }
0x520: {  	v20 =	vor.u32 v7, v0;
	v12 =	vld.idx.msk [tilespmem:v12+s13+$0x0], $0xffff  }
0x521: {  	v22 =	vld.idx.msk [tilespmem:v16+s12+$0x0], $0xffff  }
0x522: {  	v0 =	vor.u32 v9, v0;
	v16 =	vld.idx.msk [tilespmem:v16+s13+$0x0], $0xffff  }
0x523: {  	v23 =	vld.idx.msk [tilespmem:v18+s12+$0x0], $0xffff  }
0x524: {  	v27 =	vor.u32 v1, v21;
	v18 =	vld.idx.msk [tilespmem:v18+s13+$0x0], $0xffff  }
0x525: {  	v26 =	vld.idx.msk [tilespmem:v20+s12+$0x0], $0xffff  }
0x526: {  	v32 =	vor.u32 v1, v25;
	v20 =	vld.idx.msk [tilespmem:v20+s13+$0x0], $0xffff  }
0x527: {  	v28 =	vld.idx.msk [tilespmem:v0+s12+$0x0], $0xffff  }
0x528: {  	v36 =	vor.u32 v1, v30;
	v0 =	vld.idx.msk [tilespmem:v0+s13+$0x0], $0xffff  }
0x529: {  	v33 =	vld.idx.msk [tilespmem:v27+s12+$0x0], $0xffff  }
0x52a: {  	v38 =	vor.u32 v2, v21;
	v27 =	vld.idx.msk [tilespmem:v27+s13+$0x0], $0xffff  }
0x52b: {  	v37 =	vld.idx.msk [tilespmem:v32+s12+$0x0], $0xffff  }
0x52c: {  	v40 =	vor.u32 v4, v21;
	v32 =	vld.idx.msk [tilespmem:v32+s13+$0x0], $0xffff  }
0x52d: {  	v44 =	vor.u32 v4, v25;
	v41 =	vld.idx.msk [tilespmem:v36+s12+$0x0], $0xffff  }
0x52e: {  	v45 =	vor.u32 v2, v30;
	v36 =	vld.idx.msk [tilespmem:v36+s13+$0x0], $0xffff  }
0x52f: {  	v43 =	vld.idx.msk [tilespmem:v38+s12+$0x0], $0xffff  }
0x530: {  	v55 =	vor.u32 v7, v21;
	v38 =	vld.idx.msk [tilespmem:v38+s13+$0x0], $0xffff  }
0x531: {  	v14 =	vmul.bf16 v14, v19;
	v19 =	vld.idx.msk [tilespmem:v40+s12+$0x0], $0xffff  }
0x532: {  	v52 =	vld.idx.msk [tilespmem:v44+s12+$0x0], $0xffff  }
0x533: {  	v42 =	vor.u32 v2, v25;
	v54 =	vld.idx.msk [tilespmem:v45+s12+$0x0], $0xffff  }
0x534: {  	v11 =	vmul.bf16 v11, v15;
	v15 =	vld.idx.msk [tilespmem:v53+s13+$0x0], $0xffff  }
0x535: {  	v59 =	vld.idx.msk [tilespmem:v55+s12+$0x0], $0xffff  }
0x536: {  	v10 =	vmul.bf16 v10, v13;
	v13 =	vld.idx.msk [tilespmem:v55+s13+$0x0], $0xffff;
	v24 =	vmul.bf16 v24, v31;
	v31 =	vor.u32 v8, v25  }
0x537: {  	v16 =	vmul.bf16 v16, v22;
	v22 =	vld.idx.msk [tilespmem:v40+s13+$0x0], $0xffff  }
0x538: {  	v12 =	vmul.bf16 v12, v17;
	v17 =	vld.idx.msk [tilespmem:v42+s12+$0x0], $0xffff  }
0x539: {  	v6 =	vimm.bf16 $0.0e+00;
	v18 =	vmul.bf16 v18, v23;
	v23 =	vld.idx.msk [tilespmem:v42+s13+$0x0], $0xffff  }
0x53a: {  	v0 =	vmul.bf16 v0, v28;
	v28 =	vor.u32 v7, v25;
	v63 =	vmul.bf16 v38, v43;
	v43 =	vld.idx.msk [tilespmem:v47+s13+$0x0], $0xffff  }
0x53b: {  	v50 =	vld.idx.msk [tilespmem:v31+s12+$0x0], $0xffff;
	v16 =	vadd.bf16 v6, v16  }
0x53c: {  	v51 =	vor.u32 v4, v30;
	v21 =	vor.u32 v9, v21;
	v31 =	vld.idx.msk [tilespmem:v31+s13+$0x0], $0xffff  }
0x53d: {  	v14 =	vadd.bf16 v6, v14;
	v16 =	vadd.bf16 v18, v16;
	v18 =	vmul.bf16 v20, v26;
	v20 =	vld.idx.msk [tilespmem:v44+s13+$0x0], $0xffff  }
0x53e: {  	v61 =	vor.u32 v7, v30;
	v47 =	vor.u32 v8, v30;
	v30 =	vor.u32 v9, v30;
	v44 =	vld.idx.msk [tilespmem:v60+s13+$0x0], $0xffff  }
0x53f: {  	v12 =	vadd.bf16 v12, v14;
	v46 =	vld.idx.msk [tilespmem:v28+s12+$0x0], $0xffff  }
0x540: {  	v29 =	vmul.bf16 v29, v35;
	v24 =	vadd.bf16 v6, v24;
	v28 =	vld.idx.msk [tilespmem:v28+s13+$0x0], $0xffff  }
0x541: {  	v27 =	vmul.bf16 v27, v33;
	v11 =	vadd.bf16 v11, v12;
	v19 =	vmul.bf16 v22, v19;
	v22 =	vld.idx.msk [tilespmem:v21+s12+$0x0], $0xffff  }
0x542: {  	v34 =	vmul.bf16 v34, v39;
	v29 =	vadd.bf16 v6, v29;
	v21 =	vld.idx.msk [tilespmem:v21+s13+$0x0], $0xffff;
	v16 =	vadd.bf16 v18, v16  }
0x543: {  	v27 =	vadd.bf16 v6, v27;
	v26 =	vor.u32 v5, v25;
	v53 =	vld.idx.msk [tilespmem:v30+s12+$0x0], $0xffff;
	v10 =	vadd.bf16 v10, v11  }
0x544: {  	s23 =	simm.s32 $0x70;
	v25 =	vor.u32 v9, v25;
	v17 =	vmul.bf16 v23, v17;
	v11 =	vld.idx.msk [tilespmem:v51+s12+$0x0], $0xffff;
	v0 =	vadd.bf16 v0, v16  }
0x545: {  	v19 =	vadd.bf16 v19, v27;
	v27 =	vmov s23;
	v16 =	vld.idx.msk [tilespmem:v51+s13+$0x0], $0xffff;
	v56 =	vunpack.i.u.bf16.f32 v10  }
0x546: {  	v18 =	vld.idx.msk [tilespmem:v45+s13+$0x0], $0xffff;
	v10 =	vunpack.i.l.bf16.f32 v10;
	v58 =	vunpack.i.u.bf16.f32 v0;
	v0 =	vunpack.i.l.bf16.f32 v0  }
0x547: {  	v45 =	vld.idx.msk [tilespmem:v61+s13+$0x0], $0xffff;
	v27 =	vshll.u32 v27, $0x3;
	v10 =	vadd.f32 v10, v56;
	v0 =	vadd.f32 v0, v58  }
0x548: {  	v36 =	vmul.bf16 v36, v41;
	v17 =	vadd.bf16 v17, v29;
	v29 =	vld.idx.msk [tilespmem:v47+s12+$0x0], $0xffff;
	v23 =	vor.u32 v49, v27  }
0x549: {  	v27 =	vld.idx.msk [tilespmem:v25+s12+$0x0], $0xffff;
	v14 =	vmul.bf16 v20, v52;
	v20 =	vor.u32 v8, v23;
	v0 =	vadd.f32 v0, v10  }
0x54a: {  	v32 =	vmul.bf16 v32, v37;
	v25 =	vld.idx.msk [tilespmem:v25+s13+$0x0], $0xffff;
	v11 =	vmul.bf16 v16, v11;
	v16 =	vadd.bf16 v6, v36  }
0x54b: {  	v52 =	vld.idx.msk [tilespmem:v47+s13+$0x0], $0xffff;
	v21 =	vmul.bf16 v21, v22;
	v22 =	vor.u32 v4, v23;
	v0 =	vsub.f32 $0.0e+00, v0  }
0x54c: {  	v15 =	vmul.bf16 v15, v57;
	v24 =	vadd.bf16 v63, v24;
	v10 =	vld.idx.msk [tilespmem:v26+s12+$0x0], $0xffff;
	v11 =	vadd.bf16 v11, v16  }
0x54d: {  	v26 =	vld.idx.msk [tilespmem:v26+s13+$0x0], $0xffff;
	v16 =	vmul.bf16 v28, v46;
	v28 =	vor.u32 v1, v23;
	v0 =	vmul.f32 $1.442695020e+00, v0  }
0x54e: {  	v34 =	vadd.bf16 v6, v34;
	v13 =	vmul.bf16 v13, v59;
	v15 =	vadd.bf16 v15, v24;
	v24 =	vld.idx.msk [tilespmem:v20+s13+$0x0], $0xffff  }
0x54f: {  	v32 =	vadd.bf16 v6, v32;
	v33 =	vmul.bf16 v43, v62;
	(erf) = vpow2.f32 v0;
	v0 =	vld.idx.msk [tilespmem:v61+s12+$0x0], $0xffff  }
0x550: {  	s31 =	simm.s32 $0x60;
	v31 =	vmul.bf16 v31, v50;
	v13 =	vadd.bf16 v13, v19;
	v19 =	vor.u32 v3, v23;
	v60 =	vld.idx.msk [tilespmem:v22+s12+$0x0], $0xffff  }
0x551: {  	v56 =	vmov s31;
	v51 =	vor.u32 v5, v23;
	v12 =	vmul.bf16 v18, v54;
	v22 =	vld.idx.msk [tilespmem:v22+s13+$0x0], $0xffff  }
0x552: {  	v35 =	vshll.u32 v56, $0x3;
	v14 =	vadd.bf16 v14, v32;
	v58 =	vor.u32 v7, v23;
	v59 =	vld.idx.msk [tilespmem:v28+s12+$0x0], $0xffff  }
0x553: {  	s26 =	simm.s32 $0x40;
	v13 =	vadd.bf16 v21, v13;
	v12 =	vadd.bf16 v12, v34;
	v10 =	vmul.bf16 v26, v10;
	v28 =	vld.idx.msk [tilespmem:v28+s13+$0x0], $0xffff  }
0x554: {  	v25 =	vmul.bf16 v25, v27;
	v26 =	vld.idx.msk [tilespmem:v20+s12+$0x0], $0xffff;
	v20 =	vmov s26;
	v0 =	vmul.bf16 v45, v0  }
0x555: {  	v57 =	vld.idx.msk [tilespmem:v19+s13+$0x0], $0xffff;
	v20 =	vshll.u32 v20, $0x3;
	v10 =	vadd.bf16 v10, v17;
	v17 =	vmul.bf16 v44, v48  }
0x556: {  	v0 =	vadd.bf16 v0, v11;
	v11 =	vld.idx.msk [tilespmem:v19+s12+$0x0], $0xffff;
	v19 =	vor.u32 v49, v20;
	v20 =	vor.u32 v49, v35  }
0x557: {  	v30 =	vld.idx.msk [tilespmem:v30+s13+$0x0], $0xffff;
	v14 =	vadd.bf16 v16, v14;
	v10 =	vadd.bf16 v31, v10;
	v31 =	vor.u32 v3, v20  }
0x558: {  	v29 =	vmul.bf16 v52, v29;
	v32 =	vld.idx.msk [tilespmem:v51+s13+$0x0], $0xffff;
	v12 =	vadd.bf16 v17, v12;
	v28 =	vmul.bf16 v28, v59;
	v18 =	vpop (erf)  }
0x559: {  	v34 =	vld.idx.msk [tilespmem:v58+s13+$0x0], $0xffff;
	v14 =	vadd.bf16 v25, v14;
	v22 =	vmul.bf16 v22, v60;
	v18 =	vadd.f32 $1.000000000e+00, v18  }
0x55a: {  	v25 =	vld.idx.msk [tilespmem:v58+s12+$0x0], $0xffff;
	v12 =	vadd.bf16 v29, v12;
	v29 =	vor.u32 v3, v19;
	v28 =	vadd.bf16 v6, v28  }
0x55b: {  	v15 =	vadd.bf16 v33, v15;
	v16 =	vld.idx.msk [tilespmem:v51+s12+$0x0], $0xffff;
	(erf) = vrcp.f32 v18;
	v18 =	vor.u32 v2, v23  }
0x55c: {  	v63 =	vunpack.i.u.bf16.f32 v13;
	v22 =	vadd.bf16 v22, v28;
	v28 =	vld.idx.msk [tilespmem:v31+s12+$0x0], $0xffff  }
0x55d: {  	v13 =	vunpack.i.l.bf16.f32 v13;
	v61 =	vunpack.i.u.bf16.f32 v15;
	v15 =	vunpack.i.l.bf16.f32 v15;
	v31 =	vld.idx.msk [tilespmem:v31+s13+$0x0], $0xffff  }
0x55e: {  	v13 =	vadd.f32 v13, v63;
	v15 =	vadd.f32 v15, v61;
	v41 =	vor.u32 v1, v19  }
0x55f: {  	s30 =	simm.s32 $0x50;
	v30 =	vmul.bf16 v30, v53;
	v25 =	vmul.bf16 v34, v25;
	v23 =	vor.u32 v9, v23;
	v47 =	vld.idx.msk [tilespmem:v29+s12+$0x0], $0xffff  }
0x560: {  	v54 =	vmov s30;
	v16 =	vmul.bf16 v32, v16;
	v13 =	vadd.f32 v13, v15;
	v17 =	vld.idx.msk [tilespmem:v18+s12+$0x0], $0xffff  }
0x561: {  	v24 =	vmul.bf16 v24, v26;
	v22 =	vadd.bf16 v25, v22;
	v55 =	vld.idx.msk [tilespmem:v18+s13+$0x0], $0xffff;
	v18 =	vshll.u32 v54, $0x3  }
0x562: {  	v25 =	vld.idx.msk [tilespmem:v29+s13+$0x0], $0xffff;
	v18 =	vor.u32 v49, v18;
	v28 =	vmul.bf16 v31, v28;
	v31 =	vor.u32 v5, v20  }
0x563: {  	v43 =	vunpack.i.u.bf16.f32 v10;
	v10 =	vunpack.i.l.bf16.f32 v10;
	v50 =	vld.idx.msk [tilespmem:v41+s13+$0x0], $0xffff;
	v27 =	vor.u32 v3, v18  }
0x564: {  	v45 =	vunpack.i.u.bf16.f32 v14;
	v14 =	vunpack.i.l.bf16.f32 v14;
	v13 =	vsub.f32 $0.0e+00, v13;
	v62 =	vld.idx.msk [tilespmem:v23+s12+$0x0], $0xffff  }
0x565: {  	v10 =	vadd.f32 v10, v43;
	v14 =	vadd.f32 v14, v45;
	v23 =	vld.idx.msk [tilespmem:v23+s13+$0x0], $0xffff;
	v21 =	vor.u32 v1, v18  }
0x566: {  	v46 =	vunpack.i.u.bf16.f32 v12;
	v12 =	vunpack.i.l.bf16.f32 v12;
	v11 =	vmul.bf16 v57, v11;
	v49 =	vld.idx.msk [tilespmem:v41+s12+$0x0], $0xffff  }
0x567: {  	v13 =	vmul.f32 $1.442695020e+00, v13;
	v10 =	vadd.f32 v14, v10;
	v42 =	vor.u32 v2, v18;
	v60 =	vld.idx.msk [tilespmem:v31+s12+$0x0], $0xffff  }
0x568: {  	v0 =	vadd.bf16 v30, v0;
	v11 =	vadd.bf16 v6, v11;
	v17 =	vmul.bf16 v55, v17;
	v40 =	vld.idx.msk [tilespmem:v27+s12+$0x0], $0xffff  }
0x569: {  	v12 =	vadd.f32 v12, v46;
	v10 =	vsub.f32 $0.0e+00, v10;
	v44 =	vor.u32 v4, v18;
	v27 =	vld.idx.msk [tilespmem:v27+s13+$0x0], $0xffff  }
0x56a: {  	v26 =	vunpack.i.u.bf16.f32 v0;
	v0 =	vunpack.i.l.bf16.f32 v0;
	v11 =	vadd.bf16 v17, v11;
	v17 =	vld.idx.msk [tilespmem:v21+s12+$0x0], $0xffff  }
0x56b: {  	v0 =	vadd.f32 v0, v26;
	v56 =	vor.u32 v7, v18;
	v23 =	vmul.bf16 v23, v62;
	v21 =	vld.idx.msk [tilespmem:v21+s13+$0x0], $0xffff  }
0x56c: {  	v30 =	vor.u32 v1, v20;
	v10 =	vmul.f32 $1.442695020e+00, v10;
	v29 =	vld.idx.msk [tilespmem:v42+s12+$0x0], $0xffff;
	v11 =	vadd.bf16 v16, v11  }
0x56d: {  	(erf) = vpow2.f32 v13;
	v0 =	vadd.f32 v0, v12;
	v22 =	vadd.bf16 v23, v22;
	v51 =	vld.idx.msk [tilespmem:v42+s13+$0x0], $0xffff  }
0x56e: {  	v48 =	vor.u32 v2, v20;
	(erf) = vpow2.f32 v10;
	v52 =	vld.idx.msk [tilespmem:v44+s12+$0x0], $0xffff;
	v11 =	vadd.bf16 v24, v11  }
0x56f: {  	v10 =	vor.u32 v4, v19;
	v0 =	vsub.f32 $0.0e+00, v0;
	v32 =	vld.idx.msk [tilespmem:v44+s13+$0x0], $0xffff;
	v53 =	vunpack.i.u.bf16.f32 v22  }
0x570: {  	v37 =	vld.idx.msk [tilespmem:v56+s13+$0x0], $0xffff;
	v22 =	vunpack.i.l.bf16.f32 v22;
	v23 =	vunpack.i.u.bf16.f32 v11;
	v11 =	vunpack.i.l.bf16.f32 v11  }
0x571: {  	v0 =	vmul.f32 $1.442695020e+00, v0;
	v16 =	vld.idx.msk [tilespmem:v30+s12+$0x0], $0xffff;
	v13 =	vadd.f32 v22, v53;
	v11 =	vadd.f32 v11, v23  }
0x572: {  	v26 =	vor.u32 v4, v20;
	v30 =	vld.idx.msk [tilespmem:v30+s13+$0x0], $0xffff  }
0x573: {  	(erf) = vpow2.f32 v0;
	v22 =	vld.idx.msk [tilespmem:v48+s12+$0x0], $0xffff;
	v0 =	vadd.f32 v13, v11  }
0x574: {  	v24 =	vor.u32 v2, v19;
	v17 =	vmul.bf16 v21, v17;
	v21 =	vld.idx.msk [tilespmem:v10+s12+$0x0], $0xffff  }
0x575: {  	v10 =	vld.idx.msk [tilespmem:v10+s13+$0x0], $0xffff;
	v0 =	vsub.f32 $0.0e+00, v0  }
0x576: {  	v15 =	vmul.bf16 v25, v47;
	v54 =	vor.u32 v5, v18;
	v23 =	vld.idx.msk [tilespmem:v48+s13+$0x0], $0xffff  }
0x577: {  	v12 =	vmul.bf16 v50, v49;
	v11 =	vld.idx.msk [tilespmem:v26+s12+$0x0], $0xffff;
	v0 =	vmul.f32 $1.442695020e+00, v0  }
0x578: {  	v57 =	vpop (erf);
	v27 =	vmul.bf16 v27, v40;
	v29 =	vmul.bf16 v51, v29;
	v26 =	vld.idx.msk [tilespmem:v26+s13+$0x0], $0xffff  }
0x579: {  	v28 =	vadd.bf16 v6, v28;
	v16 =	vmul.bf16 v30, v16;
	v30 =	vpop (erf);
	v55 =	vld.idx.msk [tilespmem:v24+s12+$0x0], $0xffff;
	(erf) = vpow2.f32 v0  }
0x57a: {  	v32 =	vmul.bf16 v32, v52;
	v27 =	vadd.bf16 v6, v27;
	v17 =	vadd.bf16 v6, v17;
	v58 =	vpop (erf);
	v24 =	vld.idx.msk [tilespmem:v24+s13+$0x0], $0xffff  }
0x57b: {  	v25 =	vadd.f32 $1.000000000e+00, v30;
	v30 =	vor.u32 v7, v20;
	v13 =	vld.idx.msk [tilespmem:v54+s13+$0x0], $0xffff;
	v33 =	vadd.f32 $1.000000000e+00, v58  }
0x57c: {  	v59 =	vpop (erf);
	v27 =	vadd.bf16 v29, v27;
	v29 =	vor.u32 v7, v19;
	v61 =	vadd.bf16 v32, v17;
	v0 =	vld.idx.msk [tilespmem:v54+s12+$0x0], $0xffff  }
0x57d: {  	v35 =	vadd.f32 $1.000000000e+00, v59;
	v22 =	vmul.bf16 v23, v22;
	v23 =	vld.idx.msk [tilespmem:v56+s12+$0x0], $0xffff;
	(erf) = vrcp.f32 v25  }
0x57e: {  	v31 =	vld.idx.msk [tilespmem:v31+s13+$0x0], $0xffff;
	v16 =	vadd.bf16 v6, v16;
	v11 =	vmul.bf16 v26, v11;
	(erf) = vrcp.f32 v33  }
0x57f: {  	v10 =	vmul.bf16 v10, v21;
	v21 =	vor.u32 v9, v18;
	(erf) = vrcp.f32 v35  }
0x580: {  	v62 =	vld.idx.msk [tilespmem:v30+s12+$0x0], $0xffff;
	v17 =	vadd.bf16 v22, v28;
	v22 =	vmul.bf16 v24, v55;
	v24 =	vor.u32 v8, v18  }
0x581: {  	v12 =	vadd.bf16 v6, v12;
	v30 =	vld.idx.msk [tilespmem:v30+s13+$0x0], $0xffff;
	v0 =	vmul.bf16 v13, v0  }
0x582: {  	v43 =	vld.idx.msk [tilespmem:v29+s12+$0x0], $0xffff;
	v25 =	vor.u32 v5, v19;
	v28 =	vadd.bf16 v11, v16;
	v63 =	vmul.bf16 v37, v23;
	v11 =	vpop (erf)  }
0x583: {  	v44 =	vld.idx.msk [tilespmem:v29+s13+$0x0], $0xffff;
	v37 =	vadd.bf16 v0, v27;
	v0 =	vmul.bf16 v31, v60;
	v11 =	vadd.f32 $1.000000000e+00, v11  }
0x584: {  	s16 =	simm.s32 $0x11960;
	v15 =	vadd.bf16 v6, v15;
	v48 =	vld.idx.msk [tilespmem:v21+s12+$0x0], $0xffff  }
0x585: {  	[tilespmem:s16+$0x10] =	vst v57;
	v36 =	vadd.bf16 v10, v12;
	v18 =	vor.u32 v8, v19;
	v46 =	vld.idx.msk [tilespmem:v24+s12+$0x0], $0xffff;
	(erf) = vrcp.f32 v11  }
0x586: {  	v34 =	vadd.bf16 v22, v15;
	v22 =	vor.u32 v8, v20;
	v20 =	vor.u32 v9, v20;
	v47 =	vld.idx.msk [tilespmem:v24+s13+$0x0], $0xffff;
	v10 =	vpop (erf)  }
0x587: {  	v19 =	vor.u32 v9, v19;
	v26 =	vld.idx.msk [tilespmem:v25+s12+$0x0], $0xffff;
	v40 =	vadd.bf16 v0, v17;
	[tilespmem:s16+$0xFFFFFFF0] =	vst v10;
	v0 =	vpop (erf)  }
0x588: {  	s23 =	simm.s32 $0x80;
	s26 =	simm.s32 $0x4;
	v38 =	vadd.bf16 v63, v61;
	v24 =	vmul.bf16 v30, v62;
	v25 =	vld.idx.msk [tilespmem:v25+s13+$0x0], $0xffff;
	[tilespmem:s16+$0x0] =	vst v0;
	v23 =	vpop (erf)  }
.LBB2_12:
0x589: {  	v11 =	vld.idx.msk [tilespmem:v21+s13+$0x0], $0xffff  }
0x58a: {  	v6 =	vld [tilespmem:$0x1FFB0]  }
0x58b: {  	v0 =	vmov s23;
	s0 =	sadd.s32 $0x10, s23;
	v16 =	vld.idx.msk [tilespmem:v22+s12+$0x0], $0xffff  }
0x58c: {  	s1 =	sadd.s32 $0x30, s23;
	s31 =	sadd.s32 $0x20, s23;
	v17 =	vld.idx.msk [tilespmem:v22+s13+$0x0], $0xffff;
	v12 =	vadd.bf16 v24, v28;
	v0 =	vshll.u32 v0, $0x3;
	v14 =	vmov s0  }
0x58d: {  	v49 =	vld.idx.msk [tilespmem:v20+s12+$0x0], $0xffff;
	v15 =	vmov s1;
	v53 =	vmov s31;
	v52 =	vshll.u32 v14, $0x3  }
0x58e: {  	[tilespmem:s16+$0xFFFFFFE0] =	vst v23;
	s16 =	sadd.s32 $0x40, s16;
	v2 =	vld [tilespmem:$0x1FF20];
	v15 =	vshll.u32 v15, $0x3;
	v14 =	vshll.u32 v53, $0x3;
	v13 =	vpop (erf);
	v10 =	vmul.bf16 v25, v26  }
0x58f: {  	[tilespmem:s16+$0x10] =	vst v13;
	v13 =	vor.u32 v6, v52;
	v15 =	vor.u32 v6, v15;
	v0 =	vor.u32 v6, v0  }
0x590: {  	v50 =	vld.idx.msk [tilespmem:v20+s13+$0x0], $0xffff;
	v14 =	vor.u32 v6, v14;
	v21 =	vor.u32 v8, v15;
	v51 =	vor.u32 v3, v13  }
0x591: {  	v54 =	vld.idx.msk [tilespmem:v18+s12+$0x0], $0xffff;
	v52 =	vor.u32 v1, v13;
	v53 =	vor.u32 v3, v14;
	v42 =	vor.u32 v3, v0  }
0x592: {  	v55 =	vld.idx.msk [tilespmem:v18+s13+$0x0], $0xffff;
	v45 =	vor.u32 v1, v14;
	v20 =	vor.u32 v5, v15;
	v41 =	vor.u32 v1, v0  }
0x593: {  	v56 =	vld.idx.msk [tilespmem:v19+s12+$0x0], $0xffff;
	v39 =	vor.u32 v2, v13;
	v35 =	vor.u32 v4, v13;
	v33 =	vor.u32 v2, v14  }
0x594: {  	v58 =	vld.idx.msk [tilespmem:v19+s13+$0x0], $0xffff;
	v32 =	vor.u32 v4, v14;
	v57 =	vor.u32 v2, v15;
	v31 =	vor.u32 v2, v0  }
0x595: {  	v30 =	vor.u32 v4, v0;
	v29 =	vor.u32 v5, v13;
	v28 =	vor.u32 v7, v13;
	v59 =	vld.idx.msk [tilespmem:v21+s12+$0x0], $0xffff  }
0x596: {  	v27 =	vor.u32 v5, v14;
	v60 =	vor.u32 v3, v15;
	v25 =	vor.u32 v5, v0;
	v61 =	vld.idx.msk [tilespmem:v21+s13+$0x0], $0xffff  }
0x597: {  	v24 =	vor.u32 v7, v0;
	v26 =	vor.u32 v7, v14;
	v23 =	vor.u32 v8, v13;
	v62 =	vld.idx.msk [tilespmem:v20+s12+$0x0], $0xffff  }
0x598: {  	v10 =	vadd.bf16 v10, v34;
	v34 =	vmul.bf16 v47, v46;
	v47 =	vor.u32 v7, v15;
	v63 =	vld.idx.msk [tilespmem:v20+s13+$0x0], $0xffff  }
0x599: {  	v18 =	vor.u32 v8, v0;
	v22 =	vor.u32 v8, v14;
	v20 =	vor.u32 v9, v14;
	v14 =	vld.idx.msk [tilespmem:v57+s12+$0x0], $0xffff  }
0x59a: {  	v19 =	vor.u32 v9, v0;
	v21 =	vor.u32 v9, v13;
	v13 =	vor.u32 v1, v15;
	v0 =	vld.idx.msk [tilespmem:v57+s13+$0x0], $0xffff  }
0x59b: {  	v43 =	vmul.bf16 v44, v43;
	v16 =	vmul.bf16 v17, v16;
	v44 =	vld.idx.msk [tilespmem:v60+s12+$0x0], $0xffff  }
0x59c: {  	v11 =	vmul.bf16 v11, v48;
	v57 =	vor.u32 v4, v15;
	v46 =	vld.idx.msk [tilespmem:v60+s13+$0x0], $0xffff  }
0x59d: {  	v54 =	vmul.bf16 v55, v54;
	v55 =	vmul.bf16 v50, v49;
	v16 =	vadd.bf16 v16, v40;
	v40 =	vld.idx.msk [tilespmem:v47+s12+$0x0], $0xffff  }
0x59e: {  	v36 =	vadd.bf16 v43, v36;
	v58 =	vmul.bf16 v58, v56;
	v11 =	vadd.bf16 v11, v38;
	v47 =	vld.idx.msk [tilespmem:v47+s13+$0x0], $0xffff  }
0x59f: {  	v6 =	vimm.bf16 $0.0e+00;
	v34 =	vadd.bf16 v34, v37;
	v12 =	vadd.bf16 v55, v12;
	v17 =	vld.idx.msk [tilespmem:v13+s12+$0x0], $0xffff  }
0x5a0: {  	v36 =	vadd.bf16 v58, v36;
	v43 =	vunpack.i.u.bf16.f32 v11;
	v15 =	vor.u32 v9, v15;
	v13 =	vld.idx.msk [tilespmem:v13+s13+$0x0], $0xffff  }
0x5a1: {  	v11 =	vunpack.i.l.bf16.f32 v11;
	v48 =	vunpack.i.u.bf16.f32 v16;
	v16 =	vunpack.i.l.bf16.f32 v16;
	v38 =	vld.idx.msk [tilespmem:v57+s12+$0x0], $0xffff  }
0x5a2: {  	v50 =	vunpack.i.u.bf16.f32 v12;
	v12 =	vunpack.i.l.bf16.f32 v12;
	v16 =	vadd.f32 v16, v48;
	v37 =	vld.idx.msk [tilespmem:v57+s13+$0x0], $0xffff  }
0x5a3: {  	v60 =	vunpack.i.u.bf16.f32 v34;
	v34 =	vunpack.i.l.bf16.f32 v34;
	v55 =	vld.idx.msk [tilespmem:v51+s12+$0x0], $0xffff;
	v12 =	vadd.f32 v12, v50  }
0x5a4: {  	v11 =	vadd.f32 v11, v43;
	v48 =	vld.idx.msk [tilespmem:v52+s13+$0x0], $0xffff;
	v58 =	vadd.f32 v34, v60;
	v44 =	vmul.bf16 v46, v44  }
0x5a5: {  	v10 =	vadd.bf16 v54, v10;
	v12 =	vadd.f32 v12, v16;
	v46 =	vld.idx.msk [tilespmem:v15+s12+$0x0], $0xffff;
	v13 =	vmul.bf16 v13, v17  }
0x5a6: {  	v11 =	vadd.f32 v11, v58;
	v15 =	vld.idx.msk [tilespmem:v15+s13+$0x0], $0xffff;
	v0 =	vmul.bf16 v0, v14;
	v44 =	vadd.bf16 v6, v44  }
0x5a7: {  	v56 =	vld.idx.msk [tilespmem:v53+s13+$0x0], $0xffff;
	v57 =	vunpack.i.u.bf16.f32 v10;
	v37 =	vmul.bf16 v37, v38;
	v13 =	vadd.bf16 v6, v13  }
0x5a8: {  	v54 =	vld.idx.msk [tilespmem:v30+s12+$0x0], $0xffff;
	v10 =	vunpack.i.l.bf16.f32 v10;
	v63 =	vmul.bf16 v63, v62;
	v0 =	vadd.bf16 v0, v44  }
0x5a9: {  	v60 =	vld.idx.msk [tilespmem:v51+s13+$0x0], $0xffff;
	v49 =	vmul.bf16 v47, v40;
	v10 =	vadd.f32 v10, v57;
	v13 =	vadd.bf16 v37, v13  }
0x5aa: {  	v17 =	vunpack.i.u.bf16.f32 v36;
	v38 =	vld.idx.msk [tilespmem:v52+s12+$0x0], $0xffff;
	v52 =	vmul.bf16 v61, v59;
	v0 =	vadd.bf16 v63, v0  }
0x5ab: {  	v30 =	vld.idx.msk [tilespmem:v30+s13+$0x0], $0xffff;
	v36 =	vunpack.i.l.bf16.f32 v36;
	v15 =	vmul.bf16 v15, v46;
	v13 =	vadd.bf16 v49, v13  }
0x5ac: {  	v51 =	vld.idx.msk [tilespmem:v53+s12+$0x0], $0xffff;
	v17 =	vadd.f32 v36, v17;
	v0 =	vadd.bf16 v52, v0  }
0x5ad: {  	v11 =	vsub.f32 $0.0e+00, v11;
	v62 =	vld.idx.msk [tilespmem:v41+s12+$0x0], $0xffff;
	v13 =	vadd.bf16 v15, v13  }
0x5ae: {  	v47 =	vld.idx.msk [tilespmem:v35+s13+$0x0], $0xffff;
	v58 =	vmul.bf16 v60, v55;
	v10 =	vadd.f32 v17, v10;
	v16 =	vunpack.i.u.bf16.f32 v0  }
0x5af: {  	v57 =	vld.idx.msk [tilespmem:v45+s12+$0x0], $0xffff;
	v0 =	vunpack.i.l.bf16.f32 v0;
	v61 =	vunpack.i.u.bf16.f32 v13;
	v13 =	vunpack.i.l.bf16.f32 v13  }
0x5b0: {  	v60 =	vld.idx.msk [tilespmem:v42+s12+$0x0], $0xffff;
	v0 =	vadd.f32 v0, v16;
	v13 =	vadd.f32 v13, v61  }
0x5b1: {  	v12 =	vsub.f32 $0.0e+00, v12;
	v11 =	vmul.f32 $1.442695020e+00, v11;
	v14 =	vadd.bf16 v6, v58;
	v58 =	vld.idx.msk [tilespmem:v28+s12+$0x0], $0xffff  }
0x5b2: {  	v44 =	vld.idx.msk [tilespmem:v39+s12+$0x0], $0xffff;
	v10 =	vsub.f32 $0.0e+00, v10;
	v0 =	vadd.f32 v13, v0  }
0x5b3: {  	v12 =	vmul.f32 $1.442695020e+00, v12;
	(erf) = vpow2.f32 v11;
	v59 =	vld.idx.msk [tilespmem:v45+s13+$0x0], $0xffff  }
0x5b4: {  	v63 =	vmul.bf16 v56, v51;
	v51 =	vld.idx.msk [tilespmem:v32+s13+$0x0], $0xffff;
	v10 =	vmul.f32 $1.442695020e+00, v10;
	v0 =	vsub.f32 $0.0e+00, v0  }
0x5b5: {  	(erf) = vpow2.f32 v12;
	v17 =	vld.idx.msk [tilespmem:v42+s13+$0x0], $0xffff  }
0x5b6: {  	v52 =	vld.idx.msk [tilespmem:v31+s12+$0x0], $0xffff;
	(erf) = vpow2.f32 v10;
	v0 =	vmul.f32 $1.442695020e+00, v0  }
0x5b7: {  	v31 =	vld.idx.msk [tilespmem:v31+s13+$0x0], $0xffff  }
0x5b8: {  	v16 =	vld.idx.msk [tilespmem:v41+s13+$0x0], $0xffff;
	(erf) = vpow2.f32 v0  }
0x5b9: {  	v10 =	vld.idx.msk [tilespmem:v32+s12+$0x0], $0xffff  }
0x5ba: {  	v45 =	vld.idx.msk [tilespmem:v39+s13+$0x0], $0xffff  }
0x5bb: {  	v46 =	vld.idx.msk [tilespmem:v35+s12+$0x0], $0xffff  }
0x5bc: {  	v37 =	vadd.bf16 v6, v63;
	v38 =	vmul.bf16 v48, v38;
	v34 =	vmul.bf16 v59, v57;
	v48 =	vld.idx.msk [tilespmem:v33+s12+$0x0], $0xffff;
	v55 =	vpop (erf)  }
0x5bd: {  	v11 =	vmul.bf16 v17, v60;
	v49 =	vmul.bf16 v16, v62;
	v16 =	vld.idx.msk [tilespmem:v33+s13+$0x0], $0xffff;
	v33 =	vadd.f32 $1.000000000e+00, v55  }
0x5be: {  	v56 =	vld.idx.msk [tilespmem:v29+s12+$0x0], $0xffff;
	v17 =	vadd.bf16 v6, v34;
	v31 =	vmul.bf16 v31, v52;
	v57 =	vpop (erf);
	v2 =	vmul.bf16 v51, v10  }
0x5bf: {  	v29 =	vld.idx.msk [tilespmem:v29+s13+$0x0], $0xffff;
	v11 =	vadd.bf16 v6, v11;
	v13 =	vadd.f32 $1.000000000e+00, v57;
	v59 =	vpop (erf);
	(erf) = vrcp.f32 v33  }
0x5c0: {  	v60 =	vld.idx.msk [tilespmem:v28+s13+$0x0], $0xffff;
	v28 =	vadd.bf16 v2, v17;
	v17 =	vadd.f32 $1.000000000e+00, v59  }
0x5c1: {  	v43 =	vld.idx.msk [tilespmem:v24+s12+$0x0], $0xffff;
	v50 =	vmul.bf16 v45, v44;
	v34 =	vadd.bf16 v31, v11;
	v10 =	vpop (erf);
	(erf) = vrcp.f32 v13  }
0x5c2: {  	v63 =	vld.idx.msk [tilespmem:v26+s12+$0x0], $0xffff;
	v11 =	vmul.bf16 v30, v54;
	v0 =	vadd.bf16 v6, v49;
	(erf) = vrcp.f32 v17  }
0x5c3: {  	v12 =	vadd.bf16 v50, v14;
	v61 =	vld.idx.msk [tilespmem:v27+s12+$0x0], $0xffff;
	v16 =	vmul.bf16 v16, v48  }
0x5c4: {  	v62 =	vld.idx.msk [tilespmem:v27+s13+$0x0], $0xffff;
	v36 =	vadd.bf16 v11, v0;
	v0 =	vmul.bf16 v29, v56;
	v10 =	vadd.f32 $1.000000000e+00, v10  }
0x5c5: {  	s26 =	sadd.s32 $0x4, s26;
	v53 =	vmul.bf16 v47, v46;
	v44 =	vld.idx.msk [tilespmem:v24+s13+$0x0], $0xffff;
	v38 =	vadd.bf16 v6, v38;
	v16 =	vadd.bf16 v16, v37  }
0x5c6: {  	p0 =	slt.u32 s26, $0x78;
	v37 =	vadd.bf16 v0, v12;
	v0 =	vmul.bf16 v60, v58;
	(erf) = vrcp.f32 v10;
	v10 =	vld.idx.msk [tilespmem:v26+s13+$0x0], $0xffff  }
.Ltmp5:
0x5c7: {  	v46 =	vld.idx.msk [tilespmem:v23+s12+$0x0], $0xffff;
	(pc) =	sbr.rel @p0 .LBB2_12-.Ltmp5, $4  }
0x5c8: {  	v14 =	vadd.bf16 v53, v38;
	v11 =	vpop (erf);
	v26 =	vld.idx.msk [tilespmem:v25+s12+$0x0], $0xffff  }
0x5c9: {  	v2 =	vmul.bf16 v62, v61;
	[tilespmem:s16+$0xFFFFFFF0] =	vst v11;
	v25 =	vld.idx.msk [tilespmem:v25+s13+$0x0], $0xffff  }
0x5ca: {  	v38 =	vadd.bf16 v0, v14;
	v47 =	vld.idx.msk [tilespmem:v23+s13+$0x0], $0xffff;
	v0 =	vpop (erf)  }
0x5cb: {  	s23 =	sadd.s32 $0x40, s23;
	v40 =	vadd.bf16 v2, v16;
	v48 =	vld.idx.msk [tilespmem:v21+s12+$0x0], $0xffff;
	v24 =	vmul.bf16 v10, v63;
	[tilespmem:s16+$0x0] =	vst v0;
	v23 =	vpop (erf)  }
0x5cc: {  	_ =	sdelay $0x3  }
0x5cd: {  	v0 =	vld.idx.msk [tilespmem:v21+s13+$0x0], $0xffff  }
0x5ce: {  	v10 =	vld.idx.msk [tilespmem:v22+s12+$0x0], $0xffff  }
0x5cf: {  	v11 =	vld.idx.msk [tilespmem:v22+s13+$0x0], $0xffff  }
0x5d0: {  	v12 =	vld.idx.msk [tilespmem:v20+s12+$0x0], $0xffff  }
0x5d1: {  	v13 =	vld.idx.msk [tilespmem:v20+s13+$0x0], $0xffff  }
0x5d2: {  	v14 =	vld.idx.msk [tilespmem:v18+s12+$0x0], $0xffff  }
0x5d3: {  	v15 =	vld.idx.msk [tilespmem:v18+s13+$0x0], $0xffff  }
0x5d4: {  	v16 =	vld.idx.msk [tilespmem:v19+s12+$0x0], $0xffff  }
0x5d5: {  	v17 =	vld.idx.msk [tilespmem:v19+s13+$0x0], $0xffff  }
0x5d6: {  	v19 =	vmul.bf16 v44, v43;
	v18 =	vmul.bf16 v25, v26  }
0x5d7: {  	v20 =	vadd.bf16 v24, v28;
	v21 =	vmul.bf16 v47, v46  }
0x5d8: {  	v19 =	vadd.bf16 v19, v36;
	v18 =	vadd.bf16 v18, v34;
	v0 =	vmul.bf16 v0, v48  }
0x5d9: {  	v10 =	vmul.bf16 v11, v10;
	v11 =	vadd.bf16 v21, v37;
	v12 =	vmul.bf16 v13, v12  }
0x5da: {  	v42 =	vmul.bf16 v15, v14;
	v43 =	vmul.bf16 v17, v16;
	v0 =	vadd.bf16 v0, v38  }
0x5db: {  	v44 =	vunpack.i.u.bf16.f32 v11;
	v10 =	vadd.bf16 v10, v40;
	v12 =	vadd.bf16 v12, v20  }
0x5dc: {  	v13 =	vadd.bf16 v42, v18;
	v14 =	vadd.bf16 v43, v19;
	v11 =	vunpack.i.l.bf16.f32 v11  }
0x5dd: {  	v11 =	vadd.f32 v11, v44;
	v16 =	vunpack.i.u.bf16.f32 v0;
	v0 =	vunpack.i.l.bf16.f32 v0  }
0x5de: {  	v17 =	vunpack.i.u.bf16.f32 v10;
	v10 =	vunpack.i.l.bf16.f32 v10;
	v18 =	vunpack.i.u.bf16.f32 v12  }
0x5df: {  	v12 =	vunpack.i.l.bf16.f32 v12;
	v19 =	vunpack.i.u.bf16.f32 v13;
	v13 =	vunpack.i.l.bf16.f32 v13  }
0x5e0: {  	v45 =	vunpack.i.u.bf16.f32 v14;
	v0 =	vadd.f32 v0, v16;
	v10 =	vadd.f32 v10, v17  }
0x5e1: {  	v14 =	vunpack.i.l.bf16.f32 v14;
	v12 =	vadd.f32 v12, v18;
	v13 =	vadd.f32 v13, v19  }
0x5e2: {  	v14 =	vadd.f32 v14, v45;
	v0 =	vadd.f32 v0, v11  }
0x5e3: {  	v10 =	vadd.f32 v12, v10  }
0x5e4: {  	v11 =	vadd.f32 v14, v13;
	v0 =	vsub.f32 $0.0e+00, v0  }
0x5e5: {  	v10 =	vsub.f32 $0.0e+00, v10  }
0x5e6: {  	v11 =	vsub.f32 $0.0e+00, v11;
	v0 =	vmul.f32 $1.442695020e+00, v0  }
0x5e7: {  	v10 =	vmul.f32 $1.442695020e+00, v10  }
0x5e8: {  	(erf) = vpow2.f32 v0;
	v0 =	vmul.f32 $1.442695020e+00, v11  }
0x5e9: {  	(erf) = vpow2.f32 v10  }
0x5ea: {  	(erf) = vpow2.f32 v0;
	_ =	sdelay $0x5  }
0x5eb: {  	v0 =	vpop (erf)  }
0x5ec: {  	v10 =	vpop (erf)  }
0x5ed: {  	v10 =	vadd.f32 $1.000000000e+00, v10;
	v11 =	vpop (erf)  }
0x5ee: {  	v11 =	vadd.f32 $1.000000000e+00, v11;
	v46 =	vpop (erf)  }
0x5ef: {  	(erf) = vrcp.f32 v10;
	v10 =	vadd.f32 $1.000000000e+00, v46  }
0x5f0: {  	(erf) = vrcp.f32 v11  }
0x5f1: {  	(erf) = vrcp.f32 v10;
	_ =	sdelay $0x5  }
0x5f2: {  	[tilespmem:s16+$0xFFFFFFE0] =	vst v23;
	s0 =	sadd.s32 $0x40, s16  }
0x5f3: {  	[tilespmem:s0+$0x10] =	vst v0;
	v0 =	vpop (erf)  }
0x5f4: {  	[tilespmem:s0+$0xFFFFFFF0] =	vst v0;
	v0 =	vpop (erf)  }
0x5f5: {  	[tilespmem:s0+$0x0] =	vst v0;
	v0 =	vpop (erf)  }
0x5f6: {  	[tilespmem:s0+$0xFFFFFFE0] =	vst v0  }
0x5f7: {  	v6 =	vld [tilespmem:$0x1FF30];
	_ =	sdelay $0x7  }
0x5f8: {  	v0 =	vld.idx.msk [tilespmem:v6+s12+$0x0], $0xffff  }
0x5f9: {  	v10 =	vld.idx.msk [tilespmem:v6+s13+$0x0], $0xffff  }
0x5fa: {  	v6 =	vld [tilespmem:$0x1FF40];
	_ =	sdelay $0x7  }
0x5fb: {  	v11 =	vld.idx.msk [tilespmem:v6+s12+$0x0], $0xffff  }
0x5fc: {  	v47 =	vld.idx.msk [tilespmem:v6+s13+$0x0], $0xffff  }
0x5fd: {  	v6 =	vld [tilespmem:$0x1FF50];
	_ =	sdelay $0x7  }
0x5fe: {  	v48 =	vld.idx.msk [tilespmem:v6+s12+$0x0], $0xffff  }
0x5ff: {  	v49 =	vld.idx.msk [tilespmem:v6+s13+$0x0], $0xffff  }
0x600: {  	v6 =	vld [tilespmem:$0x1FF60];
	_ =	sdelay $0x7  }
0x601: {  	v50 =	vld.idx.msk [tilespmem:v6+s12+$0x0], $0xffff  }
0x602: {  	v16 =	vld.idx.msk [tilespmem:v6+s13+$0x0], $0xffff  }
0x603: {  	v6 =	vld [tilespmem:$0x1FF70];
	_ =	sdelay $0x7  }
0x604: {  	v17 =	vld.idx.msk [tilespmem:v6+s12+$0x0], $0xffff  }
0x605: {  	v18 =	vld.idx.msk [tilespmem:v6+s13+$0x0], $0xffff  }
0x606: {  	v6 =	vld [tilespmem:$0x1FF80];
	_ =	sdelay $0x6  }
0x607: {  	v22 =	vld [tilespmem:$0x1FFA0]  }
0x608: {  	v19 =	vld.idx.msk [tilespmem:v6+s12+$0x0], $0xffff  }
0x609: {  	v20 =	vld.idx.msk [tilespmem:v6+s13+$0x0], $0xffff  }
0x60a: {  	v6 =	vld [tilespmem:$0x1FF90];
	_ =	sdelay $0x6  }
0x60b: {  	v51 =	vld.idx.msk [tilespmem:v22+s12+$0x0], $0xffff  }
0x60c: {  	v0 =	vmul.bf16 v10, v0;
	v21 =	vld.idx.msk [tilespmem:v6+s12+$0x0], $0xffff  }
0x60d: {  	v11 =	vmul.bf16 v47, v11;
	v10 =	vld.idx.msk [tilespmem:v6+s13+$0x0], $0xffff;
	v6 =	vimm.bf16 $0.0e+00  }
0x60e: {  	v52 =	vld.idx.msk [tilespmem:v22+s13+$0x0], $0xffff;
	v13 =	vmul.bf16 v49, v48;
	v0 =	vadd.bf16 v6, v0  }
0x60f: {  	v15 =	vmul.bf16 v16, v50;
	v11 =	vadd.bf16 v6, v11  }
0x610: {  	v53 =	vmul.bf16 v18, v17;
	v0 =	vadd.bf16 v13, v0  }
0x611: {  	v54 =	vmul.bf16 v20, v19;
	v11 =	vadd.bf16 v15, v11  }
0x612: {  	v0 =	vadd.bf16 v53, v0;
	v10 =	vmul.bf16 v10, v21  }
0x613: {  	v12 =	vmul.bf16 v52, v51;
	v11 =	vadd.bf16 v54, v11  }
0x614: {  	v0 =	vadd.bf16 v10, v0  }
0x615: {  	v10 =	vadd.bf16 v12, v11  }
0x616: {  	v11 =	vunpack.i.u.bf16.f32 v0  }
0x617: {  	v0 =	vunpack.i.l.bf16.f32 v0;
	v12 =	vunpack.i.u.bf16.f32 v10;
	v10 =	vunpack.i.l.bf16.f32 v10  }
0x618: {  	v0 =	vadd.f32 v0, v11;
	v10 =	vadd.f32 v10, v12;
	_ =	sdelay $0x1  }
0x619: {  	v0 =	vadd.f32 v10, v0;
	_ =	sdelay $0x1  }
0x61a: {  	v0 =	vsub.f32 $0.0e+00, v0;
	_ =	sdelay $0x1  }
0x61b: {  	v0 =	vmul.f32 $1.442695020e+00, v0;
	_ =	sdelay $0x1  }
0x61c: {  	(erf) = vpow2.f32 v0;
	_ =	sdelay $0x8  }
0x61d: {  	v0 =	vpop (erf)  }
0x61e: {  	v0 =	vadd.f32 $1.000000000e+00, v0;
	_ =	sdelay $0x1  }
0x61f: {  	(erf) = vrcp.f32 v0;
	_ =	sdelay $0x8  }
0x620: {  	v0 =	vpop (erf)  }
0x621: {  	s31 =	simm.s32 $0x11940;
	s0 =	simm.s32 $0x0;
	s1 =	rddreg [dreg:$0x19];
	[tilespmem:$0x12100] =	vst v0  }
0x622: {  	[hbm4b:s1+s0] =	stream.linear.scatter [tilespmem:s31], [sflag:$0x9], $0x7D0, $0x38;
	[tilespmem:$0x18A88] =	vst v63  }
0x623: {  	s23 =	rddreg [dreg:$0x14]  }
0x624: {  	[tilespmem:s0], [sflag:$0x1] =	stream.linear.gather [hbm4b:s23+s0], $0x7D0, $0x38;
	[tilespmem:$0x18A88] =	vst v63  }
0x625: {  	s26 =	rddreg [dreg:$0x15]  }
0x626: {  	[tilespmem:s3], [sflag:$0x3] =	stream.linear.gather [hbm4b:s26+s0], $0x7D0, $0x38;
	[tilespmem:$0x18A88] =	vst v63  }
0x627: {  	_ =	swait.ge [sflag:s24], $0x3E80  }
0x628: {  	[sflag:s24] =	ssyncset.done $0x0  }
0x629: {  	[sflag:s24] =	ssyncadd.s32 $0xFFFFC180  }
0x62a: {  	_ =	swait.ge [sflag:s25], $0x3E80  }
0x62b: {  	[sflag:s25] =	ssyncset.done $0x0  }
0x62c: {  	[sflag:s25] =	ssyncadd.s32 $0xFFFFC180  }
0x62d: {  	_ =	swait.ge [sflag:s10], $0x7D0  }
0x62e: {  	[sflag:s10] =	ssyncset.done $0x0  }
0x62f: {  	[sflag:s10] =	ssyncadd.s32 $0xFFFFF830  }
0x630: {  	_ =	swait.ge [sflag:s11], $0x7D0  }
0x631: {  	v49 =	vld [tilespmem:$0x1FFB0];
	_ =	sdelay $0x1  }
0x632: {  	s30 =	simm.s32 $0x30  }
0x633: {  	v0 =	vmov s30;
	[sflag:s11] =	ssyncset.done $0x0  }
0x634: {  	v0 =	vshll.u32 v0, $0x3;
	[sflag:s11] =	ssyncadd.s32 $0xFFFFF830  }
0x635: {  	[tilespmem:s12], [sflag:$0x5] =	stream.indirect.gather [spmem:s4], $0x8, s0, s6, $0xb8;
	v0 =	vor.u32 v49, v0;
	[tilespmem:$0x18A88] =	vst v63  }
0x636: {  	v10 =	vor.u32 v8, v0  }
0x637: {  	[tilespmem:s13], [sflag:$0x7] =	stream.indirect.gather [spmem:s4], $0x8, s3, s6, $0xb8;
	[tilespmem:$0x18A88] =	vst v63  }
0x638: {  	_ =	swait.ge [sflag:s29], $0x7D0;
	v11 =	vor.u32 v5, v0  }
0x639: {  	[sflag:s29] =	ssyncset.done $0x0  }
0x63a: {  	v2 =	vld [tilespmem:$0x1FF20];
	v57 =	vor.u32 v3, v0;
	[sflag:s29] =	ssyncadd.s32 $0xFFFFF830  }
0x63b: {  	v56 =	vld.idx.msk [tilespmem:v10+s21+$0x0], $0xffff  }
0x63c: {  	v16 =	vor.u32 v1, v0;
	v10 =	vld.idx.msk [tilespmem:v10+s22+$0x0], $0xffff  }
0x63d: {  	v58 =	vld.idx.msk [tilespmem:v11+s21+$0x0], $0xffff  }
0x63e: {  	s31 =	simm.s32 $0x10;
	v18 =	vor.u32 v4, v0;
	v11 =	vld.idx.msk [tilespmem:v11+s22+$0x0], $0xffff  }
0x63f: {  	v21 =	vmov s31;
	v19 =	vld.idx.msk [tilespmem:v57+s21+$0x0], $0xffff  }
0x640: {  	v21 =	vshll.u32 v21, $0x3;
	v20 =	vor.u32 v7, v0;
	v14 =	vld.idx.msk [tilespmem:v57+s22+$0x0], $0xffff  }
0x641: {  	v21 =	vor.u32 v49, v21;
	v22 =	vld.idx.msk [tilespmem:v16+s21+$0x0], $0xffff  }
0x642: {  	s16 =	simm.s32 $0x20;
	v24 =	vor.u32 v3, v21;
	v16 =	vld.idx.msk [tilespmem:v16+s22+$0x0], $0xffff  }
0x643: {  	v25 =	vmov s16;
	v23 =	vld.idx.msk [tilespmem:v18+s21+$0x0], $0xffff  }
0x644: {  	v25 =	vshll.u32 v25, $0x3;
	v27 =	vor.u32 v1, v21;
	v18 =	vld.idx.msk [tilespmem:v18+s22+$0x0], $0xffff  }
0x645: {  	v25 =	vor.u32 v49, v25;
	v26 =	vld.idx.msk [tilespmem:v20+s21+$0x0], $0xffff  }
0x646: {  	v29 =	vor.u32 v3, v25;
	v20 =	vld.idx.msk [tilespmem:v20+s22+$0x0], $0xffff  }
0x647: {  	v30 =	vmov s0;
	v31 =	vld.idx.msk [tilespmem:v24+s21+$0x0], $0xffff  }
0x648: {  	v30 =	vshll.u32 v30, $0x3;
	v32 =	vor.u32 v1, v25;
	v24 =	vld.idx.msk [tilespmem:v24+s22+$0x0], $0xffff  }
0x649: {  	v30 =	vor.u32 v49, v30;
	v33 =	vld.idx.msk [tilespmem:v27+s21+$0x0], $0xffff  }
0x64a: {  	v59 =	vor.u32 v3, v30;
	v27 =	vld.idx.msk [tilespmem:v27+s22+$0x0], $0xffff  }
0x64b: {  	v35 =	vld.idx.msk [tilespmem:v29+s21+$0x0], $0xffff  }
0x64c: {  	v60 =	vor.u32 v1, v30;
	v29 =	vld.idx.msk [tilespmem:v29+s22+$0x0], $0xffff  }
0x64d: {  	v37 =	vld.idx.msk [tilespmem:v32+s21+$0x0], $0xffff  }
0x64e: {  	v51 =	vor.u32 v5, v21;
	v32 =	vld.idx.msk [tilespmem:v32+s22+$0x0], $0xffff  }
0x64f: {  	v39 =	vld.idx.msk [tilespmem:v59+s21+$0x0], $0xffff  }
0x650: {  	v52 =	vor.u32 v7, v21;
	v34 =	vld.idx.msk [tilespmem:v59+s22+$0x0], $0xffff  }
0x651: {  	v55 =	vor.u32 v2, v0;
	v41 =	vld.idx.msk [tilespmem:v60+s21+$0x0], $0xffff  }
0x652: {  	v36 =	vld.idx.msk [tilespmem:v60+s22+$0x0], $0xffff  }
0x653: {  	v0 =	vor.u32 v9, v0;
	v54 =	vld.idx.msk [tilespmem:v51+s21+$0x0], $0xffff  }
0x654: {  	v15 =	vld.idx.msk [tilespmem:v51+s22+$0x0], $0xffff  }
0x655: {  	v61 =	vor.u32 v2, v21;
	v13 =	vld.idx.msk [tilespmem:v52+s22+$0x0], $0xffff  }
0x656: {  	v17 =	vld.idx.msk [tilespmem:v55+s21+$0x0], $0xffff  }
0x657: {  	v62 =	vor.u32 v4, v21;
	v12 =	vld.idx.msk [tilespmem:v55+s22+$0x0], $0xffff  }
0x658: {  	v28 =	vld.idx.msk [tilespmem:v0+s21+$0x0], $0xffff  }
0x659: {  	v42 =	vor.u32 v2, v25;
	v0 =	vld.idx.msk [tilespmem:v0+s22+$0x0], $0xffff  }
0x65a: {  	v63 =	vld.idx.msk [tilespmem:v61+s21+$0x0], $0xffff  }
0x65b: {  	v57 =	vor.u32 v5, v30;
	v38 =	vld.idx.msk [tilespmem:v61+s22+$0x0], $0xffff  }
0x65c: {  	v14 =	vmul.bf16 v14, v19;
	v19 =	vld.idx.msk [tilespmem:v62+s21+$0x0], $0xffff  }
0x65d: {  	v60 =	vor.u32 v8, v21;
	v16 =	vmul.bf16 v16, v22;
	v22 =	vld.idx.msk [tilespmem:v62+s22+$0x0], $0xffff  }
0x65e: {  	v18 =	vmul.bf16 v18, v23;
	v23 =	vld.idx.msk [tilespmem:v42+s22+$0x0], $0xffff  }
0x65f: {  	v47 =	vor.u32 v8, v30;
	v10 =	vmul.bf16 v10, v56;
	v56 =	vld.idx.msk [tilespmem:v52+s21+$0x0], $0xffff  }
0x660: {  	v48 =	vor.u32 v4, v25;
	v61 =	vld.idx.msk [tilespmem:v57+s21+$0x0], $0xffff  }
0x661: {  	v44 =	vld.idx.msk [tilespmem:v57+s22+$0x0], $0xffff  }
0x662: {  	v21 =	vor.u32 v9, v21;
	v62 =	vld.idx.msk [tilespmem:v60+s21+$0x0], $0xffff  }
0x663: {  	v43 =	vld.idx.msk [tilespmem:v60+s22+$0x0], $0xffff;
	v16 =	vadd.bf16 v6, v16  }
0x664: {  	v45 =	vor.u32 v2, v30;
	v52 =	vld.idx.msk [tilespmem:v47+s22+$0x0], $0xffff  }
0x665: {  	v16 =	vadd.bf16 v18, v16;
	v18 =	vmul.bf16 v20, v26;
	v20 =	vld.idx.msk [tilespmem:v48+s22+$0x0], $0xffff  }
0x666: {  	v50 =	vor.u32 v4, v30;
	v12 =	vmul.bf16 v12, v17;
	v17 =	vld.idx.msk [tilespmem:v42+s21+$0x0], $0xffff  }
0x667: {  	v11 =	vmul.bf16 v11, v58;
	v19 =	vmul.bf16 v22, v19;
	v22 =	vld.idx.msk [tilespmem:v21+s21+$0x0], $0xffff  }
0x668: {  	v58 =	vor.u32 v7, v30;
	v27 =	vmul.bf16 v27, v33;
	v14 =	vadd.bf16 v6, v14;
	v21 =	vld.idx.msk [tilespmem:v21+s22+$0x0], $0xffff  }
0x669: {  	v0 =	vmul.bf16 v0, v28;
	v28 =	vor.u32 v7, v25;
	v16 =	vadd.bf16 v18, v16;
	v18 =	vld.idx.msk [tilespmem:v45+s22+$0x0], $0xffff  }
0x66a: {  	v24 =	vmul.bf16 v24, v31;
	v12 =	vadd.bf16 v12, v14;
	v14 =	vld.idx.msk [tilespmem:v48+s21+$0x0], $0xffff  }
0x66b: {  	v31 =	vor.u32 v8, v25;
	v27 =	vadd.bf16 v6, v27;
	v0 =	vadd.bf16 v0, v16;
	v16 =	vld.idx.msk [tilespmem:v50+s22+$0x0], $0xffff  }
0x66c: {  	v26 =	vor.u32 v5, v25;
	v25 =	vor.u32 v9, v25;
	v11 =	vadd.bf16 v11, v12;
	v12 =	vld.idx.msk [tilespmem:v45+s21+$0x0], $0xffff  }
0x66d: {  	s23 =	simm.s32 $0x70;
	v29 =	vmul.bf16 v29, v35;
	v32 =	vmul.bf16 v32, v37;
	v45 =	vld.idx.msk [tilespmem:v58+s22+$0x0], $0xffff  }
0x66e: {  	v34 =	vmul.bf16 v34, v39;
	v19 =	vadd.bf16 v19, v27;
	v27 =	vmov s23;
	v59 =	vld.idx.msk [tilespmem:v28+s21+$0x0], $0xffff  }
0x66f: {  	v30 =	vor.u32 v9, v30;
	v27 =	vshll.u32 v27, $0x3;
	v28 =	vld.idx.msk [tilespmem:v28+s22+$0x0], $0xffff;
	v10 =	vadd.bf16 v10, v11  }
0x670: {  	v55 =	vunpack.i.u.bf16.f32 v0;
	v0 =	vunpack.i.l.bf16.f32 v0;
	v17 =	vmul.bf16 v23, v17;
	v11 =	vld.idx.msk [tilespmem:v50+s21+$0x0], $0xffff  }
0x671: {  	v23 =	vor.u32 v49, v27;
	v27 =	vld.idx.msk [tilespmem:v25+s21+$0x0], $0xffff;
	v53 =	vunpack.i.u.bf16.f32 v10;
	v10 =	vunpack.i.l.bf16.f32 v10  }
0x672: {  	v36 =	vmul.bf16 v36, v41;
	v25 =	vld.idx.msk [tilespmem:v25+s22+$0x0], $0xffff;
	v0 =	vadd.f32 v0, v55;
	v10 =	vadd.f32 v10, v53  }
0x673: {  	v15 =	vmul.bf16 v15, v54;
	v24 =	vadd.bf16 v6, v24;
	v29 =	vadd.bf16 v6, v29;
	v50 =	vld.idx.msk [tilespmem:v31+s21+$0x0], $0xffff  }
0x674: {  	v21 =	vmul.bf16 v21, v22;
	v31 =	vld.idx.msk [tilespmem:v31+s22+$0x0], $0xffff;
	v22 =	vor.u32 v4, v23;
	v0 =	vadd.f32 v0, v10  }
0x675: {  	v17 =	vadd.bf16 v17, v29;
	v29 =	vld.idx.msk [tilespmem:v47+s21+$0x0], $0xffff;
	v11 =	vmul.bf16 v16, v11;
	v16 =	vadd.bf16 v6, v36  }
0x676: {  	v32 =	vadd.bf16 v6, v32;
	v63 =	vmul.bf16 v38, v63;
	v53 =	vld.idx.msk [tilespmem:v30+s21+$0x0], $0xffff;
	v0 =	vsub.f32 $0.0e+00, v0  }
0x677: {  	v14 =	vmul.bf16 v20, v14;
	v20 =	vor.u32 v8, v23;
	v10 =	vld.idx.msk [tilespmem:v26+s21+$0x0], $0xffff;
	v11 =	vadd.bf16 v11, v16  }
0x678: {  	v26 =	vld.idx.msk [tilespmem:v26+s22+$0x0], $0xffff;
	v16 =	vmul.bf16 v28, v59;
	v28 =	vor.u32 v1, v23;
	v0 =	vmul.f32 $1.442695020e+00, v0  }
0x679: {  	s31 =	simm.s32 $0x60;
	v34 =	vadd.bf16 v6, v34;
	v13 =	vmul.bf16 v13, v56;
	v33 =	vmul.bf16 v43, v62;
	v60 =	vld.idx.msk [tilespmem:v22+s21+$0x0], $0xffff  }
0x67a: {  	v56 =	vmov s31;
	v24 =	vadd.bf16 v63, v24;
	(erf) = vpow2.f32 v0;
	v0 =	vld.idx.msk [tilespmem:v58+s21+$0x0], $0xffff  }
0x67b: {  	v35 =	vshll.u32 v56, $0x3;
	v13 =	vadd.bf16 v13, v19;
	v19 =	vor.u32 v3, v23;
	v22 =	vld.idx.msk [tilespmem:v22+s22+$0x0], $0xffff  }
0x67c: {  	v15 =	vadd.bf16 v15, v24;
	v51 =	vor.u32 v5, v23;
	v12 =	vmul.bf16 v18, v12;
	v24 =	vld.idx.msk [tilespmem:v20+s22+$0x0], $0xffff  }
0x67d: {  	v13 =	vadd.bf16 v21, v13;
	v14 =	vadd.bf16 v14, v32;
	v25 =	vmul.bf16 v25, v27;
	v59 =	vld.idx.msk [tilespmem:v28+s21+$0x0], $0xffff  }
0x67e: {  	s26 =	simm.s32 $0x40;
	v12 =	vadd.bf16 v12, v34;
	v31 =	vmul.bf16 v31, v50;
	v10 =	vmul.bf16 v26, v10;
	v28 =	vld.idx.msk [tilespmem:v28+s22+$0x0], $0xffff  }
0x67f: {  	v26 =	vld.idx.msk [tilespmem:v20+s21+$0x0], $0xffff;
	v20 =	vmov s26;
	v58 =	vor.u32 v7, v23;
	v0 =	vmul.bf16 v45, v0  }
0x680: {  	v57 =	vld.idx.msk [tilespmem:v19+s22+$0x0], $0xffff;
	v20 =	vshll.u32 v20, $0x3;
	v10 =	vadd.bf16 v10, v17;
	v17 =	vmul.bf16 v44, v61  }
0x681: {  	v0 =	vadd.bf16 v0, v11;
	v11 =	vld.idx.msk [tilespmem:v19+s21+$0x0], $0xffff;
	v19 =	vor.u32 v49, v20;
	v20 =	vor.u32 v49, v35  }
0x682: {  	v30 =	vld.idx.msk [tilespmem:v30+s22+$0x0], $0xffff;
	v14 =	vadd.bf16 v16, v14;
	v10 =	vadd.bf16 v31, v10;
	v31 =	vor.u32 v3, v20  }
0x683: {  	v32 =	vld.idx.msk [tilespmem:v51+s22+$0x0], $0xffff;
	v29 =	vmul.bf16 v52, v29;
	v12 =	vadd.bf16 v17, v12;
	v28 =	vmul.bf16 v28, v59;
	v18 =	vpop (erf)  }
0x684: {  	v22 =	vmul.bf16 v22, v60;
	v14 =	vadd.bf16 v25, v14;
	v25 =	vld.idx.msk [tilespmem:v58+s21+$0x0], $0xffff;
	v18 =	vadd.f32 $1.000000000e+00, v18  }
0x685: {  	v12 =	vadd.bf16 v29, v12;
	v34 =	vld.idx.msk [tilespmem:v58+s22+$0x0], $0xffff;
	v29 =	vor.u32 v3, v19;
	v28 =	vadd.bf16 v6, v28  }
0x686: {  	v15 =	vadd.bf16 v33, v15;
	v16 =	vld.idx.msk [tilespmem:v51+s21+$0x0], $0xffff;
	(erf) = vrcp.f32 v18;
	v18 =	vor.u32 v2, v23  }
0x687: {  	v63 =	vunpack.i.u.bf16.f32 v13;
	v13 =	vunpack.i.l.bf16.f32 v13;
	v22 =	vadd.bf16 v22, v28;
	v28 =	vld.idx.msk [tilespmem:v31+s21+$0x0], $0xffff  }
0x688: {  	v13 =	vadd.f32 v13, v63;
	v30 =	vmul.bf16 v30, v53;
	v31 =	vld.idx.msk [tilespmem:v31+s22+$0x0], $0xffff  }
0x689: {  	v61 =	vunpack.i.u.bf16.f32 v15;
	v15 =	vunpack.i.l.bf16.f32 v15;
	v41 =	vor.u32 v1, v19  }
0x68a: {  	s30 =	simm.s32 $0x50;
	v15 =	vadd.f32 v15, v61;
	v25 =	vmul.bf16 v34, v25;
	v23 =	vor.u32 v9, v23;
	v47 =	vld.idx.msk [tilespmem:v29+s21+$0x0], $0xffff  }
0x68b: {  	v54 =	vmov s30;
	v16 =	vmul.bf16 v32, v16;
	v24 =	vmul.bf16 v24, v26;
	v17 =	vld.idx.msk [tilespmem:v18+s21+$0x0], $0xffff  }
0x68c: {  	v13 =	vadd.f32 v13, v15;
	v22 =	vadd.bf16 v25, v22;
	v55 =	vld.idx.msk [tilespmem:v18+s22+$0x0], $0xffff;
	v18 =	vshll.u32 v54, $0x3  }
0x68d: {  	v25 =	vld.idx.msk [tilespmem:v29+s22+$0x0], $0xffff;
	v18 =	vor.u32 v49, v18;
	v28 =	vmul.bf16 v31, v28;
	v31 =	vor.u32 v5, v20  }
0x68e: {  	v43 =	vunpack.i.u.bf16.f32 v10;
	v10 =	vunpack.i.l.bf16.f32 v10;
	v50 =	vld.idx.msk [tilespmem:v41+s22+$0x0], $0xffff;
	v27 =	vor.u32 v3, v18  }
0x68f: {  	v45 =	vunpack.i.u.bf16.f32 v14;
	v14 =	vunpack.i.l.bf16.f32 v14;
	v10 =	vadd.f32 v10, v43;
	v62 =	vld.idx.msk [tilespmem:v23+s21+$0x0], $0xffff  }
0x690: {  	v14 =	vadd.f32 v14, v45;
	v13 =	vsub.f32 $0.0e+00, v13;
	v23 =	vld.idx.msk [tilespmem:v23+s22+$0x0], $0xffff;
	v21 =	vor.u32 v1, v18  }
0x691: {  	v46 =	vunpack.i.u.bf16.f32 v12;
	v12 =	vunpack.i.l.bf16.f32 v12;
	v11 =	vmul.bf16 v57, v11;
	v49 =	vld.idx.msk [tilespmem:v41+s21+$0x0], $0xffff  }
0x692: {  	v12 =	vadd.f32 v12, v46;
	v10 =	vadd.f32 v14, v10;
	v42 =	vor.u32 v2, v18;
	v60 =	vld.idx.msk [tilespmem:v31+s21+$0x0], $0xffff  }
0x693: {  	v0 =	vadd.bf16 v30, v0;
	v11 =	vadd.bf16 v6, v11;
	v17 =	vmul.bf16 v55, v17;
	v40 =	vld.idx.msk [tilespmem:v27+s21+$0x0], $0xffff  }
0x694: {  	v13 =	vmul.f32 $1.442695020e+00, v13;
	v10 =	vsub.f32 $0.0e+00, v10;
	v44 =	vor.u32 v4, v18;
	v27 =	vld.idx.msk [tilespmem:v27+s22+$0x0], $0xffff  }
0x695: {  	v26 =	vunpack.i.u.bf16.f32 v0;
	v0 =	vunpack.i.l.bf16.f32 v0;
	v11 =	vadd.bf16 v17, v11;
	v17 =	vld.idx.msk [tilespmem:v21+s21+$0x0], $0xffff  }
0x696: {  	v0 =	vadd.f32 v0, v26;
	v56 =	vor.u32 v7, v18;
	v23 =	vmul.bf16 v23, v62;
	v21 =	vld.idx.msk [tilespmem:v21+s22+$0x0], $0xffff  }
0x697: {  	v30 =	vor.u32 v1, v20;
	v10 =	vmul.f32 $1.442695020e+00, v10;
	v29 =	vld.idx.msk [tilespmem:v42+s21+$0x0], $0xffff;
	v11 =	vadd.bf16 v16, v11  }
0x698: {  	(erf) = vpow2.f32 v13;
	v0 =	vadd.f32 v0, v12;
	v22 =	vadd.bf16 v23, v22;
	v51 =	vld.idx.msk [tilespmem:v42+s22+$0x0], $0xffff  }
0x699: {  	v48 =	vor.u32 v2, v20;
	(erf) = vpow2.f32 v10;
	v52 =	vld.idx.msk [tilespmem:v44+s21+$0x0], $0xffff;
	v11 =	vadd.bf16 v24, v11  }
0x69a: {  	v10 =	vor.u32 v4, v19;
	v0 =	vsub.f32 $0.0e+00, v0;
	v32 =	vld.idx.msk [tilespmem:v44+s22+$0x0], $0xffff;
	v53 =	vunpack.i.u.bf16.f32 v22  }
0x69b: {  	v37 =	vld.idx.msk [tilespmem:v56+s22+$0x0], $0xffff;
	v22 =	vunpack.i.l.bf16.f32 v22;
	v23 =	vunpack.i.u.bf16.f32 v11;
	v11 =	vunpack.i.l.bf16.f32 v11  }
0x69c: {  	v0 =	vmul.f32 $1.442695020e+00, v0;
	v16 =	vld.idx.msk [tilespmem:v30+s21+$0x0], $0xffff;
	v13 =	vadd.f32 v22, v53;
	v11 =	vadd.f32 v11, v23  }
0x69d: {  	v26 =	vor.u32 v4, v20;
	v30 =	vld.idx.msk [tilespmem:v30+s22+$0x0], $0xffff  }
0x69e: {  	(erf) = vpow2.f32 v0;
	v22 =	vld.idx.msk [tilespmem:v48+s21+$0x0], $0xffff;
	v0 =	vadd.f32 v13, v11  }
0x69f: {  	v24 =	vor.u32 v2, v19;
	v17 =	vmul.bf16 v21, v17;
	v21 =	vld.idx.msk [tilespmem:v10+s21+$0x0], $0xffff  }
0x6a0: {  	v10 =	vld.idx.msk [tilespmem:v10+s22+$0x0], $0xffff;
	v0 =	vsub.f32 $0.0e+00, v0  }
0x6a1: {  	v15 =	vmul.bf16 v25, v47;
	v54 =	vor.u32 v5, v18;
	v23 =	vld.idx.msk [tilespmem:v48+s22+$0x0], $0xffff  }
0x6a2: {  	v12 =	vmul.bf16 v50, v49;
	v11 =	vld.idx.msk [tilespmem:v26+s21+$0x0], $0xffff;
	v0 =	vmul.f32 $1.442695020e+00, v0  }
0x6a3: {  	v57 =	vpop (erf);
	v27 =	vmul.bf16 v27, v40;
	v29 =	vmul.bf16 v51, v29;
	v26 =	vld.idx.msk [tilespmem:v26+s22+$0x0], $0xffff  }
0x6a4: {  	v28 =	vadd.bf16 v6, v28;
	v16 =	vmul.bf16 v30, v16;
	v30 =	vpop (erf);
	v55 =	vld.idx.msk [tilespmem:v24+s21+$0x0], $0xffff;
	(erf) = vpow2.f32 v0  }
0x6a5: {  	v32 =	vmul.bf16 v32, v52;
	v27 =	vadd.bf16 v6, v27;
	v17 =	vadd.bf16 v6, v17;
	v58 =	vpop (erf);
	v24 =	vld.idx.msk [tilespmem:v24+s22+$0x0], $0xffff  }
0x6a6: {  	v25 =	vadd.f32 $1.000000000e+00, v30;
	v30 =	vor.u32 v7, v20;
	v13 =	vld.idx.msk [tilespmem:v54+s22+$0x0], $0xffff;
	v33 =	vadd.f32 $1.000000000e+00, v58  }
0x6a7: {  	v59 =	vpop (erf);
	v27 =	vadd.bf16 v29, v27;
	v29 =	vor.u32 v7, v19;
	v61 =	vadd.bf16 v32, v17;
	v0 =	vld.idx.msk [tilespmem:v54+s21+$0x0], $0xffff  }
0x6a8: {  	v35 =	vadd.f32 $1.000000000e+00, v59;
	v22 =	vmul.bf16 v23, v22;
	v23 =	vld.idx.msk [tilespmem:v56+s21+$0x0], $0xffff;
	(erf) = vrcp.f32 v25  }
0x6a9: {  	v31 =	vld.idx.msk [tilespmem:v31+s22+$0x0], $0xffff;
	v16 =	vadd.bf16 v6, v16;
	v11 =	vmul.bf16 v26, v11;
	(erf) = vrcp.f32 v33  }
0x6aa: {  	v10 =	vmul.bf16 v10, v21;
	v21 =	vor.u32 v9, v18;
	(erf) = vrcp.f32 v35  }
0x6ab: {  	v62 =	vld.idx.msk [tilespmem:v30+s21+$0x0], $0xffff;
	v17 =	vadd.bf16 v22, v28;
	v22 =	vmul.bf16 v24, v55;
	v24 =	vor.u32 v8, v18  }
0x6ac: {  	v12 =	vadd.bf16 v6, v12;
	v30 =	vld.idx.msk [tilespmem:v30+s22+$0x0], $0xffff;
	v0 =	vmul.bf16 v13, v0  }
0x6ad: {  	v43 =	vld.idx.msk [tilespmem:v29+s21+$0x0], $0xffff;
	v25 =	vor.u32 v5, v19;
	v28 =	vadd.bf16 v11, v16;
	v63 =	vmul.bf16 v37, v23;
	v11 =	vpop (erf)  }
0x6ae: {  	v44 =	vld.idx.msk [tilespmem:v29+s22+$0x0], $0xffff;
	v37 =	vadd.bf16 v0, v27;
	v0 =	vmul.bf16 v31, v60;
	v11 =	vadd.f32 $1.000000000e+00, v11  }
0x6af: {  	s16 =	simm.s32 $0x12130;
	v15 =	vadd.bf16 v6, v15;
	v48 =	vld.idx.msk [tilespmem:v21+s21+$0x0], $0xffff  }
0x6b0: {  	[tilespmem:s16+$0x10] =	vst v57;
	v36 =	vadd.bf16 v10, v12;
	v18 =	vor.u32 v8, v19;
	v46 =	vld.idx.msk [tilespmem:v24+s21+$0x0], $0xffff;
	(erf) = vrcp.f32 v11  }
0x6b1: {  	v34 =	vadd.bf16 v22, v15;
	v22 =	vor.u32 v8, v20;
	v20 =	vor.u32 v9, v20;
	v47 =	vld.idx.msk [tilespmem:v24+s22+$0x0], $0xffff;
	v10 =	vpop (erf)  }
0x6b2: {  	v19 =	vor.u32 v9, v19;
	v26 =	vld.idx.msk [tilespmem:v25+s21+$0x0], $0xffff;
	v40 =	vadd.bf16 v0, v17;
	[tilespmem:s16+$0xFFFFFFF0] =	vst v10;
	v0 =	vpop (erf)  }
0x6b3: {  	s23 =	simm.s32 $0x80;
	s26 =	simm.s32 $0x4;
	v38 =	vadd.bf16 v63, v61;
	v24 =	vmul.bf16 v30, v62;
	v25 =	vld.idx.msk [tilespmem:v25+s22+$0x0], $0xffff;
	[tilespmem:s16+$0x0] =	vst v0;
	v23 =	vpop (erf)  }
.LBB2_14:
0x6b4: {  	v11 =	vld.idx.msk [tilespmem:v21+s22+$0x0], $0xffff  }
0x6b5: {  	v6 =	vld [tilespmem:$0x1FFB0]  }
0x6b6: {  	v0 =	vmov s23;
	s0 =	sadd.s32 $0x10, s23;
	v16 =	vld.idx.msk [tilespmem:v22+s21+$0x0], $0xffff  }
0x6b7: {  	s1 =	sadd.s32 $0x30, s23;
	s31 =	sadd.s32 $0x20, s23;
	v17 =	vld.idx.msk [tilespmem:v22+s22+$0x0], $0xffff;
	v12 =	vadd.bf16 v24, v28;
	v0 =	vshll.u32 v0, $0x3;
	v14 =	vmov s0  }
0x6b8: {  	v49 =	vld.idx.msk [tilespmem:v20+s21+$0x0], $0xffff;
	v15 =	vmov s1;
	v53 =	vmov s31;
	v52 =	vshll.u32 v14, $0x3  }
0x6b9: {  	[tilespmem:s16+$0xFFFFFFE0] =	vst v23;
	s16 =	sadd.s32 $0x40, s16;
	v2 =	vld [tilespmem:$0x1FF20];
	v15 =	vshll.u32 v15, $0x3;
	v14 =	vshll.u32 v53, $0x3;
	v13 =	vpop (erf);
	v10 =	vmul.bf16 v25, v26  }
0x6ba: {  	[tilespmem:s16+$0x10] =	vst v13;
	v13 =	vor.u32 v6, v52;
	v15 =	vor.u32 v6, v15;
	v0 =	vor.u32 v6, v0  }
0x6bb: {  	v50 =	vld.idx.msk [tilespmem:v20+s22+$0x0], $0xffff;
	v14 =	vor.u32 v6, v14;
	v21 =	vor.u32 v8, v15;
	v51 =	vor.u32 v3, v13  }
0x6bc: {  	v54 =	vld.idx.msk [tilespmem:v18+s21+$0x0], $0xffff;
	v52 =	vor.u32 v1, v13;
	v53 =	vor.u32 v3, v14;
	v42 =	vor.u32 v3, v0  }
0x6bd: {  	v55 =	vld.idx.msk [tilespmem:v18+s22+$0x0], $0xffff;
	v45 =	vor.u32 v1, v14;
	v20 =	vor.u32 v5, v15;
	v41 =	vor.u32 v1, v0  }
0x6be: {  	v56 =	vld.idx.msk [tilespmem:v19+s21+$0x0], $0xffff;
	v39 =	vor.u32 v2, v13;
	v35 =	vor.u32 v4, v13;
	v33 =	vor.u32 v2, v14  }
0x6bf: {  	v58 =	vld.idx.msk [tilespmem:v19+s22+$0x0], $0xffff;
	v32 =	vor.u32 v4, v14;
	v57 =	vor.u32 v2, v15;
	v31 =	vor.u32 v2, v0  }
0x6c0: {  	v30 =	vor.u32 v4, v0;
	v29 =	vor.u32 v5, v13;
	v28 =	vor.u32 v7, v13;
	v59 =	vld.idx.msk [tilespmem:v21+s21+$0x0], $0xffff  }
0x6c1: {  	v27 =	vor.u32 v5, v14;
	v60 =	vor.u32 v3, v15;
	v25 =	vor.u32 v5, v0;
	v61 =	vld.idx.msk [tilespmem:v21+s22+$0x0], $0xffff  }
0x6c2: {  	v24 =	vor.u32 v7, v0;
	v26 =	vor.u32 v7, v14;
	v23 =	vor.u32 v8, v13;
	v62 =	vld.idx.msk [tilespmem:v20+s21+$0x0], $0xffff  }
0x6c3: {  	v10 =	vadd.bf16 v10, v34;
	v34 =	vmul.bf16 v47, v46;
	v47 =	vor.u32 v7, v15;
	v63 =	vld.idx.msk [tilespmem:v20+s22+$0x0], $0xffff  }
0x6c4: {  	v18 =	vor.u32 v8, v0;
	v22 =	vor.u32 v8, v14;
	v20 =	vor.u32 v9, v14;
	v14 =	vld.idx.msk [tilespmem:v57+s21+$0x0], $0xffff  }
0x6c5: {  	v19 =	vor.u32 v9, v0;
	v21 =	vor.u32 v9, v13;
	v13 =	vor.u32 v1, v15;
	v0 =	vld.idx.msk [tilespmem:v57+s22+$0x0], $0xffff  }
0x6c6: {  	v43 =	vmul.bf16 v44, v43;
	v16 =	vmul.bf16 v17, v16;
	v44 =	vld.idx.msk [tilespmem:v60+s21+$0x0], $0xffff  }
0x6c7: {  	v11 =	vmul.bf16 v11, v48;
	v57 =	vor.u32 v4, v15;
	v46 =	vld.idx.msk [tilespmem:v60+s22+$0x0], $0xffff  }
0x6c8: {  	v54 =	vmul.bf16 v55, v54;
	v55 =	vmul.bf16 v50, v49;
	v16 =	vadd.bf16 v16, v40;
	v40 =	vld.idx.msk [tilespmem:v47+s21+$0x0], $0xffff  }
0x6c9: {  	v36 =	vadd.bf16 v43, v36;
	v58 =	vmul.bf16 v58, v56;
	v11 =	vadd.bf16 v11, v38;
	v47 =	vld.idx.msk [tilespmem:v47+s22+$0x0], $0xffff  }
0x6ca: {  	v6 =	vimm.bf16 $0.0e+00;
	v34 =	vadd.bf16 v34, v37;
	v12 =	vadd.bf16 v55, v12;
	v17 =	vld.idx.msk [tilespmem:v13+s21+$0x0], $0xffff  }
0x6cb: {  	v36 =	vadd.bf16 v58, v36;
	v43 =	vunpack.i.u.bf16.f32 v11;
	v15 =	vor.u32 v9, v15;
	v13 =	vld.idx.msk [tilespmem:v13+s22+$0x0], $0xffff  }
0x6cc: {  	v11 =	vunpack.i.l.bf16.f32 v11;
	v48 =	vunpack.i.u.bf16.f32 v16;
	v16 =	vunpack.i.l.bf16.f32 v16;
	v38 =	vld.idx.msk [tilespmem:v57+s21+$0x0], $0xffff  }
0x6cd: {  	v50 =	vunpack.i.u.bf16.f32 v12;
	v12 =	vunpack.i.l.bf16.f32 v12;
	v16 =	vadd.f32 v16, v48;
	v37 =	vld.idx.msk [tilespmem:v57+s22+$0x0], $0xffff  }
0x6ce: {  	v60 =	vunpack.i.u.bf16.f32 v34;
	v34 =	vunpack.i.l.bf16.f32 v34;
	v55 =	vld.idx.msk [tilespmem:v51+s21+$0x0], $0xffff;
	v12 =	vadd.f32 v12, v50  }
0x6cf: {  	v11 =	vadd.f32 v11, v43;
	v48 =	vld.idx.msk [tilespmem:v52+s22+$0x0], $0xffff;
	v58 =	vadd.f32 v34, v60;
	v44 =	vmul.bf16 v46, v44  }
0x6d0: {  	v10 =	vadd.bf16 v54, v10;
	v12 =	vadd.f32 v12, v16;
	v46 =	vld.idx.msk [tilespmem:v15+s21+$0x0], $0xffff;
	v13 =	vmul.bf16 v13, v17  }
0x6d1: {  	v11 =	vadd.f32 v11, v58;
	v15 =	vld.idx.msk [tilespmem:v15+s22+$0x0], $0xffff;
	v0 =	vmul.bf16 v0, v14;
	v44 =	vadd.bf16 v6, v44  }
0x6d2: {  	v56 =	vld.idx.msk [tilespmem:v53+s22+$0x0], $0xffff;
	v57 =	vunpack.i.u.bf16.f32 v10;
	v37 =	vmul.bf16 v37, v38;
	v13 =	vadd.bf16 v6, v13  }
0x6d3: {  	v54 =	vld.idx.msk [tilespmem:v30+s21+$0x0], $0xffff;
	v10 =	vunpack.i.l.bf16.f32 v10;
	v63 =	vmul.bf16 v63, v62;
	v0 =	vadd.bf16 v0, v44  }
0x6d4: {  	v60 =	vld.idx.msk [tilespmem:v51+s22+$0x0], $0xffff;
	v49 =	vmul.bf16 v47, v40;
	v10 =	vadd.f32 v10, v57;
	v13 =	vadd.bf16 v37, v13  }
0x6d5: {  	v17 =	vunpack.i.u.bf16.f32 v36;
	v38 =	vld.idx.msk [tilespmem:v52+s21+$0x0], $0xffff;
	v52 =	vmul.bf16 v61, v59;
	v0 =	vadd.bf16 v63, v0  }
0x6d6: {  	v30 =	vld.idx.msk [tilespmem:v30+s22+$0x0], $0xffff;
	v36 =	vunpack.i.l.bf16.f32 v36;
	v15 =	vmul.bf16 v15, v46;
	v13 =	vadd.bf16 v49, v13  }
0x6d7: {  	v51 =	vld.idx.msk [tilespmem:v53+s21+$0x0], $0xffff;
	v17 =	vadd.f32 v36, v17;
	v0 =	vadd.bf16 v52, v0  }
0x6d8: {  	v11 =	vsub.f32 $0.0e+00, v11;
	v62 =	vld.idx.msk [tilespmem:v41+s21+$0x0], $0xffff;
	v13 =	vadd.bf16 v15, v13  }
0x6d9: {  	v47 =	vld.idx.msk [tilespmem:v35+s22+$0x0], $0xffff;
	v58 =	vmul.bf16 v60, v55;
	v10 =	vadd.f32 v17, v10;
	v16 =	vunpack.i.u.bf16.f32 v0  }
0x6da: {  	v57 =	vld.idx.msk [tilespmem:v45+s21+$0x0], $0xffff;
	v0 =	vunpack.i.l.bf16.f32 v0;
	v61 =	vunpack.i.u.bf16.f32 v13;
	v13 =	vunpack.i.l.bf16.f32 v13  }
0x6db: {  	v60 =	vld.idx.msk [tilespmem:v42+s21+$0x0], $0xffff;
	v0 =	vadd.f32 v0, v16;
	v13 =	vadd.f32 v13, v61  }
0x6dc: {  	v12 =	vsub.f32 $0.0e+00, v12;
	v11 =	vmul.f32 $1.442695020e+00, v11;
	v14 =	vadd.bf16 v6, v58;
	v58 =	vld.idx.msk [tilespmem:v28+s21+$0x0], $0xffff  }
0x6dd: {  	v44 =	vld.idx.msk [tilespmem:v39+s21+$0x0], $0xffff;
	v10 =	vsub.f32 $0.0e+00, v10;
	v0 =	vadd.f32 v13, v0  }
0x6de: {  	v12 =	vmul.f32 $1.442695020e+00, v12;
	(erf) = vpow2.f32 v11;
	v59 =	vld.idx.msk [tilespmem:v45+s22+$0x0], $0xffff  }
0x6df: {  	v63 =	vmul.bf16 v56, v51;
	v51 =	vld.idx.msk [tilespmem:v32+s22+$0x0], $0xffff;
	v10 =	vmul.f32 $1.442695020e+00, v10;
	v0 =	vsub.f32 $0.0e+00, v0  }
0x6e0: {  	(erf) = vpow2.f32 v12;
	v17 =	vld.idx.msk [tilespmem:v42+s22+$0x0], $0xffff  }
0x6e1: {  	v52 =	vld.idx.msk [tilespmem:v31+s21+$0x0], $0xffff;
	(erf) = vpow2.f32 v10;
	v0 =	vmul.f32 $1.442695020e+00, v0  }
0x6e2: {  	v31 =	vld.idx.msk [tilespmem:v31+s22+$0x0], $0xffff  }
0x6e3: {  	v16 =	vld.idx.msk [tilespmem:v41+s22+$0x0], $0xffff;
	(erf) = vpow2.f32 v0  }
0x6e4: {  	v10 =	vld.idx.msk [tilespmem:v32+s21+$0x0], $0xffff  }
0x6e5: {  	v45 =	vld.idx.msk [tilespmem:v39+s22+$0x0], $0xffff  }
0x6e6: {  	v46 =	vld.idx.msk [tilespmem:v35+s21+$0x0], $0xffff  }
0x6e7: {  	v37 =	vadd.bf16 v6, v63;
	v38 =	vmul.bf16 v48, v38;
	v34 =	vmul.bf16 v59, v57;
	v48 =	vld.idx.msk [tilespmem:v33+s21+$0x0], $0xffff;
	v55 =	vpop (erf)  }
0x6e8: {  	v11 =	vmul.bf16 v17, v60;
	v49 =	vmul.bf16 v16, v62;
	v16 =	vld.idx.msk [tilespmem:v33+s22+$0x0], $0xffff;
	v33 =	vadd.f32 $1.000000000e+00, v55  }
0x6e9: {  	v56 =	vld.idx.msk [tilespmem:v29+s21+$0x0], $0xffff;
	v17 =	vadd.bf16 v6, v34;
	v31 =	vmul.bf16 v31, v52;
	v57 =	vpop (erf);
	v2 =	vmul.bf16 v51, v10  }
0x6ea: {  	v29 =	vld.idx.msk [tilespmem:v29+s22+$0x0], $0xffff;
	v11 =	vadd.bf16 v6, v11;
	v13 =	vadd.f32 $1.000000000e+00, v57;
	v59 =	vpop (erf);
	(erf) = vrcp.f32 v33  }
0x6eb: {  	v60 =	vld.idx.msk [tilespmem:v28+s22+$0x0], $0xffff;
	v28 =	vadd.bf16 v2, v17;
	v17 =	vadd.f32 $1.000000000e+00, v59  }
0x6ec: {  	v43 =	vld.idx.msk [tilespmem:v24+s21+$0x0], $0xffff;
	v50 =	vmul.bf16 v45, v44;
	v34 =	vadd.bf16 v31, v11;
	v10 =	vpop (erf);
	(erf) = vrcp.f32 v13  }
0x6ed: {  	v63 =	vld.idx.msk [tilespmem:v26+s21+$0x0], $0xffff;
	v11 =	vmul.bf16 v30, v54;
	v0 =	vadd.bf16 v6, v49;
	(erf) = vrcp.f32 v17  }
0x6ee: {  	v12 =	vadd.bf16 v50, v14;
	v61 =	vld.idx.msk [tilespmem:v27+s21+$0x0], $0xffff;
	v16 =	vmul.bf16 v16, v48  }
0x6ef: {  	v62 =	vld.idx.msk [tilespmem:v27+s22+$0x0], $0xffff;
	v36 =	vadd.bf16 v11, v0;
	v0 =	vmul.bf16 v29, v56;
	v10 =	vadd.f32 $1.000000000e+00, v10  }
0x6f0: {  	s26 =	sadd.s32 $0x4, s26;
	v53 =	vmul.bf16 v47, v46;
	v44 =	vld.idx.msk [tilespmem:v24+s22+$0x0], $0xffff;
	v38 =	vadd.bf16 v6, v38;
	v16 =	vadd.bf16 v16, v37  }
0x6f1: {  	p0 =	slt.u32 s26, $0x78;
	v37 =	vadd.bf16 v0, v12;
	v0 =	vmul.bf16 v60, v58;
	(erf) = vrcp.f32 v10;
	v10 =	vld.idx.msk [tilespmem:v26+s22+$0x0], $0xffff  }
.Ltmp6:
0x6f2: {  	v46 =	vld.idx.msk [tilespmem:v23+s21+$0x0], $0xffff;
	(pc) =	sbr.rel @p0 .LBB2_14-.Ltmp6, $4  }
0x6f3: {  	v14 =	vadd.bf16 v53, v38;
	v11 =	vpop (erf);
	v26 =	vld.idx.msk [tilespmem:v25+s21+$0x0], $0xffff  }
0x6f4: {  	v2 =	vmul.bf16 v62, v61;
	[tilespmem:s16+$0xFFFFFFF0] =	vst v11;
	v25 =	vld.idx.msk [tilespmem:v25+s22+$0x0], $0xffff  }
0x6f5: {  	v38 =	vadd.bf16 v0, v14;
	v47 =	vld.idx.msk [tilespmem:v23+s22+$0x0], $0xffff;
	v0 =	vpop (erf)  }
0x6f6: {  	s23 =	sadd.s32 $0x40, s23;
	v40 =	vadd.bf16 v2, v16;
	v48 =	vld.idx.msk [tilespmem:v21+s21+$0x0], $0xffff;
	v24 =	vmul.bf16 v10, v63;
	[tilespmem:s16+$0x0] =	vst v0;
	v23 =	vpop (erf)  }
0x6f7: {  	_ =	sdelay $0x3  }
0x6f8: {  	v0 =	vld.idx.msk [tilespmem:v21+s22+$0x0], $0xffff  }
0x6f9: {  	v10 =	vld.idx.msk [tilespmem:v22+s21+$0x0], $0xffff  }
0x6fa: {  	v11 =	vld.idx.msk [tilespmem:v22+s22+$0x0], $0xffff  }
0x6fb: {  	v12 =	vld.idx.msk [tilespmem:v20+s21+$0x0], $0xffff  }
0x6fc: {  	v13 =	vld.idx.msk [tilespmem:v20+s22+$0x0], $0xffff  }
0x6fd: {  	v14 =	vld.idx.msk [tilespmem:v18+s21+$0x0], $0xffff  }
0x6fe: {  	v15 =	vld.idx.msk [tilespmem:v18+s22+$0x0], $0xffff  }
0x6ff: {  	v16 =	vld.idx.msk [tilespmem:v19+s21+$0x0], $0xffff  }
0x700: {  	v17 =	vld.idx.msk [tilespmem:v19+s22+$0x0], $0xffff  }
0x701: {  	v19 =	vmul.bf16 v44, v43;
	v18 =	vmul.bf16 v25, v26  }
0x702: {  	v20 =	vadd.bf16 v24, v28;
	v21 =	vmul.bf16 v47, v46  }
0x703: {  	v19 =	vadd.bf16 v19, v36;
	v18 =	vadd.bf16 v18, v34;
	v0 =	vmul.bf16 v0, v48  }
0x704: {  	v10 =	vmul.bf16 v11, v10;
	v11 =	vadd.bf16 v21, v37;
	v12 =	vmul.bf16 v13, v12  }
0x705: {  	v42 =	vmul.bf16 v15, v14;
	v43 =	vmul.bf16 v17, v16;
	v0 =	vadd.bf16 v0, v38  }
0x706: {  	v44 =	vunpack.i.u.bf16.f32 v11;
	v10 =	vadd.bf16 v10, v40;
	v12 =	vadd.bf16 v12, v20  }
0x707: {  	v13 =	vadd.bf16 v42, v18;
	v14 =	vadd.bf16 v43, v19;
	v11 =	vunpack.i.l.bf16.f32 v11  }
0x708: {  	v11 =	vadd.f32 v11, v44;
	v16 =	vunpack.i.u.bf16.f32 v0;
	v0 =	vunpack.i.l.bf16.f32 v0  }
0x709: {  	v17 =	vunpack.i.u.bf16.f32 v10;
	v10 =	vunpack.i.l.bf16.f32 v10;
	v18 =	vunpack.i.u.bf16.f32 v12  }
0x70a: {  	v12 =	vunpack.i.l.bf16.f32 v12;
	v19 =	vunpack.i.u.bf16.f32 v13;
	v13 =	vunpack.i.l.bf16.f32 v13  }
0x70b: {  	v45 =	vunpack.i.u.bf16.f32 v14;
	v0 =	vadd.f32 v0, v16;
	v10 =	vadd.f32 v10, v17  }
0x70c: {  	v14 =	vunpack.i.l.bf16.f32 v14;
	v12 =	vadd.f32 v12, v18;
	v13 =	vadd.f32 v13, v19  }
0x70d: {  	v14 =	vadd.f32 v14, v45;
	v0 =	vadd.f32 v0, v11  }
0x70e: {  	v10 =	vadd.f32 v12, v10  }
0x70f: {  	v11 =	vadd.f32 v14, v13;
	v0 =	vsub.f32 $0.0e+00, v0  }
0x710: {  	v10 =	vsub.f32 $0.0e+00, v10  }
0x711: {  	v11 =	vsub.f32 $0.0e+00, v11;
	v0 =	vmul.f32 $1.442695020e+00, v0  }
0x712: {  	v10 =	vmul.f32 $1.442695020e+00, v10  }
0x713: {  	(erf) = vpow2.f32 v0;
	v0 =	vmul.f32 $1.442695020e+00, v11  }
0x714: {  	(erf) = vpow2.f32 v10  }
0x715: {  	(erf) = vpow2.f32 v0;
	_ =	sdelay $0x5  }
0x716: {  	v0 =	vpop (erf)  }
0x717: {  	v10 =	vpop (erf)  }
0x718: {  	v10 =	vadd.f32 $1.000000000e+00, v10;
	v11 =	vpop (erf)  }
0x719: {  	v11 =	vadd.f32 $1.000000000e+00, v11;
	v46 =	vpop (erf)  }
0x71a: {  	(erf) = vrcp.f32 v10;
	v10 =	vadd.f32 $1.000000000e+00, v46  }
0x71b: {  	(erf) = vrcp.f32 v11  }
0x71c: {  	(erf) = vrcp.f32 v10;
	_ =	sdelay $0x5  }
0x71d: {  	[tilespmem:s16+$0xFFFFFFE0] =	vst v23;
	s0 =	sadd.s32 $0x40, s16  }
0x71e: {  	[tilespmem:s0+$0x10] =	vst v0;
	v0 =	vpop (erf)  }
0x71f: {  	[tilespmem:s0+$0xFFFFFFF0] =	vst v0;
	v0 =	vpop (erf)  }
0x720: {  	[tilespmem:s0+$0x0] =	vst v0;
	v0 =	vpop (erf)  }
0x721: {  	[tilespmem:s0+$0xFFFFFFE0] =	vst v0  }
0x722: {  	v6 =	vld [tilespmem:$0x1FF30];
	_ =	sdelay $0x7  }
0x723: {  	v0 =	vld.idx.msk [tilespmem:v6+s21+$0x0], $0xffff  }
0x724: {  	v10 =	vld.idx.msk [tilespmem:v6+s22+$0x0], $0xffff  }
0x725: {  	v6 =	vld [tilespmem:$0x1FF40];
	_ =	sdelay $0x7  }
0x726: {  	v11 =	vld.idx.msk [tilespmem:v6+s21+$0x0], $0xffff  }
0x727: {  	v47 =	vld.idx.msk [tilespmem:v6+s22+$0x0], $0xffff  }
0x728: {  	v6 =	vld [tilespmem:$0x1FF50];
	_ =	sdelay $0x7  }
0x729: {  	v48 =	vld.idx.msk [tilespmem:v6+s21+$0x0], $0xffff  }
0x72a: {  	v49 =	vld.idx.msk [tilespmem:v6+s22+$0x0], $0xffff  }
0x72b: {  	v6 =	vld [tilespmem:$0x1FF60];
	_ =	sdelay $0x7  }
0x72c: {  	v50 =	vld.idx.msk [tilespmem:v6+s21+$0x0], $0xffff  }
0x72d: {  	v16 =	vld.idx.msk [tilespmem:v6+s22+$0x0], $0xffff  }
0x72e: {  	v6 =	vld [tilespmem:$0x1FF70];
	_ =	sdelay $0x7  }
0x72f: {  	v17 =	vld.idx.msk [tilespmem:v6+s21+$0x0], $0xffff  }
0x730: {  	v18 =	vld.idx.msk [tilespmem:v6+s22+$0x0], $0xffff  }
0x731: {  	v6 =	vld [tilespmem:$0x1FF80];
	_ =	sdelay $0x6  }
0x732: {  	v22 =	vld [tilespmem:$0x1FFA0]  }
0x733: {  	v19 =	vld.idx.msk [tilespmem:v6+s21+$0x0], $0xffff  }
0x734: {  	v20 =	vld.idx.msk [tilespmem:v6+s22+$0x0], $0xffff  }
0x735: {  	v6 =	vld [tilespmem:$0x1FF90];
	_ =	sdelay $0x6  }
0x736: {  	v51 =	vld.idx.msk [tilespmem:v22+s21+$0x0], $0xffff  }
0x737: {  	v0 =	vmul.bf16 v10, v0;
	v21 =	vld.idx.msk [tilespmem:v6+s21+$0x0], $0xffff  }
0x738: {  	v11 =	vmul.bf16 v47, v11;
	v10 =	vld.idx.msk [tilespmem:v6+s22+$0x0], $0xffff;
	v6 =	vimm.bf16 $0.0e+00  }
0x739: {  	v52 =	vld.idx.msk [tilespmem:v22+s22+$0x0], $0xffff;
	v13 =	vmul.bf16 v49, v48;
	v0 =	vadd.bf16 v6, v0  }
0x73a: {  	v15 =	vmul.bf16 v16, v50;
	v11 =	vadd.bf16 v6, v11  }
0x73b: {  	v53 =	vmul.bf16 v18, v17;
	v0 =	vadd.bf16 v13, v0  }
0x73c: {  	v54 =	vmul.bf16 v20, v19;
	v11 =	vadd.bf16 v15, v11  }
0x73d: {  	v0 =	vadd.bf16 v53, v0;
	v10 =	vmul.bf16 v10, v21  }
0x73e: {  	v12 =	vmul.bf16 v52, v51;
	v11 =	vadd.bf16 v54, v11  }
0x73f: {  	v0 =	vadd.bf16 v10, v0  }
0x740: {  	v10 =	vadd.bf16 v12, v11  }
0x741: {  	v11 =	vunpack.i.u.bf16.f32 v0  }
0x742: {  	v0 =	vunpack.i.l.bf16.f32 v0;
	v12 =	vunpack.i.u.bf16.f32 v10;
	v10 =	vunpack.i.l.bf16.f32 v10  }
0x743: {  	v0 =	vadd.f32 v0, v11;
	v10 =	vadd.f32 v10, v12;
	_ =	sdelay $0x1  }
0x744: {  	v0 =	vadd.f32 v10, v0;
	_ =	sdelay $0x1  }
0x745: {  	v0 =	vsub.f32 $0.0e+00, v0;
	_ =	sdelay $0x1  }
0x746: {  	v0 =	vmul.f32 $1.442695020e+00, v0;
	_ =	sdelay $0x1  }
0x747: {  	(erf) = vpow2.f32 v0;
	_ =	sdelay $0x8  }
0x748: {  	v0 =	vpop (erf)  }
0x749: {  	v0 =	vadd.f32 $1.000000000e+00, v0;
	_ =	sdelay $0x1  }
0x74a: {  	(erf) = vrcp.f32 v0;
	_ =	sdelay $0x8  }
0x74b: {  	v0 =	vpop (erf)  }
0x74c: {  	s23 =	simm.s32 $0x0;
	s26 =	simm.s32 $0x12110;
	s1 =	rddreg [dreg:$0x1a];
	[tilespmem:$0x128D0] =	vst v0  }
0x74d: {  	[hbm4b:s1+s23] =	stream.linear.scatter [tilespmem:s26], [sflag:$0xA], $0x7D0, $0x38;
	[tilespmem:$0x18A88] =	vst v63  }
0x74e: {  	_ =	swait.ge [sflag:s15], $0x3E80  }
0x74f: {  	[sflag:s15] =	ssyncset.done $0x0  }
0x750: {  	[sflag:s15] =	ssyncadd.s32 $0xFFFFC180  }
0x751: {  	_ =	swait.ge [sflag:s17], $0x3E80  }
0x752: {  	v49 =	vld [tilespmem:$0x1FFB0];
	_ =	sdelay $0x1  }
0x753: {  	s30 =	simm.s32 $0x30  }
0x754: {  	v0 =	vmov s30  }
0x755: {  	v0 =	vshll.u32 v0, $0x3  }
0x756: {  	v0 =	vor.u32 v49, v0  }
0x757: {  	[sflag:s17] =	ssyncset.done $0x0;
	v10 =	vor.u32 v8, v0  }
0x758: {  	[sflag:s17] =	ssyncadd.s32 $0xFFFFC180  }
0x759: {  	_ =	swait.ge [sflag:s28], $0x7D0;
	v11 =	vor.u32 v5, v0  }
0x75a: {  	[sflag:s28] =	ssyncset.done $0x0  }
0x75b: {  	v2 =	vld [tilespmem:$0x1FF20];
	[sflag:s28] =	ssyncadd.s32 $0xFFFFF830;
	v57 =	vor.u32 v3, v0  }
0x75c: {  	v56 =	vld.idx.msk [tilespmem:v10+s12+$0x0], $0xffff  }
0x75d: {  	v16 =	vor.u32 v1, v0;
	v10 =	vld.idx.msk [tilespmem:v10+s13+$0x0], $0xffff  }
0x75e: {  	v58 =	vld.idx.msk [tilespmem:v11+s12+$0x0], $0xffff  }
0x75f: {  	s31 =	simm.s32 $0x10;
	v18 =	vor.u32 v4, v0;
	v11 =	vld.idx.msk [tilespmem:v11+s13+$0x0], $0xffff  }
0x760: {  	v21 =	vmov s31;
	v19 =	vld.idx.msk [tilespmem:v57+s12+$0x0], $0xffff  }
0x761: {  	v21 =	vshll.u32 v21, $0x3;
	v20 =	vor.u32 v7, v0;
	v14 =	vld.idx.msk [tilespmem:v57+s13+$0x0], $0xffff  }
0x762: {  	v21 =	vor.u32 v49, v21;
	v22 =	vld.idx.msk [tilespmem:v16+s12+$0x0], $0xffff  }
0x763: {  	s16 =	simm.s32 $0x20;
	v24 =	vor.u32 v3, v21;
	v16 =	vld.idx.msk [tilespmem:v16+s13+$0x0], $0xffff  }
0x764: {  	v25 =	vmov s16;
	v23 =	vld.idx.msk [tilespmem:v18+s12+$0x0], $0xffff  }
0x765: {  	v25 =	vshll.u32 v25, $0x3;
	v27 =	vor.u32 v1, v21;
	v18 =	vld.idx.msk [tilespmem:v18+s13+$0x0], $0xffff  }
0x766: {  	v25 =	vor.u32 v49, v25;
	v26 =	vld.idx.msk [tilespmem:v20+s12+$0x0], $0xffff  }
0x767: {  	v29 =	vor.u32 v3, v25;
	v20 =	vld.idx.msk [tilespmem:v20+s13+$0x0], $0xffff  }
0x768: {  	v30 =	vmov s23;
	v31 =	vld.idx.msk [tilespmem:v24+s12+$0x0], $0xffff  }
0x769: {  	v30 =	vshll.u32 v30, $0x3;
	v32 =	vor.u32 v1, v25;
	v24 =	vld.idx.msk [tilespmem:v24+s13+$0x0], $0xffff  }
0x76a: {  	v30 =	vor.u32 v49, v30;
	v33 =	vld.idx.msk [tilespmem:v27+s12+$0x0], $0xffff  }
0x76b: {  	v59 =	vor.u32 v3, v30;
	v27 =	vld.idx.msk [tilespmem:v27+s13+$0x0], $0xffff  }
0x76c: {  	v35 =	vld.idx.msk [tilespmem:v29+s12+$0x0], $0xffff  }
0x76d: {  	v60 =	vor.u32 v1, v30;
	v29 =	vld.idx.msk [tilespmem:v29+s13+$0x0], $0xffff  }
0x76e: {  	v37 =	vld.idx.msk [tilespmem:v32+s12+$0x0], $0xffff  }
0x76f: {  	v51 =	vor.u32 v5, v21;
	v32 =	vld.idx.msk [tilespmem:v32+s13+$0x0], $0xffff  }
0x770: {  	v39 =	vld.idx.msk [tilespmem:v59+s12+$0x0], $0xffff  }
0x771: {  	v52 =	vor.u32 v7, v21;
	v34 =	vld.idx.msk [tilespmem:v59+s13+$0x0], $0xffff  }
0x772: {  	v55 =	vor.u32 v2, v0;
	v41 =	vld.idx.msk [tilespmem:v60+s12+$0x0], $0xffff  }
0x773: {  	v36 =	vld.idx.msk [tilespmem:v60+s13+$0x0], $0xffff  }
0x774: {  	v0 =	vor.u32 v9, v0;
	v54 =	vld.idx.msk [tilespmem:v51+s12+$0x0], $0xffff  }
0x775: {  	v15 =	vld.idx.msk [tilespmem:v51+s13+$0x0], $0xffff  }
0x776: {  	v61 =	vor.u32 v2, v21;
	v13 =	vld.idx.msk [tilespmem:v52+s13+$0x0], $0xffff  }
0x777: {  	v17 =	vld.idx.msk [tilespmem:v55+s12+$0x0], $0xffff  }
0x778: {  	v62 =	vor.u32 v4, v21;
	v12 =	vld.idx.msk [tilespmem:v55+s13+$0x0], $0xffff  }
0x779: {  	v28 =	vld.idx.msk [tilespmem:v0+s12+$0x0], $0xffff  }
0x77a: {  	v42 =	vor.u32 v2, v25;
	v0 =	vld.idx.msk [tilespmem:v0+s13+$0x0], $0xffff  }
0x77b: {  	v63 =	vld.idx.msk [tilespmem:v61+s12+$0x0], $0xffff  }
0x77c: {  	v57 =	vor.u32 v5, v30;
	v38 =	vld.idx.msk [tilespmem:v61+s13+$0x0], $0xffff  }
0x77d: {  	v14 =	vmul.bf16 v14, v19;
	v19 =	vld.idx.msk [tilespmem:v62+s12+$0x0], $0xffff  }
0x77e: {  	v60 =	vor.u32 v8, v21;
	v16 =	vmul.bf16 v16, v22;
	v22 =	vld.idx.msk [tilespmem:v62+s13+$0x0], $0xffff  }
0x77f: {  	v18 =	vmul.bf16 v18, v23;
	v23 =	vld.idx.msk [tilespmem:v42+s13+$0x0], $0xffff  }
0x780: {  	v47 =	vor.u32 v8, v30;
	v10 =	vmul.bf16 v10, v56;
	v56 =	vld.idx.msk [tilespmem:v52+s12+$0x0], $0xffff  }
0x781: {  	v61 =	vld.idx.msk [tilespmem:v57+s12+$0x0], $0xffff  }
0x782: {  	v48 =	vor.u32 v4, v25;
	v44 =	vld.idx.msk [tilespmem:v57+s13+$0x0], $0xffff  }
0x783: {  	v62 =	vld.idx.msk [tilespmem:v60+s12+$0x0], $0xffff  }
0x784: {  	v21 =	vor.u32 v9, v21;
	v43 =	vld.idx.msk [tilespmem:v60+s13+$0x0], $0xffff  }
0x785: {  	v52 =	vld.idx.msk [tilespmem:v47+s13+$0x0], $0xffff;
	v14 =	vadd.bf16 v6, v14;
	v12 =	vmul.bf16 v12, v17  }
0x786: {  	v45 =	vor.u32 v2, v30;
	v17 =	vld.idx.msk [tilespmem:v42+s12+$0x0], $0xffff;
	v16 =	vadd.bf16 v6, v16  }
0x787: {  	v11 =	vmul.bf16 v11, v58;
	v12 =	vadd.bf16 v12, v14;
	v14 =	vld.idx.msk [tilespmem:v48+s12+$0x0], $0xffff  }
0x788: {  	v58 =	vor.u32 v7, v30;
	v16 =	vadd.bf16 v18, v16;
	v18 =	vmul.bf16 v20, v26;
	v20 =	vld.idx.msk [tilespmem:v48+s13+$0x0], $0xffff  }
0x789: {  	v0 =	vmul.bf16 v0, v28;
	v28 =	vor.u32 v7, v25;
	v19 =	vmul.bf16 v22, v19;
	v22 =	vld.idx.msk [tilespmem:v21+s12+$0x0], $0xffff  }
0x78a: {  	v21 =	vld.idx.msk [tilespmem:v21+s13+$0x0], $0xffff  }
0x78b: {  	v50 =	vor.u32 v4, v30;
	v24 =	vmul.bf16 v24, v31;
	v11 =	vadd.bf16 v11, v12;
	v12 =	vld.idx.msk [tilespmem:v45+s12+$0x0], $0xffff  }
0x78c: {  	v27 =	vmul.bf16 v27, v33;
	v29 =	vmul.bf16 v29, v35;
	v16 =	vadd.bf16 v18, v16;
	v18 =	vld.idx.msk [tilespmem:v45+s13+$0x0], $0xffff  }
0x78d: {  	v31 =	vor.u32 v8, v25;
	v32 =	vmul.bf16 v32, v37;
	v34 =	vmul.bf16 v34, v39;
	v45 =	vld.idx.msk [tilespmem:v58+s13+$0x0], $0xffff  }
0x78e: {  	v30 =	vor.u32 v9, v30;
	v36 =	vmul.bf16 v36, v41;
	v27 =	vadd.bf16 v6, v27;
	v59 =	vld.idx.msk [tilespmem:v28+s12+$0x0], $0xffff  }
0x78f: {  	v26 =	vor.u32 v5, v25;
	v25 =	vor.u32 v9, v25;
	v28 =	vld.idx.msk [tilespmem:v28+s13+$0x0], $0xffff;
	v10 =	vadd.bf16 v10, v11  }
0x790: {  	s23 =	simm.s32 $0x70;
	v63 =	vmul.bf16 v38, v63;
	v24 =	vadd.bf16 v6, v24;
	v11 =	vld.idx.msk [tilespmem:v50+s12+$0x0], $0xffff;
	v0 =	vadd.bf16 v0, v16  }
0x791: {  	v19 =	vadd.bf16 v19, v27;
	v27 =	vmov s23;
	v16 =	vld.idx.msk [tilespmem:v50+s13+$0x0], $0xffff;
	v53 =	vunpack.i.u.bf16.f32 v10  }
0x792: {  	v50 =	vld.idx.msk [tilespmem:v31+s12+$0x0], $0xffff;
	v10 =	vunpack.i.l.bf16.f32 v10;
	v55 =	vunpack.i.u.bf16.f32 v0;
	v0 =	vunpack.i.l.bf16.f32 v0  }
0x793: {  	v27 =	vshll.u32 v27, $0x3;
	v31 =	vld.idx.msk [tilespmem:v31+s13+$0x0], $0xffff;
	v10 =	vadd.f32 v10, v53;
	v0 =	vadd.f32 v0, v55  }
0x794: {  	v29 =	vadd.bf16 v6, v29;
	v17 =	vmul.bf16 v23, v17;
	v23 =	vor.u32 v49, v27;
	v27 =	vld.idx.msk [tilespmem:v25+s12+$0x0], $0xffff  }
0x795: {  	v14 =	vmul.bf16 v20, v14;
	v25 =	vld.idx.msk [tilespmem:v25+s13+$0x0], $0xffff;
	v20 =	vor.u32 v8, v23;
	v0 =	vadd.f32 v0, v10  }
0x796: {  	v17 =	vadd.bf16 v17, v29;
	v29 =	vld.idx.msk [tilespmem:v47+s12+$0x0], $0xffff;
	v11 =	vmul.bf16 v16, v11;
	v16 =	vadd.bf16 v6, v36  }
0x797: {  	v21 =	vmul.bf16 v21, v22;
	v22 =	vor.u32 v4, v23;
	v53 =	vld.idx.msk [tilespmem:v30+s12+$0x0], $0xffff;
	v0 =	vsub.f32 $0.0e+00, v0  }
0x798: {  	v15 =	vmul.bf16 v15, v54;
	v24 =	vadd.bf16 v63, v24;
	v10 =	vld.idx.msk [tilespmem:v26+s12+$0x0], $0xffff;
	v11 =	vadd.bf16 v11, v16  }
0x799: {  	v26 =	vld.idx.msk [tilespmem:v26+s13+$0x0], $0xffff;
	v16 =	vmul.bf16 v28, v59;
	v28 =	vor.u32 v1, v23;
	v0 =	vmul.f32 $1.442695020e+00, v0  }
0x79a: {  	v32 =	vadd.bf16 v6, v32;
	v13 =	vmul.bf16 v13, v56;
	v15 =	vadd.bf16 v15, v24;
	v24 =	vld.idx.msk [tilespmem:v20+s13+$0x0], $0xffff  }
0x79b: {  	s31 =	simm.s32 $0x60;
	v34 =	vadd.bf16 v6, v34;
	v33 =	vmul.bf16 v43, v62;
	(erf) = vpow2.f32 v0;
	v0 =	vld.idx.msk [tilespmem:v58+s12+$0x0], $0xffff  }
0x79c: {  	v56 =	vmov s31;
	v13 =	vadd.bf16 v13, v19;
	v19 =	vor.u32 v3, v23;
	v60 =	vld.idx.msk [tilespmem:v22+s12+$0x0], $0xffff  }
0x79d: {  	v35 =	vshll.u32 v56, $0x3;
	v51 =	vor.u32 v5, v23;
	v12 =	vmul.bf16 v18, v12;
	v22 =	vld.idx.msk [tilespmem:v22+s13+$0x0], $0xffff  }
0x79e: {  	v14 =	vadd.bf16 v14, v32;
	v13 =	vadd.bf16 v21, v13;
	v31 =	vmul.bf16 v31, v50;
	v59 =	vld.idx.msk [tilespmem:v28+s12+$0x0], $0xffff  }
0x79f: {  	s26 =	simm.s32 $0x40;
	v12 =	vadd.bf16 v12, v34;
	v25 =	vmul.bf16 v25, v27;
	v10 =	vmul.bf16 v26, v10;
	v28 =	vld.idx.msk [tilespmem:v28+s13+$0x0], $0xffff  }
0x7a0: {  	v26 =	vld.idx.msk [tilespmem:v20+s12+$0x0], $0xffff;
	v20 =	vmov s26;
	v58 =	vor.u32 v7, v23;
	v0 =	vmul.bf16 v45, v0  }
0x7a1: {  	v57 =	vld.idx.msk [tilespmem:v19+s13+$0x0], $0xffff;
	v20 =	vshll.u32 v20, $0x3;
	v10 =	vadd.bf16 v10, v17;
	v17 =	vmul.bf16 v44, v61  }
0x7a2: {  	v0 =	vadd.bf16 v0, v11;
	v11 =	vld.idx.msk [tilespmem:v19+s12+$0x0], $0xffff;
	v19 =	vor.u32 v49, v20;
	v20 =	vor.u32 v49, v35  }
0x7a3: {  	v30 =	vld.idx.msk [tilespmem:v30+s13+$0x0], $0xffff;
	v14 =	vadd.bf16 v16, v14;
	v10 =	vadd.bf16 v31, v10;
	v31 =	vor.u32 v3, v20  }
0x7a4: {  	v29 =	vmul.bf16 v52, v29;
	v32 =	vld.idx.msk [tilespmem:v51+s13+$0x0], $0xffff;
	v12 =	vadd.bf16 v17, v12;
	v28 =	vmul.bf16 v28, v59;
	v18 =	vpop (erf)  }
0x7a5: {  	v14 =	vadd.bf16 v25, v14;
	v22 =	vmul.bf16 v22, v60;
	v25 =	vld.idx.msk [tilespmem:v58+s12+$0x0], $0xffff;
	v18 =	vadd.f32 $1.000000000e+00, v18  }
0x7a6: {  	v12 =	vadd.bf16 v29, v12;
	v34 =	vld.idx.msk [tilespmem:v58+s13+$0x0], $0xffff;
	v29 =	vor.u32 v3, v19;
	v28 =	vadd.bf16 v6, v28  }
0x7a7: {  	v15 =	vadd.bf16 v33, v15;
	v16 =	vld.idx.msk [tilespmem:v51+s12+$0x0], $0xffff;
	(erf) = vrcp.f32 v18;
	v18 =	vor.u32 v2, v23  }
0x7a8: {  	v63 =	vunpack.i.u.bf16.f32 v13;
	v13 =	vunpack.i.l.bf16.f32 v13;
	v22 =	vadd.bf16 v22, v28;
	v28 =	vld.idx.msk [tilespmem:v31+s12+$0x0], $0xffff  }
0x7a9: {  	v13 =	vadd.f32 v13, v63;
	v30 =	vmul.bf16 v30, v53;
	v31 =	vld.idx.msk [tilespmem:v31+s13+$0x0], $0xffff  }
0x7aa: {  	v61 =	vunpack.i.u.bf16.f32 v15;
	v15 =	vunpack.i.l.bf16.f32 v15;
	v41 =	vor.u32 v1, v19  }
0x7ab: {  	s30 =	simm.s32 $0x50;
	v15 =	vadd.f32 v15, v61;
	v25 =	vmul.bf16 v34, v25;
	v23 =	vor.u32 v9, v23;
	v47 =	vld.idx.msk [tilespmem:v29+s12+$0x0], $0xffff  }
0x7ac: {  	v54 =	vmov s30;
	v16 =	vmul.bf16 v32, v16;
	v24 =	vmul.bf16 v24, v26;
	v17 =	vld.idx.msk [tilespmem:v18+s12+$0x0], $0xffff  }
0x7ad: {  	v13 =	vadd.f32 v13, v15;
	v22 =	vadd.bf16 v25, v22;
	v55 =	vld.idx.msk [tilespmem:v18+s13+$0x0], $0xffff;
	v18 =	vshll.u32 v54, $0x3  }
0x7ae: {  	v25 =	vld.idx.msk [tilespmem:v29+s13+$0x0], $0xffff;
	v18 =	vor.u32 v49, v18;
	v28 =	vmul.bf16 v31, v28;
	v31 =	vor.u32 v5, v20  }
0x7af: {  	v43 =	vunpack.i.u.bf16.f32 v10;
	v10 =	vunpack.i.l.bf16.f32 v10;
	v50 =	vld.idx.msk [tilespmem:v41+s13+$0x0], $0xffff;
	v27 =	vor.u32 v3, v18  }
0x7b0: {  	v45 =	vunpack.i.u.bf16.f32 v14;
	v14 =	vunpack.i.l.bf16.f32 v14;
	v10 =	vadd.f32 v10, v43;
	v62 =	vld.idx.msk [tilespmem:v23+s12+$0x0], $0xffff  }
0x7b1: {  	v14 =	vadd.f32 v14, v45;
	v13 =	vsub.f32 $0.0e+00, v13;
	v23 =	vld.idx.msk [tilespmem:v23+s13+$0x0], $0xffff;
	v21 =	vor.u32 v1, v18  }
0x7b2: {  	v46 =	vunpack.i.u.bf16.f32 v12;
	v12 =	vunpack.i.l.bf16.f32 v12;
	v11 =	vmul.bf16 v57, v11;
	v49 =	vld.idx.msk [tilespmem:v41+s12+$0x0], $0xffff  }
0x7b3: {  	v12 =	vadd.f32 v12, v46;
	v10 =	vadd.f32 v14, v10;
	v42 =	vor.u32 v2, v18;
	v60 =	vld.idx.msk [tilespmem:v31+s12+$0x0], $0xffff  }
0x7b4: {  	v0 =	vadd.bf16 v30, v0;
	v11 =	vadd.bf16 v6, v11;
	v17 =	vmul.bf16 v55, v17;
	v40 =	vld.idx.msk [tilespmem:v27+s12+$0x0], $0xffff  }
0x7b5: {  	v13 =	vmul.f32 $1.442695020e+00, v13;
	v10 =	vsub.f32 $0.0e+00, v10;
	v44 =	vor.u32 v4, v18;
	v27 =	vld.idx.msk [tilespmem:v27+s13+$0x0], $0xffff  }
0x7b6: {  	v26 =	vunpack.i.u.bf16.f32 v0;
	v0 =	vunpack.i.l.bf16.f32 v0;
	v11 =	vadd.bf16 v17, v11;
	v17 =	vld.idx.msk [tilespmem:v21+s12+$0x0], $0xffff  }
0x7b7: {  	v0 =	vadd.f32 v0, v26;
	v56 =	vor.u32 v7, v18;
	v23 =	vmul.bf16 v23, v62;
	v21 =	vld.idx.msk [tilespmem:v21+s13+$0x0], $0xffff  }
0x7b8: {  	v30 =	vor.u32 v1, v20;
	v10 =	vmul.f32 $1.442695020e+00, v10;
	v29 =	vld.idx.msk [tilespmem:v42+s12+$0x0], $0xffff;
	v11 =	vadd.bf16 v16, v11  }
0x7b9: {  	(erf) = vpow2.f32 v13;
	v0 =	vadd.f32 v0, v12;
	v22 =	vadd.bf16 v23, v22;
	v51 =	vld.idx.msk [tilespmem:v42+s13+$0x0], $0xffff  }
0x7ba: {  	v48 =	vor.u32 v2, v20;
	(erf) = vpow2.f32 v10;
	v52 =	vld.idx.msk [tilespmem:v44+s12+$0x0], $0xffff;
	v11 =	vadd.bf16 v24, v11  }
0x7bb: {  	v10 =	vor.u32 v4, v19;
	v0 =	vsub.f32 $0.0e+00, v0;
	v32 =	vld.idx.msk [tilespmem:v44+s13+$0x0], $0xffff;
	v53 =	vunpack.i.u.bf16.f32 v22  }
0x7bc: {  	v37 =	vld.idx.msk [tilespmem:v56+s13+$0x0], $0xffff;
	v22 =	vunpack.i.l.bf16.f32 v22;
	v23 =	vunpack.i.u.bf16.f32 v11;
	v11 =	vunpack.i.l.bf16.f32 v11  }
0x7bd: {  	v0 =	vmul.f32 $1.442695020e+00, v0;
	v16 =	vld.idx.msk [tilespmem:v30+s12+$0x0], $0xffff;
	v13 =	vadd.f32 v22, v53;
	v11 =	vadd.f32 v11, v23  }
0x7be: {  	v26 =	vor.u32 v4, v20;
	v30 =	vld.idx.msk [tilespmem:v30+s13+$0x0], $0xffff  }
0x7bf: {  	(erf) = vpow2.f32 v0;
	v22 =	vld.idx.msk [tilespmem:v48+s12+$0x0], $0xffff;
	v0 =	vadd.f32 v13, v11  }
0x7c0: {  	v24 =	vor.u32 v2, v19;
	v17 =	vmul.bf16 v21, v17;
	v21 =	vld.idx.msk [tilespmem:v10+s12+$0x0], $0xffff  }
0x7c1: {  	v10 =	vld.idx.msk [tilespmem:v10+s13+$0x0], $0xffff;
	v0 =	vsub.f32 $0.0e+00, v0  }
0x7c2: {  	v15 =	vmul.bf16 v25, v47;
	v54 =	vor.u32 v5, v18;
	v23 =	vld.idx.msk [tilespmem:v48+s13+$0x0], $0xffff  }
0x7c3: {  	v12 =	vmul.bf16 v50, v49;
	v11 =	vld.idx.msk [tilespmem:v26+s12+$0x0], $0xffff;
	v0 =	vmul.f32 $1.442695020e+00, v0  }
0x7c4: {  	v57 =	vpop (erf);
	v27 =	vmul.bf16 v27, v40;
	v29 =	vmul.bf16 v51, v29;
	v26 =	vld.idx.msk [tilespmem:v26+s13+$0x0], $0xffff  }
0x7c5: {  	v28 =	vadd.bf16 v6, v28;
	v16 =	vmul.bf16 v30, v16;
	v30 =	vpop (erf);
	v55 =	vld.idx.msk [tilespmem:v24+s12+$0x0], $0xffff;
	(erf) = vpow2.f32 v0  }
0x7c6: {  	v32 =	vmul.bf16 v32, v52;
	v27 =	vadd.bf16 v6, v27;
	v17 =	vadd.bf16 v6, v17;
	v58 =	vpop (erf);
	v24 =	vld.idx.msk [tilespmem:v24+s13+$0x0], $0xffff  }
0x7c7: {  	v25 =	vadd.f32 $1.000000000e+00, v30;
	v30 =	vor.u32 v7, v20;
	v13 =	vld.idx.msk [tilespmem:v54+s13+$0x0], $0xffff;
	v33 =	vadd.f32 $1.000000000e+00, v58  }
0x7c8: {  	v59 =	vpop (erf);
	v27 =	vadd.bf16 v29, v27;
	v29 =	vor.u32 v7, v19;
	v61 =	vadd.bf16 v32, v17;
	v0 =	vld.idx.msk [tilespmem:v54+s12+$0x0], $0xffff  }
0x7c9: {  	v35 =	vadd.f32 $1.000000000e+00, v59;
	v22 =	vmul.bf16 v23, v22;
	v23 =	vld.idx.msk [tilespmem:v56+s12+$0x0], $0xffff;
	(erf) = vrcp.f32 v25  }
0x7ca: {  	v31 =	vld.idx.msk [tilespmem:v31+s13+$0x0], $0xffff;
	v16 =	vadd.bf16 v6, v16;
	v11 =	vmul.bf16 v26, v11;
	(erf) = vrcp.f32 v33  }
0x7cb: {  	v10 =	vmul.bf16 v10, v21;
	v21 =	vor.u32 v9, v18;
	(erf) = vrcp.f32 v35  }
0x7cc: {  	v62 =	vld.idx.msk [tilespmem:v30+s12+$0x0], $0xffff;
	v17 =	vadd.bf16 v22, v28;
	v22 =	vmul.bf16 v24, v55;
	v24 =	vor.u32 v8, v18  }
0x7cd: {  	v12 =	vadd.bf16 v6, v12;
	v30 =	vld.idx.msk [tilespmem:v30+s13+$0x0], $0xffff;
	v0 =	vmul.bf16 v13, v0  }
0x7ce: {  	v43 =	vld.idx.msk [tilespmem:v29+s12+$0x0], $0xffff;
	v25 =	vor.u32 v5, v19;
	v28 =	vadd.bf16 v11, v16;
	v63 =	vmul.bf16 v37, v23;
	v11 =	vpop (erf)  }
0x7cf: {  	v44 =	vld.idx.msk [tilespmem:v29+s13+$0x0], $0xffff;
	v37 =	vadd.bf16 v0, v27;
	v0 =	vmul.bf16 v31, v60;
	v11 =	vadd.f32 $1.000000000e+00, v11  }
0x7d0: {  	s16 =	simm.s32 $0x11960;
	v15 =	vadd.bf16 v6, v15;
	v48 =	vld.idx.msk [tilespmem:v21+s12+$0x0], $0xffff  }
0x7d1: {  	[tilespmem:s16+$0x10] =	vst v57;
	v36 =	vadd.bf16 v10, v12;
	v18 =	vor.u32 v8, v19;
	v46 =	vld.idx.msk [tilespmem:v24+s12+$0x0], $0xffff;
	(erf) = vrcp.f32 v11  }
0x7d2: {  	v34 =	vadd.bf16 v22, v15;
	v22 =	vor.u32 v8, v20;
	v20 =	vor.u32 v9, v20;
	v47 =	vld.idx.msk [tilespmem:v24+s13+$0x0], $0xffff;
	v10 =	vpop (erf)  }
0x7d3: {  	v19 =	vor.u32 v9, v19;
	v26 =	vld.idx.msk [tilespmem:v25+s12+$0x0], $0xffff;
	v40 =	vadd.bf16 v0, v17;
	[tilespmem:s16+$0xFFFFFFF0] =	vst v10;
	v0 =	vpop (erf)  }
0x7d4: {  	s23 =	simm.s32 $0x80;
	s26 =	simm.s32 $0x4;
	v38 =	vadd.bf16 v63, v61;
	v24 =	vmul.bf16 v30, v62;
	v25 =	vld.idx.msk [tilespmem:v25+s13+$0x0], $0xffff;
	[tilespmem:s16+$0x0] =	vst v0;
	v23 =	vpop (erf)  }
.LBB2_16:
0x7d5: {  	v11 =	vld.idx.msk [tilespmem:v21+s13+$0x0], $0xffff  }
0x7d6: {  	v6 =	vld [tilespmem:$0x1FFB0]  }
0x7d7: {  	v0 =	vmov s23;
	s0 =	sadd.s32 $0x10, s23;
	v16 =	vld.idx.msk [tilespmem:v22+s12+$0x0], $0xffff  }
0x7d8: {  	s1 =	sadd.s32 $0x30, s23;
	s31 =	sadd.s32 $0x20, s23;
	v17 =	vld.idx.msk [tilespmem:v22+s13+$0x0], $0xffff;
	v12 =	vadd.bf16 v24, v28;
	v0 =	vshll.u32 v0, $0x3;
	v14 =	vmov s0  }
0x7d9: {  	v49 =	vld.idx.msk [tilespmem:v20+s12+$0x0], $0xffff;
	v15 =	vmov s1;
	v53 =	vmov s31;
	v52 =	vshll.u32 v14, $0x3  }
0x7da: {  	[tilespmem:s16+$0xFFFFFFE0] =	vst v23;
	s16 =	sadd.s32 $0x40, s16;
	v2 =	vld [tilespmem:$0x1FF20];
	v15 =	vshll.u32 v15, $0x3;
	v14 =	vshll.u32 v53, $0x3;
	v13 =	vpop (erf);
	v10 =	vmul.bf16 v25, v26  }
0x7db: {  	[tilespmem:s16+$0x10] =	vst v13;
	v13 =	vor.u32 v6, v52;
	v15 =	vor.u32 v6, v15;
	v0 =	vor.u32 v6, v0  }
0x7dc: {  	v50 =	vld.idx.msk [tilespmem:v20+s13+$0x0], $0xffff;
	v14 =	vor.u32 v6, v14;
	v21 =	vor.u32 v8, v15;
	v51 =	vor.u32 v3, v13  }
0x7dd: {  	v54 =	vld.idx.msk [tilespmem:v18+s12+$0x0], $0xffff;
	v52 =	vor.u32 v1, v13;
	v53 =	vor.u32 v3, v14;
	v42 =	vor.u32 v3, v0  }
0x7de: {  	v55 =	vld.idx.msk [tilespmem:v18+s13+$0x0], $0xffff;
	v45 =	vor.u32 v1, v14;
	v20 =	vor.u32 v5, v15;
	v41 =	vor.u32 v1, v0  }
0x7df: {  	v56 =	vld.idx.msk [tilespmem:v19+s12+$0x0], $0xffff;
	v39 =	vor.u32 v2, v13;
	v35 =	vor.u32 v4, v13;
	v33 =	vor.u32 v2, v14  }
0x7e0: {  	v58 =	vld.idx.msk [tilespmem:v19+s13+$0x0], $0xffff;
	v32 =	vor.u32 v4, v14;
	v57 =	vor.u32 v2, v15;
	v31 =	vor.u32 v2, v0  }
0x7e1: {  	v30 =	vor.u32 v4, v0;
	v29 =	vor.u32 v5, v13;
	v28 =	vor.u32 v7, v13;
	v59 =	vld.idx.msk [tilespmem:v21+s12+$0x0], $0xffff  }
0x7e2: {  	v27 =	vor.u32 v5, v14;
	v60 =	vor.u32 v3, v15;
	v25 =	vor.u32 v5, v0;
	v61 =	vld.idx.msk [tilespmem:v21+s13+$0x0], $0xffff  }
0x7e3: {  	v24 =	vor.u32 v7, v0;
	v26 =	vor.u32 v7, v14;
	v23 =	vor.u32 v8, v13;
	v62 =	vld.idx.msk [tilespmem:v20+s12+$0x0], $0xffff  }
0x7e4: {  	v10 =	vadd.bf16 v10, v34;
	v34 =	vmul.bf16 v47, v46;
	v47 =	vor.u32 v7, v15;
	v63 =	vld.idx.msk [tilespmem:v20+s13+$0x0], $0xffff  }
0x7e5: {  	v18 =	vor.u32 v8, v0;
	v22 =	vor.u32 v8, v14;
	v20 =	vor.u32 v9, v14;
	v14 =	vld.idx.msk [tilespmem:v57+s12+$0x0], $0xffff  }
0x7e6: {  	v19 =	vor.u32 v9, v0;
	v21 =	vor.u32 v9, v13;
	v13 =	vor.u32 v1, v15;
	v0 =	vld.idx.msk [tilespmem:v57+s13+$0x0], $0xffff  }
0x7e7: {  	v43 =	vmul.bf16 v44, v43;
	v16 =	vmul.bf16 v17, v16;
	v44 =	vld.idx.msk [tilespmem:v60+s12+$0x0], $0xffff  }
0x7e8: {  	v11 =	vmul.bf16 v11, v48;
	v57 =	vor.u32 v4, v15;
	v46 =	vld.idx.msk [tilespmem:v60+s13+$0x0], $0xffff  }
0x7e9: {  	v54 =	vmul.bf16 v55, v54;
	v55 =	vmul.bf16 v50, v49;
	v16 =	vadd.bf16 v16, v40;
	v40 =	vld.idx.msk [tilespmem:v47+s12+$0x0], $0xffff  }
0x7ea: {  	v36 =	vadd.bf16 v43, v36;
	v58 =	vmul.bf16 v58, v56;
	v11 =	vadd.bf16 v11, v38;
	v47 =	vld.idx.msk [tilespmem:v47+s13+$0x0], $0xffff  }
0x7eb: {  	v6 =	vimm.bf16 $0.0e+00;
	v34 =	vadd.bf16 v34, v37;
	v12 =	vadd.bf16 v55, v12;
	v17 =	vld.idx.msk [tilespmem:v13+s12+$0x0], $0xffff  }
0x7ec: {  	v36 =	vadd.bf16 v58, v36;
	v43 =	vunpack.i.u.bf16.f32 v11;
	v15 =	vor.u32 v9, v15;
	v13 =	vld.idx.msk [tilespmem:v13+s13+$0x0], $0xffff  }
0x7ed: {  	v11 =	vunpack.i.l.bf16.f32 v11;
	v48 =	vunpack.i.u.bf16.f32 v16;
	v16 =	vunpack.i.l.bf16.f32 v16;
	v38 =	vld.idx.msk [tilespmem:v57+s12+$0x0], $0xffff  }
0x7ee: {  	v50 =	vunpack.i.u.bf16.f32 v12;
	v12 =	vunpack.i.l.bf16.f32 v12;
	v16 =	vadd.f32 v16, v48;
	v37 =	vld.idx.msk [tilespmem:v57+s13+$0x0], $0xffff  }
0x7ef: {  	v60 =	vunpack.i.u.bf16.f32 v34;
	v34 =	vunpack.i.l.bf16.f32 v34;
	v55 =	vld.idx.msk [tilespmem:v51+s12+$0x0], $0xffff;
	v12 =	vadd.f32 v12, v50  }
0x7f0: {  	v11 =	vadd.f32 v11, v43;
	v48 =	vld.idx.msk [tilespmem:v52+s13+$0x0], $0xffff;
	v58 =	vadd.f32 v34, v60;
	v44 =	vmul.bf16 v46, v44  }
0x7f1: {  	v10 =	vadd.bf16 v54, v10;
	v12 =	vadd.f32 v12, v16;
	v46 =	vld.idx.msk [tilespmem:v15+s12+$0x0], $0xffff;
	v13 =	vmul.bf16 v13, v17  }
0x7f2: {  	v11 =	vadd.f32 v11, v58;
	v15 =	vld.idx.msk [tilespmem:v15+s13+$0x0], $0xffff;
	v0 =	vmul.bf16 v0, v14;
	v44 =	vadd.bf16 v6, v44  }
0x7f3: {  	v56 =	vld.idx.msk [tilespmem:v53+s13+$0x0], $0xffff;
	v57 =	vunpack.i.u.bf16.f32 v10;
	v37 =	vmul.bf16 v37, v38;
	v13 =	vadd.bf16 v6, v13  }
0x7f4: {  	v54 =	vld.idx.msk [tilespmem:v30+s12+$0x0], $0xffff;
	v10 =	vunpack.i.l.bf16.f32 v10;
	v63 =	vmul.bf16 v63, v62;
	v0 =	vadd.bf16 v0, v44  }
0x7f5: {  	v60 =	vld.idx.msk [tilespmem:v51+s13+$0x0], $0xffff;
	v49 =	vmul.bf16 v47, v40;
	v10 =	vadd.f32 v10, v57;
	v13 =	vadd.bf16 v37, v13  }
0x7f6: {  	v17 =	vunpack.i.u.bf16.f32 v36;
	v38 =	vld.idx.msk [tilespmem:v52+s12+$0x0], $0xffff;
	v52 =	vmul.bf16 v61, v59;
	v0 =	vadd.bf16 v63, v0  }
0x7f7: {  	v30 =	vld.idx.msk [tilespmem:v30+s13+$0x0], $0xffff;
	v36 =	vunpack.i.l.bf16.f32 v36;
	v15 =	vmul.bf16 v15, v46;
	v13 =	vadd.bf16 v49, v13  }
0x7f8: {  	v51 =	vld.idx.msk [tilespmem:v53+s12+$0x0], $0xffff;
	v17 =	vadd.f32 v36, v17;
	v0 =	vadd.bf16 v52, v0  }
0x7f9: {  	v11 =	vsub.f32 $0.0e+00, v11;
	v62 =	vld.idx.msk [tilespmem:v41+s12+$0x0], $0xffff;
	v13 =	vadd.bf16 v15, v13  }
0x7fa: {  	v47 =	vld.idx.msk [tilespmem:v35+s13+$0x0], $0xffff;
	v58 =	vmul.bf16 v60, v55;
	v10 =	vadd.f32 v17, v10;
	v16 =	vunpack.i.u.bf16.f32 v0  }
0x7fb: {  	v57 =	vld.idx.msk [tilespmem:v45+s12+$0x0], $0xffff;
	v0 =	vunpack.i.l.bf16.f32 v0;
	v61 =	vunpack.i.u.bf16.f32 v13;
	v13 =	vunpack.i.l.bf16.f32 v13  }
0x7fc: {  	v60 =	vld.idx.msk [tilespmem:v42+s12+$0x0], $0xffff;
	v0 =	vadd.f32 v0, v16;
	v13 =	vadd.f32 v13, v61  }
0x7fd: {  	v12 =	vsub.f32 $0.0e+00, v12;
	v11 =	vmul.f32 $1.442695020e+00, v11;
	v14 =	vadd.bf16 v6, v58;
	v58 =	vld.idx.msk [tilespmem:v28+s12+$0x0], $0xffff  }
0x7fe: {  	v44 =	vld.idx.msk [tilespmem:v39+s12+$0x0], $0xffff;
	v10 =	vsub.f32 $0.0e+00, v10;
	v0 =	vadd.f32 v13, v0  }
0x7ff: {  	v12 =	vmul.f32 $1.442695020e+00, v12;
	(erf) = vpow2.f32 v11;
	v59 =	vld.idx.msk [tilespmem:v45+s13+$0x0], $0xffff  }
0x800: {  	v63 =	vmul.bf16 v56, v51;
	v51 =	vld.idx.msk [tilespmem:v32+s13+$0x0], $0xffff;
	v10 =	vmul.f32 $1.442695020e+00, v10;
	v0 =	vsub.f32 $0.0e+00, v0  }
0x801: {  	(erf) = vpow2.f32 v12;
	v17 =	vld.idx.msk [tilespmem:v42+s13+$0x0], $0xffff  }
0x802: {  	v52 =	vld.idx.msk [tilespmem:v31+s12+$0x0], $0xffff;
	(erf) = vpow2.f32 v10;
	v0 =	vmul.f32 $1.442695020e+00, v0  }
0x803: {  	v31 =	vld.idx.msk [tilespmem:v31+s13+$0x0], $0xffff  }
0x804: {  	v16 =	vld.idx.msk [tilespmem:v41+s13+$0x0], $0xffff;
	(erf) = vpow2.f32 v0  }
0x805: {  	v10 =	vld.idx.msk [tilespmem:v32+s12+$0x0], $0xffff  }
0x806: {  	v45 =	vld.idx.msk [tilespmem:v39+s13+$0x0], $0xffff  }
0x807: {  	v46 =	vld.idx.msk [tilespmem:v35+s12+$0x0], $0xffff  }
0x808: {  	v37 =	vadd.bf16 v6, v63;
	v38 =	vmul.bf16 v48, v38;
	v34 =	vmul.bf16 v59, v57;
	v48 =	vld.idx.msk [tilespmem:v33+s12+$0x0], $0xffff;
	v55 =	vpop (erf)  }
0x809: {  	v11 =	vmul.bf16 v17, v60;
	v49 =	vmul.bf16 v16, v62;
	v16 =	vld.idx.msk [tilespmem:v33+s13+$0x0], $0xffff;
	v33 =	vadd.f32 $1.000000000e+00, v55  }
0x80a: {  	v56 =	vld.idx.msk [tilespmem:v29+s12+$0x0], $0xffff;
	v17 =	vadd.bf16 v6, v34;
	v31 =	vmul.bf16 v31, v52;
	v57 =	vpop (erf);
	v2 =	vmul.bf16 v51, v10  }
0x80b: {  	v29 =	vld.idx.msk [tilespmem:v29+s13+$0x0], $0xffff;
	v11 =	vadd.bf16 v6, v11;
	v13 =	vadd.f32 $1.000000000e+00, v57;
	v59 =	vpop (erf);
	(erf) = vrcp.f32 v33  }
0x80c: {  	v60 =	vld.idx.msk [tilespmem:v28+s13+$0x0], $0xffff;
	v28 =	vadd.bf16 v2, v17;
	v17 =	vadd.f32 $1.000000000e+00, v59  }
0x80d: {  	v43 =	vld.idx.msk [tilespmem:v24+s12+$0x0], $0xffff;
	v50 =	vmul.bf16 v45, v44;
	v34 =	vadd.bf16 v31, v11;
	v10 =	vpop (erf);
	(erf) = vrcp.f32 v13  }
0x80e: {  	v63 =	vld.idx.msk [tilespmem:v26+s12+$0x0], $0xffff;
	v11 =	vmul.bf16 v30, v54;
	v0 =	vadd.bf16 v6, v49;
	(erf) = vrcp.f32 v17  }
0x80f: {  	v12 =	vadd.bf16 v50, v14;
	v61 =	vld.idx.msk [tilespmem:v27+s12+$0x0], $0xffff;
	v16 =	vmul.bf16 v16, v48  }
0x810: {  	v62 =	vld.idx.msk [tilespmem:v27+s13+$0x0], $0xffff;
	v36 =	vadd.bf16 v11, v0;
	v0 =	vmul.bf16 v29, v56;
	v10 =	vadd.f32 $1.000000000e+00, v10  }
0x811: {  	s26 =	sadd.s32 $0x4, s26;
	v53 =	vmul.bf16 v47, v46;
	v44 =	vld.idx.msk [tilespmem:v24+s13+$0x0], $0xffff;
	v38 =	vadd.bf16 v6, v38;
	v16 =	vadd.bf16 v16, v37  }
0x812: {  	p0 =	slt.u32 s26, $0x78;
	v37 =	vadd.bf16 v0, v12;
	v0 =	vmul.bf16 v60, v58;
	(erf) = vrcp.f32 v10;
	v10 =	vld.idx.msk [tilespmem:v26+s13+$0x0], $0xffff  }
.Ltmp7:
0x813: {  	v46 =	vld.idx.msk [tilespmem:v23+s12+$0x0], $0xffff;
	(pc) =	sbr.rel @p0 .LBB2_16-.Ltmp7, $4  }
0x814: {  	v14 =	vadd.bf16 v53, v38;
	v11 =	vpop (erf);
	v26 =	vld.idx.msk [tilespmem:v25+s12+$0x0], $0xffff  }
0x815: {  	v2 =	vmul.bf16 v62, v61;
	[tilespmem:s16+$0xFFFFFFF0] =	vst v11;
	v25 =	vld.idx.msk [tilespmem:v25+s13+$0x0], $0xffff  }
0x816: {  	v38 =	vadd.bf16 v0, v14;
	v47 =	vld.idx.msk [tilespmem:v23+s13+$0x0], $0xffff;
	v0 =	vpop (erf)  }
0x817: {  	s23 =	sadd.s32 $0x40, s23;
	v40 =	vadd.bf16 v2, v16;
	v48 =	vld.idx.msk [tilespmem:v21+s12+$0x0], $0xffff;
	v24 =	vmul.bf16 v10, v63;
	[tilespmem:s16+$0x0] =	vst v0;
	v23 =	vpop (erf)  }
0x818: {  	_ =	sdelay $0x3  }
0x819: {  	v0 =	vld.idx.msk [tilespmem:v21+s13+$0x0], $0xffff  }
0x81a: {  	v10 =	vld.idx.msk [tilespmem:v22+s12+$0x0], $0xffff  }
0x81b: {  	v11 =	vld.idx.msk [tilespmem:v22+s13+$0x0], $0xffff  }
0x81c: {  	v12 =	vld.idx.msk [tilespmem:v20+s12+$0x0], $0xffff  }
0x81d: {  	v13 =	vld.idx.msk [tilespmem:v20+s13+$0x0], $0xffff  }
0x81e: {  	v14 =	vld.idx.msk [tilespmem:v18+s12+$0x0], $0xffff  }
0x81f: {  	v15 =	vld.idx.msk [tilespmem:v18+s13+$0x0], $0xffff  }
0x820: {  	v16 =	vld.idx.msk [tilespmem:v19+s12+$0x0], $0xffff  }
0x821: {  	v17 =	vld.idx.msk [tilespmem:v19+s13+$0x0], $0xffff  }
0x822: {  	v32 =	vmul.bf16 v44, v43;
	v31 =	vmul.bf16 v25, v26  }
0x823: {  	v33 =	vadd.bf16 v24, v28;
	v35 =	vmul.bf16 v47, v46  }
0x824: {  	v19 =	vadd.bf16 v32, v36;
	v18 =	vadd.bf16 v31, v34;
	v0 =	vmul.bf16 v0, v48  }
0x825: {  	v10 =	vmul.bf16 v11, v10;
	v11 =	vadd.bf16 v35, v37;
	v12 =	vmul.bf16 v13, v12  }
0x826: {  	v39 =	vmul.bf16 v15, v14;
	v41 =	vmul.bf16 v17, v16;
	v0 =	vadd.bf16 v0, v38  }
0x827: {  	v42 =	vunpack.i.u.bf16.f32 v11;
	v10 =	vadd.bf16 v10, v40;
	v12 =	vadd.bf16 v12, v33  }
0x828: {  	v13 =	vadd.bf16 v39, v18;
	v14 =	vadd.bf16 v41, v19;
	v11 =	vunpack.i.l.bf16.f32 v11  }
0x829: {  	v11 =	vadd.f32 v11, v42;
	v43 =	vunpack.i.u.bf16.f32 v0;
	v0 =	vunpack.i.l.bf16.f32 v0  }
0x82a: {  	v44 =	vunpack.i.u.bf16.f32 v10;
	v10 =	vunpack.i.l.bf16.f32 v10;
	v45 =	vunpack.i.u.bf16.f32 v12  }
0x82b: {  	v12 =	vunpack.i.l.bf16.f32 v12;
	v46 =	vunpack.i.u.bf16.f32 v13;
	v13 =	vunpack.i.l.bf16.f32 v13  }
0x82c: {  	v47 =	vunpack.i.u.bf16.f32 v14;
	v0 =	vadd.f32 v0, v43;
	v10 =	vadd.f32 v10, v44  }
0x82d: {  	v14 =	vunpack.i.l.bf16.f32 v14;
	v12 =	vadd.f32 v12, v45;
	v13 =	vadd.f32 v13, v46  }
0x82e: {  	v14 =	vadd.f32 v14, v47;
	v0 =	vadd.f32 v0, v11  }
0x82f: {  	v10 =	vadd.f32 v12, v10  }
0x830: {  	v11 =	vadd.f32 v14, v13;
	v0 =	vsub.f32 $0.0e+00, v0  }
0x831: {  	v10 =	vsub.f32 $0.0e+00, v10  }
0x832: {  	v11 =	vsub.f32 $0.0e+00, v11;
	v0 =	vmul.f32 $1.442695020e+00, v0  }
0x833: {  	v10 =	vmul.f32 $1.442695020e+00, v10  }
0x834: {  	(erf) = vpow2.f32 v0;
	v0 =	vmul.f32 $1.442695020e+00, v11  }
0x835: {  	(erf) = vpow2.f32 v10  }
0x836: {  	(erf) = vpow2.f32 v0;
	_ =	sdelay $0x5  }
0x837: {  	v0 =	vpop (erf)  }
0x838: {  	v10 =	vpop (erf)  }
0x839: {  	v10 =	vadd.f32 $1.000000000e+00, v10;
	v11 =	vpop (erf)  }
0x83a: {  	v11 =	vadd.f32 $1.000000000e+00, v11;
	v48 =	vpop (erf)  }
0x83b: {  	(erf) = vrcp.f32 v10;
	v10 =	vadd.f32 $1.000000000e+00, v48  }
0x83c: {  	(erf) = vrcp.f32 v11  }
0x83d: {  	(erf) = vrcp.f32 v10;
	_ =	sdelay $0x5  }
0x83e: {  	[tilespmem:s16+$0xFFFFFFE0] =	vst v23;
	s0 =	sadd.s32 $0x40, s16  }
0x83f: {  	[tilespmem:s0+$0x10] =	vst v0;
	v0 =	vpop (erf)  }
0x840: {  	[tilespmem:s0+$0xFFFFFFF0] =	vst v0;
	v0 =	vpop (erf)  }
0x841: {  	[tilespmem:s0+$0x0] =	vst v0;
	v0 =	vpop (erf)  }
0x842: {  	[tilespmem:s0+$0xFFFFFFE0] =	vst v0  }
0x843: {  	v6 =	vld [tilespmem:$0x1FF30];
	_ =	sdelay $0x7  }
0x844: {  	v0 =	vld.idx.msk [tilespmem:v6+s12+$0x0], $0xffff  }
0x845: {  	v10 =	vld.idx.msk [tilespmem:v6+s13+$0x0], $0xffff  }
0x846: {  	v6 =	vld [tilespmem:$0x1FF40];
	_ =	sdelay $0x7  }
0x847: {  	v11 =	vld.idx.msk [tilespmem:v6+s12+$0x0], $0xffff  }
0x848: {  	v49 =	vld.idx.msk [tilespmem:v6+s13+$0x0], $0xffff  }
0x849: {  	v6 =	vld [tilespmem:$0x1FF50];
	_ =	sdelay $0x7  }
0x84a: {  	v50 =	vld.idx.msk [tilespmem:v6+s12+$0x0], $0xffff  }
0x84b: {  	v51 =	vld.idx.msk [tilespmem:v6+s13+$0x0], $0xffff  }
0x84c: {  	v6 =	vld [tilespmem:$0x1FF60];
	_ =	sdelay $0x7  }
0x84d: {  	v52 =	vld.idx.msk [tilespmem:v6+s12+$0x0], $0xffff  }
0x84e: {  	v53 =	vld.idx.msk [tilespmem:v6+s13+$0x0], $0xffff  }
0x84f: {  	v6 =	vld [tilespmem:$0x1FF70];
	_ =	sdelay $0x7  }
0x850: {  	v54 =	vld.idx.msk [tilespmem:v6+s12+$0x0], $0xffff  }
0x851: {  	v55 =	vld.idx.msk [tilespmem:v6+s13+$0x0], $0xffff  }
0x852: {  	v6 =	vld [tilespmem:$0x1FF80];
	_ =	sdelay $0x6  }
0x853: {  	v59 =	vld [tilespmem:$0x1FFA0]  }
0x854: {  	v56 =	vld.idx.msk [tilespmem:v6+s12+$0x0], $0xffff  }
0x855: {  	v57 =	vld.idx.msk [tilespmem:v6+s13+$0x0], $0xffff  }
0x856: {  	v6 =	vld [tilespmem:$0x1FF90];
	_ =	sdelay $0x6  }
0x857: {  	v60 =	vld.idx.msk [tilespmem:v59+s12+$0x0], $0xffff  }
0x858: {  	v0 =	vmul.bf16 v10, v0;
	v58 =	vld.idx.msk [tilespmem:v6+s12+$0x0], $0xffff  }
0x859: {  	v11 =	vmul.bf16 v49, v11;
	v10 =	vld.idx.msk [tilespmem:v6+s13+$0x0], $0xffff;
	v6 =	vimm.bf16 $0.0e+00  }
0x85a: {  	v61 =	vld.idx.msk [tilespmem:v59+s13+$0x0], $0xffff;
	v13 =	vmul.bf16 v51, v50;
	v0 =	vadd.bf16 v6, v0  }
0x85b: {  	v15 =	vmul.bf16 v53, v52;
	v11 =	vadd.bf16 v6, v11  }
0x85c: {  	v62 =	vmul.bf16 v55, v54;
	v0 =	vadd.bf16 v13, v0  }
0x85d: {  	v63 =	vmul.bf16 v57, v56;
	v11 =	vadd.bf16 v15, v11  }
0x85e: {  	v0 =	vadd.bf16 v62, v0;
	v10 =	vmul.bf16 v10, v58  }
0x85f: {  	v12 =	vmul.bf16 v61, v60;
	v11 =	vadd.bf16 v63, v11  }
0x860: {  	v0 =	vadd.bf16 v10, v0  }
0x861: {  	v10 =	vadd.bf16 v12, v11  }
0x862: {  	v11 =	vunpack.i.u.bf16.f32 v0  }
0x863: {  	v0 =	vunpack.i.l.bf16.f32 v0;
	v12 =	vunpack.i.u.bf16.f32 v10;
	v10 =	vunpack.i.l.bf16.f32 v10  }
0x864: {  	v0 =	vadd.f32 v0, v11;
	v10 =	vadd.f32 v10, v12;
	_ =	sdelay $0x1  }
0x865: {  	v0 =	vadd.f32 v10, v0;
	_ =	sdelay $0x1  }
0x866: {  	v0 =	vsub.f32 $0.0e+00, v0;
	_ =	sdelay $0x1  }
0x867: {  	v0 =	vmul.f32 $1.442695020e+00, v0;
	_ =	sdelay $0x1  }
0x868: {  	(erf) = vpow2.f32 v0;
	_ =	sdelay $0x8  }
0x869: {  	v0 =	vpop (erf)  }
0x86a: {  	v0 =	vadd.f32 $1.000000000e+00, v0;
	_ =	sdelay $0x1  }
0x86b: {  	(erf) = vrcp.f32 v0;
	_ =	sdelay $0x8  }
0x86c: {  	v0 =	vpop (erf)  }
0x86d: {  	s1 =	simm.s32 $0x11940;
	s0 =	rddreg [dreg:$0x16];
	[tilespmem:$0x12100] =	vst v0  }
0x86e: {  	[hbm4b:s0+s5] =	stream.linear.scatter [tilespmem:s1], [sflag:$0x9], $0x7D0, $0x38;
	[tilespmem:$0x18A88] =	vst v63  }
0x86f: {  	_ =	swait.ge [sflag:s29], $0x7D0  }
0x870: {  	[sflag:s29] =	ssyncset.done $0x0  }
0x871: {  	[sflag:s29] =	ssyncadd.s32 $0xFFFFF830  }
0x872: {  	_ =	swait.ge [sflag:s28], $0x7D0  }
0x873: {  	s30 =	rddreg [dreg:$0x1b]  }
0x874: {  	s31 =	rddreg [dreg:$0x17];
	s1 =	sadd.s32 $0x1, s30  }
0x875: {  	p0 =	sne.s32 s1, s31  }
.Ltmp8:
0x876: {  	_ = 	snop;
	(pc) =	sbr.rel @p0 .LBB2_1-.Ltmp8, $3  }
0x877: {  	_ =	sdelay $0x1  }
0x878: {  	[sflag:s28] =	ssyncset.done $0x0  }
0x879: {  	v0 =	vld [tilespmem:$0x1FFB0];
	[sflag:s28] =	ssyncadd.s32 $0xFFFFF830  }
0x87a: {  	_ =	sfence.sel $0x180000  }
0x87b: {  	[bflag:$0x0] =	sbarrier.arrive $0xFFFF  }
0x87c: {  	_ =	strace $0x90000047  }
0x87d: {  	s0 =	stileid.u32;
	[bflag:$0x2] =	sbarrier.arrive $0xFFFF  }
0x87e: {  	p0 =	sne.s32 s0, $0x0;
	s0 =	rddreg [dreg:$0x5]  }
0x87f: {  	s0 =	sadd.s32 @!p0 $0x100000, s0  }
0x880: {  	[sflag:s0] =	ssyncadd.tile.s32 @!p0 $0x1;
	_ =	shalt  }
.Lfunc_end2:
_tile_overlayer_lowered:
.L_overlay_start_2:
0x881: {  	(tag) =	ssettag $0x2  }
0x882: {  	s0 =	rddreg [dreg:$0x0];
	s2 =	stileid.u32  }
0x883: {  	s1 =	rddreg [dreg:$0x1];
	p0 =	sne.s32 s2, $0x0  }
0x884: {  	s3 =	rddreg [dreg:$0x2];
	[bflag:$0x3] =	sbarrier.arrive $0xFFFF;
	s2 =	simm.s32 @!p0 $0x1C0B  }
0x885: {  	[timem:s3], [sflag:s2] =	dma.local @!p0 [hbm:s0], s1  }
0x886: {  	s0 =	simm.s32 @!p0 $0xB  }
0x887: {  	_ =	swait.ge @!p0 [sflag:s0], s1  }
0x888: {  	s1 =	ssub.s32 @!p0 $0x0, s1;
	[sflag:s0] =	ssyncset.done @!p0 $0x0  }
0x889: {  	[sflag:s0] =	ssyncadd.s32 @!p0 s1  }
0x88a: {  	[bflag:$0x3] =	sbarrier.arrive $0xFFFF  }
0x88b: {  	_ =	shalt  }

</sc_bundles>
